<compile_context>
chip_gen: v7x
topology: tpu7x:2x2x1
jax: 0.10.2.dev20260603
libtpu: 0.0.44.dev20260713+nightly
codegen_flags: <defaults>
</compile_context>

<pallas_src>
import functools

import jax
import jax.numpy as jnp
from jax import lax
from jax.experimental import pallas as pl
from jax.experimental.pallas import tpu as pltpu
from jax.experimental.pallas import tpu_sc as plsc

NC = 2
NS = 16
NW = NC * NS
C = 64


def _dotT(a, w):
    return lax.dot_general(a, w, (((1,), (1,)), ((), ())),
                           preferred_element_type=jnp.float32)


def _pre_stats_body(x_ref, w_ref, b_ref, hm_ref, s0_ref, s1_ref,
                    h_ref, hmax_ref, gmax_ref):
    i = pl.program_id(0)
    h = _dotT(x_ref[...], w_ref[...]) + b_ref[...]
    h_ref[...] = h
    h2 = h * h
    g20 = jnp.dot(h2, s0_ref[...], preferred_element_type=jnp.float32)
    g21 = jnp.dot(h2, s1_ref[...], preferred_element_type=jnp.float32)
    gb = jnp.sqrt(jnp.maximum(g20, g21))
    gmb = jnp.broadcast_to(jnp.max(gb, axis=0, keepdims=True), (8, 16))
    hn = jnp.sqrt(jnp.dot(h2, hm_ref[...], preferred_element_type=jnp.float32))
    hmb = jnp.broadcast_to(jnp.max(hn, axis=0, keepdims=True), (8, 16))

    @pl.when(i == 0)
    def _():
        hmax_ref[...] = hmb
        gmax_ref[...] = gmb

    @pl.when(i > 0)
    def _():
        hmax_ref[...] = jnp.maximum(hmax_ref[...], hmb)
        gmax_ref[...] = jnp.maximum(gmax_ref[...], gmb)


def _gtable_body(hp_ref, sgn_ref, g_ref):
    t = pl.program_id(0)
    srow = sgn_ref[pl.ds(t, 1), :]
    g_ref[...] = hp_ref[...] * srow


def _bscal_body(gmax_ref, hmax_ref, bs_ref):
    bs_ref[...] = gmax_ref[...] * hmax_ref[...]


def _post_body(a0_ref, a1_ref, d0_ref, d1_ref, exp8_ref, h_ref,
               wh_ref, bh_ref, w1_ref, b1_ref, w2_ref, b2_ref, eps_ref,
               out_ref):
    den = jnp.dot(d0_ref[...] + d1_ref[...], exp8_ref[...],
                  preferred_element_type=jnp.float32)
    rden = jnp.where(den > 0.0, 1.0 / den, 0.0)
    aggr = (a0_ref[...] + a1_ref[...]) * rden
    m_l = _dotT(aggr, wh_ref[...]) + bh_ref[...]
    z = (1.0 + eps_ref[0, 0]) * h_ref[...] + m_l
    t1 = jnp.maximum(_dotT(z, w1_ref[...]) + b1_ref[...], 0.0)
    out_ref[...] = _dotT(t1, w2_ref[...]) + b2_ref[...]


def _make_edge_pass(NP, NPT, NCH, EPT, E_pad):
    NPD = NP // 8
    NPDT = NPD // NS
    mesh = plsc.VectorSubcoreMesh(core_axis_name="c", subcore_axis_name="s",
                                  num_cores=NC, num_subcores=NS)

    @functools.partial(
        pl.kernel,
        out_type=(
            jax.ShapeDtypeStruct((2 * NP, 128), jnp.float32),
            jax.ShapeDtypeStruct((2 * NPD, 128), jnp.float32),
        ),
        mesh=mesh,
        scratch_types=[
            pltpu.VMEM((C,), jnp.int32),
            pltpu.VMEM((C,), jnp.int32),
            pltpu.VMEM((C,), jnp.int32),
            pltpu.VMEM((C,), jnp.int32),
            pltpu.VMEM((C, 128), jnp.float32),
            pltpu.VMEM((C, 128), jnp.float32),
            pltpu.VMEM((C, 128), jnp.float32),
            pltpu.VMEM((16,), jnp.float32),
            pltpu.VMEM_SHARED((NP, 128), jnp.float32),
            pltpu.VMEM_SHARED((NPD, 128), jnp.float32),
            pltpu.SemaphoreType.DMA,
            pltpu.SemaphoreType.DMA,
        ],
        compiler_params=pltpu.CompilerParams(needs_layout_passes=False),
    )
    def edge_pass(g_hbm, hp_hbm, row_hbm, col_hbm, aidx_hbm, d8_hbm, bs_hbm,
                  z128_hbm,
                  aggrp_out, denomp_out,
                  rowv, colv, aidxv, d8v, abuf, bbuf, esc128, bsv,
                  aggr_sp, denom_sp, sem0, sem1):
        cid = lax.axis_index("c")
        sid = lax.axis_index("s")
        wid = cid * NS + sid
        iota16 = lax.iota(jnp.int32, 16)

        pltpu.sync_copy(bs_hbm, bsv)
        pltpu.sync_copy(z128_hbm, esc128)
        for p in range(NPT // C):
            pltpu.sync_copy(esc128, aggr_sp.at[pl.ds(sid * NPT + p * C, C)])
        for p in range(NPDT // 40):
            pltpu.sync_copy(esc128.at[pl.ds(0, 40)],
                            denom_sp.at[pl.ds(sid * NPDT + p * 40, 40)])
        plsc.subcore_barrier()

        ebase = wid * EPT

        @pl.loop(0, NCH)
        def _chunk(j):
            base = ebase + j * C
            pltpu.sync_copy(row_hbm.at[pl.ds(base, C)], rowv)
            pltpu.sync_copy(col_hbm.at[pl.ds(base, C)], colv)
            pltpu.sync_copy(aidx_hbm.at[pl.ds(base, C)], aidxv)
            pltpu.sync_copy(d8_hbm.at[pl.ds(base, C)], d8v)
            cpa = pltpu.async_copy(g_hbm.at[aidxv], abuf, sem0)
            cpb = pltpu.async_copy(hp_hbm.at[colv], bbuf, sem1)
            cpa.wait()
            cpb.wait()

            @pl.loop(0, C // 16)
            def _grp(g):
                r16 = g * 16 + iota16
                rv = rowv[pl.ds(g * 16, 16)]
                dcol = (rv & 7) * 16
                acc = [jnp.zeros((16,), jnp.float32) for _ in range(4)]
                for d in range(128):
                    dd = jnp.full((16,), d, jnp.int32)
                    ad = plsc.load_gather(abuf, [r16, dd])
                    bd = plsc.load_gather(bbuf, [r16, dd])
                    acc[d // 32] = acc[d // 32] + ad * bd
                w = []
                for k in range(4):
                    bv = plsc.load_gather(
                        bsv, [jnp.full((16,), k, jnp.int32) | (rv >> 31)])
                    ek = jnp.exp(acc[k] - bv)
                    w.append(ek)
                    plsc.store_scatter(esc128, [r16, dcol + k], ek)
                for d in range(128):
                    dd = jnp.full((16,), d, jnp.int32)
                    v = plsc.load_gather(bbuf, [r16, dd])
                    plsc.store_scatter(bbuf, [r16, dd], v * w[d // 32])

            pltpu.sync_copy(esc128, denom_sp.at[d8v], add=True)
            pltpu.sync_copy(bbuf, aggr_sp.at[rowv], add=True)

            @pl.loop(0, C // 16)
            def _zgrp(g):
                r16 = g * 16 + iota16
                rv = rowv[pl.ds(g * 16, 16)]
                dcol = (rv & 7) * 16
                zz = jnp.zeros((16,), jnp.float32)
                for k in range(4):
                    plsc.store_scatter(esc128, [r16, dcol + k], zz)

        plsc.subcore_barrier()
        for p in range(NPT // C):
            off = sid * NPT + p * C
            pltpu.sync_copy(aggr_sp.at[pl.ds(off, C)], bbuf)
            pltpu.sync_copy(bbuf, aggrp_out.at[pl.ds(cid * NP + off, C)])
        for p in range(NPDT // 40):
            off = sid * NPDT + p * 40
            pltpu.sync_copy(denom_sp.at[pl.ds(off, 40)], abuf.at[pl.ds(0, 40)])
            pltpu.sync_copy(abuf.at[pl.ds(0, 40)],
                            denomp_out.at[pl.ds(cid * NPD + off, 40)])

    return edge_pass


def kernel(x, edge_index, edge_sign, W_l_w, W_l_b, sign_table,
           W_head_w, W_head_b, mlp_w1, mlp_b1, mlp_w2, mlp_b2, eps):
    N, DIN = x.shape
    DOUT = W_l_w.shape[0]
    E = edge_index.shape[1]
    HD = sign_table.shape[1]
    K = DOUT // HD

    NP = ((N + 1 + 1023) // 1024) * 1024
    NPT = NP // NS
    NCH = -(-E // (NW * C))
    EPT = NCH * C
    E_pad = EPT * NW

    BN = 1000
    G_T = N // BN

    row = edge_index[0].astype(jnp.int32)
    col = edge_index[1].astype(jnp.int32)
    sgn = edge_sign.astype(jnp.int32)
    rowp = jnp.concatenate([row, jnp.full((E_pad - E,), N, jnp.int32)])
    colp = jnp.concatenate([col, jnp.zeros((E_pad - E,), jnp.int32)])
    sgnp = jnp.concatenate([sgn, jnp.zeros((E_pad - E,), jnp.int32)])

    dpos = jnp.arange(DOUT)[:, None]
    kpos16 = jnp.arange(16)[None, :]
    HM16 = ((dpos // HD) == kpos16).astype(jnp.float32)
    s2 = sign_table * sign_table
    S2M0 = HM16 * jnp.tile(s2[0], K)[:, None]
    S2M1 = HM16 * jnp.tile(s2[1], K)[:, None]
    EXP16 = HM16.T
    sgn_tiled = jnp.pad(jnp.tile(sign_table, (1, K)), ((0, 6), (0, 0)))
    z128 = jnp.zeros((C, 128), jnp.float32)

    f32 = jnp.float32
    h, hmax, gmax = pl.pallas_call(
        _pre_stats_body,
        grid=(G_T,),
        in_specs=[
            pl.BlockSpec((BN, DIN), lambda i: (i, 0)),
            pl.BlockSpec((DOUT, DIN), lambda i: (0, 0)),
            pl.BlockSpec((1, DOUT), lambda i: (0, 0)),
            pl.BlockSpec((DOUT, 16), lambda i: (0, 0)),
            pl.BlockSpec((DOUT, 16), lambda i: (0, 0)),
            pl.BlockSpec((DOUT, 16), lambda i: (0, 0)),
        ],
        out_specs=[
            pl.BlockSpec((BN, DOUT), lambda i: (i, 0)),
            pl.BlockSpec((8, 16), lambda i: (0, 0)),
            pl.BlockSpec((8, 16), lambda i: (0, 0)),
        ],
        out_shape=[
            jax.ShapeDtypeStruct((N, DOUT), f32),
            jax.ShapeDtypeStruct((8, 16), f32),
            jax.ShapeDtypeStruct((8, 16), f32),
        ],
    )(x, W_l_w, W_l_b.reshape(1, DOUT), HM16, S2M0, S2M1)

    hp = jnp.pad(h, ((0, NP - N), (0, 0)))

    BG = NP // 4
    G = pl.pallas_call(
        _gtable_body,
        grid=(2, 4),
        in_specs=[
            pl.BlockSpec((BG, DOUT), lambda t, j: (j, 0)),
            pl.BlockSpec((8, DOUT), lambda t, j: (0, 0)),
        ],
        out_specs=pl.BlockSpec((BG, DOUT), lambda t, j: (t * 4 + j, 0)),
        out_shape=jax.ShapeDtypeStruct((2 * NP, DOUT), f32),
    )(hp, sgn_tiled)

    bs = pl.pallas_call(
        _bscal_body,
        grid=(1,),
        in_specs=[
            pl.BlockSpec((8, 16), lambda i: (0, 0)),
            pl.BlockSpec((8, 16), lambda i: (0, 0)),
        ],
        out_specs=pl.BlockSpec((8, 16), lambda i: (0, 0)),
        out_shape=jax.ShapeDtypeStruct((8, 16), f32),
    )(gmax, hmax)

    aidxp = sgnp * NP + rowp
    d8p = rowp >> 3
    aggrp, denomp2 = _make_edge_pass(NP, NPT, NCH, EPT, E_pad)(
        G, hp, rowp, colp, aidxp, d8p, bs[0], z128)
    NPD = NP // 8
    denomp = jnp.concatenate([denomp2[:NPD].reshape(NP, 16),
                              denomp2[NPD:].reshape(NP, 16)])

    out = pl.pallas_call(
        _post_body,
        grid=(G_T,),
        in_specs=[
            pl.BlockSpec((BN, DOUT), lambda i: (i, 0)),
            pl.BlockSpec((BN, DOUT), lambda i: (i, 0)),
            pl.BlockSpec((BN, 16), lambda i: (i, 0)),
            pl.BlockSpec((BN, 16), lambda i: (i, 0)),
            pl.BlockSpec((16, DOUT), lambda i: (0, 0)),
            pl.BlockSpec((BN, DOUT), lambda i: (i, 0)),
            pl.BlockSpec((DOUT, DOUT), lambda i: (0, 0)),
            pl.BlockSpec((1, DOUT), lambda i: (0, 0)),
            pl.BlockSpec((DOUT, DOUT), lambda i: (0, 0)),
            pl.BlockSpec((1, DOUT), lambda i: (0, 0)),
            pl.BlockSpec((DOUT, DOUT), lambda i: (0, 0)),
            pl.BlockSpec((1, DOUT), lambda i: (0, 0)),
            pl.BlockSpec((1, 1), lambda i: (0, 0)),
        ],
        out_specs=pl.BlockSpec((BN, DOUT), lambda i: (i, 0)),
        out_shape=jax.ShapeDtypeStruct((N, DOUT), f32),
    )(aggrp[:N], aggrp[NP:NP + N], denomp[:N], denomp[NP:NP + N], EXP16,
      h, W_head_w, W_head_b.reshape(1, DOUT), mlp_w1, mlp_b1.reshape(1, DOUT),
      mlp_w2, mlp_b2.reshape(1, DOUT), eps.reshape(1, 1))

    return out

# --- scband reference (transcript-rebuilt; emitter-appended) ---
"""Pipeline reference for scband-sign-aware-attention-layer-15109694947618 (READ-ONLY COPY).

The authoritative reference and input builder live on the scoring server;
editing this copy changes nothing except your own understanding.
"""

import jax, jax.numpy as jnp
import numpy as np

N = 10000
E = 320000
IN_DIM = 128
OUT_DIM = 128
K_HEADS = 4
HEAD_DIM = OUT_DIM // K_HEADS


def setup_inputs(seed: int = 0) -> dict:
    key = jax.random.key(seed)
    ks = jax.random.split(key, 12)
    x = jax.random.normal(ks[0], (N, IN_DIM), dtype=jnp.float32)
    edge_index = jax.random.randint(ks[1], (2, E), 0, N, dtype=jnp.int64 if jax.config.jax_enable_x64 else jnp.int32)
    edge_sign = jax.random.randint(ks[2], (E,), 0, 2, dtype=jnp.int64 if jax.config.jax_enable_x64 else jnp.int32)
    def lin(k, fan_in, fan_out):
        bound = 1.0 / np.sqrt(fan_in)
        kw, kb = jax.random.split(k)
        w = jax.random.uniform(kw, (fan_out, fan_in), minval=-bound, maxval=bound, dtype=jnp.float32)
        b = jax.random.uniform(kb, (fan_out,), minval=-bound, maxval=bound, dtype=jnp.float32)
        return w, b
    W_l_w, W_l_b = lin(ks[3], IN_DIM, OUT_DIM)
    sign_table = jax.random.normal(ks[4], (2, HEAD_DIM), dtype=jnp.float32)
    W_head_w, W_head_b = lin(ks[5], OUT_DIM, OUT_DIM)
    mlp_w1, mlp_b1 = lin(ks[6], OUT_DIM, OUT_DIM)
    mlp_w2, mlp_b2 = lin(ks[7], OUT_DIM, OUT_DIM)
    eps = jnp.zeros((1,), dtype=jnp.float32)
    return {
        "x": x, "edge_index": edge_index, "edge_sign": edge_sign,
        "W_l_w": W_l_w, "W_l_b": W_l_b, "sign_table": sign_table,
        "W_head_w": W_head_w, "W_head_b": W_head_b,
        "mlp_w1": mlp_w1, "mlp_b1": mlp_b1, "mlp_w2": mlp_w2, "mlp_b2": mlp_b2,
        "eps": eps,
    }


def reference(x, edge_index, edge_sign, W_l_w, W_l_b, sign_table, W_head_w, W_head_b, mlp_w1, mlp_b1, mlp_w2, mlp_b2, eps):
    n = x.shape[0]
    row = edge_index[0]
    col = edge_index[1]
    h = x @ W_l_w.T + W_l_b  # [N, out_dim]
    head_dim = sign_table.shape[1]
    k_heads = h.shape[1] // head_dim
    h_r = h.reshape(-1, k_heads, head_dim)
    h_i = h_r[row]  # [E, K, hd]
    h_j = h_r[col]  # [E, K, hd]
    s_emb = sign_table[edge_sign].reshape(-1, 1, head_dim)
    score = (h_i * h_j * s_emb).sum(axis=-1)  # [E, K]
    # segment softmax over row (PyG-style)
    smax = jax.ops.segment_max(score, row, num_segments=n)
    smax = jnp.where(jnp.isfinite(smax), smax, 0.0)
    escore = jnp.exp(score - smax[row])
    denom = jax.ops.segment_sum(escore, row, num_segments=n)
    alpha = escore / (denom[row] + 1e-16)  # [E, K]
    weighted = h_j * alpha[:, :, None]  # [E, K, hd]
    aggr = jax.ops.segment_sum(weighted, row, num_segments=n)  # [N, K, hd]
    m_l = aggr.reshape(n, k_heads * head_dim)
    m_l = m_l @ W_head_w.T + W_head_b
    z = (1.0 + eps[0]) * h + m_l
    out = jax.nn.relu(z @ mlp_w1.T + mlp_b1) @ mlp_w2.T + mlp_b2
    return out

if __name__ == "__main__":
    import jax
    _d = setup_inputs()
    print(jax.jit(kernel)(*tuple(_d.values())))

</pallas_src>

<mosaic_0001>
#map = affine_map<(d0, d1) -> (0, 0)>
#map1 = affine_map<(d0, d1) -> (0)>
module attributes {stable_mosaic.version = 14 : i64} {
  func.func @edge_pass(%arg0: i32, %arg1: i32, %arg2: memref<20480x128xf32, #tpu.memory_space<hbm>>, %arg3: memref<10240x128xf32, #tpu.memory_space<hbm>>, %arg4: memref<321536xi32, #tpu.memory_space<hbm>>, %arg5: memref<321536xi32, #tpu.memory_space<hbm>>, %arg6: memref<321536xi32, #tpu.memory_space<hbm>>, %arg7: memref<321536xi32, #tpu.memory_space<hbm>>, %arg8: memref<16xf32, #tpu.memory_space<hbm>>, %arg9: memref<64x128xf32, #tpu.memory_space<hbm>>, %arg10: memref<20480x128xf32, #tpu.memory_space<hbm>>, %arg11: memref<2560x128xf32, #tpu.memory_space<hbm>>, %arg12: memref<64xi32, #tpu.memory_space<vmem>>, %arg13: memref<64xi32, #tpu.memory_space<vmem>>, %arg14: memref<64xi32, #tpu.memory_space<vmem>>, %arg15: memref<64xi32, #tpu.memory_space<vmem>>, %arg16: memref<64x128xf32, #tpu.memory_space<vmem>>, %arg17: memref<64x128xf32, #tpu.memory_space<vmem>>, %arg18: memref<64x128xf32, #tpu.memory_space<vmem>>, %arg19: memref<16xf32, #tpu.memory_space<vmem>>, %arg20: memref<10240x128xf32, #tpu.memory_space<vmem_shared>>, %arg21: memref<1280x128xf32, #tpu.memory_space<vmem_shared>>, %arg22: memref<!tpu.dma_semaphore, #tpu.memory_space<semaphore_mem>>, %arg23: memref<!tpu.dma_semaphore, #tpu.memory_space<semaphore_mem>>) attributes {dimension_semantics = [#tpu.dimension_semantics<core_parallel>, #tpu.dimension_semantics<subcore_parallel>], iteration_bounds = array<i64: 2, 16>, scalar_prefetch = 0 : i64, scratch_operands = 12 : i64, tpu.core_type = #tpu.core_type<sc_vector_subcore>, window_params = [{transform_indices = #map}, {transform_indices = #map}, {transform_indices = #map1}, {transform_indices = #map1}, {transform_indices = #map1}, {transform_indices = #map1}, {transform_indices = #map1}, {transform_indices = #map}, {transform_indices = #map}, {transform_indices = #map}]} {
    %mul3A = arith.constant 16 : i32
    %mul3A_0 = arith.muli %arg0, %mul3A : i32
    %add3A = arith.addi %mul3A_0, %arg1 : i32
    %iota3A = tpu.iota {dimensions = array<i32: 0>} : vector<16xi32>
    "tpu.region"() ({
      %run_scoped3A = tpu.sem_alloc : memref<!tpu.dma_semaphore, #tpu.memory_space<semaphore_mem>>
      tpu.enqueue_dma source(%arg8 : memref<16xf32, #tpu.memory_space<hbm>>) target(%arg19 : memref<16xf32, #tpu.memory_space<vmem>>) target_semaphore(%run_scoped3A : memref<!tpu.dma_semaphore, #tpu.memory_space<semaphore_mem>>)
      tpu.wait_dma2 semaphore(%run_scoped3A : memref<!tpu.dma_semaphore, #tpu.memory_space<semaphore_mem>>) src(%arg8 : memref<16xf32, #tpu.memory_space<hbm>>) dst(%arg19 : memref<16xf32, #tpu.memory_space<vmem>>)
      tpu.yield
    }) : () -> ()
    "tpu.region"() ({
      %run_scoped3A = tpu.sem_alloc : memref<!tpu.dma_semaphore, #tpu.memory_space<semaphore_mem>>
      tpu.enqueue_dma source(%arg9 : memref<64x128xf32, #tpu.memory_space<hbm>>) target(%arg18 : memref<64x128xf32, #tpu.memory_space<vmem>>) target_semaphore(%run_scoped3A : memref<!tpu.dma_semaphore, #tpu.memory_space<semaphore_mem>>)
      tpu.wait_dma2 semaphore(%run_scoped3A : memref<!tpu.dma_semaphore, #tpu.memory_space<semaphore_mem>>) src(%arg9 : memref<64x128xf32, #tpu.memory_space<hbm>>) dst(%arg18 : memref<64x128xf32, #tpu.memory_space<vmem>>)
      tpu.yield
    }) : () -> ()
    %mul3A_1 = arith.constant 640 : i32
    %mul3A_2 = arith.muli %arg1, %mul3A_1 : i32
    %add3A_3 = arith.constant 0 : i32
    %add3A_4 = arith.addi %mul3A_2, %add3A_3 : i32
    "tpu.region"() ({
      %run_scoped3A = tpu.sem_alloc : memref<!tpu.dma_semaphore, #tpu.memory_space<semaphore_mem>>
      %dma_start3A = arith.constant 0 : i32
      %dma_start3A_140 = tpu.memref_slice %arg20[%add3A_4, %dma_start3A] : memref<10240x128xf32, #tpu.memory_space<vmem_shared>> -> memref<64x128xf32, #tpu.memory_space<vmem_shared>>
      %dma_start3A_141 = arith.constant 0 : i32
      %dma_start3A_142 = tpu.memref_slice %arg20[%add3A_4, %dma_start3A_141] : memref<10240x128xf32, #tpu.memory_space<vmem_shared>> -> memref<64x128xf32, #tpu.memory_space<vmem_shared>>
      tpu.enqueue_dma source(%arg18 : memref<64x128xf32, #tpu.memory_space<vmem>>) target(%dma_start3A_142 : memref<64x128xf32, #tpu.memory_space<vmem_shared>>) target_semaphore(%run_scoped3A : memref<!tpu.dma_semaphore, #tpu.memory_space<semaphore_mem>>)
      %dma_wait3A = arith.constant 0 : i32
      %dma_wait3A_143 = tpu.memref_slice %arg20[%add3A_4, %dma_wait3A] : memref<10240x128xf32, #tpu.memory_space<vmem_shared>> -> memref<64x128xf32, #tpu.memory_space<vmem_shared>>
      %dma_wait3A_144 = arith.constant 0 : i32
      %dma_wait3A_145 = tpu.memref_slice %arg20[%add3A_4, %dma_wait3A_144] : memref<10240x128xf32, #tpu.memory_space<vmem_shared>> -> memref<64x128xf32, #tpu.memory_space<vmem_shared>>
      tpu.wait_dma2 semaphore(%run_scoped3A : memref<!tpu.dma_semaphore, #tpu.memory_space<semaphore_mem>>) src(%arg18 : memref<64x128xf32, #tpu.memory_space<vmem>>) dst(%dma_wait3A_145 : memref<64x128xf32, #tpu.memory_space<vmem_shared>>)
      tpu.yield
    }) : () -> ()
    %mul3A_5 = arith.constant 640 : i32
    %mul3A_6 = arith.muli %arg1, %mul3A_5 : i32
    %add3A_7 = arith.constant 64 : i32
    %add3A_8 = arith.addi %mul3A_6, %add3A_7 : i32
    "tpu.region"() ({
      %run_scoped3A = tpu.sem_alloc : memref<!tpu.dma_semaphore, #tpu.memory_space<semaphore_mem>>
      %dma_start3A = arith.constant 0 : i32
      %dma_start3A_140 = tpu.memref_slice %arg20[%add3A_8, %dma_start3A] : memref<10240x128xf32, #tpu.memory_space<vmem_shared>> -> memref<64x128xf32, #tpu.memory_space<vmem_shared>>
      %dma_start3A_141 = arith.constant 0 : i32
      %dma_start3A_142 = tpu.memref_slice %arg20[%add3A_8, %dma_start3A_141] : memref<10240x128xf32, #tpu.memory_space<vmem_shared>> -> memref<64x128xf32, #tpu.memory_space<vmem_shared>>
      tpu.enqueue_dma source(%arg18 : memref<64x128xf32, #tpu.memory_space<vmem>>) target(%dma_start3A_142 : memref<64x128xf32, #tpu.memory_space<vmem_shared>>) target_semaphore(%run_scoped3A : memref<!tpu.dma_semaphore, #tpu.memory_space<semaphore_mem>>)
      %dma_wait3A = arith.constant 0 : i32
      %dma_wait3A_143 = tpu.memref_slice %arg20[%add3A_8, %dma_wait3A] : memref<10240x128xf32, #tpu.memory_space<vmem_shared>> -> memref<64x128xf32, #tpu.memory_space<vmem_shared>>
      %dma_wait3A_144 = arith.constant 0 : i32
      %dma_wait3A_145 = tpu.memref_slice %arg20[%add3A_8, %dma_wait3A_144] : memref<10240x128xf32, #tpu.memory_space<vmem_shared>> -> memref<64x128xf32, #tpu.memory_space<vmem_shared>>
      tpu.wait_dma2 semaphore(%run_scoped3A : memref<!tpu.dma_semaphore, #tpu.memory_space<semaphore_mem>>) src(%arg18 : memref<64x128xf32, #tpu.memory_space<vmem>>) dst(%dma_wait3A_145 : memref<64x128xf32, #tpu.memory_space<vmem_shared>>)
      tpu.yield
    }) : () -> ()
    %mul3A_9 = arith.constant 640 : i32
    %mul3A_10 = arith.muli %arg1, %mul3A_9 : i32
    %add3A_11 = arith.constant 128 : i32
    %add3A_12 = arith.addi %mul3A_10, %add3A_11 : i32
    "tpu.region"() ({
      %run_scoped3A = tpu.sem_alloc : memref<!tpu.dma_semaphore, #tpu.memory_space<semaphore_mem>>
      %dma_start3A = arith.constant 0 : i32
      %dma_start3A_140 = tpu.memref_slice %arg20[%add3A_12, %dma_start3A] : memref<10240x128xf32, #tpu.memory_space<vmem_shared>> -> memref<64x128xf32, #tpu.memory_space<vmem_shared>>
      %dma_start3A_141 = arith.constant 0 : i32
      %dma_start3A_142 = tpu.memref_slice %arg20[%add3A_12, %dma_start3A_141] : memref<10240x128xf32, #tpu.memory_space<vmem_shared>> -> memref<64x128xf32, #tpu.memory_space<vmem_shared>>
      tpu.enqueue_dma source(%arg18 : memref<64x128xf32, #tpu.memory_space<vmem>>) target(%dma_start3A_142 : memref<64x128xf32, #tpu.memory_space<vmem_shared>>) target_semaphore(%run_scoped3A : memref<!tpu.dma_semaphore, #tpu.memory_space<semaphore_mem>>)
      %dma_wait3A = arith.constant 0 : i32
      %dma_wait3A_143 = tpu.memref_slice %arg20[%add3A_12, %dma_wait3A] : memref<10240x128xf32, #tpu.memory_space<vmem_shared>> -> memref<64x128xf32, #tpu.memory_space<vmem_shared>>
      %dma_wait3A_144 = arith.constant 0 : i32
      %dma_wait3A_145 = tpu.memref_slice %arg20[%add3A_12, %dma_wait3A_144] : memref<10240x128xf32, #tpu.memory_space<vmem_shared>> -> memref<64x128xf32, #tpu.memory_space<vmem_shared>>
      tpu.wait_dma2 semaphore(%run_scoped3A : memref<!tpu.dma_semaphore, #tpu.memory_space<semaphore_mem>>) src(%arg18 : memref<64x128xf32, #tpu.memory_space<vmem>>) dst(%dma_wait3A_145 : memref<64x128xf32, #tpu.memory_space<vmem_shared>>)
      tpu.yield
    }) : () -> ()
    %mul3A_13 = arith.constant 640 : i32
    %mul3A_14 = arith.muli %arg1, %mul3A_13 : i32
    %add3A_15 = arith.constant 192 : i32
    %add3A_16 = arith.addi %mul3A_14, %add3A_15 : i32
    "tpu.region"() ({
      %run_scoped3A = tpu.sem_alloc : memref<!tpu.dma_semaphore, #tpu.memory_space<semaphore_mem>>
      %dma_start3A = arith.constant 0 : i32
      %dma_start3A_140 = tpu.memref_slice %arg20[%add3A_16, %dma_start3A] : memref<10240x128xf32, #tpu.memory_space<vmem_shared>> -> memref<64x128xf32, #tpu.memory_space<vmem_shared>>
      %dma_start3A_141 = arith.constant 0 : i32
      %dma_start3A_142 = tpu.memref_slice %arg20[%add3A_16, %dma_start3A_141] : memref<10240x128xf32, #tpu.memory_space<vmem_shared>> -> memref<64x128xf32, #tpu.memory_space<vmem_shared>>
      tpu.enqueue_dma source(%arg18 : memref<64x128xf32, #tpu.memory_space<vmem>>) target(%dma_start3A_142 : memref<64x128xf32, #tpu.memory_space<vmem_shared>>) target_semaphore(%run_scoped3A : memref<!tpu.dma_semaphore, #tpu.memory_space<semaphore_mem>>)
      %dma_wait3A = arith.constant 0 : i32
      %dma_wait3A_143 = tpu.memref_slice %arg20[%add3A_16, %dma_wait3A] : memref<10240x128xf32, #tpu.memory_space<vmem_shared>> -> memref<64x128xf32, #tpu.memory_space<vmem_shared>>
      %dma_wait3A_144 = arith.constant 0 : i32
      %dma_wait3A_145 = tpu.memref_slice %arg20[%add3A_16, %dma_wait3A_144] : memref<10240x128xf32, #tpu.memory_space<vmem_shared>> -> memref<64x128xf32, #tpu.memory_space<vmem_shared>>
      tpu.wait_dma2 semaphore(%run_scoped3A : memref<!tpu.dma_semaphore, #tpu.memory_space<semaphore_mem>>) src(%arg18 : memref<64x128xf32, #tpu.memory_space<vmem>>) dst(%dma_wait3A_145 : memref<64x128xf32, #tpu.memory_space<vmem_shared>>)
      tpu.yield
    }) : () -> ()
    %mul3A_17 = arith.constant 640 : i32
    %mul3A_18 = arith.muli %arg1, %mul3A_17 : i32
    %add3A_19 = arith.constant 256 : i32
    %add3A_20 = arith.addi %mul3A_18, %add3A_19 : i32
    "tpu.region"() ({
      %run_scoped3A = tpu.sem_alloc : memref<!tpu.dma_semaphore, #tpu.memory_space<semaphore_mem>>
      %dma_start3A = arith.constant 0 : i32
      %dma_start3A_140 = tpu.memref_slice %arg20[%add3A_20, %dma_start3A] : memref<10240x128xf32, #tpu.memory_space<vmem_shared>> -> memref<64x128xf32, #tpu.memory_space<vmem_shared>>
      %dma_start3A_141 = arith.constant 0 : i32
      %dma_start3A_142 = tpu.memref_slice %arg20[%add3A_20, %dma_start3A_141] : memref<10240x128xf32, #tpu.memory_space<vmem_shared>> -> memref<64x128xf32, #tpu.memory_space<vmem_shared>>
      tpu.enqueue_dma source(%arg18 : memref<64x128xf32, #tpu.memory_space<vmem>>) target(%dma_start3A_142 : memref<64x128xf32, #tpu.memory_space<vmem_shared>>) target_semaphore(%run_scoped3A : memref<!tpu.dma_semaphore, #tpu.memory_space<semaphore_mem>>)
      %dma_wait3A = arith.constant 0 : i32
      %dma_wait3A_143 = tpu.memref_slice %arg20[%add3A_20, %dma_wait3A] : memref<10240x128xf32, #tpu.memory_space<vmem_shared>> -> memref<64x128xf32, #tpu.memory_space<vmem_shared>>
      %dma_wait3A_144 = arith.constant 0 : i32
      %dma_wait3A_145 = tpu.memref_slice %arg20[%add3A_20, %dma_wait3A_144] : memref<10240x128xf32, #tpu.memory_space<vmem_shared>> -> memref<64x128xf32, #tpu.memory_space<vmem_shared>>
      tpu.wait_dma2 semaphore(%run_scoped3A : memref<!tpu.dma_semaphore, #tpu.memory_space<semaphore_mem>>) src(%arg18 : memref<64x128xf32, #tpu.memory_space<vmem>>) dst(%dma_wait3A_145 : memref<64x128xf32, #tpu.memory_space<vmem_shared>>)
      tpu.yield
    }) : () -> ()
    %mul3A_21 = arith.constant 640 : i32
    %mul3A_22 = arith.muli %arg1, %mul3A_21 : i32
    %add3A_23 = arith.constant 320 : i32
    %add3A_24 = arith.addi %mul3A_22, %add3A_23 : i32
    "tpu.region"() ({
      %run_scoped3A = tpu.sem_alloc : memref<!tpu.dma_semaphore, #tpu.memory_space<semaphore_mem>>
      %dma_start3A = arith.constant 0 : i32
      %dma_start3A_140 = tpu.memref_slice %arg20[%add3A_24, %dma_start3A] : memref<10240x128xf32, #tpu.memory_space<vmem_shared>> -> memref<64x128xf32, #tpu.memory_space<vmem_shared>>
      %dma_start3A_141 = arith.constant 0 : i32
      %dma_start3A_142 = tpu.memref_slice %arg20[%add3A_24, %dma_start3A_141] : memref<10240x128xf32, #tpu.memory_space<vmem_shared>> -> memref<64x128xf32, #tpu.memory_space<vmem_shared>>
      tpu.enqueue_dma source(%arg18 : memref<64x128xf32, #tpu.memory_space<vmem>>) target(%dma_start3A_142 : memref<64x128xf32, #tpu.memory_space<vmem_shared>>) target_semaphore(%run_scoped3A : memref<!tpu.dma_semaphore, #tpu.memory_space<semaphore_mem>>)
      %dma_wait3A = arith.constant 0 : i32
      %dma_wait3A_143 = tpu.memref_slice %arg20[%add3A_24, %dma_wait3A] : memref<10240x128xf32, #tpu.memory_space<vmem_shared>> -> memref<64x128xf32, #tpu.memory_space<vmem_shared>>
      %dma_wait3A_144 = arith.constant 0 : i32
      %dma_wait3A_145 = tpu.memref_slice %arg20[%add3A_24, %dma_wait3A_144] : memref<10240x128xf32, #tpu.memory_space<vmem_shared>> -> memref<64x128xf32, #tpu.memory_space<vmem_shared>>
      tpu.wait_dma2 semaphore(%run_scoped3A : memref<!tpu.dma_semaphore, #tpu.memory_space<semaphore_mem>>) src(%arg18 : memref<64x128xf32, #tpu.memory_space<vmem>>) dst(%dma_wait3A_145 : memref<64x128xf32, #tpu.memory_space<vmem_shared>>)
      tpu.yield
    }) : () -> ()
    %mul3A_25 = arith.constant 640 : i32
    %mul3A_26 = arith.muli %arg1, %mul3A_25 : i32
    %add3A_27 = arith.constant 384 : i32
    %add3A_28 = arith.addi %mul3A_26, %add3A_27 : i32
    "tpu.region"() ({
      %run_scoped3A = tpu.sem_alloc : memref<!tpu.dma_semaphore, #tpu.memory_space<semaphore_mem>>
      %dma_start3A = arith.constant 0 : i32
      %dma_start3A_140 = tpu.memref_slice %arg20[%add3A_28, %dma_start3A] : memref<10240x128xf32, #tpu.memory_space<vmem_shared>> -> memref<64x128xf32, #tpu.memory_space<vmem_shared>>
      %dma_start3A_141 = arith.constant 0 : i32
      %dma_start3A_142 = tpu.memref_slice %arg20[%add3A_28, %dma_start3A_141] : memref<10240x128xf32, #tpu.memory_space<vmem_shared>> -> memref<64x128xf32, #tpu.memory_space<vmem_shared>>
      tpu.enqueue_dma source(%arg18 : memref<64x128xf32, #tpu.memory_space<vmem>>) target(%dma_start3A_142 : memref<64x128xf32, #tpu.memory_space<vmem_shared>>) target_semaphore(%run_scoped3A : memref<!tpu.dma_semaphore, #tpu.memory_space<semaphore_mem>>)
      %dma_wait3A = arith.constant 0 : i32
      %dma_wait3A_143 = tpu.memref_slice %arg20[%add3A_28, %dma_wait3A] : memref<10240x128xf32, #tpu.memory_space<vmem_shared>> -> memref<64x128xf32, #tpu.memory_space<vmem_shared>>
      %dma_wait3A_144 = arith.constant 0 : i32
      %dma_wait3A_145 = tpu.memref_slice %arg20[%add3A_28, %dma_wait3A_144] : memref<10240x128xf32, #tpu.memory_space<vmem_shared>> -> memref<64x128xf32, #tpu.memory_space<vmem_shared>>
      tpu.wait_dma2 semaphore(%run_scoped3A : memref<!tpu.dma_semaphore, #tpu.memory_space<semaphore_mem>>) src(%arg18 : memref<64x128xf32, #tpu.memory_space<vmem>>) dst(%dma_wait3A_145 : memref<64x128xf32, #tpu.memory_space<vmem_shared>>)
      tpu.yield
    }) : () -> ()
    %mul3A_29 = arith.constant 640 : i32
    %mul3A_30 = arith.muli %arg1, %mul3A_29 : i32
    %add3A_31 = arith.constant 448 : i32
    %add3A_32 = arith.addi %mul3A_30, %add3A_31 : i32
    "tpu.region"() ({
      %run_scoped3A = tpu.sem_alloc : memref<!tpu.dma_semaphore, #tpu.memory_space<semaphore_mem>>
      %dma_start3A = arith.constant 0 : i32
      %dma_start3A_140 = tpu.memref_slice %arg20[%add3A_32, %dma_start3A] : memref<10240x128xf32, #tpu.memory_space<vmem_shared>> -> memref<64x128xf32, #tpu.memory_space<vmem_shared>>
      %dma_start3A_141 = arith.constant 0 : i32
      %dma_start3A_142 = tpu.memref_slice %arg20[%add3A_32, %dma_start3A_141] : memref<10240x128xf32, #tpu.memory_space<vmem_shared>> -> memref<64x128xf32, #tpu.memory_space<vmem_shared>>
      tpu.enqueue_dma source(%arg18 : memref<64x128xf32, #tpu.memory_space<vmem>>) target(%dma_start3A_142 : memref<64x128xf32, #tpu.memory_space<vmem_shared>>) target_semaphore(%run_scoped3A : memref<!tpu.dma_semaphore, #tpu.memory_space<semaphore_mem>>)
      %dma_wait3A = arith.constant 0 : i32
      %dma_wait3A_143 = tpu.memref_slice %arg20[%add3A_32, %dma_wait3A] : memref<10240x128xf32, #tpu.memory_space<vmem_shared>> -> memref<64x128xf32, #tpu.memory_space<vmem_shared>>
      %dma_wait3A_144 = arith.constant 0 : i32
      %dma_wait3A_145 = tpu.memref_slice %arg20[%add3A_32, %dma_wait3A_144] : memref<10240x128xf32, #tpu.memory_space<vmem_shared>> -> memref<64x128xf32, #tpu.memory_space<vmem_shared>>
      tpu.wait_dma2 semaphore(%run_scoped3A : memref<!tpu.dma_semaphore, #tpu.memory_space<semaphore_mem>>) src(%arg18 : memref<64x128xf32, #tpu.memory_space<vmem>>) dst(%dma_wait3A_145 : memref<64x128xf32, #tpu.memory_space<vmem_shared>>)
      tpu.yield
    }) : () -> ()
    %mul3A_33 = arith.constant 640 : i32
    %mul3A_34 = arith.muli %arg1, %mul3A_33 : i32
    %add3A_35 = arith.constant 512 : i32
    %add3A_36 = arith.addi %mul3A_34, %add3A_35 : i32
    "tpu.region"() ({
      %run_scoped3A = tpu.sem_alloc : memref<!tpu.dma_semaphore, #tpu.memory_space<semaphore_mem>>
      %dma_start3A = arith.constant 0 : i32
      %dma_start3A_140 = tpu.memref_slice %arg20[%add3A_36, %dma_start3A] : memref<10240x128xf32, #tpu.memory_space<vmem_shared>> -> memref<64x128xf32, #tpu.memory_space<vmem_shared>>
      %dma_start3A_141 = arith.constant 0 : i32
      %dma_start3A_142 = tpu.memref_slice %arg20[%add3A_36, %dma_start3A_141] : memref<10240x128xf32, #tpu.memory_space<vmem_shared>> -> memref<64x128xf32, #tpu.memory_space<vmem_shared>>
      tpu.enqueue_dma source(%arg18 : memref<64x128xf32, #tpu.memory_space<vmem>>) target(%dma_start3A_142 : memref<64x128xf32, #tpu.memory_space<vmem_shared>>) target_semaphore(%run_scoped3A : memref<!tpu.dma_semaphore, #tpu.memory_space<semaphore_mem>>)
      %dma_wait3A = arith.constant 0 : i32
      %dma_wait3A_143 = tpu.memref_slice %arg20[%add3A_36, %dma_wait3A] : memref<10240x128xf32, #tpu.memory_space<vmem_shared>> -> memref<64x128xf32, #tpu.memory_space<vmem_shared>>
      %dma_wait3A_144 = arith.constant 0 : i32
      %dma_wait3A_145 = tpu.memref_slice %arg20[%add3A_36, %dma_wait3A_144] : memref<10240x128xf32, #tpu.memory_space<vmem_shared>> -> memref<64x128xf32, #tpu.memory_space<vmem_shared>>
      tpu.wait_dma2 semaphore(%run_scoped3A : memref<!tpu.dma_semaphore, #tpu.memory_space<semaphore_mem>>) src(%arg18 : memref<64x128xf32, #tpu.memory_space<vmem>>) dst(%dma_wait3A_145 : memref<64x128xf32, #tpu.memory_space<vmem_shared>>)
      tpu.yield
    }) : () -> ()
    %mul3A_37 = arith.constant 640 : i32
    %mul3A_38 = arith.muli %arg1, %mul3A_37 : i32
    %add3A_39 = arith.constant 576 : i32
    %add3A_40 = arith.addi %mul3A_38, %add3A_39 : i32
    "tpu.region"() ({
      %run_scoped3A = tpu.sem_alloc : memref<!tpu.dma_semaphore, #tpu.memory_space<semaphore_mem>>
      %dma_start3A = arith.constant 0 : i32
      %dma_start3A_140 = tpu.memref_slice %arg20[%add3A_40, %dma_start3A] : memref<10240x128xf32, #tpu.memory_space<vmem_shared>> -> memref<64x128xf32, #tpu.memory_space<vmem_shared>>
      %dma_start3A_141 = arith.constant 0 : i32
      %dma_start3A_142 = tpu.memref_slice %arg20[%add3A_40, %dma_start3A_141] : memref<10240x128xf32, #tpu.memory_space<vmem_shared>> -> memref<64x128xf32, #tpu.memory_space<vmem_shared>>
      tpu.enqueue_dma source(%arg18 : memref<64x128xf32, #tpu.memory_space<vmem>>) target(%dma_start3A_142 : memref<64x128xf32, #tpu.memory_space<vmem_shared>>) target_semaphore(%run_scoped3A : memref<!tpu.dma_semaphore, #tpu.memory_space<semaphore_mem>>)
      %dma_wait3A = arith.constant 0 : i32
      %dma_wait3A_143 = tpu.memref_slice %arg20[%add3A_40, %dma_wait3A] : memref<10240x128xf32, #tpu.memory_space<vmem_shared>> -> memref<64x128xf32, #tpu.memory_space<vmem_shared>>
      %dma_wait3A_144 = arith.constant 0 : i32
      %dma_wait3A_145 = tpu.memref_slice %arg20[%add3A_40, %dma_wait3A_144] : memref<10240x128xf32, #tpu.memory_space<vmem_shared>> -> memref<64x128xf32, #tpu.memory_space<vmem_shared>>
      tpu.wait_dma2 semaphore(%run_scoped3A : memref<!tpu.dma_semaphore, #tpu.memory_space<semaphore_mem>>) src(%arg18 : memref<64x128xf32, #tpu.memory_space<vmem>>) dst(%dma_wait3A_145 : memref<64x128xf32, #tpu.memory_space<vmem_shared>>)
      tpu.yield
    }) : () -> ()
    %mul3A_41 = arith.constant 80 : i32
    %mul3A_42 = arith.muli %arg1, %mul3A_41 : i32
    %add3A_43 = arith.constant 0 : i32
    %add3A_44 = arith.addi %mul3A_42, %add3A_43 : i32
    "tpu.region"() ({
      %run_scoped3A = tpu.sem_alloc : memref<!tpu.dma_semaphore, #tpu.memory_space<semaphore_mem>>
      %dma_start3A = arith.constant 0 : i32
      %dma_start3A_140 = arith.constant 0 : i32
      %dma_start3A_141 = tpu.memref_slice %arg18[%dma_start3A, %dma_start3A_140] : memref<64x128xf32, #tpu.memory_space<vmem>> -> memref<40x128xf32, #tpu.memory_space<vmem>>
      %dma_start3A_142 = arith.constant 0 : i32
      %dma_start3A_143 = tpu.memref_slice %arg21[%add3A_44, %dma_start3A_142] : memref<1280x128xf32, #tpu.memory_space<vmem_shared>> -> memref<40x128xf32, #tpu.memory_space<vmem_shared>>
      %dma_start3A_144 = arith.constant 0 : i32
      %dma_start3A_145 = tpu.memref_slice %arg21[%add3A_44, %dma_start3A_144] : memref<1280x128xf32, #tpu.memory_space<vmem_shared>> -> memref<40x128xf32, #tpu.memory_space<vmem_shared>>
      %dma_start3A_146 = arith.constant 0 : i32
      %dma_start3A_147 = arith.constant 0 : i32
      %dma_start3A_148 = tpu.memref_slice %arg18[%dma_start3A_146, %dma_start3A_147] : memref<64x128xf32, #tpu.memory_space<vmem>> -> memref<40x128xf32, #tpu.memory_space<vmem>>
      tpu.enqueue_dma source(%dma_start3A_148 : memref<40x128xf32, #tpu.memory_space<vmem>>) target(%dma_start3A_145 : memref<40x128xf32, #tpu.memory_space<vmem_shared>>) target_semaphore(%run_scoped3A : memref<!tpu.dma_semaphore, #tpu.memory_space<semaphore_mem>>)
      %dma_wait3A = arith.constant 0 : i32
      %dma_wait3A_149 = arith.constant 0 : i32
      %dma_wait3A_150 = tpu.memref_slice %arg18[%dma_wait3A, %dma_wait3A_149] : memref<64x128xf32, #tpu.memory_space<vmem>> -> memref<40x128xf32, #tpu.memory_space<vmem>>
      %dma_wait3A_151 = arith.constant 0 : i32
      %dma_wait3A_152 = tpu.memref_slice %arg21[%add3A_44, %dma_wait3A_151] : memref<1280x128xf32, #tpu.memory_space<vmem_shared>> -> memref<40x128xf32, #tpu.memory_space<vmem_shared>>
      %dma_wait3A_153 = arith.constant 0 : i32
      %dma_wait3A_154 = tpu.memref_slice %arg21[%add3A_44, %dma_wait3A_153] : memref<1280x128xf32, #tpu.memory_space<vmem_shared>> -> memref<40x128xf32, #tpu.memory_space<vmem_shared>>
      %dma_wait3A_155 = arith.constant 0 : i32
      %dma_wait3A_156 = arith.constant 0 : i32
      %dma_wait3A_157 = tpu.memref_slice %arg18[%dma_wait3A_155, %dma_wait3A_156] : memref<64x128xf32, #tpu.memory_space<vmem>> -> memref<40x128xf32, #tpu.memory_space<vmem>>
      tpu.wait_dma2 semaphore(%run_scoped3A : memref<!tpu.dma_semaphore, #tpu.memory_space<semaphore_mem>>) src(%dma_wait3A_157 : memref<40x128xf32, #tpu.memory_space<vmem>>) dst(%dma_wait3A_154 : memref<40x128xf32, #tpu.memory_space<vmem_shared>>)
      tpu.yield
    }) : () -> ()
    %mul3A_45 = arith.constant 80 : i32
    %mul3A_46 = arith.muli %arg1, %mul3A_45 : i32
    %add3A_47 = arith.constant 40 : i32
    %add3A_48 = arith.addi %mul3A_46, %add3A_47 : i32
    "tpu.region"() ({
      %run_scoped3A = tpu.sem_alloc : memref<!tpu.dma_semaphore, #tpu.memory_space<semaphore_mem>>
      %dma_start3A = arith.constant 0 : i32
      %dma_start3A_140 = arith.constant 0 : i32
      %dma_start3A_141 = tpu.memref_slice %arg18[%dma_start3A, %dma_start3A_140] : memref<64x128xf32, #tpu.memory_space<vmem>> -> memref<40x128xf32, #tpu.memory_space<vmem>>
      %dma_start3A_142 = arith.constant 0 : i32
      %dma_start3A_143 = tpu.memref_slice %arg21[%add3A_48, %dma_start3A_142] : memref<1280x128xf32, #tpu.memory_space<vmem_shared>> -> memref<40x128xf32, #tpu.memory_space<vmem_shared>>
      %dma_start3A_144 = arith.constant 0 : i32
      %dma_start3A_145 = tpu.memref_slice %arg21[%add3A_48, %dma_start3A_144] : memref<1280x128xf32, #tpu.memory_space<vmem_shared>> -> memref<40x128xf32, #tpu.memory_space<vmem_shared>>
      %dma_start3A_146 = arith.constant 0 : i32
      %dma_start3A_147 = arith.constant 0 : i32
      %dma_start3A_148 = tpu.memref_slice %arg18[%dma_start3A_146, %dma_start3A_147] : memref<64x128xf32, #tpu.memory_space<vmem>> -> memref<40x128xf32, #tpu.memory_space<vmem>>
      tpu.enqueue_dma source(%dma_start3A_148 : memref<40x128xf32, #tpu.memory_space<vmem>>) target(%dma_start3A_145 : memref<40x128xf32, #tpu.memory_space<vmem_shared>>) target_semaphore(%run_scoped3A : memref<!tpu.dma_semaphore, #tpu.memory_space<semaphore_mem>>)
      %dma_wait3A = arith.constant 0 : i32
      %dma_wait3A_149 = arith.constant 0 : i32
      %dma_wait3A_150 = tpu.memref_slice %arg18[%dma_wait3A, %dma_wait3A_149] : memref<64x128xf32, #tpu.memory_space<vmem>> -> memref<40x128xf32, #tpu.memory_space<vmem>>
      %dma_wait3A_151 = arith.constant 0 : i32
      %dma_wait3A_152 = tpu.memref_slice %arg21[%add3A_48, %dma_wait3A_151] : memref<1280x128xf32, #tpu.memory_space<vmem_shared>> -> memref<40x128xf32, #tpu.memory_space<vmem_shared>>
      %dma_wait3A_153 = arith.constant 0 : i32
      %dma_wait3A_154 = tpu.memref_slice %arg21[%add3A_48, %dma_wait3A_153] : memref<1280x128xf32, #tpu.memory_space<vmem_shared>> -> memref<40x128xf32, #tpu.memory_space<vmem_shared>>
      %dma_wait3A_155 = arith.constant 0 : i32
      %dma_wait3A_156 = arith.constant 0 : i32
      %dma_wait3A_157 = tpu.memref_slice %arg18[%dma_wait3A_155, %dma_wait3A_156] : memref<64x128xf32, #tpu.memory_space<vmem>> -> memref<40x128xf32, #tpu.memory_space<vmem>>
      tpu.wait_dma2 semaphore(%run_scoped3A : memref<!tpu.dma_semaphore, #tpu.memory_space<semaphore_mem>>) src(%dma_wait3A_157 : memref<40x128xf32, #tpu.memory_space<vmem>>) dst(%dma_wait3A_154 : memref<40x128xf32, #tpu.memory_space<vmem_shared>>)
      tpu.yield
    }) : () -> ()
    %barrier3A = arith.constant 0 : index
    tpu.barrier barrier_id(%barrier3A)
    %mul3A_49 = arith.constant 10048 : i32
    %mul3A_50 = arith.muli %add3A, %mul3A_49 : i32
    %scan3A = arith.constant 0 : i32
    %scan3A_51 = arith.constant 157 : i32
    %scan3A_52 = arith.addi %scan3A, %scan3A_51 : i32
    %scan3A_53 = arith.constant 1 : i32
    scf.for %scan3A_140 = %scan3A to %scan3A_52 step %scan3A_53  : i32 {
      %mul3A_141 = arith.constant 1 : i32
      %mul3A_142 = arith.muli %scan3A_140, %mul3A_141 : i32
      %add3A_143 = arith.constant 0 : i32
      %add3A_144 = arith.addi %add3A_143, %mul3A_142 : i32
      %mul3A_145 = arith.constant 64 : i32
      %mul3A_146 = arith.muli %add3A_144, %mul3A_145 : i32
      %add3A_147 = arith.addi %mul3A_50, %mul3A_146 : i32
      "tpu.region"() ({
        %run_scoped3A = tpu.sem_alloc : memref<!tpu.dma_semaphore, #tpu.memory_space<semaphore_mem>>
        %dma_start3A_168 = tpu.memref_slice %arg4[%add3A_147] : memref<321536xi32, #tpu.memory_space<hbm>> -> memref<64xi32, #tpu.memory_space<hbm>>
        %dma_start3A_169 = tpu.memref_slice %arg4[%add3A_147] : memref<321536xi32, #tpu.memory_space<hbm>> -> memref<64xi32, #tpu.memory_space<hbm>>
        tpu.enqueue_dma source(%dma_start3A_169 : memref<64xi32, #tpu.memory_space<hbm>>) target(%arg12 : memref<64xi32, #tpu.memory_space<vmem>>) target_semaphore(%run_scoped3A : memref<!tpu.dma_semaphore, #tpu.memory_space<semaphore_mem>>)
        %dma_wait3A_170 = tpu.memref_slice %arg4[%add3A_147] : memref<321536xi32, #tpu.memory_space<hbm>> -> memref<64xi32, #tpu.memory_space<hbm>>
        %dma_wait3A_171 = tpu.memref_slice %arg4[%add3A_147] : memref<321536xi32, #tpu.memory_space<hbm>> -> memref<64xi32, #tpu.memory_space<hbm>>
        tpu.wait_dma2 semaphore(%run_scoped3A : memref<!tpu.dma_semaphore, #tpu.memory_space<semaphore_mem>>) src(%dma_wait3A_171 : memref<64xi32, #tpu.memory_space<hbm>>) dst(%arg12 : memref<64xi32, #tpu.memory_space<vmem>>)
        tpu.yield
      }) : () -> ()
      "tpu.region"() ({
        %run_scoped3A = tpu.sem_alloc : memref<!tpu.dma_semaphore, #tpu.memory_space<semaphore_mem>>
        %dma_start3A_168 = tpu.memref_slice %arg5[%add3A_147] : memref<321536xi32, #tpu.memory_space<hbm>> -> memref<64xi32, #tpu.memory_space<hbm>>
        %dma_start3A_169 = tpu.memref_slice %arg5[%add3A_147] : memref<321536xi32, #tpu.memory_space<hbm>> -> memref<64xi32, #tpu.memory_space<hbm>>
        tpu.enqueue_dma source(%dma_start3A_169 : memref<64xi32, #tpu.memory_space<hbm>>) target(%arg13 : memref<64xi32, #tpu.memory_space<vmem>>) target_semaphore(%run_scoped3A : memref<!tpu.dma_semaphore, #tpu.memory_space<semaphore_mem>>)
        %dma_wait3A_170 = tpu.memref_slice %arg5[%add3A_147] : memref<321536xi32, #tpu.memory_space<hbm>> -> memref<64xi32, #tpu.memory_space<hbm>>
        %dma_wait3A_171 = tpu.memref_slice %arg5[%add3A_147] : memref<321536xi32, #tpu.memory_space<hbm>> -> memref<64xi32, #tpu.memory_space<hbm>>
        tpu.wait_dma2 semaphore(%run_scoped3A : memref<!tpu.dma_semaphore, #tpu.memory_space<semaphore_mem>>) src(%dma_wait3A_171 : memref<64xi32, #tpu.memory_space<hbm>>) dst(%arg13 : memref<64xi32, #tpu.memory_space<vmem>>)
        tpu.yield
      }) : () -> ()
      "tpu.region"() ({
        %run_scoped3A = tpu.sem_alloc : memref<!tpu.dma_semaphore, #tpu.memory_space<semaphore_mem>>
        %dma_start3A_168 = tpu.memref_slice %arg6[%add3A_147] : memref<321536xi32, #tpu.memory_space<hbm>> -> memref<64xi32, #tpu.memory_space<hbm>>
        %dma_start3A_169 = tpu.memref_slice %arg6[%add3A_147] : memref<321536xi32, #tpu.memory_space<hbm>> -> memref<64xi32, #tpu.memory_space<hbm>>
        tpu.enqueue_dma source(%dma_start3A_169 : memref<64xi32, #tpu.memory_space<hbm>>) target(%arg14 : memref<64xi32, #tpu.memory_space<vmem>>) target_semaphore(%run_scoped3A : memref<!tpu.dma_semaphore, #tpu.memory_space<semaphore_mem>>)
        %dma_wait3A_170 = tpu.memref_slice %arg6[%add3A_147] : memref<321536xi32, #tpu.memory_space<hbm>> -> memref<64xi32, #tpu.memory_space<hbm>>
        %dma_wait3A_171 = tpu.memref_slice %arg6[%add3A_147] : memref<321536xi32, #tpu.memory_space<hbm>> -> memref<64xi32, #tpu.memory_space<hbm>>
        tpu.wait_dma2 semaphore(%run_scoped3A : memref<!tpu.dma_semaphore, #tpu.memory_space<semaphore_mem>>) src(%dma_wait3A_171 : memref<64xi32, #tpu.memory_space<hbm>>) dst(%arg14 : memref<64xi32, #tpu.memory_space<vmem>>)
        tpu.yield
      }) : () -> ()
      "tpu.region"() ({
        %run_scoped3A = tpu.sem_alloc : memref<!tpu.dma_semaphore, #tpu.memory_space<semaphore_mem>>
        %dma_start3A_168 = tpu.memref_slice %arg7[%add3A_147] : memref<321536xi32, #tpu.memory_space<hbm>> -> memref<64xi32, #tpu.memory_space<hbm>>
        %dma_start3A_169 = tpu.memref_slice %arg7[%add3A_147] : memref<321536xi32, #tpu.memory_space<hbm>> -> memref<64xi32, #tpu.memory_space<hbm>>
        tpu.enqueue_dma source(%dma_start3A_169 : memref<64xi32, #tpu.memory_space<hbm>>) target(%arg15 : memref<64xi32, #tpu.memory_space<vmem>>) target_semaphore(%run_scoped3A : memref<!tpu.dma_semaphore, #tpu.memory_space<semaphore_mem>>)
        %dma_wait3A_170 = tpu.memref_slice %arg7[%add3A_147] : memref<321536xi32, #tpu.memory_space<hbm>> -> memref<64xi32, #tpu.memory_space<hbm>>
        %dma_wait3A_171 = tpu.memref_slice %arg7[%add3A_147] : memref<321536xi32, #tpu.memory_space<hbm>> -> memref<64xi32, #tpu.memory_space<hbm>>
        tpu.wait_dma2 semaphore(%run_scoped3A : memref<!tpu.dma_semaphore, #tpu.memory_space<semaphore_mem>>) src(%dma_wait3A_171 : memref<64xi32, #tpu.memory_space<hbm>>) dst(%arg15 : memref<64xi32, #tpu.memory_space<vmem>>)
        tpu.yield
      }) : () -> ()
      %dma_start3A = arith.constant 0 : i32
      %dma_start3A_148 = arith.constant 0 : i32
      %dma_start3A_149 = tpu.memref_slice %arg2[%dma_start3A, %dma_start3A_148] : memref<20480x128xf32, #tpu.memory_space<hbm>> -> memref<20480x128xf32, #tpu.memory_space<hbm>>
      tpu.enqueue_indirect_dma source(%dma_start3A_149 : memref<20480x128xf32, #tpu.memory_space<hbm>>) target(%arg16 : memref<64x128xf32, #tpu.memory_space<vmem>>) offsets(%arg14 : memref<64xi32, #tpu.memory_space<vmem>>) semaphore(%arg22 : memref<!tpu.dma_semaphore, #tpu.memory_space<semaphore_mem>>)
      %dma_start3A_150 = arith.constant 0 : i32
      %dma_start3A_151 = arith.constant 0 : i32
      %dma_start3A_152 = tpu.memref_slice %arg3[%dma_start3A_150, %dma_start3A_151] : memref<10240x128xf32, #tpu.memory_space<hbm>> -> memref<10240x128xf32, #tpu.memory_space<hbm>>
      tpu.enqueue_indirect_dma source(%dma_start3A_152 : memref<10240x128xf32, #tpu.memory_space<hbm>>) target(%arg17 : memref<64x128xf32, #tpu.memory_space<vmem>>) offsets(%arg13 : memref<64xi32, #tpu.memory_space<vmem>>) semaphore(%arg23 : memref<!tpu.dma_semaphore, #tpu.memory_space<semaphore_mem>>)
      %dma_wait3A = arith.constant 0 : i32
      %dma_wait3A_153 = arith.constant 0 : i32
      %dma_wait3A_154 = tpu.memref_slice %arg2[%dma_wait3A, %dma_wait3A_153] : memref<20480x128xf32, #tpu.memory_space<hbm>> -> memref<20480x128xf32, #tpu.memory_space<hbm>>
      tpu.wait_indirect_dma semaphore(%arg22 : memref<!tpu.dma_semaphore, #tpu.memory_space<semaphore_mem>>) src(%dma_wait3A_154 : memref<20480x128xf32, #tpu.memory_space<hbm>>) dst(%arg16 : memref<64x128xf32, #tpu.memory_space<vmem>>)
      %dma_wait3A_155 = arith.constant 0 : i32
      %dma_wait3A_156 = arith.constant 0 : i32
      %dma_wait3A_157 = tpu.memref_slice %arg3[%dma_wait3A_155, %dma_wait3A_156] : memref<10240x128xf32, #tpu.memory_space<hbm>> -> memref<10240x128xf32, #tpu.memory_space<hbm>>
      tpu.wait_indirect_dma semaphore(%arg23 : memref<!tpu.dma_semaphore, #tpu.memory_space<semaphore_mem>>) src(%dma_wait3A_157 : memref<10240x128xf32, #tpu.memory_space<hbm>>) dst(%arg17 : memref<64x128xf32, #tpu.memory_space<vmem>>)
      %scan3A_158 = arith.constant 0 : i32
      %scan3A_159 = arith.constant 4 : i32
      %scan3A_160 = arith.addi %scan3A_158, %scan3A_159 : i32
      %scan3A_161 = arith.constant 1 : i32
      scf.for %scan3A_168 = %scan3A_158 to %scan3A_160 step %scan3A_161  : i32 {
        %mul3A_169 = arith.constant 1 : i32
        %mul3A_170 = arith.muli %scan3A_168, %mul3A_169 : i32
        %add3A_171 = arith.constant 0 : i32
        %add3A_172 = arith.addi %add3A_171, %mul3A_170 : i32
        %mul3A_173 = arith.constant 16 : i32
        %mul3A_174 = arith.muli %add3A_172, %mul3A_173 : i32
        %add3A_175 = vector.broadcast %mul3A_174 : i32 to vector<16xi32>
        %add3A_176 = arith.addi %add3A_175, %iota3A : vector<16xi32>
        %mul3A_177 = arith.constant 16 : i32
        %mul3A_178 = arith.muli %add3A_172, %mul3A_177 : i32
        %get3A = arith.index_cast %mul3A_178 : i32 to index
        %get3A_179 = tpu.vector_load %arg12[%get3A] {strides = array<i32>} : memref<64xi32, #tpu.memory_space<vmem>>, vector<16xi32>,
        %and3A = arith.constant 7 : i32
        %and3A_180 = vector.broadcast %and3A : i32 to vector<16xi32>
        %and3A_181 = arith.andi %get3A_179, %and3A_180 : vector<16xi32>
        %mul3A_182 = arith.constant 16 : i32
        %mul3A_183 = vector.broadcast %mul3A_182 : i32 to vector<16xi32>
        %mul3A_184 = arith.muli %and3A_181, %mul3A_183 : vector<16xi32>
        %broadcast_in_dim3A = arith.constant 0.000000e+00 : f32
        %broadcast_in_dim3A_185 = vector.broadcast %broadcast_in_dim3A : f32 to vector<16xf32>
        %broadcast_in_dim3A_186 = arith.constant 0.000000e+00 : f32
        %broadcast_in_dim3A_187 = vector.broadcast %broadcast_in_dim3A_186 : f32 to vector<16xf32>
        %broadcast_in_dim3A_188 = arith.constant 0.000000e+00 : f32
        %broadcast_in_dim3A_189 = vector.broadcast %broadcast_in_dim3A_188 : f32 to vector<16xf32>
        %broadcast_in_dim3A_190 = arith.constant 0.000000e+00 : f32
        %broadcast_in_dim3A_191 = vector.broadcast %broadcast_in_dim3A_190 : f32 to vector<16xf32>
        %broadcast_in_dim3A_192 = arith.constant 0 : i32
        %broadcast_in_dim3A_193 = vector.broadcast %broadcast_in_dim3A_192 : i32 to vector<16xi32>
        %gather3A = tpu.vector_load_idx %arg16[%add3A_176, %broadcast_in_dim3A_193] : memref<64x128xf32, #tpu.memory_space<vmem>>[vector<16xi32>, vector<16xi32>], vector<16xf32>,
        %gather3A_194 = tpu.vector_load_idx %arg17[%add3A_176, %broadcast_in_dim3A_193] : memref<64x128xf32, #tpu.memory_space<vmem>>[vector<16xi32>, vector<16xi32>], vector<16xf32>,
        %mul3A_195 = arith.mulf %gather3A, %gather3A_194 : vector<16xf32>
        %add3A_196 = arith.addf %broadcast_in_dim3A_185, %mul3A_195 : vector<16xf32>
        %broadcast_in_dim3A_197 = arith.constant 1 : i32
        %broadcast_in_dim3A_198 = vector.broadcast %broadcast_in_dim3A_197 : i32 to vector<16xi32>
        %gather3A_199 = tpu.vector_load_idx %arg16[%add3A_176, %broadcast_in_dim3A_198] : memref<64x128xf32, #tpu.memory_space<vmem>>[vector<16xi32>, vector<16xi32>], vector<16xf32>,
        %gather3A_200 = tpu.vector_load_idx %arg17[%add3A_176, %broadcast_in_dim3A_198] : memref<64x128xf32, #tpu.memory_space<vmem>>[vector<16xi32>, vector<16xi32>], vector<16xf32>,
        %mul3A_201 = arith.mulf %gather3A_199, %gather3A_200 : vector<16xf32>
        %add3A_202 = arith.addf %add3A_196, %mul3A_201 : vector<16xf32>
        %broadcast_in_dim3A_203 = arith.constant 2 : i32
        %broadcast_in_dim3A_204 = vector.broadcast %broadcast_in_dim3A_203 : i32 to vector<16xi32>
        %gather3A_205 = tpu.vector_load_idx %arg16[%add3A_176, %broadcast_in_dim3A_204] : memref<64x128xf32, #tpu.memory_space<vmem>>[vector<16xi32>, vector<16xi32>], vector<16xf32>,
        %gather3A_206 = tpu.vector_load_idx %arg17[%add3A_176, %broadcast_in_dim3A_204] : memref<64x128xf32, #tpu.memory_space<vmem>>[vector<16xi32>, vector<16xi32>], vector<16xf32>,
        %mul3A_207 = arith.mulf %gather3A_205, %gather3A_206 : vector<16xf32>
        %add3A_208 = arith.addf %add3A_202, %mul3A_207 : vector<16xf32>
        %broadcast_in_dim3A_209 = arith.constant 3 : i32
        %broadcast_in_dim3A_210 = vector.broadcast %broadcast_in_dim3A_209 : i32 to vector<16xi32>
        %gather3A_211 = tpu.vector_load_idx %arg16[%add3A_176, %broadcast_in_dim3A_210] : memref<64x128xf32, #tpu.memory_space<vmem>>[vector<16xi32>, vector<16xi32>], vector<16xf32>,
        %gather3A_212 = tpu.vector_load_idx %arg17[%add3A_176, %broadcast_in_dim3A_210] : memref<64x128xf32, #tpu.memory_space<vmem>>[vector<16xi32>, vector<16xi32>], vector<16xf32>,
        %mul3A_213 = arith.mulf %gather3A_211, %gather3A_212 : vector<16xf32>
        %add3A_214 = arith.addf %add3A_208, %mul3A_213 : vector<16xf32>
        %broadcast_in_dim3A_215 = arith.constant 4 : i32
        %broadcast_in_dim3A_216 = vector.broadcast %broadcast_in_dim3A_215 : i32 to vector<16xi32>
        %gather3A_217 = tpu.vector_load_idx %arg16[%add3A_176, %broadcast_in_dim3A_216] : memref<64x128xf32, #tpu.memory_space<vmem>>[vector<16xi32>, vector<16xi32>], vector<16xf32>,
        %gather3A_218 = tpu.vector_load_idx %arg17[%add3A_176, %broadcast_in_dim3A_216] : memref<64x128xf32, #tpu.memory_space<vmem>>[vector<16xi32>, vector<16xi32>], vector<16xf32>,
        %mul3A_219 = arith.mulf %gather3A_217, %gather3A_218 : vector<16xf32>
        %add3A_220 = arith.addf %add3A_214, %mul3A_219 : vector<16xf32>
        %broadcast_in_dim3A_221 = arith.constant 5 : i32
        %broadcast_in_dim3A_222 = vector.broadcast %broadcast_in_dim3A_221 : i32 to vector<16xi32>
        %gather3A_223 = tpu.vector_load_idx %arg16[%add3A_176, %broadcast_in_dim3A_222] : memref<64x128xf32, #tpu.memory_space<vmem>>[vector<16xi32>, vector<16xi32>], vector<16xf32>,
        %gather3A_224 = tpu.vector_load_idx %arg17[%add3A_176, %broadcast_in_dim3A_222] : memref<64x128xf32, #tpu.memory_space<vmem>>[vector<16xi32>, vector<16xi32>], vector<16xf32>,
        %mul3A_225 = arith.mulf %gather3A_223, %gather3A_224 : vector<16xf32>
        %add3A_226 = arith.addf %add3A_220, %mul3A_225 : vector<16xf32>
        %broadcast_in_dim3A_227 = arith.constant 6 : i32
        %broadcast_in_dim3A_228 = vector.broadcast %broadcast_in_dim3A_227 : i32 to vector<16xi32>
        %gather3A_229 = tpu.vector_load_idx %arg16[%add3A_176, %broadcast_in_dim3A_228] : memref<64x128xf32, #tpu.memory_space<vmem>>[vector<16xi32>, vector<16xi32>], vector<16xf32>,
        %gather3A_230 = tpu.vector_load_idx %arg17[%add3A_176, %broadcast_in_dim3A_228] : memref<64x128xf32, #tpu.memory_space<vmem>>[vector<16xi32>, vector<16xi32>], vector<16xf32>,
        %mul3A_231 = arith.mulf %gather3A_229, %gather3A_230 : vector<16xf32>
        %add3A_232 = arith.addf %add3A_226, %mul3A_231 : vector<16xf32>
        %broadcast_in_dim3A_233 = arith.constant 7 : i32
        %broadcast_in_dim3A_234 = vector.broadcast %broadcast_in_dim3A_233 : i32 to vector<16xi32>
        %gather3A_235 = tpu.vector_load_idx %arg16[%add3A_176, %broadcast_in_dim3A_234] : memref<64x128xf32, #tpu.memory_space<vmem>>[vector<16xi32>, vector<16xi32>], vector<16xf32>,
        %gather3A_236 = tpu.vector_load_idx %arg17[%add3A_176, %broadcast_in_dim3A_234] : memref<64x128xf32, #tpu.memory_space<vmem>>[vector<16xi32>, vector<16xi32>], vector<16xf32>,
        %mul3A_237 = arith.mulf %gather3A_235, %gather3A_236 : vector<16xf32>
        %add3A_238 = arith.addf %add3A_232, %mul3A_237 : vector<16xf32>
        %broadcast_in_dim3A_239 = arith.constant 8 : i32
        %broadcast_in_dim3A_240 = vector.broadcast %broadcast_in_dim3A_239 : i32 to vector<16xi32>
        %gather3A_241 = tpu.vector_load_idx %arg16[%add3A_176, %broadcast_in_dim3A_240] : memref<64x128xf32, #tpu.memory_space<vmem>>[vector<16xi32>, vector<16xi32>], vector<16xf32>,
        %gather3A_242 = tpu.vector_load_idx %arg17[%add3A_176, %broadcast_in_dim3A_240] : memref<64x128xf32, #tpu.memory_space<vmem>>[vector<16xi32>, vector<16xi32>], vector<16xf32>,
        %mul3A_243 = arith.mulf %gather3A_241, %gather3A_242 : vector<16xf32>
        %add3A_244 = arith.addf %add3A_238, %mul3A_243 : vector<16xf32>
        %broadcast_in_dim3A_245 = arith.constant 9 : i32
        %broadcast_in_dim3A_246 = vector.broadcast %broadcast_in_dim3A_245 : i32 to vector<16xi32>
        %gather3A_247 = tpu.vector_load_idx %arg16[%add3A_176, %broadcast_in_dim3A_246] : memref<64x128xf32, #tpu.memory_space<vmem>>[vector<16xi32>, vector<16xi32>], vector<16xf32>,
        %gather3A_248 = tpu.vector_load_idx %arg17[%add3A_176, %broadcast_in_dim3A_246] : memref<64x128xf32, #tpu.memory_space<vmem>>[vector<16xi32>, vector<16xi32>], vector<16xf32>,
        %mul3A_249 = arith.mulf %gather3A_247, %gather3A_248 : vector<16xf32>
        %add3A_250 = arith.addf %add3A_244, %mul3A_249 : vector<16xf32>
        %broadcast_in_dim3A_251 = arith.constant 10 : i32
        %broadcast_in_dim3A_252 = vector.broadcast %broadcast_in_dim3A_251 : i32 to vector<16xi32>
        %gather3A_253 = tpu.vector_load_idx %arg16[%add3A_176, %broadcast_in_dim3A_252] : memref<64x128xf32, #tpu.memory_space<vmem>>[vector<16xi32>, vector<16xi32>], vector<16xf32>,
        %gather3A_254 = tpu.vector_load_idx %arg17[%add3A_176, %broadcast_in_dim3A_252] : memref<64x128xf32, #tpu.memory_space<vmem>>[vector<16xi32>, vector<16xi32>], vector<16xf32>,
        %mul3A_255 = arith.mulf %gather3A_253, %gather3A_254 : vector<16xf32>
        %add3A_256 = arith.addf %add3A_250, %mul3A_255 : vector<16xf32>
        %broadcast_in_dim3A_257 = arith.constant 11 : i32
        %broadcast_in_dim3A_258 = vector.broadcast %broadcast_in_dim3A_257 : i32 to vector<16xi32>
        %gather3A_259 = tpu.vector_load_idx %arg16[%add3A_176, %broadcast_in_dim3A_258] : memref<64x128xf32, #tpu.memory_space<vmem>>[vector<16xi32>, vector<16xi32>], vector<16xf32>,
        %gather3A_260 = tpu.vector_load_idx %arg17[%add3A_176, %broadcast_in_dim3A_258] : memref<64x128xf32, #tpu.memory_space<vmem>>[vector<16xi32>, vector<16xi32>], vector<16xf32>,
        %mul3A_261 = arith.mulf %gather3A_259, %gather3A_260 : vector<16xf32>
        %add3A_262 = arith.addf %add3A_256, %mul3A_261 : vector<16xf32>
        %broadcast_in_dim3A_263 = arith.constant 12 : i32
        %broadcast_in_dim3A_264 = vector.broadcast %broadcast_in_dim3A_263 : i32 to vector<16xi32>
        %gather3A_265 = tpu.vector_load_idx %arg16[%add3A_176, %broadcast_in_dim3A_264] : memref<64x128xf32, #tpu.memory_space<vmem>>[vector<16xi32>, vector<16xi32>], vector<16xf32>,
        %gather3A_266 = tpu.vector_load_idx %arg17[%add3A_176, %broadcast_in_dim3A_264] : memref<64x128xf32, #tpu.memory_space<vmem>>[vector<16xi32>, vector<16xi32>], vector<16xf32>,
        %mul3A_267 = arith.mulf %gather3A_265, %gather3A_266 : vector<16xf32>
        %add3A_268 = arith.addf %add3A_262, %mul3A_267 : vector<16xf32>
        %broadcast_in_dim3A_269 = arith.constant 13 : i32
        %broadcast_in_dim3A_270 = vector.broadcast %broadcast_in_dim3A_269 : i32 to vector<16xi32>
        %gather3A_271 = tpu.vector_load_idx %arg16[%add3A_176, %broadcast_in_dim3A_270] : memref<64x128xf32, #tpu.memory_space<vmem>>[vector<16xi32>, vector<16xi32>], vector<16xf32>,
        %gather3A_272 = tpu.vector_load_idx %arg17[%add3A_176, %broadcast_in_dim3A_270] : memref<64x128xf32, #tpu.memory_space<vmem>>[vector<16xi32>, vector<16xi32>], vector<16xf32>,
        %mul3A_273 = arith.mulf %gather3A_271, %gather3A_272 : vector<16xf32>
        %add3A_274 = arith.addf %add3A_268, %mul3A_273 : vector<16xf32>
        %broadcast_in_dim3A_275 = arith.constant 14 : i32
        %broadcast_in_dim3A_276 = vector.broadcast %broadcast_in_dim3A_275 : i32 to vector<16xi32>
        %gather3A_277 = tpu.vector_load_idx %arg16[%add3A_176, %broadcast_in_dim3A_276] : memref<64x128xf32, #tpu.memory_space<vmem>>[vector<16xi32>, vector<16xi32>], vector<16xf32>,
        %gather3A_278 = tpu.vector_load_idx %arg17[%add3A_176, %broadcast_in_dim3A_276] : memref<64x128xf32, #tpu.memory_space<vmem>>[vector<16xi32>, vector<16xi32>], vector<16xf32>,
        %mul3A_279 = arith.mulf %gather3A_277, %gather3A_278 : vector<16xf32>
        %add3A_280 = arith.addf %add3A_274, %mul3A_279 : vector<16xf32>
        %broadcast_in_dim3A_281 = arith.constant 15 : i32
        %broadcast_in_dim3A_282 = vector.broadcast %broadcast_in_dim3A_281 : i32 to vector<16xi32>
        %gather3A_283 = tpu.vector_load_idx %arg16[%add3A_176, %broadcast_in_dim3A_282] : memref<64x128xf32, #tpu.memory_space<vmem>>[vector<16xi32>, vector<16xi32>], vector<16xf32>,
        %gather3A_284 = tpu.vector_load_idx %arg17[%add3A_176, %broadcast_in_dim3A_282] : memref<64x128xf32, #tpu.memory_space<vmem>>[vector<16xi32>, vector<16xi32>], vector<16xf32>,
        %mul3A_285 = arith.mulf %gather3A_283, %gather3A_284 : vector<16xf32>
        %add3A_286 = arith.addf %add3A_280, %mul3A_285 : vector<16xf32>
        %broadcast_in_dim3A_287 = arith.constant 16 : i32
        %broadcast_in_dim3A_288 = vector.broadcast %broadcast_in_dim3A_287 : i32 to vector<16xi32>
        %gather3A_289 = tpu.vector_load_idx %arg16[%add3A_176, %broadcast_in_dim3A_288] : memref<64x128xf32, #tpu.memory_space<vmem>>[vector<16xi32>, vector<16xi32>], vector<16xf32>,
        %gather3A_290 = tpu.vector_load_idx %arg17[%add3A_176, %broadcast_in_dim3A_288] : memref<64x128xf32, #tpu.memory_space<vmem>>[vector<16xi32>, vector<16xi32>], vector<16xf32>,
        %mul3A_291 = arith.mulf %gather3A_289, %gather3A_290 : vector<16xf32>
        %add3A_292 = arith.addf %add3A_286, %mul3A_291 : vector<16xf32>
        %broadcast_in_dim3A_293 = arith.constant 17 : i32
        %broadcast_in_dim3A_294 = vector.broadcast %broadcast_in_dim3A_293 : i32 to vector<16xi32>
        %gather3A_295 = tpu.vector_load_idx %arg16[%add3A_176, %broadcast_in_dim3A_294] : memref<64x128xf32, #tpu.memory_space<vmem>>[vector<16xi32>, vector<16xi32>], vector<16xf32>,
        %gather3A_296 = tpu.vector_load_idx %arg17[%add3A_176, %broadcast_in_dim3A_294] : memref<64x128xf32, #tpu.memory_space<vmem>>[vector<16xi32>, vector<16xi32>], vector<16xf32>,
        %mul3A_297 = arith.mulf %gather3A_295, %gather3A_296 : vector<16xf32>
        %add3A_298 = arith.addf %add3A_292, %mul3A_297 : vector<16xf32>
        %broadcast_in_dim3A_299 = arith.constant 18 : i32
        %broadcast_in_dim3A_300 = vector.broadcast %broadcast_in_dim3A_299 : i32 to vector<16xi32>
        %gather3A_301 = tpu.vector_load_idx %arg16[%add3A_176, %broadcast_in_dim3A_300] : memref<64x128xf32, #tpu.memory_space<vmem>>[vector<16xi32>, vector<16xi32>], vector<16xf32>,
        %gather3A_302 = tpu.vector_load_idx %arg17[%add3A_176, %broadcast_in_dim3A_300] : memref<64x128xf32, #tpu.memory_space<vmem>>[vector<16xi32>, vector<16xi32>], vector<16xf32>,
        %mul3A_303 = arith.mulf %gather3A_301, %gather3A_302 : vector<16xf32>
        %add3A_304 = arith.addf %add3A_298, %mul3A_303 : vector<16xf32>
        %broadcast_in_dim3A_305 = arith.constant 19 : i32
        %broadcast_in_dim3A_306 = vector.broadcast %broadcast_in_dim3A_305 : i32 to vector<16xi32>
        %gather3A_307 = tpu.vector_load_idx %arg16[%add3A_176, %broadcast_in_dim3A_306] : memref<64x128xf32, #tpu.memory_space<vmem>>[vector<16xi32>, vector<16xi32>], vector<16xf32>,
        %gather3A_308 = tpu.vector_load_idx %arg17[%add3A_176, %broadcast_in_dim3A_306] : memref<64x128xf32, #tpu.memory_space<vmem>>[vector<16xi32>, vector<16xi32>], vector<16xf32>,
        %mul3A_309 = arith.mulf %gather3A_307, %gather3A_308 : vector<16xf32>
        %add3A_310 = arith.addf %add3A_304, %mul3A_309 : vector<16xf32>
        %broadcast_in_dim3A_311 = arith.constant 20 : i32
        %broadcast_in_dim3A_312 = vector.broadcast %broadcast_in_dim3A_311 : i32 to vector<16xi32>
        %gather3A_313 = tpu.vector_load_idx %arg16[%add3A_176, %broadcast_in_dim3A_312] : memref<64x128xf32, #tpu.memory_space<vmem>>[vector<16xi32>, vector<16xi32>], vector<16xf32>,
        %gather3A_314 = tpu.vector_load_idx %arg17[%add3A_176, %broadcast_in_dim3A_312] : memref<64x128xf32, #tpu.memory_space<vmem>>[vector<16xi32>, vector<16xi32>], vector<16xf32>,
        %mul3A_315 = arith.mulf %gather3A_313, %gather3A_314 : vector<16xf32>
        %add3A_316 = arith.addf %add3A_310, %mul3A_315 : vector<16xf32>
        %broadcast_in_dim3A_317 = arith.constant 21 : i32
        %broadcast_in_dim3A_318 = vector.broadcast %broadcast_in_dim3A_317 : i32 to vector<16xi32>
        %gather3A_319 = tpu.vector_load_idx %arg16[%add3A_176, %broadcast_in_dim3A_318] : memref<64x128xf32, #tpu.memory_space<vmem>>[vector<16xi32>, vector<16xi32>], vector<16xf32>,
        %gather3A_320 = tpu.vector_load_idx %arg17[%add3A_176, %broadcast_in_dim3A_318] : memref<64x128xf32, #tpu.memory_space<vmem>>[vector<16xi32>, vector<16xi32>], vector<16xf32>,
        %mul3A_321 = arith.mulf %gather3A_319, %gather3A_320 : vector<16xf32>
        %add3A_322 = arith.addf %add3A_316, %mul3A_321 : vector<16xf32>
        %broadcast_in_dim3A_323 = arith.constant 22 : i32
        %broadcast_in_dim3A_324 = vector.broadcast %broadcast_in_dim3A_323 : i32 to vector<16xi32>
        %gather3A_325 = tpu.vector_load_idx %arg16[%add3A_176, %broadcast_in_dim3A_324] : memref<64x128xf32, #tpu.memory_space<vmem>>[vector<16xi32>, vector<16xi32>], vector<16xf32>,
        %gather3A_326 = tpu.vector_load_idx %arg17[%add3A_176, %broadcast_in_dim3A_324] : memref<64x128xf32, #tpu.memory_space<vmem>>[vector<16xi32>, vector<16xi32>], vector<16xf32>,
        %mul3A_327 = arith.mulf %gather3A_325, %gather3A_326 : vector<16xf32>
        %add3A_328 = arith.addf %add3A_322, %mul3A_327 : vector<16xf32>
        %broadcast_in_dim3A_329 = arith.constant 23 : i32
        %broadcast_in_dim3A_330 = vector.broadcast %broadcast_in_dim3A_329 : i32 to vector<16xi32>
        %gather3A_331 = tpu.vector_load_idx %arg16[%add3A_176, %broadcast_in_dim3A_330] : memref<64x128xf32, #tpu.memory_space<vmem>>[vector<16xi32>, vector<16xi32>], vector<16xf32>,
        %gather3A_332 = tpu.vector_load_idx %arg17[%add3A_176, %broadcast_in_dim3A_330] : memref<64x128xf32, #tpu.memory_space<vmem>>[vector<16xi32>, vector<16xi32>], vector<16xf32>,
        %mul3A_333 = arith.mulf %gather3A_331, %gather3A_332 : vector<16xf32>
        %add3A_334 = arith.addf %add3A_328, %mul3A_333 : vector<16xf32>
        %broadcast_in_dim3A_335 = arith.constant 24 : i32
        %broadcast_in_dim3A_336 = vector.broadcast %broadcast_in_dim3A_335 : i32 to vector<16xi32>
        %gather3A_337 = tpu.vector_load_idx %arg16[%add3A_176, %broadcast_in_dim3A_336] : memref<64x128xf32, #tpu.memory_space<vmem>>[vector<16xi32>, vector<16xi32>], vector<16xf32>,
        %gather3A_338 = tpu.vector_load_idx %arg17[%add3A_176, %broadcast_in_dim3A_336] : memref<64x128xf32, #tpu.memory_space<vmem>>[vector<16xi32>, vector<16xi32>], vector<16xf32>,
        %mul3A_339 = arith.mulf %gather3A_337, %gather3A_338 : vector<16xf32>
        %add3A_340 = arith.addf %add3A_334, %mul3A_339 : vector<16xf32>
        %broadcast_in_dim3A_341 = arith.constant 25 : i32
        %broadcast_in_dim3A_342 = vector.broadcast %broadcast_in_dim3A_341 : i32 to vector<16xi32>
        %gather3A_343 = tpu.vector_load_idx %arg16[%add3A_176, %broadcast_in_dim3A_342] : memref<64x128xf32, #tpu.memory_space<vmem>>[vector<16xi32>, vector<16xi32>], vector<16xf32>,
        %gather3A_344 = tpu.vector_load_idx %arg17[%add3A_176, %broadcast_in_dim3A_342] : memref<64x128xf32, #tpu.memory_space<vmem>>[vector<16xi32>, vector<16xi32>], vector<16xf32>,
        %mul3A_345 = arith.mulf %gather3A_343, %gather3A_344 : vector<16xf32>
        %add3A_346 = arith.addf %add3A_340, %mul3A_345 : vector<16xf32>
        %broadcast_in_dim3A_347 = arith.constant 26 : i32
        %broadcast_in_dim3A_348 = vector.broadcast %broadcast_in_dim3A_347 : i32 to vector<16xi32>
        %gather3A_349 = tpu.vector_load_idx %arg16[%add3A_176, %broadcast_in_dim3A_348] : memref<64x128xf32, #tpu.memory_space<vmem>>[vector<16xi32>, vector<16xi32>], vector<16xf32>,
        %gather3A_350 = tpu.vector_load_idx %arg17[%add3A_176, %broadcast_in_dim3A_348] : memref<64x128xf32, #tpu.memory_space<vmem>>[vector<16xi32>, vector<16xi32>], vector<16xf32>,
        %mul3A_351 = arith.mulf %gather3A_349, %gather3A_350 : vector<16xf32>
        %add3A_352 = arith.addf %add3A_346, %mul3A_351 : vector<16xf32>
        %broadcast_in_dim3A_353 = arith.constant 27 : i32
        %broadcast_in_dim3A_354 = vector.broadcast %broadcast_in_dim3A_353 : i32 to vector<16xi32>
        %gather3A_355 = tpu.vector_load_idx %arg16[%add3A_176, %broadcast_in_dim3A_354] : memref<64x128xf32, #tpu.memory_space<vmem>>[vector<16xi32>, vector<16xi32>], vector<16xf32>,
        %gather3A_356 = tpu.vector_load_idx %arg17[%add3A_176, %broadcast_in_dim3A_354] : memref<64x128xf32, #tpu.memory_space<vmem>>[vector<16xi32>, vector<16xi32>], vector<16xf32>,
        %mul3A_357 = arith.mulf %gather3A_355, %gather3A_356 : vector<16xf32>
        %add3A_358 = arith.addf %add3A_352, %mul3A_357 : vector<16xf32>
        %broadcast_in_dim3A_359 = arith.constant 28 : i32
        %broadcast_in_dim3A_360 = vector.broadcast %broadcast_in_dim3A_359 : i32 to vector<16xi32>
        %gather3A_361 = tpu.vector_load_idx %arg16[%add3A_176, %broadcast_in_dim3A_360] : memref<64x128xf32, #tpu.memory_space<vmem>>[vector<16xi32>, vector<16xi32>], vector<16xf32>,
        %gather3A_362 = tpu.vector_load_idx %arg17[%add3A_176, %broadcast_in_dim3A_360] : memref<64x128xf32, #tpu.memory_space<vmem>>[vector<16xi32>, vector<16xi32>], vector<16xf32>,
        %mul3A_363 = arith.mulf %gather3A_361, %gather3A_362 : vector<16xf32>
        %add3A_364 = arith.addf %add3A_358, %mul3A_363 : vector<16xf32>
        %broadcast_in_dim3A_365 = arith.constant 29 : i32
        %broadcast_in_dim3A_366 = vector.broadcast %broadcast_in_dim3A_365 : i32 to vector<16xi32>
        %gather3A_367 = tpu.vector_load_idx %arg16[%add3A_176, %broadcast_in_dim3A_366] : memref<64x128xf32, #tpu.memory_space<vmem>>[vector<16xi32>, vector<16xi32>], vector<16xf32>,
        %gather3A_368 = tpu.vector_load_idx %arg17[%add3A_176, %broadcast_in_dim3A_366] : memref<64x128xf32, #tpu.memory_space<vmem>>[vector<16xi32>, vector<16xi32>], vector<16xf32>,
        %mul3A_369 = arith.mulf %gather3A_367, %gather3A_368 : vector<16xf32>
        %add3A_370 = arith.addf %add3A_364, %mul3A_369 : vector<16xf32>
        %broadcast_in_dim3A_371 = arith.constant 30 : i32
        %broadcast_in_dim3A_372 = vector.broadcast %broadcast_in_dim3A_371 : i32 to vector<16xi32>
        %gather3A_373 = tpu.vector_load_idx %arg16[%add3A_176, %broadcast_in_dim3A_372] : memref<64x128xf32, #tpu.memory_space<vmem>>[vector<16xi32>, vector<16xi32>], vector<16xf32>,
        %gather3A_374 = tpu.vector_load_idx %arg17[%add3A_176, %broadcast_in_dim3A_372] : memref<64x128xf32, #tpu.memory_space<vmem>>[vector<16xi32>, vector<16xi32>], vector<16xf32>,
        %mul3A_375 = arith.mulf %gather3A_373, %gather3A_374 : vector<16xf32>
        %add3A_376 = arith.addf %add3A_370, %mul3A_375 : vector<16xf32>
        %broadcast_in_dim3A_377 = arith.constant 31 : i32
        %broadcast_in_dim3A_378 = vector.broadcast %broadcast_in_dim3A_377 : i32 to vector<16xi32>
        %gather3A_379 = tpu.vector_load_idx %arg16[%add3A_176, %broadcast_in_dim3A_378] : memref<64x128xf32, #tpu.memory_space<vmem>>[vector<16xi32>, vector<16xi32>], vector<16xf32>,
        %gather3A_380 = tpu.vector_load_idx %arg17[%add3A_176, %broadcast_in_dim3A_378] : memref<64x128xf32, #tpu.memory_space<vmem>>[vector<16xi32>, vector<16xi32>], vector<16xf32>,
        %mul3A_381 = arith.mulf %gather3A_379, %gather3A_380 : vector<16xf32>
        %add3A_382 = arith.addf %add3A_376, %mul3A_381 : vector<16xf32>
        %broadcast_in_dim3A_383 = arith.constant 32 : i32
        %broadcast_in_dim3A_384 = vector.broadcast %broadcast_in_dim3A_383 : i32 to vector<16xi32>
        %gather3A_385 = tpu.vector_load_idx %arg16[%add3A_176, %broadcast_in_dim3A_384] : memref<64x128xf32, #tpu.memory_space<vmem>>[vector<16xi32>, vector<16xi32>], vector<16xf32>,
        %gather3A_386 = tpu.vector_load_idx %arg17[%add3A_176, %broadcast_in_dim3A_384] : memref<64x128xf32, #tpu.memory_space<vmem>>[vector<16xi32>, vector<16xi32>], vector<16xf32>,
        %mul3A_387 = arith.mulf %gather3A_385, %gather3A_386 : vector<16xf32>
        %add3A_388 = arith.addf %broadcast_in_dim3A_187, %mul3A_387 : vector<16xf32>
        %broadcast_in_dim3A_389 = arith.constant 33 : i32
        %broadcast_in_dim3A_390 = vector.broadcast %broadcast_in_dim3A_389 : i32 to vector<16xi32>
        %gather3A_391 = tpu.vector_load_idx %arg16[%add3A_176, %broadcast_in_dim3A_390] : memref<64x128xf32, #tpu.memory_space<vmem>>[vector<16xi32>, vector<16xi32>], vector<16xf32>,
        %gather3A_392 = tpu.vector_load_idx %arg17[%add3A_176, %broadcast_in_dim3A_390] : memref<64x128xf32, #tpu.memory_space<vmem>>[vector<16xi32>, vector<16xi32>], vector<16xf32>,
        %mul3A_393 = arith.mulf %gather3A_391, %gather3A_392 : vector<16xf32>
        %add3A_394 = arith.addf %add3A_388, %mul3A_393 : vector<16xf32>
        %broadcast_in_dim3A_395 = arith.constant 34 : i32
        %broadcast_in_dim3A_396 = vector.broadcast %broadcast_in_dim3A_395 : i32 to vector<16xi32>
        %gather3A_397 = tpu.vector_load_idx %arg16[%add3A_176, %broadcast_in_dim3A_396] : memref<64x128xf32, #tpu.memory_space<vmem>>[vector<16xi32>, vector<16xi32>], vector<16xf32>,
        %gather3A_398 = tpu.vector_load_idx %arg17[%add3A_176, %broadcast_in_dim3A_396] : memref<64x128xf32, #tpu.memory_space<vmem>>[vector<16xi32>, vector<16xi32>], vector<16xf32>,
        %mul3A_399 = arith.mulf %gather3A_397, %gather3A_398 : vector<16xf32>
        %add3A_400 = arith.addf %add3A_394, %mul3A_399 : vector<16xf32>
        %broadcast_in_dim3A_401 = arith.constant 35 : i32
        %broadcast_in_dim3A_402 = vector.broadcast %broadcast_in_dim3A_401 : i32 to vector<16xi32>
        %gather3A_403 = tpu.vector_load_idx %arg16[%add3A_176, %broadcast_in_dim3A_402] : memref<64x128xf32, #tpu.memory_space<vmem>>[vector<16xi32>, vector<16xi32>], vector<16xf32>,
        %gather3A_404 = tpu.vector_load_idx %arg17[%add3A_176, %broadcast_in_dim3A_402] : memref<64x128xf32, #tpu.memory_space<vmem>>[vector<16xi32>, vector<16xi32>], vector<16xf32>,
        %mul3A_405 = arith.mulf %gather3A_403, %gather3A_404 : vector<16xf32>
        %add3A_406 = arith.addf %add3A_400, %mul3A_405 : vector<16xf32>
        %broadcast_in_dim3A_407 = arith.constant 36 : i32
        %broadcast_in_dim3A_408 = vector.broadcast %broadcast_in_dim3A_407 : i32 to vector<16xi32>
        %gather3A_409 = tpu.vector_load_idx %arg16[%add3A_176, %broadcast_in_dim3A_408] : memref<64x128xf32, #tpu.memory_space<vmem>>[vector<16xi32>, vector<16xi32>], vector<16xf32>,
        %gather3A_410 = tpu.vector_load_idx %arg17[%add3A_176, %broadcast_in_dim3A_408] : memref<64x128xf32, #tpu.memory_space<vmem>>[vector<16xi32>, vector<16xi32>], vector<16xf32>,
        %mul3A_411 = arith.mulf %gather3A_409, %gather3A_410 : vector<16xf32>
        %add3A_412 = arith.addf %add3A_406, %mul3A_411 : vector<16xf32>
        %broadcast_in_dim3A_413 = arith.constant 37 : i32
        %broadcast_in_dim3A_414 = vector.broadcast %broadcast_in_dim3A_413 : i32 to vector<16xi32>
        %gather3A_415 = tpu.vector_load_idx %arg16[%add3A_176, %broadcast_in_dim3A_414] : memref<64x128xf32, #tpu.memory_space<vmem>>[vector<16xi32>, vector<16xi32>], vector<16xf32>,
        %gather3A_416 = tpu.vector_load_idx %arg17[%add3A_176, %broadcast_in_dim3A_414] : memref<64x128xf32, #tpu.memory_space<vmem>>[vector<16xi32>, vector<16xi32>], vector<16xf32>,
        %mul3A_417 = arith.mulf %gather3A_415, %gather3A_416 : vector<16xf32>
        %add3A_418 = arith.addf %add3A_412, %mul3A_417 : vector<16xf32>
        %broadcast_in_dim3A_419 = arith.constant 38 : i32
        %broadcast_in_dim3A_420 = vector.broadcast %broadcast_in_dim3A_419 : i32 to vector<16xi32>
        %gather3A_421 = tpu.vector_load_idx %arg16[%add3A_176, %broadcast_in_dim3A_420] : memref<64x128xf32, #tpu.memory_space<vmem>>[vector<16xi32>, vector<16xi32>], vector<16xf32>,
        %gather3A_422 = tpu.vector_load_idx %arg17[%add3A_176, %broadcast_in_dim3A_420] : memref<64x128xf32, #tpu.memory_space<vmem>>[vector<16xi32>, vector<16xi32>], vector<16xf32>,
        %mul3A_423 = arith.mulf %gather3A_421, %gather3A_422 : vector<16xf32>
        %add3A_424 = arith.addf %add3A_418, %mul3A_423 : vector<16xf32>
        %broadcast_in_dim3A_425 = arith.constant 39 : i32
        %broadcast_in_dim3A_426 = vector.broadcast %broadcast_in_dim3A_425 : i32 to vector<16xi32>
        %gather3A_427 = tpu.vector_load_idx %arg16[%add3A_176, %broadcast_in_dim3A_426] : memref<64x128xf32, #tpu.memory_space<vmem>>[vector<16xi32>, vector<16xi32>], vector<16xf32>,
        %gather3A_428 = tpu.vector_load_idx %arg17[%add3A_176, %broadcast_in_dim3A_426] : memref<64x128xf32, #tpu.memory_space<vmem>>[vector<16xi32>, vector<16xi32>], vector<16xf32>,
        %mul3A_429 = arith.mulf %gather3A_427, %gather3A_428 : vector<16xf32>
        %add3A_430 = arith.addf %add3A_424, %mul3A_429 : vector<16xf32>
        %broadcast_in_dim3A_431 = arith.constant 40 : i32
        %broadcast_in_dim3A_432 = vector.broadcast %broadcast_in_dim3A_431 : i32 to vector<16xi32>
        %gather3A_433 = tpu.vector_load_idx %arg16[%add3A_176, %broadcast_in_dim3A_432] : memref<64x128xf32, #tpu.memory_space<vmem>>[vector<16xi32>, vector<16xi32>], vector<16xf32>,
        %gather3A_434 = tpu.vector_load_idx %arg17[%add3A_176, %broadcast_in_dim3A_432] : memref<64x128xf32, #tpu.memory_space<vmem>>[vector<16xi32>, vector<16xi32>], vector<16xf32>,
        %mul3A_435 = arith.mulf %gather3A_433, %gather3A_434 : vector<16xf32>
        %add3A_436 = arith.addf %add3A_430, %mul3A_435 : vector<16xf32>
        %broadcast_in_dim3A_437 = arith.constant 41 : i32
        %broadcast_in_dim3A_438 = vector.broadcast %broadcast_in_dim3A_437 : i32 to vector<16xi32>
        %gather3A_439 = tpu.vector_load_idx %arg16[%add3A_176, %broadcast_in_dim3A_438] : memref<64x128xf32, #tpu.memory_space<vmem>>[vector<16xi32>, vector<16xi32>], vector<16xf32>,
        %gather3A_440 = tpu.vector_load_idx %arg17[%add3A_176, %broadcast_in_dim3A_438] : memref<64x128xf32, #tpu.memory_space<vmem>>[vector<16xi32>, vector<16xi32>], vector<16xf32>,
        %mul3A_441 = arith.mulf %gather3A_439, %gather3A_440 : vector<16xf32>
        %add3A_442 = arith.addf %add3A_436, %mul3A_441 : vector<16xf32>
        %broadcast_in_dim3A_443 = arith.constant 42 : i32
        %broadcast_in_dim3A_444 = vector.broadcast %broadcast_in_dim3A_443 : i32 to vector<16xi32>
        %gather3A_445 = tpu.vector_load_idx %arg16[%add3A_176, %broadcast_in_dim3A_444] : memref<64x128xf32, #tpu.memory_space<vmem>>[vector<16xi32>, vector<16xi32>], vector<16xf32>,
        %gather3A_446 = tpu.vector_load_idx %arg17[%add3A_176, %broadcast_in_dim3A_444] : memref<64x128xf32, #tpu.memory_space<vmem>>[vector<16xi32>, vector<16xi32>], vector<16xf32>,
        %mul3A_447 = arith.mulf %gather3A_445, %gather3A_446 : vector<16xf32>
        %add3A_448 = arith.addf %add3A_442, %mul3A_447 : vector<16xf32>
        %broadcast_in_dim3A_449 = arith.constant 43 : i32
        %broadcast_in_dim3A_450 = vector.broadcast %broadcast_in_dim3A_449 : i32 to vector<16xi32>
        %gather3A_451 = tpu.vector_load_idx %arg16[%add3A_176, %broadcast_in_dim3A_450] : memref<64x128xf32, #tpu.memory_space<vmem>>[vector<16xi32>, vector<16xi32>], vector<16xf32>,
        %gather3A_452 = tpu.vector_load_idx %arg17[%add3A_176, %broadcast_in_dim3A_450] : memref<64x128xf32, #tpu.memory_space<vmem>>[vector<16xi32>, vector<16xi32>], vector<16xf32>,
        %mul3A_453 = arith.mulf %gather3A_451, %gather3A_452 : vector<16xf32>
        %add3A_454 = arith.addf %add3A_448, %mul3A_453 : vector<16xf32>
        %broadcast_in_dim3A_455 = arith.constant 44 : i32
        %broadcast_in_dim3A_456 = vector.broadcast %broadcast_in_dim3A_455 : i32 to vector<16xi32>
        %gather3A_457 = tpu.vector_load_idx %arg16[%add3A_176, %broadcast_in_dim3A_456] : memref<64x128xf32, #tpu.memory_space<vmem>>[vector<16xi32>, vector<16xi32>], vector<16xf32>,
        %gather3A_458 = tpu.vector_load_idx %arg17[%add3A_176, %broadcast_in_dim3A_456] : memref<64x128xf32, #tpu.memory_space<vmem>>[vector<16xi32>, vector<16xi32>], vector<16xf32>,
        %mul3A_459 = arith.mulf %gather3A_457, %gather3A_458 : vector<16xf32>
        %add3A_460 = arith.addf %add3A_454, %mul3A_459 : vector<16xf32>
        %broadcast_in_dim3A_461 = arith.constant 45 : i32
        %broadcast_in_dim3A_462 = vector.broadcast %broadcast_in_dim3A_461 : i32 to vector<16xi32>
        %gather3A_463 = tpu.vector_load_idx %arg16[%add3A_176, %broadcast_in_dim3A_462] : memref<64x128xf32, #tpu.memory_space<vmem>>[vector<16xi32>, vector<16xi32>], vector<16xf32>,
        %gather3A_464 = tpu.vector_load_idx %arg17[%add3A_176, %broadcast_in_dim3A_462] : memref<64x128xf32, #tpu.memory_space<vmem>>[vector<16xi32>, vector<16xi32>], vector<16xf32>,
        %mul3A_465 = arith.mulf %gather3A_463, %gather3A_464 : vector<16xf32>
        %add3A_466 = arith.addf %add3A_460, %mul3A_465 : vector<16xf32>
        %broadcast_in_dim3A_467 = arith.constant 46 : i32
        %broadcast_in_dim3A_468 = vector.broadcast %broadcast_in_dim3A_467 : i32 to vector<16xi32>
        %gather3A_469 = tpu.vector_load_idx %arg16[%add3A_176, %broadcast_in_dim3A_468] : memref<64x128xf32, #tpu.memory_space<vmem>>[vector<16xi32>, vector<16xi32>], vector<16xf32>,
        %gather3A_470 = tpu.vector_load_idx %arg17[%add3A_176, %broadcast_in_dim3A_468] : memref<64x128xf32, #tpu.memory_space<vmem>>[vector<16xi32>, vector<16xi32>], vector<16xf32>,
        %mul3A_471 = arith.mulf %gather3A_469, %gather3A_470 : vector<16xf32>
        %add3A_472 = arith.addf %add3A_466, %mul3A_471 : vector<16xf32>
        %broadcast_in_dim3A_473 = arith.constant 47 : i32
        %broadcast_in_dim3A_474 = vector.broadcast %broadcast_in_dim3A_473 : i32 to vector<16xi32>
        %gather3A_475 = tpu.vector_load_idx %arg16[%add3A_176, %broadcast_in_dim3A_474] : memref<64x128xf32, #tpu.memory_space<vmem>>[vector<16xi32>, vector<16xi32>], vector<16xf32>,
        %gather3A_476 = tpu.vector_load_idx %arg17[%add3A_176, %broadcast_in_dim3A_474] : memref<64x128xf32, #tpu.memory_space<vmem>>[vector<16xi32>, vector<16xi32>], vector<16xf32>,
        %mul3A_477 = arith.mulf %gather3A_475, %gather3A_476 : vector<16xf32>
        %add3A_478 = arith.addf %add3A_472, %mul3A_477 : vector<16xf32>
        %broadcast_in_dim3A_479 = arith.constant 48 : i32
        %broadcast_in_dim3A_480 = vector.broadcast %broadcast_in_dim3A_479 : i32 to vector<16xi32>
        %gather3A_481 = tpu.vector_load_idx %arg16[%add3A_176, %broadcast_in_dim3A_480] : memref<64x128xf32, #tpu.memory_space<vmem>>[vector<16xi32>, vector<16xi32>], vector<16xf32>,
        %gather3A_482 = tpu.vector_load_idx %arg17[%add3A_176, %broadcast_in_dim3A_480] : memref<64x128xf32, #tpu.memory_space<vmem>>[vector<16xi32>, vector<16xi32>], vector<16xf32>,
        %mul3A_483 = arith.mulf %gather3A_481, %gather3A_482 : vector<16xf32>
        %add3A_484 = arith.addf %add3A_478, %mul3A_483 : vector<16xf32>
        %broadcast_in_dim3A_485 = arith.constant 49 : i32
        %broadcast_in_dim3A_486 = vector.broadcast %broadcast_in_dim3A_485 : i32 to vector<16xi32>
        %gather3A_487 = tpu.vector_load_idx %arg16[%add3A_176, %broadcast_in_dim3A_486] : memref<64x128xf32, #tpu.memory_space<vmem>>[vector<16xi32>, vector<16xi32>], vector<16xf32>,
        %gather3A_488 = tpu.vector_load_idx %arg17[%add3A_176, %broadcast_in_dim3A_486] : memref<64x128xf32, #tpu.memory_space<vmem>>[vector<16xi32>, vector<16xi32>], vector<16xf32>,
        %mul3A_489 = arith.mulf %gather3A_487, %gather3A_488 : vector<16xf32>
        %add3A_490 = arith.addf %add3A_484, %mul3A_489 : vector<16xf32>
        %broadcast_in_dim3A_491 = arith.constant 50 : i32
        %broadcast_in_dim3A_492 = vector.broadcast %broadcast_in_dim3A_491 : i32 to vector<16xi32>
        %gather3A_493 = tpu.vector_load_idx %arg16[%add3A_176, %broadcast_in_dim3A_492] : memref<64x128xf32, #tpu.memory_space<vmem>>[vector<16xi32>, vector<16xi32>], vector<16xf32>,
        %gather3A_494 = tpu.vector_load_idx %arg17[%add3A_176, %broadcast_in_dim3A_492] : memref<64x128xf32, #tpu.memory_space<vmem>>[vector<16xi32>, vector<16xi32>], vector<16xf32>,
        %mul3A_495 = arith.mulf %gather3A_493, %gather3A_494 : vector<16xf32>
        %add3A_496 = arith.addf %add3A_490, %mul3A_495 : vector<16xf32>
        %broadcast_in_dim3A_497 = arith.constant 51 : i32
        %broadcast_in_dim3A_498 = vector.broadcast %broadcast_in_dim3A_497 : i32 to vector<16xi32>
        %gather3A_499 = tpu.vector_load_idx %arg16[%add3A_176, %broadcast_in_dim3A_498] : memref<64x128xf32, #tpu.memory_space<vmem>>[vector<16xi32>, vector<16xi32>], vector<16xf32>,
        %gather3A_500 = tpu.vector_load_idx %arg17[%add3A_176, %broadcast_in_dim3A_498] : memref<64x128xf32, #tpu.memory_space<vmem>>[vector<16xi32>, vector<16xi32>], vector<16xf32>,
        %mul3A_501 = arith.mulf %gather3A_499, %gather3A_500 : vector<16xf32>
        %add3A_502 = arith.addf %add3A_496, %mul3A_501 : vector<16xf32>
        %broadcast_in_dim3A_503 = arith.constant 52 : i32
        %broadcast_in_dim3A_504 = vector.broadcast %broadcast_in_dim3A_503 : i32 to vector<16xi32>
        %gather3A_505 = tpu.vector_load_idx %arg16[%add3A_176, %broadcast_in_dim3A_504] : memref<64x128xf32, #tpu.memory_space<vmem>>[vector<16xi32>, vector<16xi32>], vector<16xf32>,
        %gather3A_506 = tpu.vector_load_idx %arg17[%add3A_176, %broadcast_in_dim3A_504] : memref<64x128xf32, #tpu.memory_space<vmem>>[vector<16xi32>, vector<16xi32>], vector<16xf32>,
        %mul3A_507 = arith.mulf %gather3A_505, %gather3A_506 : vector<16xf32>
        %add3A_508 = arith.addf %add3A_502, %mul3A_507 : vector<16xf32>
        %broadcast_in_dim3A_509 = arith.constant 53 : i32
        %broadcast_in_dim3A_510 = vector.broadcast %broadcast_in_dim3A_509 : i32 to vector<16xi32>
        %gather3A_511 = tpu.vector_load_idx %arg16[%add3A_176, %broadcast_in_dim3A_510] : memref<64x128xf32, #tpu.memory_space<vmem>>[vector<16xi32>, vector<16xi32>], vector<16xf32>,
        %gather3A_512 = tpu.vector_load_idx %arg17[%add3A_176, %broadcast_in_dim3A_510] : memref<64x128xf32, #tpu.memory_space<vmem>>[vector<16xi32>, vector<16xi32>], vector<16xf32>,
        %mul3A_513 = arith.mulf %gather3A_511, %gather3A_512 : vector<16xf32>
        %add3A_514 = arith.addf %add3A_508, %mul3A_513 : vector<16xf32>
        %broadcast_in_dim3A_515 = arith.constant 54 : i32
        %broadcast_in_dim3A_516 = vector.broadcast %broadcast_in_dim3A_515 : i32 to vector<16xi32>
        %gather3A_517 = tpu.vector_load_idx %arg16[%add3A_176, %broadcast_in_dim3A_516] : memref<64x128xf32, #tpu.memory_space<vmem>>[vector<16xi32>, vector<16xi32>], vector<16xf32>,
        %gather3A_518 = tpu.vector_load_idx %arg17[%add3A_176, %broadcast_in_dim3A_516] : memref<64x128xf32, #tpu.memory_space<vmem>>[vector<16xi32>, vector<16xi32>], vector<16xf32>,
        %mul3A_519 = arith.mulf %gather3A_517, %gather3A_518 : vector<16xf32>
        %add3A_520 = arith.addf %add3A_514, %mul3A_519 : vector<16xf32>
        %broadcast_in_dim3A_521 = arith.constant 55 : i32
        %broadcast_in_dim3A_522 = vector.broadcast %broadcast_in_dim3A_521 : i32 to vector<16xi32>
        %gather3A_523 = tpu.vector_load_idx %arg16[%add3A_176, %broadcast_in_dim3A_522] : memref<64x128xf32, #tpu.memory_space<vmem>>[vector<16xi32>, vector<16xi32>], vector<16xf32>,
        %gather3A_524 = tpu.vector_load_idx %arg17[%add3A_176, %broadcast_in_dim3A_522] : memref<64x128xf32, #tpu.memory_space<vmem>>[vector<16xi32>, vector<16xi32>], vector<16xf32>,
        %mul3A_525 = arith.mulf %gather3A_523, %gather3A_524 : vector<16xf32>
        %add3A_526 = arith.addf %add3A_520, %mul3A_525 : vector<16xf32>
        %broadcast_in_dim3A_527 = arith.constant 56 : i32
        %broadcast_in_dim3A_528 = vector.broadcast %broadcast_in_dim3A_527 : i32 to vector<16xi32>
        %gather3A_529 = tpu.vector_load_idx %arg16[%add3A_176, %broadcast_in_dim3A_528] : memref<64x128xf32, #tpu.memory_space<vmem>>[vector<16xi32>, vector<16xi32>], vector<16xf32>,
        %gather3A_530 = tpu.vector_load_idx %arg17[%add3A_176, %broadcast_in_dim3A_528] : memref<64x128xf32, #tpu.memory_space<vmem>>[vector<16xi32>, vector<16xi32>], vector<16xf32>,
        %mul3A_531 = arith.mulf %gather3A_529, %gather3A_530 : vector<16xf32>
        %add3A_532 = arith.addf %add3A_526, %mul3A_531 : vector<16xf32>
        %broadcast_in_dim3A_533 = arith.constant 57 : i32
        %broadcast_in_dim3A_534 = vector.broadcast %broadcast_in_dim3A_533 : i32 to vector<16xi32>
        %gather3A_535 = tpu.vector_load_idx %arg16[%add3A_176, %broadcast_in_dim3A_534] : memref<64x128xf32, #tpu.memory_space<vmem>>[vector<16xi32>, vector<16xi32>], vector<16xf32>,
        %gather3A_536 = tpu.vector_load_idx %arg17[%add3A_176, %broadcast_in_dim3A_534] : memref<64x128xf32, #tpu.memory_space<vmem>>[vector<16xi32>, vector<16xi32>], vector<16xf32>,
        %mul3A_537 = arith.mulf %gather3A_535, %gather3A_536 : vector<16xf32>
        %add3A_538 = arith.addf %add3A_532, %mul3A_537 : vector<16xf32>
        %broadcast_in_dim3A_539 = arith.constant 58 : i32
        %broadcast_in_dim3A_540 = vector.broadcast %broadcast_in_dim3A_539 : i32 to vector<16xi32>
        %gather3A_541 = tpu.vector_load_idx %arg16[%add3A_176, %broadcast_in_dim3A_540] : memref<64x128xf32, #tpu.memory_space<vmem>>[vector<16xi32>, vector<16xi32>], vector<16xf32>,
        %gather3A_542 = tpu.vector_load_idx %arg17[%add3A_176, %broadcast_in_dim3A_540] : memref<64x128xf32, #tpu.memory_space<vmem>>[vector<16xi32>, vector<16xi32>], vector<16xf32>,
        %mul3A_543 = arith.mulf %gather3A_541, %gather3A_542 : vector<16xf32>
        %add3A_544 = arith.addf %add3A_538, %mul3A_543 : vector<16xf32>
        %broadcast_in_dim3A_545 = arith.constant 59 : i32
        %broadcast_in_dim3A_546 = vector.broadcast %broadcast_in_dim3A_545 : i32 to vector<16xi32>
        %gather3A_547 = tpu.vector_load_idx %arg16[%add3A_176, %broadcast_in_dim3A_546] : memref<64x128xf32, #tpu.memory_space<vmem>>[vector<16xi32>, vector<16xi32>], vector<16xf32>,
        %gather3A_548 = tpu.vector_load_idx %arg17[%add3A_176, %broadcast_in_dim3A_546] : memref<64x128xf32, #tpu.memory_space<vmem>>[vector<16xi32>, vector<16xi32>], vector<16xf32>,
        %mul3A_549 = arith.mulf %gather3A_547, %gather3A_548 : vector<16xf32>
        %add3A_550 = arith.addf %add3A_544, %mul3A_549 : vector<16xf32>
        %broadcast_in_dim3A_551 = arith.constant 60 : i32
        %broadcast_in_dim3A_552 = vector.broadcast %broadcast_in_dim3A_551 : i32 to vector<16xi32>
        %gather3A_553 = tpu.vector_load_idx %arg16[%add3A_176, %broadcast_in_dim3A_552] : memref<64x128xf32, #tpu.memory_space<vmem>>[vector<16xi32>, vector<16xi32>], vector<16xf32>,
        %gather3A_554 = tpu.vector_load_idx %arg17[%add3A_176, %broadcast_in_dim3A_552] : memref<64x128xf32, #tpu.memory_space<vmem>>[vector<16xi32>, vector<16xi32>], vector<16xf32>,
        %mul3A_555 = arith.mulf %gather3A_553, %gather3A_554 : vector<16xf32>
        %add3A_556 = arith.addf %add3A_550, %mul3A_555 : vector<16xf32>
        %broadcast_in_dim3A_557 = arith.constant 61 : i32
        %broadcast_in_dim3A_558 = vector.broadcast %broadcast_in_dim3A_557 : i32 to vector<16xi32>
        %gather3A_559 = tpu.vector_load_idx %arg16[%add3A_176, %broadcast_in_dim3A_558] : memref<64x128xf32, #tpu.memory_space<vmem>>[vector<16xi32>, vector<16xi32>], vector<16xf32>,
        %gather3A_560 = tpu.vector_load_idx %arg17[%add3A_176, %broadcast_in_dim3A_558] : memref<64x128xf32, #tpu.memory_space<vmem>>[vector<16xi32>, vector<16xi32>], vector<16xf32>,
        %mul3A_561 = arith.mulf %gather3A_559, %gather3A_560 : vector<16xf32>
        %add3A_562 = arith.addf %add3A_556, %mul3A_561 : vector<16xf32>
        %broadcast_in_dim3A_563 = arith.constant 62 : i32
        %broadcast_in_dim3A_564 = vector.broadcast %broadcast_in_dim3A_563 : i32 to vector<16xi32>
        %gather3A_565 = tpu.vector_load_idx %arg16[%add3A_176, %broadcast_in_dim3A_564] : memref<64x128xf32, #tpu.memory_space<vmem>>[vector<16xi32>, vector<16xi32>], vector<16xf32>,
        %gather3A_566 = tpu.vector_load_idx %arg17[%add3A_176, %broadcast_in_dim3A_564] : memref<64x128xf32, #tpu.memory_space<vmem>>[vector<16xi32>, vector<16xi32>], vector<16xf32>,
        %mul3A_567 = arith.mulf %gather3A_565, %gather3A_566 : vector<16xf32>
        %add3A_568 = arith.addf %add3A_562, %mul3A_567 : vector<16xf32>
        %broadcast_in_dim3A_569 = arith.constant 63 : i32
        %broadcast_in_dim3A_570 = vector.broadcast %broadcast_in_dim3A_569 : i32 to vector<16xi32>
        %gather3A_571 = tpu.vector_load_idx %arg16[%add3A_176, %broadcast_in_dim3A_570] : memref<64x128xf32, #tpu.memory_space<vmem>>[vector<16xi32>, vector<16xi32>], vector<16xf32>,
        %gather3A_572 = tpu.vector_load_idx %arg17[%add3A_176, %broadcast_in_dim3A_570] : memref<64x128xf32, #tpu.memory_space<vmem>>[vector<16xi32>, vector<16xi32>], vector<16xf32>,
        %mul3A_573 = arith.mulf %gather3A_571, %gather3A_572 : vector<16xf32>
        %add3A_574 = arith.addf %add3A_568, %mul3A_573 : vector<16xf32>
        %broadcast_in_dim3A_575 = arith.constant 64 : i32
        %broadcast_in_dim3A_576 = vector.broadcast %broadcast_in_dim3A_575 : i32 to vector<16xi32>
        %gather3A_577 = tpu.vector_load_idx %arg16[%add3A_176, %broadcast_in_dim3A_576] : memref<64x128xf32, #tpu.memory_space<vmem>>[vector<16xi32>, vector<16xi32>], vector<16xf32>,
        %gather3A_578 = tpu.vector_load_idx %arg17[%add3A_176, %broadcast_in_dim3A_576] : memref<64x128xf32, #tpu.memory_space<vmem>>[vector<16xi32>, vector<16xi32>], vector<16xf32>,
        %mul3A_579 = arith.mulf %gather3A_577, %gather3A_578 : vector<16xf32>
        %add3A_580 = arith.addf %broadcast_in_dim3A_189, %mul3A_579 : vector<16xf32>
        %broadcast_in_dim3A_581 = arith.constant 65 : i32
        %broadcast_in_dim3A_582 = vector.broadcast %broadcast_in_dim3A_581 : i32 to vector<16xi32>
        %gather3A_583 = tpu.vector_load_idx %arg16[%add3A_176, %broadcast_in_dim3A_582] : memref<64x128xf32, #tpu.memory_space<vmem>>[vector<16xi32>, vector<16xi32>], vector<16xf32>,
        %gather3A_584 = tpu.vector_load_idx %arg17[%add3A_176, %broadcast_in_dim3A_582] : memref<64x128xf32, #tpu.memory_space<vmem>>[vector<16xi32>, vector<16xi32>], vector<16xf32>,
        %mul3A_585 = arith.mulf %gather3A_583, %gather3A_584 : vector<16xf32>
        %add3A_586 = arith.addf %add3A_580, %mul3A_585 : vector<16xf32>
        %broadcast_in_dim3A_587 = arith.constant 66 : i32
        %broadcast_in_dim3A_588 = vector.broadcast %broadcast_in_dim3A_587 : i32 to vector<16xi32>
        %gather3A_589 = tpu.vector_load_idx %arg16[%add3A_176, %broadcast_in_dim3A_588] : memref<64x128xf32, #tpu.memory_space<vmem>>[vector<16xi32>, vector<16xi32>], vector<16xf32>,
        %gather3A_590 = tpu.vector_load_idx %arg17[%add3A_176, %broadcast_in_dim3A_588] : memref<64x128xf32, #tpu.memory_space<vmem>>[vector<16xi32>, vector<16xi32>], vector<16xf32>,
        %mul3A_591 = arith.mulf %gather3A_589, %gather3A_590 : vector<16xf32>
        %add3A_592 = arith.addf %add3A_586, %mul3A_591 : vector<16xf32>
        %broadcast_in_dim3A_593 = arith.constant 67 : i32
        %broadcast_in_dim3A_594 = vector.broadcast %broadcast_in_dim3A_593 : i32 to vector<16xi32>
        %gather3A_595 = tpu.vector_load_idx %arg16[%add3A_176, %broadcast_in_dim3A_594] : memref<64x128xf32, #tpu.memory_space<vmem>>[vector<16xi32>, vector<16xi32>], vector<16xf32>,
        %gather3A_596 = tpu.vector_load_idx %arg17[%add3A_176, %broadcast_in_dim3A_594] : memref<64x128xf32, #tpu.memory_space<vmem>>[vector<16xi32>, vector<16xi32>], vector<16xf32>,
        %mul3A_597 = arith.mulf %gather3A_595, %gather3A_596 : vector<16xf32>
        %add3A_598 = arith.addf %add3A_592, %mul3A_597 : vector<16xf32>
        %broadcast_in_dim3A_599 = arith.constant 68 : i32
        %broadcast_in_dim3A_600 = vector.broadcast %broadcast_in_dim3A_599 : i32 to vector<16xi32>
        %gather3A_601 = tpu.vector_load_idx %arg16[%add3A_176, %broadcast_in_dim3A_600] : memref<64x128xf32, #tpu.memory_space<vmem>>[vector<16xi32>, vector<16xi32>], vector<16xf32>,
        %gather3A_602 = tpu.vector_load_idx %arg17[%add3A_176, %broadcast_in_dim3A_600] : memref<64x128xf32, #tpu.memory_space<vmem>>[vector<16xi32>, vector<16xi32>], vector<16xf32>,
        %mul3A_603 = arith.mulf %gather3A_601, %gather3A_602 : vector<16xf32>
        %add3A_604 = arith.addf %add3A_598, %mul3A_603 : vector<16xf32>
        %broadcast_in_dim3A_605 = arith.constant 69 : i32
        %broadcast_in_dim3A_606 = vector.broadcast %broadcast_in_dim3A_605 : i32 to vector<16xi32>
        %gather3A_607 = tpu.vector_load_idx %arg16[%add3A_176, %broadcast_in_dim3A_606] : memref<64x128xf32, #tpu.memory_space<vmem>>[vector<16xi32>, vector<16xi32>], vector<16xf32>,
        %gather3A_608 = tpu.vector_load_idx %arg17[%add3A_176, %broadcast_in_dim3A_606] : memref<64x128xf32, #tpu.memory_space<vmem>>[vector<16xi32>, vector<16xi32>], vector<16xf32>,
        %mul3A_609 = arith.mulf %gather3A_607, %gather3A_608 : vector<16xf32>
        %add3A_610 = arith.addf %add3A_604, %mul3A_609 : vector<16xf32>
        %broadcast_in_dim3A_611 = arith.constant 70 : i32
        %broadcast_in_dim3A_612 = vector.broadcast %broadcast_in_dim3A_611 : i32 to vector<16xi32>
        %gather3A_613 = tpu.vector_load_idx %arg16[%add3A_176, %broadcast_in_dim3A_612] : memref<64x128xf32, #tpu.memory_space<vmem>>[vector<16xi32>, vector<16xi32>], vector<16xf32>,
        %gather3A_614 = tpu.vector_load_idx %arg17[%add3A_176, %broadcast_in_dim3A_612] : memref<64x128xf32, #tpu.memory_space<vmem>>[vector<16xi32>, vector<16xi32>], vector<16xf32>,
        %mul3A_615 = arith.mulf %gather3A_613, %gather3A_614 : vector<16xf32>
        %add3A_616 = arith.addf %add3A_610, %mul3A_615 : vector<16xf32>
        %broadcast_in_dim3A_617 = arith.constant 71 : i32
        %broadcast_in_dim3A_618 = vector.broadcast %broadcast_in_dim3A_617 : i32 to vector<16xi32>
        %gather3A_619 = tpu.vector_load_idx %arg16[%add3A_176, %broadcast_in_dim3A_618] : memref<64x128xf32, #tpu.memory_space<vmem>>[vector<16xi32>, vector<16xi32>], vector<16xf32>,
        %gather3A_620 = tpu.vector_load_idx %arg17[%add3A_176, %broadcast_in_dim3A_618] : memref<64x128xf32, #tpu.memory_space<vmem>>[vector<16xi32>, vector<16xi32>], vector<16xf32>,
        %mul3A_621 = arith.mulf %gather3A_619, %gather3A_620 : vector<16xf32>
        %add3A_622 = arith.addf %add3A_616, %mul3A_621 : vector<16xf32>
        %broadcast_in_dim3A_623 = arith.constant 72 : i32
        %broadcast_in_dim3A_624 = vector.broadcast %broadcast_in_dim3A_623 : i32 to vector<16xi32>
        %gather3A_625 = tpu.vector_load_idx %arg16[%add3A_176, %broadcast_in_dim3A_624] : memref<64x128xf32, #tpu.memory_space<vmem>>[vector<16xi32>, vector<16xi32>], vector<16xf32>,
        %gather3A_626 = tpu.vector_load_idx %arg17[%add3A_176, %broadcast_in_dim3A_624] : memref<64x128xf32, #tpu.memory_space<vmem>>[vector<16xi32>, vector<16xi32>], vector<16xf32>,
        %mul3A_627 = arith.mulf %gather3A_625, %gather3A_626 : vector<16xf32>
        %add3A_628 = arith.addf %add3A_622, %mul3A_627 : vector<16xf32>
        %broadcast_in_dim3A_629 = arith.constant 73 : i32
        %broadcast_in_dim3A_630 = vector.broadcast %broadcast_in_dim3A_629 : i32 to vector<16xi32>
        %gather3A_631 = tpu.vector_load_idx %arg16[%add3A_176, %broadcast_in_dim3A_630] : memref<64x128xf32, #tpu.memory_space<vmem>>[vector<16xi32>, vector<16xi32>], vector<16xf32>,
        %gather3A_632 = tpu.vector_load_idx %arg17[%add3A_176, %broadcast_in_dim3A_630] : memref<64x128xf32, #tpu.memory_space<vmem>>[vector<16xi32>, vector<16xi32>], vector<16xf32>,
        %mul3A_633 = arith.mulf %gather3A_631, %gather3A_632 : vector<16xf32>
        %add3A_634 = arith.addf %add3A_628, %mul3A_633 : vector<16xf32>
        %broadcast_in_dim3A_635 = arith.constant 74 : i32
        %broadcast_in_dim3A_636 = vector.broadcast %broadcast_in_dim3A_635 : i32 to vector<16xi32>
        %gather3A_637 = tpu.vector_load_idx %arg16[%add3A_176, %broadcast_in_dim3A_636] : memref<64x128xf32, #tpu.memory_space<vmem>>[vector<16xi32>, vector<16xi32>], vector<16xf32>,
        %gather3A_638 = tpu.vector_load_idx %arg17[%add3A_176, %broadcast_in_dim3A_636] : memref<64x128xf32, #tpu.memory_space<vmem>>[vector<16xi32>, vector<16xi32>], vector<16xf32>,
        %mul3A_639 = arith.mulf %gather3A_637, %gather3A_638 : vector<16xf32>
        %add3A_640 = arith.addf %add3A_634, %mul3A_639 : vector<16xf32>
        %broadcast_in_dim3A_641 = arith.constant 75 : i32
        %broadcast_in_dim3A_642 = vector.broadcast %broadcast_in_dim3A_641 : i32 to vector<16xi32>
        %gather3A_643 = tpu.vector_load_idx %arg16[%add3A_176, %broadcast_in_dim3A_642] : memref<64x128xf32, #tpu.memory_space<vmem>>[vector<16xi32>, vector<16xi32>], vector<16xf32>,
        %gather3A_644 = tpu.vector_load_idx %arg17[%add3A_176, %broadcast_in_dim3A_642] : memref<64x128xf32, #tpu.memory_space<vmem>>[vector<16xi32>, vector<16xi32>], vector<16xf32>,
        %mul3A_645 = arith.mulf %gather3A_643, %gather3A_644 : vector<16xf32>
        %add3A_646 = arith.addf %add3A_640, %mul3A_645 : vector<16xf32>
        %broadcast_in_dim3A_647 = arith.constant 76 : i32
        %broadcast_in_dim3A_648 = vector.broadcast %broadcast_in_dim3A_647 : i32 to vector<16xi32>
        %gather3A_649 = tpu.vector_load_idx %arg16[%add3A_176, %broadcast_in_dim3A_648] : memref<64x128xf32, #tpu.memory_space<vmem>>[vector<16xi32>, vector<16xi32>], vector<16xf32>,
        %gather3A_650 = tpu.vector_load_idx %arg17[%add3A_176, %broadcast_in_dim3A_648] : memref<64x128xf32, #tpu.memory_space<vmem>>[vector<16xi32>, vector<16xi32>], vector<16xf32>,
        %mul3A_651 = arith.mulf %gather3A_649, %gather3A_650 : vector<16xf32>
        %add3A_652 = arith.addf %add3A_646, %mul3A_651 : vector<16xf32>
        %broadcast_in_dim3A_653 = arith.constant 77 : i32
        %broadcast_in_dim3A_654 = vector.broadcast %broadcast_in_dim3A_653 : i32 to vector<16xi32>
        %gather3A_655 = tpu.vector_load_idx %arg16[%add3A_176, %broadcast_in_dim3A_654] : memref<64x128xf32, #tpu.memory_space<vmem>>[vector<16xi32>, vector<16xi32>], vector<16xf32>,
        %gather3A_656 = tpu.vector_load_idx %arg17[%add3A_176, %broadcast_in_dim3A_654] : memref<64x128xf32, #tpu.memory_space<vmem>>[vector<16xi32>, vector<16xi32>], vector<16xf32>,
        %mul3A_657 = arith.mulf %gather3A_655, %gather3A_656 : vector<16xf32>
        %add3A_658 = arith.addf %add3A_652, %mul3A_657 : vector<16xf32>
        %broadcast_in_dim3A_659 = arith.constant 78 : i32
        %broadcast_in_dim3A_660 = vector.broadcast %broadcast_in_dim3A_659 : i32 to vector<16xi32>
        %gather3A_661 = tpu.vector_load_idx %arg16[%add3A_176, %broadcast_in_dim3A_660] : memref<64x128xf32, #tpu.memory_space<vmem>>[vector<16xi32>, vector<16xi32>], vector<16xf32>,
        %gather3A_662 = tpu.vector_load_idx %arg17[%add3A_176, %broadcast_in_dim3A_660] : memref<64x128xf32, #tpu.memory_space<vmem>>[vector<16xi32>, vector<16xi32>], vector<16xf32>,
        %mul3A_663 = arith.mulf %gather3A_661, %gather3A_662 : vector<16xf32>
        %add3A_664 = arith.addf %add3A_658, %mul3A_663 : vector<16xf32>
        %broadcast_in_dim3A_665 = arith.constant 79 : i32
        %broadcast_in_dim3A_666 = vector.broadcast %broadcast_in_dim3A_665 : i32 to vector<16xi32>
        %gather3A_667 = tpu.vector_load_idx %arg16[%add3A_176, %broadcast_in_dim3A_666] : memref<64x128xf32, #tpu.memory_space<vmem>>[vector<16xi32>, vector<16xi32>], vector<16xf32>,
        %gather3A_668 = tpu.vector_load_idx %arg17[%add3A_176, %broadcast_in_dim3A_666] : memref<64x128xf32, #tpu.memory_space<vmem>>[vector<16xi32>, vector<16xi32>], vector<16xf32>,
        %mul3A_669 = arith.mulf %gather3A_667, %gather3A_668 : vector<16xf32>
        %add3A_670 = arith.addf %add3A_664, %mul3A_669 : vector<16xf32>
        %broadcast_in_dim3A_671 = arith.constant 80 : i32
        %broadcast_in_dim3A_672 = vector.broadcast %broadcast_in_dim3A_671 : i32 to vector<16xi32>
        %gather3A_673 = tpu.vector_load_idx %arg16[%add3A_176, %broadcast_in_dim3A_672] : memref<64x128xf32, #tpu.memory_space<vmem>>[vector<16xi32>, vector<16xi32>], vector<16xf32>,
        %gather3A_674 = tpu.vector_load_idx %arg17[%add3A_176, %broadcast_in_dim3A_672] : memref<64x128xf32, #tpu.memory_space<vmem>>[vector<16xi32>, vector<16xi32>], vector<16xf32>,
        %mul3A_675 = arith.mulf %gather3A_673, %gather3A_674 : vector<16xf32>
        %add3A_676 = arith.addf %add3A_670, %mul3A_675 : vector<16xf32>
        %broadcast_in_dim3A_677 = arith.constant 81 : i32
        %broadcast_in_dim3A_678 = vector.broadcast %broadcast_in_dim3A_677 : i32 to vector<16xi32>
        %gather3A_679 = tpu.vector_load_idx %arg16[%add3A_176, %broadcast_in_dim3A_678] : memref<64x128xf32, #tpu.memory_space<vmem>>[vector<16xi32>, vector<16xi32>], vector<16xf32>,
        %gather3A_680 = tpu.vector_load_idx %arg17[%add3A_176, %broadcast_in_dim3A_678] : memref<64x128xf32, #tpu.memory_space<vmem>>[vector<16xi32>, vector<16xi32>], vector<16xf32>,
        %mul3A_681 = arith.mulf %gather3A_679, %gather3A_680 : vector<16xf32>
        %add3A_682 = arith.addf %add3A_676, %mul3A_681 : vector<16xf32>
        %broadcast_in_dim3A_683 = arith.constant 82 : i32
        %broadcast_in_dim3A_684 = vector.broadcast %broadcast_in_dim3A_683 : i32 to vector<16xi32>
        %gather3A_685 = tpu.vector_load_idx %arg16[%add3A_176, %broadcast_in_dim3A_684] : memref<64x128xf32, #tpu.memory_space<vmem>>[vector<16xi32>, vector<16xi32>], vector<16xf32>,
        %gather3A_686 = tpu.vector_load_idx %arg17[%add3A_176, %broadcast_in_dim3A_684] : memref<64x128xf32, #tpu.memory_space<vmem>>[vector<16xi32>, vector<16xi32>], vector<16xf32>,
        %mul3A_687 = arith.mulf %gather3A_685, %gather3A_686 : vector<16xf32>
        %add3A_688 = arith.addf %add3A_682, %mul3A_687 : vector<16xf32>
        %broadcast_in_dim3A_689 = arith.constant 83 : i32
        %broadcast_in_dim3A_690 = vector.broadcast %broadcast_in_dim3A_689 : i32 to vector<16xi32>
        %gather3A_691 = tpu.vector_load_idx %arg16[%add3A_176, %broadcast_in_dim3A_690] : memref<64x128xf32, #tpu.memory_space<vmem>>[vector<16xi32>, vector<16xi32>], vector<16xf32>,
        %gather3A_692 = tpu.vector_load_idx %arg17[%add3A_176, %broadcast_in_dim3A_690] : memref<64x128xf32, #tpu.memory_space<vmem>>[vector<16xi32>, vector<16xi32>], vector<16xf32>,
        %mul3A_693 = arith.mulf %gather3A_691, %gather3A_692 : vector<16xf32>
        %add3A_694 = arith.addf %add3A_688, %mul3A_693 : vector<16xf32>
        %broadcast_in_dim3A_695 = arith.constant 84 : i32
        %broadcast_in_dim3A_696 = vector.broadcast %broadcast_in_dim3A_695 : i32 to vector<16xi32>
        %gather3A_697 = tpu.vector_load_idx %arg16[%add3A_176, %broadcast_in_dim3A_696] : memref<64x128xf32, #tpu.memory_space<vmem>>[vector<16xi32>, vector<16xi32>], vector<16xf32>,
        %gather3A_698 = tpu.vector_load_idx %arg17[%add3A_176, %broadcast_in_dim3A_696] : memref<64x128xf32, #tpu.memory_space<vmem>>[vector<16xi32>, vector<16xi32>], vector<16xf32>,
        %mul3A_699 = arith.mulf %gather3A_697, %gather3A_698 : vector<16xf32>
        %add3A_700 = arith.addf %add3A_694, %mul3A_699 : vector<16xf32>
        %broadcast_in_dim3A_701 = arith.constant 85 : i32
        %broadcast_in_dim3A_702 = vector.broadcast %broadcast_in_dim3A_701 : i32 to vector<16xi32>
        %gather3A_703 = tpu.vector_load_idx %arg16[%add3A_176, %broadcast_in_dim3A_702] : memref<64x128xf32, #tpu.memory_space<vmem>>[vector<16xi32>, vector<16xi32>], vector<16xf32>,
        %gather3A_704 = tpu.vector_load_idx %arg17[%add3A_176, %broadcast_in_dim3A_702] : memref<64x128xf32, #tpu.memory_space<vmem>>[vector<16xi32>, vector<16xi32>], vector<16xf32>,
        %mul3A_705 = arith.mulf %gather3A_703, %gather3A_704 : vector<16xf32>
        %add3A_706 = arith.addf %add3A_700, %mul3A_705 : vector<16xf32>
        %broadcast_in_dim3A_707 = arith.constant 86 : i32
        %broadcast_in_dim3A_708 = vector.broadcast %broadcast_in_dim3A_707 : i32 to vector<16xi32>
        %gather3A_709 = tpu.vector_load_idx %arg16[%add3A_176, %broadcast_in_dim3A_708] : memref<64x128xf32, #tpu.memory_space<vmem>>[vector<16xi32>, vector<16xi32>], vector<16xf32>,
        %gather3A_710 = tpu.vector_load_idx %arg17[%add3A_176, %broadcast_in_dim3A_708] : memref<64x128xf32, #tpu.memory_space<vmem>>[vector<16xi32>, vector<16xi32>], vector<16xf32>,
        %mul3A_711 = arith.mulf %gather3A_709, %gather3A_710 : vector<16xf32>
        %add3A_712 = arith.addf %add3A_706, %mul3A_711 : vector<16xf32>
        %broadcast_in_dim3A_713 = arith.constant 87 : i32
        %broadcast_in_dim3A_714 = vector.broadcast %broadcast_in_dim3A_713 : i32 to vector<16xi32>
        %gather3A_715 = tpu.vector_load_idx %arg16[%add3A_176, %broadcast_in_dim3A_714] : memref<64x128xf32, #tpu.memory_space<vmem>>[vector<16xi32>, vector<16xi32>], vector<16xf32>,
        %gather3A_716 = tpu.vector_load_idx %arg17[%add3A_176, %broadcast_in_dim3A_714] : memref<64x128xf32, #tpu.memory_space<vmem>>[vector<16xi32>, vector<16xi32>], vector<16xf32>,
        %mul3A_717 = arith.mulf %gather3A_715, %gather3A_716 : vector<16xf32>
        %add3A_718 = arith.addf %add3A_712, %mul3A_717 : vector<16xf32>
        %broadcast_in_dim3A_719 = arith.constant 88 : i32
        %broadcast_in_dim3A_720 = vector.broadcast %broadcast_in_dim3A_719 : i32 to vector<16xi32>
        %gather3A_721 = tpu.vector_load_idx %arg16[%add3A_176, %broadcast_in_dim3A_720] : memref<64x128xf32, #tpu.memory_space<vmem>>[vector<16xi32>, vector<16xi32>], vector<16xf32>,
        %gather3A_722 = tpu.vector_load_idx %arg17[%add3A_176, %broadcast_in_dim3A_720] : memref<64x128xf32, #tpu.memory_space<vmem>>[vector<16xi32>, vector<16xi32>], vector<16xf32>,
        %mul3A_723 = arith.mulf %gather3A_721, %gather3A_722 : vector<16xf32>
        %add3A_724 = arith.addf %add3A_718, %mul3A_723 : vector<16xf32>
        %broadcast_in_dim3A_725 = arith.constant 89 : i32
        %broadcast_in_dim3A_726 = vector.broadcast %broadcast_in_dim3A_725 : i32 to vector<16xi32>
        %gather3A_727 = tpu.vector_load_idx %arg16[%add3A_176, %broadcast_in_dim3A_726] : memref<64x128xf32, #tpu.memory_space<vmem>>[vector<16xi32>, vector<16xi32>], vector<16xf32>,
        %gather3A_728 = tpu.vector_load_idx %arg17[%add3A_176, %broadcast_in_dim3A_726] : memref<64x128xf32, #tpu.memory_space<vmem>>[vector<16xi32>, vector<16xi32>], vector<16xf32>,
        %mul3A_729 = arith.mulf %gather3A_727, %gather3A_728 : vector<16xf32>
        %add3A_730 = arith.addf %add3A_724, %mul3A_729 : vector<16xf32>
        %broadcast_in_dim3A_731 = arith.constant 90 : i32
        %broadcast_in_dim3A_732 = vector.broadcast %broadcast_in_dim3A_731 : i32 to vector<16xi32>
        %gather3A_733 = tpu.vector_load_idx %arg16[%add3A_176, %broadcast_in_dim3A_732] : memref<64x128xf32, #tpu.memory_space<vmem>>[vector<16xi32>, vector<16xi32>], vector<16xf32>,
        %gather3A_734 = tpu.vector_load_idx %arg17[%add3A_176, %broadcast_in_dim3A_732] : memref<64x128xf32, #tpu.memory_space<vmem>>[vector<16xi32>, vector<16xi32>], vector<16xf32>,
        %mul3A_735 = arith.mulf %gather3A_733, %gather3A_734 : vector<16xf32>
        %add3A_736 = arith.addf %add3A_730, %mul3A_735 : vector<16xf32>
        %broadcast_in_dim3A_737 = arith.constant 91 : i32
        %broadcast_in_dim3A_738 = vector.broadcast %broadcast_in_dim3A_737 : i32 to vector<16xi32>
        %gather3A_739 = tpu.vector_load_idx %arg16[%add3A_176, %broadcast_in_dim3A_738] : memref<64x128xf32, #tpu.memory_space<vmem>>[vector<16xi32>, vector<16xi32>], vector<16xf32>,
        %gather3A_740 = tpu.vector_load_idx %arg17[%add3A_176, %broadcast_in_dim3A_738] : memref<64x128xf32, #tpu.memory_space<vmem>>[vector<16xi32>, vector<16xi32>], vector<16xf32>,
        %mul3A_741 = arith.mulf %gather3A_739, %gather3A_740 : vector<16xf32>
        %add3A_742 = arith.addf %add3A_736, %mul3A_741 : vector<16xf32>
        %broadcast_in_dim3A_743 = arith.constant 92 : i32
        %broadcast_in_dim3A_744 = vector.broadcast %broadcast_in_dim3A_743 : i32 to vector<16xi32>
        %gather3A_745 = tpu.vector_load_idx %arg16[%add3A_176, %broadcast_in_dim3A_744] : memref<64x128xf32, #tpu.memory_space<vmem>>[vector<16xi32>, vector<16xi32>], vector<16xf32>,
        %gather3A_746 = tpu.vector_load_idx %arg17[%add3A_176, %broadcast_in_dim3A_744] : memref<64x128xf32, #tpu.memory_space<vmem>>[vector<16xi32>, vector<16xi32>], vector<16xf32>,
        %mul3A_747 = arith.mulf %gather3A_745, %gather3A_746 : vector<16xf32>
        %add3A_748 = arith.addf %add3A_742, %mul3A_747 : vector<16xf32>
        %broadcast_in_dim3A_749 = arith.constant 93 : i32
        %broadcast_in_dim3A_750 = vector.broadcast %broadcast_in_dim3A_749 : i32 to vector<16xi32>
        %gather3A_751 = tpu.vector_load_idx %arg16[%add3A_176, %broadcast_in_dim3A_750] : memref<64x128xf32, #tpu.memory_space<vmem>>[vector<16xi32>, vector<16xi32>], vector<16xf32>,
        %gather3A_752 = tpu.vector_load_idx %arg17[%add3A_176, %broadcast_in_dim3A_750] : memref<64x128xf32, #tpu.memory_space<vmem>>[vector<16xi32>, vector<16xi32>], vector<16xf32>,
        %mul3A_753 = arith.mulf %gather3A_751, %gather3A_752 : vector<16xf32>
        %add3A_754 = arith.addf %add3A_748, %mul3A_753 : vector<16xf32>
        %broadcast_in_dim3A_755 = arith.constant 94 : i32
        %broadcast_in_dim3A_756 = vector.broadcast %broadcast_in_dim3A_755 : i32 to vector<16xi32>
        %gather3A_757 = tpu.vector_load_idx %arg16[%add3A_176, %broadcast_in_dim3A_756] : memref<64x128xf32, #tpu.memory_space<vmem>>[vector<16xi32>, vector<16xi32>], vector<16xf32>,
        %gather3A_758 = tpu.vector_load_idx %arg17[%add3A_176, %broadcast_in_dim3A_756] : memref<64x128xf32, #tpu.memory_space<vmem>>[vector<16xi32>, vector<16xi32>], vector<16xf32>,
        %mul3A_759 = arith.mulf %gather3A_757, %gather3A_758 : vector<16xf32>
        %add3A_760 = arith.addf %add3A_754, %mul3A_759 : vector<16xf32>
        %broadcast_in_dim3A_761 = arith.constant 95 : i32
        %broadcast_in_dim3A_762 = vector.broadcast %broadcast_in_dim3A_761 : i32 to vector<16xi32>
        %gather3A_763 = tpu.vector_load_idx %arg16[%add3A_176, %broadcast_in_dim3A_762] : memref<64x128xf32, #tpu.memory_space<vmem>>[vector<16xi32>, vector<16xi32>], vector<16xf32>,
        %gather3A_764 = tpu.vector_load_idx %arg17[%add3A_176, %broadcast_in_dim3A_762] : memref<64x128xf32, #tpu.memory_space<vmem>>[vector<16xi32>, vector<16xi32>], vector<16xf32>,
        %mul3A_765 = arith.mulf %gather3A_763, %gather3A_764 : vector<16xf32>
        %add3A_766 = arith.addf %add3A_760, %mul3A_765 : vector<16xf32>
        %broadcast_in_dim3A_767 = arith.constant 96 : i32
        %broadcast_in_dim3A_768 = vector.broadcast %broadcast_in_dim3A_767 : i32 to vector<16xi32>
        %gather3A_769 = tpu.vector_load_idx %arg16[%add3A_176, %broadcast_in_dim3A_768] : memref<64x128xf32, #tpu.memory_space<vmem>>[vector<16xi32>, vector<16xi32>], vector<16xf32>,
        %gather3A_770 = tpu.vector_load_idx %arg17[%add3A_176, %broadcast_in_dim3A_768] : memref<64x128xf32, #tpu.memory_space<vmem>>[vector<16xi32>, vector<16xi32>], vector<16xf32>,
        %mul3A_771 = arith.mulf %gather3A_769, %gather3A_770 : vector<16xf32>
        %add3A_772 = arith.addf %broadcast_in_dim3A_191, %mul3A_771 : vector<16xf32>
        %broadcast_in_dim3A_773 = arith.constant 97 : i32
        %broadcast_in_dim3A_774 = vector.broadcast %broadcast_in_dim3A_773 : i32 to vector<16xi32>
        %gather3A_775 = tpu.vector_load_idx %arg16[%add3A_176, %broadcast_in_dim3A_774] : memref<64x128xf32, #tpu.memory_space<vmem>>[vector<16xi32>, vector<16xi32>], vector<16xf32>,
        %gather3A_776 = tpu.vector_load_idx %arg17[%add3A_176, %broadcast_in_dim3A_774] : memref<64x128xf32, #tpu.memory_space<vmem>>[vector<16xi32>, vector<16xi32>], vector<16xf32>,
        %mul3A_777 = arith.mulf %gather3A_775, %gather3A_776 : vector<16xf32>
        %add3A_778 = arith.addf %add3A_772, %mul3A_777 : vector<16xf32>
        %broadcast_in_dim3A_779 = arith.constant 98 : i32
        %broadcast_in_dim3A_780 = vector.broadcast %broadcast_in_dim3A_779 : i32 to vector<16xi32>
        %gather3A_781 = tpu.vector_load_idx %arg16[%add3A_176, %broadcast_in_dim3A_780] : memref<64x128xf32, #tpu.memory_space<vmem>>[vector<16xi32>, vector<16xi32>], vector<16xf32>,
        %gather3A_782 = tpu.vector_load_idx %arg17[%add3A_176, %broadcast_in_dim3A_780] : memref<64x128xf32, #tpu.memory_space<vmem>>[vector<16xi32>, vector<16xi32>], vector<16xf32>,
        %mul3A_783 = arith.mulf %gather3A_781, %gather3A_782 : vector<16xf32>
        %add3A_784 = arith.addf %add3A_778, %mul3A_783 : vector<16xf32>
        %broadcast_in_dim3A_785 = arith.constant 99 : i32
        %broadcast_in_dim3A_786 = vector.broadcast %broadcast_in_dim3A_785 : i32 to vector<16xi32>
        %gather3A_787 = tpu.vector_load_idx %arg16[%add3A_176, %broadcast_in_dim3A_786] : memref<64x128xf32, #tpu.memory_space<vmem>>[vector<16xi32>, vector<16xi32>], vector<16xf32>,
        %gather3A_788 = tpu.vector_load_idx %arg17[%add3A_176, %broadcast_in_dim3A_786] : memref<64x128xf32, #tpu.memory_space<vmem>>[vector<16xi32>, vector<16xi32>], vector<16xf32>,
        %mul3A_789 = arith.mulf %gather3A_787, %gather3A_788 : vector<16xf32>
        %add3A_790 = arith.addf %add3A_784, %mul3A_789 : vector<16xf32>
        %broadcast_in_dim3A_791 = arith.constant 100 : i32
        %broadcast_in_dim3A_792 = vector.broadcast %broadcast_in_dim3A_791 : i32 to vector<16xi32>
        %gather3A_793 = tpu.vector_load_idx %arg16[%add3A_176, %broadcast_in_dim3A_792] : memref<64x128xf32, #tpu.memory_space<vmem>>[vector<16xi32>, vector<16xi32>], vector<16xf32>,
        %gather3A_794 = tpu.vector_load_idx %arg17[%add3A_176, %broadcast_in_dim3A_792] : memref<64x128xf32, #tpu.memory_space<vmem>>[vector<16xi32>, vector<16xi32>], vector<16xf32>,
        %mul3A_795 = arith.mulf %gather3A_793, %gather3A_794 : vector<16xf32>
        %add3A_796 = arith.addf %add3A_790, %mul3A_795 : vector<16xf32>
        %broadcast_in_dim3A_797 = arith.constant 101 : i32
        %broadcast_in_dim3A_798 = vector.broadcast %broadcast_in_dim3A_797 : i32 to vector<16xi32>
        %gather3A_799 = tpu.vector_load_idx %arg16[%add3A_176, %broadcast_in_dim3A_798] : memref<64x128xf32, #tpu.memory_space<vmem>>[vector<16xi32>, vector<16xi32>], vector<16xf32>,
        %gather3A_800 = tpu.vector_load_idx %arg17[%add3A_176, %broadcast_in_dim3A_798] : memref<64x128xf32, #tpu.memory_space<vmem>>[vector<16xi32>, vector<16xi32>], vector<16xf32>,
        %mul3A_801 = arith.mulf %gather3A_799, %gather3A_800 : vector<16xf32>
        %add3A_802 = arith.addf %add3A_796, %mul3A_801 : vector<16xf32>
        %broadcast_in_dim3A_803 = arith.constant 102 : i32
        %broadcast_in_dim3A_804 = vector.broadcast %broadcast_in_dim3A_803 : i32 to vector<16xi32>
        %gather3A_805 = tpu.vector_load_idx %arg16[%add3A_176, %broadcast_in_dim3A_804] : memref<64x128xf32, #tpu.memory_space<vmem>>[vector<16xi32>, vector<16xi32>], vector<16xf32>,
        %gather3A_806 = tpu.vector_load_idx %arg17[%add3A_176, %broadcast_in_dim3A_804] : memref<64x128xf32, #tpu.memory_space<vmem>>[vector<16xi32>, vector<16xi32>], vector<16xf32>,
        %mul3A_807 = arith.mulf %gather3A_805, %gather3A_806 : vector<16xf32>
        %add3A_808 = arith.addf %add3A_802, %mul3A_807 : vector<16xf32>
        %broadcast_in_dim3A_809 = arith.constant 103 : i32
        %broadcast_in_dim3A_810 = vector.broadcast %broadcast_in_dim3A_809 : i32 to vector<16xi32>
        %gather3A_811 = tpu.vector_load_idx %arg16[%add3A_176, %broadcast_in_dim3A_810] : memref<64x128xf32, #tpu.memory_space<vmem>>[vector<16xi32>, vector<16xi32>], vector<16xf32>,
        %gather3A_812 = tpu.vector_load_idx %arg17[%add3A_176, %broadcast_in_dim3A_810] : memref<64x128xf32, #tpu.memory_space<vmem>>[vector<16xi32>, vector<16xi32>], vector<16xf32>,
        %mul3A_813 = arith.mulf %gather3A_811, %gather3A_812 : vector<16xf32>
        %add3A_814 = arith.addf %add3A_808, %mul3A_813 : vector<16xf32>
        %broadcast_in_dim3A_815 = arith.constant 104 : i32
        %broadcast_in_dim3A_816 = vector.broadcast %broadcast_in_dim3A_815 : i32 to vector<16xi32>
        %gather3A_817 = tpu.vector_load_idx %arg16[%add3A_176, %broadcast_in_dim3A_816] : memref<64x128xf32, #tpu.memory_space<vmem>>[vector<16xi32>, vector<16xi32>], vector<16xf32>,
        %gather3A_818 = tpu.vector_load_idx %arg17[%add3A_176, %broadcast_in_dim3A_816] : memref<64x128xf32, #tpu.memory_space<vmem>>[vector<16xi32>, vector<16xi32>], vector<16xf32>,
        %mul3A_819 = arith.mulf %gather3A_817, %gather3A_818 : vector<16xf32>
        %add3A_820 = arith.addf %add3A_814, %mul3A_819 : vector<16xf32>
        %broadcast_in_dim3A_821 = arith.constant 105 : i32
        %broadcast_in_dim3A_822 = vector.broadcast %broadcast_in_dim3A_821 : i32 to vector<16xi32>
        %gather3A_823 = tpu.vector_load_idx %arg16[%add3A_176, %broadcast_in_dim3A_822] : memref<64x128xf32, #tpu.memory_space<vmem>>[vector<16xi32>, vector<16xi32>], vector<16xf32>,
        %gather3A_824 = tpu.vector_load_idx %arg17[%add3A_176, %broadcast_in_dim3A_822] : memref<64x128xf32, #tpu.memory_space<vmem>>[vector<16xi32>, vector<16xi32>], vector<16xf32>,
        %mul3A_825 = arith.mulf %gather3A_823, %gather3A_824 : vector<16xf32>
        %add3A_826 = arith.addf %add3A_820, %mul3A_825 : vector<16xf32>
        %broadcast_in_dim3A_827 = arith.constant 106 : i32
        %broadcast_in_dim3A_828 = vector.broadcast %broadcast_in_dim3A_827 : i32 to vector<16xi32>
        %gather3A_829 = tpu.vector_load_idx %arg16[%add3A_176, %broadcast_in_dim3A_828] : memref<64x128xf32, #tpu.memory_space<vmem>>[vector<16xi32>, vector<16xi32>], vector<16xf32>,
        %gather3A_830 = tpu.vector_load_idx %arg17[%add3A_176, %broadcast_in_dim3A_828] : memref<64x128xf32, #tpu.memory_space<vmem>>[vector<16xi32>, vector<16xi32>], vector<16xf32>,
        %mul3A_831 = arith.mulf %gather3A_829, %gather3A_830 : vector<16xf32>
        %add3A_832 = arith.addf %add3A_826, %mul3A_831 : vector<16xf32>
        %broadcast_in_dim3A_833 = arith.constant 107 : i32
        %broadcast_in_dim3A_834 = vector.broadcast %broadcast_in_dim3A_833 : i32 to vector<16xi32>
        %gather3A_835 = tpu.vector_load_idx %arg16[%add3A_176, %broadcast_in_dim3A_834] : memref<64x128xf32, #tpu.memory_space<vmem>>[vector<16xi32>, vector<16xi32>], vector<16xf32>,
        %gather3A_836 = tpu.vector_load_idx %arg17[%add3A_176, %broadcast_in_dim3A_834] : memref<64x128xf32, #tpu.memory_space<vmem>>[vector<16xi32>, vector<16xi32>], vector<16xf32>,
        %mul3A_837 = arith.mulf %gather3A_835, %gather3A_836 : vector<16xf32>
        %add3A_838 = arith.addf %add3A_832, %mul3A_837 : vector<16xf32>
        %broadcast_in_dim3A_839 = arith.constant 108 : i32
        %broadcast_in_dim3A_840 = vector.broadcast %broadcast_in_dim3A_839 : i32 to vector<16xi32>
        %gather3A_841 = tpu.vector_load_idx %arg16[%add3A_176, %broadcast_in_dim3A_840] : memref<64x128xf32, #tpu.memory_space<vmem>>[vector<16xi32>, vector<16xi32>], vector<16xf32>,
        %gather3A_842 = tpu.vector_load_idx %arg17[%add3A_176, %broadcast_in_dim3A_840] : memref<64x128xf32, #tpu.memory_space<vmem>>[vector<16xi32>, vector<16xi32>], vector<16xf32>,
        %mul3A_843 = arith.mulf %gather3A_841, %gather3A_842 : vector<16xf32>
        %add3A_844 = arith.addf %add3A_838, %mul3A_843 : vector<16xf32>
        %broadcast_in_dim3A_845 = arith.constant 109 : i32
        %broadcast_in_dim3A_846 = vector.broadcast %broadcast_in_dim3A_845 : i32 to vector<16xi32>
        %gather3A_847 = tpu.vector_load_idx %arg16[%add3A_176, %broadcast_in_dim3A_846] : memref<64x128xf32, #tpu.memory_space<vmem>>[vector<16xi32>, vector<16xi32>], vector<16xf32>,
        %gather3A_848 = tpu.vector_load_idx %arg17[%add3A_176, %broadcast_in_dim3A_846] : memref<64x128xf32, #tpu.memory_space<vmem>>[vector<16xi32>, vector<16xi32>], vector<16xf32>,
        %mul3A_849 = arith.mulf %gather3A_847, %gather3A_848 : vector<16xf32>
        %add3A_850 = arith.addf %add3A_844, %mul3A_849 : vector<16xf32>
        %broadcast_in_dim3A_851 = arith.constant 110 : i32
        %broadcast_in_dim3A_852 = vector.broadcast %broadcast_in_dim3A_851 : i32 to vector<16xi32>
        %gather3A_853 = tpu.vector_load_idx %arg16[%add3A_176, %broadcast_in_dim3A_852] : memref<64x128xf32, #tpu.memory_space<vmem>>[vector<16xi32>, vector<16xi32>], vector<16xf32>,
        %gather3A_854 = tpu.vector_load_idx %arg17[%add3A_176, %broadcast_in_dim3A_852] : memref<64x128xf32, #tpu.memory_space<vmem>>[vector<16xi32>, vector<16xi32>], vector<16xf32>,
        %mul3A_855 = arith.mulf %gather3A_853, %gather3A_854 : vector<16xf32>
        %add3A_856 = arith.addf %add3A_850, %mul3A_855 : vector<16xf32>
        %broadcast_in_dim3A_857 = arith.constant 111 : i32
        %broadcast_in_dim3A_858 = vector.broadcast %broadcast_in_dim3A_857 : i32 to vector<16xi32>
        %gather3A_859 = tpu.vector_load_idx %arg16[%add3A_176, %broadcast_in_dim3A_858] : memref<64x128xf32, #tpu.memory_space<vmem>>[vector<16xi32>, vector<16xi32>], vector<16xf32>,
        %gather3A_860 = tpu.vector_load_idx %arg17[%add3A_176, %broadcast_in_dim3A_858] : memref<64x128xf32, #tpu.memory_space<vmem>>[vector<16xi32>, vector<16xi32>], vector<16xf32>,
        %mul3A_861 = arith.mulf %gather3A_859, %gather3A_860 : vector<16xf32>
        %add3A_862 = arith.addf %add3A_856, %mul3A_861 : vector<16xf32>
        %broadcast_in_dim3A_863 = arith.constant 112 : i32
        %broadcast_in_dim3A_864 = vector.broadcast %broadcast_in_dim3A_863 : i32 to vector<16xi32>
        %gather3A_865 = tpu.vector_load_idx %arg16[%add3A_176, %broadcast_in_dim3A_864] : memref<64x128xf32, #tpu.memory_space<vmem>>[vector<16xi32>, vector<16xi32>], vector<16xf32>,
        %gather3A_866 = tpu.vector_load_idx %arg17[%add3A_176, %broadcast_in_dim3A_864] : memref<64x128xf32, #tpu.memory_space<vmem>>[vector<16xi32>, vector<16xi32>], vector<16xf32>,
        %mul3A_867 = arith.mulf %gather3A_865, %gather3A_866 : vector<16xf32>
        %add3A_868 = arith.addf %add3A_862, %mul3A_867 : vector<16xf32>
        %broadcast_in_dim3A_869 = arith.constant 113 : i32
        %broadcast_in_dim3A_870 = vector.broadcast %broadcast_in_dim3A_869 : i32 to vector<16xi32>
        %gather3A_871 = tpu.vector_load_idx %arg16[%add3A_176, %broadcast_in_dim3A_870] : memref<64x128xf32, #tpu.memory_space<vmem>>[vector<16xi32>, vector<16xi32>], vector<16xf32>,
        %gather3A_872 = tpu.vector_load_idx %arg17[%add3A_176, %broadcast_in_dim3A_870] : memref<64x128xf32, #tpu.memory_space<vmem>>[vector<16xi32>, vector<16xi32>], vector<16xf32>,
        %mul3A_873 = arith.mulf %gather3A_871, %gather3A_872 : vector<16xf32>
        %add3A_874 = arith.addf %add3A_868, %mul3A_873 : vector<16xf32>
        %broadcast_in_dim3A_875 = arith.constant 114 : i32
        %broadcast_in_dim3A_876 = vector.broadcast %broadcast_in_dim3A_875 : i32 to vector<16xi32>
        %gather3A_877 = tpu.vector_load_idx %arg16[%add3A_176, %broadcast_in_dim3A_876] : memref<64x128xf32, #tpu.memory_space<vmem>>[vector<16xi32>, vector<16xi32>], vector<16xf32>,
        %gather3A_878 = tpu.vector_load_idx %arg17[%add3A_176, %broadcast_in_dim3A_876] : memref<64x128xf32, #tpu.memory_space<vmem>>[vector<16xi32>, vector<16xi32>], vector<16xf32>,
        %mul3A_879 = arith.mulf %gather3A_877, %gather3A_878 : vector<16xf32>
        %add3A_880 = arith.addf %add3A_874, %mul3A_879 : vector<16xf32>
        %broadcast_in_dim3A_881 = arith.constant 115 : i32
        %broadcast_in_dim3A_882 = vector.broadcast %broadcast_in_dim3A_881 : i32 to vector<16xi32>
        %gather3A_883 = tpu.vector_load_idx %arg16[%add3A_176, %broadcast_in_dim3A_882] : memref<64x128xf32, #tpu.memory_space<vmem>>[vector<16xi32>, vector<16xi32>], vector<16xf32>,
        %gather3A_884 = tpu.vector_load_idx %arg17[%add3A_176, %broadcast_in_dim3A_882] : memref<64x128xf32, #tpu.memory_space<vmem>>[vector<16xi32>, vector<16xi32>], vector<16xf32>,
        %mul3A_885 = arith.mulf %gather3A_883, %gather3A_884 : vector<16xf32>
        %add3A_886 = arith.addf %add3A_880, %mul3A_885 : vector<16xf32>
        %broadcast_in_dim3A_887 = arith.constant 116 : i32
        %broadcast_in_dim3A_888 = vector.broadcast %broadcast_in_dim3A_887 : i32 to vector<16xi32>
        %gather3A_889 = tpu.vector_load_idx %arg16[%add3A_176, %broadcast_in_dim3A_888] : memref<64x128xf32, #tpu.memory_space<vmem>>[vector<16xi32>, vector<16xi32>], vector<16xf32>,
        %gather3A_890 = tpu.vector_load_idx %arg17[%add3A_176, %broadcast_in_dim3A_888] : memref<64x128xf32, #tpu.memory_space<vmem>>[vector<16xi32>, vector<16xi32>], vector<16xf32>,
        %mul3A_891 = arith.mulf %gather3A_889, %gather3A_890 : vector<16xf32>
        %add3A_892 = arith.addf %add3A_886, %mul3A_891 : vector<16xf32>
        %broadcast_in_dim3A_893 = arith.constant 117 : i32
        %broadcast_in_dim3A_894 = vector.broadcast %broadcast_in_dim3A_893 : i32 to vector<16xi32>
        %gather3A_895 = tpu.vector_load_idx %arg16[%add3A_176, %broadcast_in_dim3A_894] : memref<64x128xf32, #tpu.memory_space<vmem>>[vector<16xi32>, vector<16xi32>], vector<16xf32>,
        %gather3A_896 = tpu.vector_load_idx %arg17[%add3A_176, %broadcast_in_dim3A_894] : memref<64x128xf32, #tpu.memory_space<vmem>>[vector<16xi32>, vector<16xi32>], vector<16xf32>,
        %mul3A_897 = arith.mulf %gather3A_895, %gather3A_896 : vector<16xf32>
        %add3A_898 = arith.addf %add3A_892, %mul3A_897 : vector<16xf32>
        %broadcast_in_dim3A_899 = arith.constant 118 : i32
        %broadcast_in_dim3A_900 = vector.broadcast %broadcast_in_dim3A_899 : i32 to vector<16xi32>
        %gather3A_901 = tpu.vector_load_idx %arg16[%add3A_176, %broadcast_in_dim3A_900] : memref<64x128xf32, #tpu.memory_space<vmem>>[vector<16xi32>, vector<16xi32>], vector<16xf32>,
        %gather3A_902 = tpu.vector_load_idx %arg17[%add3A_176, %broadcast_in_dim3A_900] : memref<64x128xf32, #tpu.memory_space<vmem>>[vector<16xi32>, vector<16xi32>], vector<16xf32>,
        %mul3A_903 = arith.mulf %gather3A_901, %gather3A_902 : vector<16xf32>
        %add3A_904 = arith.addf %add3A_898, %mul3A_903 : vector<16xf32>
        %broadcast_in_dim3A_905 = arith.constant 119 : i32
        %broadcast_in_dim3A_906 = vector.broadcast %broadcast_in_dim3A_905 : i32 to vector<16xi32>
        %gather3A_907 = tpu.vector_load_idx %arg16[%add3A_176, %broadcast_in_dim3A_906] : memref<64x128xf32, #tpu.memory_space<vmem>>[vector<16xi32>, vector<16xi32>], vector<16xf32>,
        %gather3A_908 = tpu.vector_load_idx %arg17[%add3A_176, %broadcast_in_dim3A_906] : memref<64x128xf32, #tpu.memory_space<vmem>>[vector<16xi32>, vector<16xi32>], vector<16xf32>,
        %mul3A_909 = arith.mulf %gather3A_907, %gather3A_908 : vector<16xf32>
        %add3A_910 = arith.addf %add3A_904, %mul3A_909 : vector<16xf32>
        %broadcast_in_dim3A_911 = arith.constant 120 : i32
        %broadcast_in_dim3A_912 = vector.broadcast %broadcast_in_dim3A_911 : i32 to vector<16xi32>
        %gather3A_913 = tpu.vector_load_idx %arg16[%add3A_176, %broadcast_in_dim3A_912] : memref<64x128xf32, #tpu.memory_space<vmem>>[vector<16xi32>, vector<16xi32>], vector<16xf32>,
        %gather3A_914 = tpu.vector_load_idx %arg17[%add3A_176, %broadcast_in_dim3A_912] : memref<64x128xf32, #tpu.memory_space<vmem>>[vector<16xi32>, vector<16xi32>], vector<16xf32>,
        %mul3A_915 = arith.mulf %gather3A_913, %gather3A_914 : vector<16xf32>
        %add3A_916 = arith.addf %add3A_910, %mul3A_915 : vector<16xf32>
        %broadcast_in_dim3A_917 = arith.constant 121 : i32
        %broadcast_in_dim3A_918 = vector.broadcast %broadcast_in_dim3A_917 : i32 to vector<16xi32>
        %gather3A_919 = tpu.vector_load_idx %arg16[%add3A_176, %broadcast_in_dim3A_918] : memref<64x128xf32, #tpu.memory_space<vmem>>[vector<16xi32>, vector<16xi32>], vector<16xf32>,
        %gather3A_920 = tpu.vector_load_idx %arg17[%add3A_176, %broadcast_in_dim3A_918] : memref<64x128xf32, #tpu.memory_space<vmem>>[vector<16xi32>, vector<16xi32>], vector<16xf32>,
        %mul3A_921 = arith.mulf %gather3A_919, %gather3A_920 : vector<16xf32>
        %add3A_922 = arith.addf %add3A_916, %mul3A_921 : vector<16xf32>
        %broadcast_in_dim3A_923 = arith.constant 122 : i32
        %broadcast_in_dim3A_924 = vector.broadcast %broadcast_in_dim3A_923 : i32 to vector<16xi32>
        %gather3A_925 = tpu.vector_load_idx %arg16[%add3A_176, %broadcast_in_dim3A_924] : memref<64x128xf32, #tpu.memory_space<vmem>>[vector<16xi32>, vector<16xi32>], vector<16xf32>,
        %gather3A_926 = tpu.vector_load_idx %arg17[%add3A_176, %broadcast_in_dim3A_924] : memref<64x128xf32, #tpu.memory_space<vmem>>[vector<16xi32>, vector<16xi32>], vector<16xf32>,
        %mul3A_927 = arith.mulf %gather3A_925, %gather3A_926 : vector<16xf32>
        %add3A_928 = arith.addf %add3A_922, %mul3A_927 : vector<16xf32>
        %broadcast_in_dim3A_929 = arith.constant 123 : i32
        %broadcast_in_dim3A_930 = vector.broadcast %broadcast_in_dim3A_929 : i32 to vector<16xi32>
        %gather3A_931 = tpu.vector_load_idx %arg16[%add3A_176, %broadcast_in_dim3A_930] : memref<64x128xf32, #tpu.memory_space<vmem>>[vector<16xi32>, vector<16xi32>], vector<16xf32>,
        %gather3A_932 = tpu.vector_load_idx %arg17[%add3A_176, %broadcast_in_dim3A_930] : memref<64x128xf32, #tpu.memory_space<vmem>>[vector<16xi32>, vector<16xi32>], vector<16xf32>,
        %mul3A_933 = arith.mulf %gather3A_931, %gather3A_932 : vector<16xf32>
        %add3A_934 = arith.addf %add3A_928, %mul3A_933 : vector<16xf32>
        %broadcast_in_dim3A_935 = arith.constant 124 : i32
        %broadcast_in_dim3A_936 = vector.broadcast %broadcast_in_dim3A_935 : i32 to vector<16xi32>
        %gather3A_937 = tpu.vector_load_idx %arg16[%add3A_176, %broadcast_in_dim3A_936] : memref<64x128xf32, #tpu.memory_space<vmem>>[vector<16xi32>, vector<16xi32>], vector<16xf32>,
        %gather3A_938 = tpu.vector_load_idx %arg17[%add3A_176, %broadcast_in_dim3A_936] : memref<64x128xf32, #tpu.memory_space<vmem>>[vector<16xi32>, vector<16xi32>], vector<16xf32>,
        %mul3A_939 = arith.mulf %gather3A_937, %gather3A_938 : vector<16xf32>
        %add3A_940 = arith.addf %add3A_934, %mul3A_939 : vector<16xf32>
        %broadcast_in_dim3A_941 = arith.constant 125 : i32
        %broadcast_in_dim3A_942 = vector.broadcast %broadcast_in_dim3A_941 : i32 to vector<16xi32>
        %gather3A_943 = tpu.vector_load_idx %arg16[%add3A_176, %broadcast_in_dim3A_942] : memref<64x128xf32, #tpu.memory_space<vmem>>[vector<16xi32>, vector<16xi32>], vector<16xf32>,
        %gather3A_944 = tpu.vector_load_idx %arg17[%add3A_176, %broadcast_in_dim3A_942] : memref<64x128xf32, #tpu.memory_space<vmem>>[vector<16xi32>, vector<16xi32>], vector<16xf32>,
        %mul3A_945 = arith.mulf %gather3A_943, %gather3A_944 : vector<16xf32>
        %add3A_946 = arith.addf %add3A_940, %mul3A_945 : vector<16xf32>
        %broadcast_in_dim3A_947 = arith.constant 126 : i32
        %broadcast_in_dim3A_948 = vector.broadcast %broadcast_in_dim3A_947 : i32 to vector<16xi32>
        %gather3A_949 = tpu.vector_load_idx %arg16[%add3A_176, %broadcast_in_dim3A_948] : memref<64x128xf32, #tpu.memory_space<vmem>>[vector<16xi32>, vector<16xi32>], vector<16xf32>,
        %gather3A_950 = tpu.vector_load_idx %arg17[%add3A_176, %broadcast_in_dim3A_948] : memref<64x128xf32, #tpu.memory_space<vmem>>[vector<16xi32>, vector<16xi32>], vector<16xf32>,
        %mul3A_951 = arith.mulf %gather3A_949, %gather3A_950 : vector<16xf32>
        %add3A_952 = arith.addf %add3A_946, %mul3A_951 : vector<16xf32>
        %broadcast_in_dim3A_953 = arith.constant 127 : i32
        %broadcast_in_dim3A_954 = vector.broadcast %broadcast_in_dim3A_953 : i32 to vector<16xi32>
        %gather3A_955 = tpu.vector_load_idx %arg16[%add3A_176, %broadcast_in_dim3A_954] : memref<64x128xf32, #tpu.memory_space<vmem>>[vector<16xi32>, vector<16xi32>], vector<16xf32>,
        %gather3A_956 = tpu.vector_load_idx %arg17[%add3A_176, %broadcast_in_dim3A_954] : memref<64x128xf32, #tpu.memory_space<vmem>>[vector<16xi32>, vector<16xi32>], vector<16xf32>,
        %mul3A_957 = arith.mulf %gather3A_955, %gather3A_956 : vector<16xf32>
        %add3A_958 = arith.addf %add3A_952, %mul3A_957 : vector<16xf32>
        %broadcast_in_dim3A_959 = arith.constant 0 : i32
        %broadcast_in_dim3A_960 = vector.broadcast %broadcast_in_dim3A_959 : i32 to vector<16xi32>
        %shift_right_arithmetic3A = arith.constant 31 : i32
        %shift_right_arithmetic3A_961 = vector.broadcast %shift_right_arithmetic3A : i32 to vector<16xi32>
        %shift_right_arithmetic3A_962 = arith.shrsi %get3A_179, %shift_right_arithmetic3A_961 : vector<16xi32>
        %or3A = arith.ori %broadcast_in_dim3A_960, %shift_right_arithmetic3A_962 : vector<16xi32>
        %gather3A_963 = tpu.vector_load_idx %arg19[%or3A] : memref<16xf32, #tpu.memory_space<vmem>>[vector<16xi32>], vector<16xf32>,
        %sub3A = arith.subf %add3A_382, %gather3A_963 : vector<16xf32>
        %exp3A = math.exp %sub3A : vector<16xf32>
        %add3A_964 = arith.constant 0 : i32
        %add3A_965 = vector.broadcast %add3A_964 : i32 to vector<16xi32>
        %add3A_966 = arith.addi %mul3A_184, %add3A_965 : vector<16xi32>
        tpu.vector_store_idx %arg18[%add3A_176, %add3A_966], %exp3A : memref<64x128xf32, #tpu.memory_space<vmem>>[vector<16xi32>, vector<16xi32>], vector<16xf32>,
        %broadcast_in_dim3A_967 = arith.constant 1 : i32
        %broadcast_in_dim3A_968 = vector.broadcast %broadcast_in_dim3A_967 : i32 to vector<16xi32>
        %shift_right_arithmetic3A_969 = arith.constant 31 : i32
        %shift_right_arithmetic3A_970 = vector.broadcast %shift_right_arithmetic3A_969 : i32 to vector<16xi32>
        %shift_right_arithmetic3A_971 = arith.shrsi %get3A_179, %shift_right_arithmetic3A_970 : vector<16xi32>
        %or3A_972 = arith.ori %broadcast_in_dim3A_968, %shift_right_arithmetic3A_971 : vector<16xi32>
        %gather3A_973 = tpu.vector_load_idx %arg19[%or3A_972] : memref<16xf32, #tpu.memory_space<vmem>>[vector<16xi32>], vector<16xf32>,
        %sub3A_974 = arith.subf %add3A_574, %gather3A_973 : vector<16xf32>
        %exp3A_975 = math.exp %sub3A_974 : vector<16xf32>
        %add3A_976 = arith.constant 1 : i32
        %add3A_977 = vector.broadcast %add3A_976 : i32 to vector<16xi32>
        %add3A_978 = arith.addi %mul3A_184, %add3A_977 : vector<16xi32>
        tpu.vector_store_idx %arg18[%add3A_176, %add3A_978], %exp3A_975 : memref<64x128xf32, #tpu.memory_space<vmem>>[vector<16xi32>, vector<16xi32>], vector<16xf32>,
        %broadcast_in_dim3A_979 = arith.constant 2 : i32
        %broadcast_in_dim3A_980 = vector.broadcast %broadcast_in_dim3A_979 : i32 to vector<16xi32>
        %shift_right_arithmetic3A_981 = arith.constant 31 : i32
        %shift_right_arithmetic3A_982 = vector.broadcast %shift_right_arithmetic3A_981 : i32 to vector<16xi32>
        %shift_right_arithmetic3A_983 = arith.shrsi %get3A_179, %shift_right_arithmetic3A_982 : vector<16xi32>
        %or3A_984 = arith.ori %broadcast_in_dim3A_980, %shift_right_arithmetic3A_983 : vector<16xi32>
        %gather3A_985 = tpu.vector_load_idx %arg19[%or3A_984] : memref<16xf32, #tpu.memory_space<vmem>>[vector<16xi32>], vector<16xf32>,
        %sub3A_986 = arith.subf %add3A_766, %gather3A_985 : vector<16xf32>
        %exp3A_987 = math.exp %sub3A_986 : vector<16xf32>
        %add3A_988 = arith.constant 2 : i32
        %add3A_989 = vector.broadcast %add3A_988 : i32 to vector<16xi32>
        %add3A_990 = arith.addi %mul3A_184, %add3A_989 : vector<16xi32>
        tpu.vector_store_idx %arg18[%add3A_176, %add3A_990], %exp3A_987 : memref<64x128xf32, #tpu.memory_space<vmem>>[vector<16xi32>, vector<16xi32>], vector<16xf32>,
        %broadcast_in_dim3A_991 = arith.constant 3 : i32
        %broadcast_in_dim3A_992 = vector.broadcast %broadcast_in_dim3A_991 : i32 to vector<16xi32>
        %shift_right_arithmetic3A_993 = arith.constant 31 : i32
        %shift_right_arithmetic3A_994 = vector.broadcast %shift_right_arithmetic3A_993 : i32 to vector<16xi32>
        %shift_right_arithmetic3A_995 = arith.shrsi %get3A_179, %shift_right_arithmetic3A_994 : vector<16xi32>
        %or3A_996 = arith.ori %broadcast_in_dim3A_992, %shift_right_arithmetic3A_995 : vector<16xi32>
        %gather3A_997 = tpu.vector_load_idx %arg19[%or3A_996] : memref<16xf32, #tpu.memory_space<vmem>>[vector<16xi32>], vector<16xf32>,
        %sub3A_998 = arith.subf %add3A_958, %gather3A_997 : vector<16xf32>
        %exp3A_999 = math.exp %sub3A_998 : vector<16xf32>
        %add3A_1000 = arith.constant 3 : i32
        %add3A_1001 = vector.broadcast %add3A_1000 : i32 to vector<16xi32>
        %add3A_1002 = arith.addi %mul3A_184, %add3A_1001 : vector<16xi32>
        tpu.vector_store_idx %arg18[%add3A_176, %add3A_1002], %exp3A_999 : memref<64x128xf32, #tpu.memory_space<vmem>>[vector<16xi32>, vector<16xi32>], vector<16xf32>,
        %broadcast_in_dim3A_1003 = arith.constant 0 : i32
        %broadcast_in_dim3A_1004 = vector.broadcast %broadcast_in_dim3A_1003 : i32 to vector<16xi32>
        %gather3A_1005 = tpu.vector_load_idx %arg17[%add3A_176, %broadcast_in_dim3A_1004] : memref<64x128xf32, #tpu.memory_space<vmem>>[vector<16xi32>, vector<16xi32>], vector<16xf32>,
        %mul3A_1006 = arith.mulf %gather3A_1005, %exp3A : vector<16xf32>
        tpu.vector_store_idx %arg17[%add3A_176, %broadcast_in_dim3A_1004], %mul3A_1006 : memref<64x128xf32, #tpu.memory_space<vmem>>[vector<16xi32>, vector<16xi32>], vector<16xf32>,
        %broadcast_in_dim3A_1007 = arith.constant 1 : i32
        %broadcast_in_dim3A_1008 = vector.broadcast %broadcast_in_dim3A_1007 : i32 to vector<16xi32>
        %gather3A_1009 = tpu.vector_load_idx %arg17[%add3A_176, %broadcast_in_dim3A_1008] : memref<64x128xf32, #tpu.memory_space<vmem>>[vector<16xi32>, vector<16xi32>], vector<16xf32>,
        %mul3A_1010 = arith.mulf %gather3A_1009, %exp3A : vector<16xf32>
        tpu.vector_store_idx %arg17[%add3A_176, %broadcast_in_dim3A_1008], %mul3A_1010 : memref<64x128xf32, #tpu.memory_space<vmem>>[vector<16xi32>, vector<16xi32>], vector<16xf32>,
        %broadcast_in_dim3A_1011 = arith.constant 2 : i32
        %broadcast_in_dim3A_1012 = vector.broadcast %broadcast_in_dim3A_1011 : i32 to vector<16xi32>
        %gather3A_1013 = tpu.vector_load_idx %arg17[%add3A_176, %broadcast_in_dim3A_1012] : memref<64x128xf32, #tpu.memory_space<vmem>>[vector<16xi32>, vector<16xi32>], vector<16xf32>,
        %mul3A_1014 = arith.mulf %gather3A_1013, %exp3A : vector<16xf32>
        tpu.vector_store_idx %arg17[%add3A_176, %broadcast_in_dim3A_1012], %mul3A_1014 : memref<64x128xf32, #tpu.memory_space<vmem>>[vector<16xi32>, vector<16xi32>], vector<16xf32>,
        %broadcast_in_dim3A_1015 = arith.constant 3 : i32
        %broadcast_in_dim3A_1016 = vector.broadcast %broadcast_in_dim3A_1015 : i32 to vector<16xi32>
        %gather3A_1017 = tpu.vector_load_idx %arg17[%add3A_176, %broadcast_in_dim3A_1016] : memref<64x128xf32, #tpu.memory_space<vmem>>[vector<16xi32>, vector<16xi32>], vector<16xf32>,
        %mul3A_1018 = arith.mulf %gather3A_1017, %exp3A : vector<16xf32>
        tpu.vector_store_idx %arg17[%add3A_176, %broadcast_in_dim3A_1016], %mul3A_1018 : memref<64x128xf32, #tpu.memory_space<vmem>>[vector<16xi32>, vector<16xi32>], vector<16xf32>,
        %broadcast_in_dim3A_1019 = arith.constant 4 : i32
        %broadcast_in_dim3A_1020 = vector.broadcast %broadcast_in_dim3A_1019 : i32 to vector<16xi32>
        %gather3A_1021 = tpu.vector_load_idx %arg17[%add3A_176, %broadcast_in_dim3A_1020] : memref<64x128xf32, #tpu.memory_space<vmem>>[vector<16xi32>, vector<16xi32>], vector<16xf32>,
        %mul3A_1022 = arith.mulf %gather3A_1021, %exp3A : vector<16xf32>
        tpu.vector_store_idx %arg17[%add3A_176, %broadcast_in_dim3A_1020], %mul3A_1022 : memref<64x128xf32, #tpu.memory_space<vmem>>[vector<16xi32>, vector<16xi32>], vector<16xf32>,
        %broadcast_in_dim3A_1023 = arith.constant 5 : i32
        %broadcast_in_dim3A_1024 = vector.broadcast %broadcast_in_dim3A_1023 : i32 to vector<16xi32>
        %gather3A_1025 = tpu.vector_load_idx %arg17[%add3A_176, %broadcast_in_dim3A_1024] : memref<64x128xf32, #tpu.memory_space<vmem>>[vector<16xi32>, vector<16xi32>], vector<16xf32>,
        %mul3A_1026 = arith.mulf %gather3A_1025, %exp3A : vector<16xf32>
        tpu.vector_store_idx %arg17[%add3A_176, %broadcast_in_dim3A_1024], %mul3A_1026 : memref<64x128xf32, #tpu.memory_space<vmem>>[vector<16xi32>, vector<16xi32>], vector<16xf32>,
        %broadcast_in_dim3A_1027 = arith.constant 6 : i32
        %broadcast_in_dim3A_1028 = vector.broadcast %broadcast_in_dim3A_1027 : i32 to vector<16xi32>
        %gather3A_1029 = tpu.vector_load_idx %arg17[%add3A_176, %broadcast_in_dim3A_1028] : memref<64x128xf32, #tpu.memory_space<vmem>>[vector<16xi32>, vector<16xi32>], vector<16xf32>,
        %mul3A_1030 = arith.mulf %gather3A_1029, %exp3A : vector<16xf32>
        tpu.vector_store_idx %arg17[%add3A_176, %broadcast_in_dim3A_1028], %mul3A_1030 : memref<64x128xf32, #tpu.memory_space<vmem>>[vector<16xi32>, vector<16xi32>], vector<16xf32>,
        %broadcast_in_dim3A_1031 = arith.constant 7 : i32
        %broadcast_in_dim3A_1032 = vector.broadcast %broadcast_in_dim3A_1031 : i32 to vector<16xi32>
        %gather3A_1033 = tpu.vector_load_idx %arg17[%add3A_176, %broadcast_in_dim3A_1032] : memref<64x128xf32, #tpu.memory_space<vmem>>[vector<16xi32>, vector<16xi32>], vector<16xf32>,
        %mul3A_1034 = arith.mulf %gather3A_1033, %exp3A : vector<16xf32>
        tpu.vector_store_idx %arg17[%add3A_176, %broadcast_in_dim3A_1032], %mul3A_1034 : memref<64x128xf32, #tpu.memory_space<vmem>>[vector<16xi32>, vector<16xi32>], vector<16xf32>,
        %broadcast_in_dim3A_1035 = arith.constant 8 : i32
        %broadcast_in_dim3A_1036 = vector.broadcast %broadcast_in_dim3A_1035 : i32 to vector<16xi32>
        %gather3A_1037 = tpu.vector_load_idx %arg17[%add3A_176, %broadcast_in_dim3A_1036] : memref<64x128xf32, #tpu.memory_space<vmem>>[vector<16xi32>, vector<16xi32>], vector<16xf32>,
        %mul3A_1038 = arith.mulf %gather3A_1037, %exp3A : vector<16xf32>
        tpu.vector_store_idx %arg17[%add3A_176, %broadcast_in_dim3A_1036], %mul3A_1038 : memref<64x128xf32, #tpu.memory_space<vmem>>[vector<16xi32>, vector<16xi32>], vector<16xf32>,
        %broadcast_in_dim3A_1039 = arith.constant 9 : i32
        %broadcast_in_dim3A_1040 = vector.broadcast %broadcast_in_dim3A_1039 : i32 to vector<16xi32>
        %gather3A_1041 = tpu.vector_load_idx %arg17[%add3A_176, %broadcast_in_dim3A_1040] : memref<64x128xf32, #tpu.memory_space<vmem>>[vector<16xi32>, vector<16xi32>], vector<16xf32>,
        %mul3A_1042 = arith.mulf %gather3A_1041, %exp3A : vector<16xf32>
        tpu.vector_store_idx %arg17[%add3A_176, %broadcast_in_dim3A_1040], %mul3A_1042 : memref<64x128xf32, #tpu.memory_space<vmem>>[vector<16xi32>, vector<16xi32>], vector<16xf32>,
        %broadcast_in_dim3A_1043 = arith.constant 10 : i32
        %broadcast_in_dim3A_1044 = vector.broadcast %broadcast_in_dim3A_1043 : i32 to vector<16xi32>
        %gather3A_1045 = tpu.vector_load_idx %arg17[%add3A_176, %broadcast_in_dim3A_1044] : memref<64x128xf32, #tpu.memory_space<vmem>>[vector<16xi32>, vector<16xi32>], vector<16xf32>,
        %mul3A_1046 = arith.mulf %gather3A_1045, %exp3A : vector<16xf32>
        tpu.vector_store_idx %arg17[%add3A_176, %broadcast_in_dim3A_1044], %mul3A_1046 : memref<64x128xf32, #tpu.memory_space<vmem>>[vector<16xi32>, vector<16xi32>], vector<16xf32>,
        %broadcast_in_dim3A_1047 = arith.constant 11 : i32
        %broadcast_in_dim3A_1048 = vector.broadcast %broadcast_in_dim3A_1047 : i32 to vector<16xi32>
        %gather3A_1049 = tpu.vector_load_idx %arg17[%add3A_176, %broadcast_in_dim3A_1048] : memref<64x128xf32, #tpu.memory_space<vmem>>[vector<16xi32>, vector<16xi32>], vector<16xf32>,
        %mul3A_1050 = arith.mulf %gather3A_1049, %exp3A : vector<16xf32>
        tpu.vector_store_idx %arg17[%add3A_176, %broadcast_in_dim3A_1048], %mul3A_1050 : memref<64x128xf32, #tpu.memory_space<vmem>>[vector<16xi32>, vector<16xi32>], vector<16xf32>,
        %broadcast_in_dim3A_1051 = arith.constant 12 : i32
        %broadcast_in_dim3A_1052 = vector.broadcast %broadcast_in_dim3A_1051 : i32 to vector<16xi32>
        %gather3A_1053 = tpu.vector_load_idx %arg17[%add3A_176, %broadcast_in_dim3A_1052] : memref<64x128xf32, #tpu.memory_space<vmem>>[vector<16xi32>, vector<16xi32>], vector<16xf32>,
        %mul3A_1054 = arith.mulf %gather3A_1053, %exp3A : vector<16xf32>
        tpu.vector_store_idx %arg17[%add3A_176, %broadcast_in_dim3A_1052], %mul3A_1054 : memref<64x128xf32, #tpu.memory_space<vmem>>[vector<16xi32>, vector<16xi32>], vector<16xf32>,
        %broadcast_in_dim3A_1055 = arith.constant 13 : i32
        %broadcast_in_dim3A_1056 = vector.broadcast %broadcast_in_dim3A_1055 : i32 to vector<16xi32>
        %gather3A_1057 = tpu.vector_load_idx %arg17[%add3A_176, %broadcast_in_dim3A_1056] : memref<64x128xf32, #tpu.memory_space<vmem>>[vector<16xi32>, vector<16xi32>], vector<16xf32>,
        %mul3A_1058 = arith.mulf %gather3A_1057, %exp3A : vector<16xf32>
        tpu.vector_store_idx %arg17[%add3A_176, %broadcast_in_dim3A_1056], %mul3A_1058 : memref<64x128xf32, #tpu.memory_space<vmem>>[vector<16xi32>, vector<16xi32>], vector<16xf32>,
        %broadcast_in_dim3A_1059 = arith.constant 14 : i32
        %broadcast_in_dim3A_1060 = vector.broadcast %broadcast_in_dim3A_1059 : i32 to vector<16xi32>
        %gather3A_1061 = tpu.vector_load_idx %arg17[%add3A_176, %broadcast_in_dim3A_1060] : memref<64x128xf32, #tpu.memory_space<vmem>>[vector<16xi32>, vector<16xi32>], vector<16xf32>,
        %mul3A_1062 = arith.mulf %gather3A_1061, %exp3A : vector<16xf32>
        tpu.vector_store_idx %arg17[%add3A_176, %broadcast_in_dim3A_1060], %mul3A_1062 : memref<64x128xf32, #tpu.memory_space<vmem>>[vector<16xi32>, vector<16xi32>], vector<16xf32>,
        %broadcast_in_dim3A_1063 = arith.constant 15 : i32
        %broadcast_in_dim3A_1064 = vector.broadcast %broadcast_in_dim3A_1063 : i32 to vector<16xi32>
        %gather3A_1065 = tpu.vector_load_idx %arg17[%add3A_176, %broadcast_in_dim3A_1064] : memref<64x128xf32, #tpu.memory_space<vmem>>[vector<16xi32>, vector<16xi32>], vector<16xf32>,
        %mul3A_1066 = arith.mulf %gather3A_1065, %exp3A : vector<16xf32>
        tpu.vector_store_idx %arg17[%add3A_176, %broadcast_in_dim3A_1064], %mul3A_1066 : memref<64x128xf32, #tpu.memory_space<vmem>>[vector<16xi32>, vector<16xi32>], vector<16xf32>,
        %broadcast_in_dim3A_1067 = arith.constant 16 : i32
        %broadcast_in_dim3A_1068 = vector.broadcast %broadcast_in_dim3A_1067 : i32 to vector<16xi32>
        %gather3A_1069 = tpu.vector_load_idx %arg17[%add3A_176, %broadcast_in_dim3A_1068] : memref<64x128xf32, #tpu.memory_space<vmem>>[vector<16xi32>, vector<16xi32>], vector<16xf32>,
        %mul3A_1070 = arith.mulf %gather3A_1069, %exp3A : vector<16xf32>
        tpu.vector_store_idx %arg17[%add3A_176, %broadcast_in_dim3A_1068], %mul3A_1070 : memref<64x128xf32, #tpu.memory_space<vmem>>[vector<16xi32>, vector<16xi32>], vector<16xf32>,
        %broadcast_in_dim3A_1071 = arith.constant 17 : i32
        %broadcast_in_dim3A_1072 = vector.broadcast %broadcast_in_dim3A_1071 : i32 to vector<16xi32>
        %gather3A_1073 = tpu.vector_load_idx %arg17[%add3A_176, %broadcast_in_dim3A_1072] : memref<64x128xf32, #tpu.memory_space<vmem>>[vector<16xi32>, vector<16xi32>], vector<16xf32>,
        %mul3A_1074 = arith.mulf %gather3A_1073, %exp3A : vector<16xf32>
        tpu.vector_store_idx %arg17[%add3A_176, %broadcast_in_dim3A_1072], %mul3A_1074 : memref<64x128xf32, #tpu.memory_space<vmem>>[vector<16xi32>, vector<16xi32>], vector<16xf32>,
        %broadcast_in_dim3A_1075 = arith.constant 18 : i32
        %broadcast_in_dim3A_1076 = vector.broadcast %broadcast_in_dim3A_1075 : i32 to vector<16xi32>
        %gather3A_1077 = tpu.vector_load_idx %arg17[%add3A_176, %broadcast_in_dim3A_1076] : memref<64x128xf32, #tpu.memory_space<vmem>>[vector<16xi32>, vector<16xi32>], vector<16xf32>,
        %mul3A_1078 = arith.mulf %gather3A_1077, %exp3A : vector<16xf32>
        tpu.vector_store_idx %arg17[%add3A_176, %broadcast_in_dim3A_1076], %mul3A_1078 : memref<64x128xf32, #tpu.memory_space<vmem>>[vector<16xi32>, vector<16xi32>], vector<16xf32>,
        %broadcast_in_dim3A_1079 = arith.constant 19 : i32
        %broadcast_in_dim3A_1080 = vector.broadcast %broadcast_in_dim3A_1079 : i32 to vector<16xi32>
        %gather3A_1081 = tpu.vector_load_idx %arg17[%add3A_176, %broadcast_in_dim3A_1080] : memref<64x128xf32, #tpu.memory_space<vmem>>[vector<16xi32>, vector<16xi32>], vector<16xf32>,
        %mul3A_1082 = arith.mulf %gather3A_1081, %exp3A : vector<16xf32>
        tpu.vector_store_idx %arg17[%add3A_176, %broadcast_in_dim3A_1080], %mul3A_1082 : memref<64x128xf32, #tpu.memory_space<vmem>>[vector<16xi32>, vector<16xi32>], vector<16xf32>,
        %broadcast_in_dim3A_1083 = arith.constant 20 : i32
        %broadcast_in_dim3A_1084 = vector.broadcast %broadcast_in_dim3A_1083 : i32 to vector<16xi32>
        %gather3A_1085 = tpu.vector_load_idx %arg17[%add3A_176, %broadcast_in_dim3A_1084] : memref<64x128xf32, #tpu.memory_space<vmem>>[vector<16xi32>, vector<16xi32>], vector<16xf32>,
        %mul3A_1086 = arith.mulf %gather3A_1085, %exp3A : vector<16xf32>
        tpu.vector_store_idx %arg17[%add3A_176, %broadcast_in_dim3A_1084], %mul3A_1086 : memref<64x128xf32, #tpu.memory_space<vmem>>[vector<16xi32>, vector<16xi32>], vector<16xf32>,
        %broadcast_in_dim3A_1087 = arith.constant 21 : i32
        %broadcast_in_dim3A_1088 = vector.broadcast %broadcast_in_dim3A_1087 : i32 to vector<16xi32>
        %gather3A_1089 = tpu.vector_load_idx %arg17[%add3A_176, %broadcast_in_dim3A_1088] : memref<64x128xf32, #tpu.memory_space<vmem>>[vector<16xi32>, vector<16xi32>], vector<16xf32>,
        %mul3A_1090 = arith.mulf %gather3A_1089, %exp3A : vector<16xf32>
        tpu.vector_store_idx %arg17[%add3A_176, %broadcast_in_dim3A_1088], %mul3A_1090 : memref<64x128xf32, #tpu.memory_space<vmem>>[vector<16xi32>, vector<16xi32>], vector<16xf32>,
        %broadcast_in_dim3A_1091 = arith.constant 22 : i32
        %broadcast_in_dim3A_1092 = vector.broadcast %broadcast_in_dim3A_1091 : i32 to vector<16xi32>
        %gather3A_1093 = tpu.vector_load_idx %arg17[%add3A_176, %broadcast_in_dim3A_1092] : memref<64x128xf32, #tpu.memory_space<vmem>>[vector<16xi32>, vector<16xi32>], vector<16xf32>,
        %mul3A_1094 = arith.mulf %gather3A_1093, %exp3A : vector<16xf32>
        tpu.vector_store_idx %arg17[%add3A_176, %broadcast_in_dim3A_1092], %mul3A_1094 : memref<64x128xf32, #tpu.memory_space<vmem>>[vector<16xi32>, vector<16xi32>], vector<16xf32>,
        %broadcast_in_dim3A_1095 = arith.constant 23 : i32
        %broadcast_in_dim3A_1096 = vector.broadcast %broadcast_in_dim3A_1095 : i32 to vector<16xi32>
        %gather3A_1097 = tpu.vector_load_idx %arg17[%add3A_176, %broadcast_in_dim3A_1096] : memref<64x128xf32, #tpu.memory_space<vmem>>[vector<16xi32>, vector<16xi32>], vector<16xf32>,
        %mul3A_1098 = arith.mulf %gather3A_1097, %exp3A : vector<16xf32>
        tpu.vector_store_idx %arg17[%add3A_176, %broadcast_in_dim3A_1096], %mul3A_1098 : memref<64x128xf32, #tpu.memory_space<vmem>>[vector<16xi32>, vector<16xi32>], vector<16xf32>,
        %broadcast_in_dim3A_1099 = arith.constant 24 : i32
        %broadcast_in_dim3A_1100 = vector.broadcast %broadcast_in_dim3A_1099 : i32 to vector<16xi32>
        %gather3A_1101 = tpu.vector_load_idx %arg17[%add3A_176, %broadcast_in_dim3A_1100] : memref<64x128xf32, #tpu.memory_space<vmem>>[vector<16xi32>, vector<16xi32>], vector<16xf32>,
        %mul3A_1102 = arith.mulf %gather3A_1101, %exp3A : vector<16xf32>
        tpu.vector_store_idx %arg17[%add3A_176, %broadcast_in_dim3A_1100], %mul3A_1102 : memref<64x128xf32, #tpu.memory_space<vmem>>[vector<16xi32>, vector<16xi32>], vector<16xf32>,
        %broadcast_in_dim3A_1103 = arith.constant 25 : i32
        %broadcast_in_dim3A_1104 = vector.broadcast %broadcast_in_dim3A_1103 : i32 to vector<16xi32>
        %gather3A_1105 = tpu.vector_load_idx %arg17[%add3A_176, %broadcast_in_dim3A_1104] : memref<64x128xf32, #tpu.memory_space<vmem>>[vector<16xi32>, vector<16xi32>], vector<16xf32>,
        %mul3A_1106 = arith.mulf %gather3A_1105, %exp3A : vector<16xf32>
        tpu.vector_store_idx %arg17[%add3A_176, %broadcast_in_dim3A_1104], %mul3A_1106 : memref<64x128xf32, #tpu.memory_space<vmem>>[vector<16xi32>, vector<16xi32>], vector<16xf32>,
        %broadcast_in_dim3A_1107 = arith.constant 26 : i32
        %broadcast_in_dim3A_1108 = vector.broadcast %broadcast_in_dim3A_1107 : i32 to vector<16xi32>
        %gather3A_1109 = tpu.vector_load_idx %arg17[%add3A_176, %broadcast_in_dim3A_1108] : memref<64x128xf32, #tpu.memory_space<vmem>>[vector<16xi32>, vector<16xi32>], vector<16xf32>,
        %mul3A_1110 = arith.mulf %gather3A_1109, %exp3A : vector<16xf32>
        tpu.vector_store_idx %arg17[%add3A_176, %broadcast_in_dim3A_1108], %mul3A_1110 : memref<64x128xf32, #tpu.memory_space<vmem>>[vector<16xi32>, vector<16xi32>], vector<16xf32>,
        %broadcast_in_dim3A_1111 = arith.constant 27 : i32
        %broadcast_in_dim3A_1112 = vector.broadcast %broadcast_in_dim3A_1111 : i32 to vector<16xi32>
        %gather3A_1113 = tpu.vector_load_idx %arg17[%add3A_176, %broadcast_in_dim3A_1112] : memref<64x128xf32, #tpu.memory_space<vmem>>[vector<16xi32>, vector<16xi32>], vector<16xf32>,
        %mul3A_1114 = arith.mulf %gather3A_1113, %exp3A : vector<16xf32>
        tpu.vector_store_idx %arg17[%add3A_176, %broadcast_in_dim3A_1112], %mul3A_1114 : memref<64x128xf32, #tpu.memory_space<vmem>>[vector<16xi32>, vector<16xi32>], vector<16xf32>,
        %broadcast_in_dim3A_1115 = arith.constant 28 : i32
        %broadcast_in_dim3A_1116 = vector.broadcast %broadcast_in_dim3A_1115 : i32 to vector<16xi32>
        %gather3A_1117 = tpu.vector_load_idx %arg17[%add3A_176, %broadcast_in_dim3A_1116] : memref<64x128xf32, #tpu.memory_space<vmem>>[vector<16xi32>, vector<16xi32>], vector<16xf32>,
        %mul3A_1118 = arith.mulf %gather3A_1117, %exp3A : vector<16xf32>
        tpu.vector_store_idx %arg17[%add3A_176, %broadcast_in_dim3A_1116], %mul3A_1118 : memref<64x128xf32, #tpu.memory_space<vmem>>[vector<16xi32>, vector<16xi32>], vector<16xf32>,
        %broadcast_in_dim3A_1119 = arith.constant 29 : i32
        %broadcast_in_dim3A_1120 = vector.broadcast %broadcast_in_dim3A_1119 : i32 to vector<16xi32>
        %gather3A_1121 = tpu.vector_load_idx %arg17[%add3A_176, %broadcast_in_dim3A_1120] : memref<64x128xf32, #tpu.memory_space<vmem>>[vector<16xi32>, vector<16xi32>], vector<16xf32>,
        %mul3A_1122 = arith.mulf %gather3A_1121, %exp3A : vector<16xf32>
        tpu.vector_store_idx %arg17[%add3A_176, %broadcast_in_dim3A_1120], %mul3A_1122 : memref<64x128xf32, #tpu.memory_space<vmem>>[vector<16xi32>, vector<16xi32>], vector<16xf32>,
        %broadcast_in_dim3A_1123 = arith.constant 30 : i32
        %broadcast_in_dim3A_1124 = vector.broadcast %broadcast_in_dim3A_1123 : i32 to vector<16xi32>
        %gather3A_1125 = tpu.vector_load_idx %arg17[%add3A_176, %broadcast_in_dim3A_1124] : memref<64x128xf32, #tpu.memory_space<vmem>>[vector<16xi32>, vector<16xi32>], vector<16xf32>,
        %mul3A_1126 = arith.mulf %gather3A_1125, %exp3A : vector<16xf32>
        tpu.vector_store_idx %arg17[%add3A_176, %broadcast_in_dim3A_1124], %mul3A_1126 : memref<64x128xf32, #tpu.memory_space<vmem>>[vector<16xi32>, vector<16xi32>], vector<16xf32>,
        %broadcast_in_dim3A_1127 = arith.constant 31 : i32
        %broadcast_in_dim3A_1128 = vector.broadcast %broadcast_in_dim3A_1127 : i32 to vector<16xi32>
        %gather3A_1129 = tpu.vector_load_idx %arg17[%add3A_176, %broadcast_in_dim3A_1128] : memref<64x128xf32, #tpu.memory_space<vmem>>[vector<16xi32>, vector<16xi32>], vector<16xf32>,
        %mul3A_1130 = arith.mulf %gather3A_1129, %exp3A : vector<16xf32>
        tpu.vector_store_idx %arg17[%add3A_176, %broadcast_in_dim3A_1128], %mul3A_1130 : memref<64x128xf32, #tpu.memory_space<vmem>>[vector<16xi32>, vector<16xi32>], vector<16xf32>,
        %broadcast_in_dim3A_1131 = arith.constant 32 : i32
        %broadcast_in_dim3A_1132 = vector.broadcast %broadcast_in_dim3A_1131 : i32 to vector<16xi32>
        %gather3A_1133 = tpu.vector_load_idx %arg17[%add3A_176, %broadcast_in_dim3A_1132] : memref<64x128xf32, #tpu.memory_space<vmem>>[vector<16xi32>, vector<16xi32>], vector<16xf32>,
        %mul3A_1134 = arith.mulf %gather3A_1133, %exp3A_975 : vector<16xf32>
        tpu.vector_store_idx %arg17[%add3A_176, %broadcast_in_dim3A_1132], %mul3A_1134 : memref<64x128xf32, #tpu.memory_space<vmem>>[vector<16xi32>, vector<16xi32>], vector<16xf32>,
        %broadcast_in_dim3A_1135 = arith.constant 33 : i32
        %broadcast_in_dim3A_1136 = vector.broadcast %broadcast_in_dim3A_1135 : i32 to vector<16xi32>
        %gather3A_1137 = tpu.vector_load_idx %arg17[%add3A_176, %broadcast_in_dim3A_1136] : memref<64x128xf32, #tpu.memory_space<vmem>>[vector<16xi32>, vector<16xi32>], vector<16xf32>,
        %mul3A_1138 = arith.mulf %gather3A_1137, %exp3A_975 : vector<16xf32>
        tpu.vector_store_idx %arg17[%add3A_176, %broadcast_in_dim3A_1136], %mul3A_1138 : memref<64x128xf32, #tpu.memory_space<vmem>>[vector<16xi32>, vector<16xi32>], vector<16xf32>,
        %broadcast_in_dim3A_1139 = arith.constant 34 : i32
        %broadcast_in_dim3A_1140 = vector.broadcast %broadcast_in_dim3A_1139 : i32 to vector<16xi32>
        %gather3A_1141 = tpu.vector_load_idx %arg17[%add3A_176, %broadcast_in_dim3A_1140] : memref<64x128xf32, #tpu.memory_space<vmem>>[vector<16xi32>, vector<16xi32>], vector<16xf32>,
        %mul3A_1142 = arith.mulf %gather3A_1141, %exp3A_975 : vector<16xf32>
        tpu.vector_store_idx %arg17[%add3A_176, %broadcast_in_dim3A_1140], %mul3A_1142 : memref<64x128xf32, #tpu.memory_space<vmem>>[vector<16xi32>, vector<16xi32>], vector<16xf32>,
        %broadcast_in_dim3A_1143 = arith.constant 35 : i32
        %broadcast_in_dim3A_1144 = vector.broadcast %broadcast_in_dim3A_1143 : i32 to vector<16xi32>
        %gather3A_1145 = tpu.vector_load_idx %arg17[%add3A_176, %broadcast_in_dim3A_1144] : memref<64x128xf32, #tpu.memory_space<vmem>>[vector<16xi32>, vector<16xi32>], vector<16xf32>,
        %mul3A_1146 = arith.mulf %gather3A_1145, %exp3A_975 : vector<16xf32>
        tpu.vector_store_idx %arg17[%add3A_176, %broadcast_in_dim3A_1144], %mul3A_1146 : memref<64x128xf32, #tpu.memory_space<vmem>>[vector<16xi32>, vector<16xi32>], vector<16xf32>,
        %broadcast_in_dim3A_1147 = arith.constant 36 : i32
        %broadcast_in_dim3A_1148 = vector.broadcast %broadcast_in_dim3A_1147 : i32 to vector<16xi32>
        %gather3A_1149 = tpu.vector_load_idx %arg17[%add3A_176, %broadcast_in_dim3A_1148] : memref<64x128xf32, #tpu.memory_space<vmem>>[vector<16xi32>, vector<16xi32>], vector<16xf32>,
        %mul3A_1150 = arith.mulf %gather3A_1149, %exp3A_975 : vector<16xf32>
        tpu.vector_store_idx %arg17[%add3A_176, %broadcast_in_dim3A_1148], %mul3A_1150 : memref<64x128xf32, #tpu.memory_space<vmem>>[vector<16xi32>, vector<16xi32>], vector<16xf32>,
        %broadcast_in_dim3A_1151 = arith.constant 37 : i32
        %broadcast_in_dim3A_1152 = vector.broadcast %broadcast_in_dim3A_1151 : i32 to vector<16xi32>
        %gather3A_1153 = tpu.vector_load_idx %arg17[%add3A_176, %broadcast_in_dim3A_1152] : memref<64x128xf32, #tpu.memory_space<vmem>>[vector<16xi32>, vector<16xi32>], vector<16xf32>,
        %mul3A_1154 = arith.mulf %gather3A_1153, %exp3A_975 : vector<16xf32>
        tpu.vector_store_idx %arg17[%add3A_176, %broadcast_in_dim3A_1152], %mul3A_1154 : memref<64x128xf32, #tpu.memory_space<vmem>>[vector<16xi32>, vector<16xi32>], vector<16xf32>,
        %broadcast_in_dim3A_1155 = arith.constant 38 : i32
        %broadcast_in_dim3A_1156 = vector.broadcast %broadcast_in_dim3A_1155 : i32 to vector<16xi32>
        %gather3A_1157 = tpu.vector_load_idx %arg17[%add3A_176, %broadcast_in_dim3A_1156] : memref<64x128xf32, #tpu.memory_space<vmem>>[vector<16xi32>, vector<16xi32>], vector<16xf32>,
        %mul3A_1158 = arith.mulf %gather3A_1157, %exp3A_975 : vector<16xf32>
        tpu.vector_store_idx %arg17[%add3A_176, %broadcast_in_dim3A_1156], %mul3A_1158 : memref<64x128xf32, #tpu.memory_space<vmem>>[vector<16xi32>, vector<16xi32>], vector<16xf32>,
        %broadcast_in_dim3A_1159 = arith.constant 39 : i32
        %broadcast_in_dim3A_1160 = vector.broadcast %broadcast_in_dim3A_1159 : i32 to vector<16xi32>
        %gather3A_1161 = tpu.vector_load_idx %arg17[%add3A_176, %broadcast_in_dim3A_1160] : memref<64x128xf32, #tpu.memory_space<vmem>>[vector<16xi32>, vector<16xi32>], vector<16xf32>,
        %mul3A_1162 = arith.mulf %gather3A_1161, %exp3A_975 : vector<16xf32>
        tpu.vector_store_idx %arg17[%add3A_176, %broadcast_in_dim3A_1160], %mul3A_1162 : memref<64x128xf32, #tpu.memory_space<vmem>>[vector<16xi32>, vector<16xi32>], vector<16xf32>,
        %broadcast_in_dim3A_1163 = arith.constant 40 : i32
        %broadcast_in_dim3A_1164 = vector.broadcast %broadcast_in_dim3A_1163 : i32 to vector<16xi32>
        %gather3A_1165 = tpu.vector_load_idx %arg17[%add3A_176, %broadcast_in_dim3A_1164] : memref<64x128xf32, #tpu.memory_space<vmem>>[vector<16xi32>, vector<16xi32>], vector<16xf32>,
        %mul3A_1166 = arith.mulf %gather3A_1165, %exp3A_975 : vector<16xf32>
        tpu.vector_store_idx %arg17[%add3A_176, %broadcast_in_dim3A_1164], %mul3A_1166 : memref<64x128xf32, #tpu.memory_space<vmem>>[vector<16xi32>, vector<16xi32>], vector<16xf32>,
        %broadcast_in_dim3A_1167 = arith.constant 41 : i32
        %broadcast_in_dim3A_1168 = vector.broadcast %broadcast_in_dim3A_1167 : i32 to vector<16xi32>
        %gather3A_1169 = tpu.vector_load_idx %arg17[%add3A_176, %broadcast_in_dim3A_1168] : memref<64x128xf32, #tpu.memory_space<vmem>>[vector<16xi32>, vector<16xi32>], vector<16xf32>,
        %mul3A_1170 = arith.mulf %gather3A_1169, %exp3A_975 : vector<16xf32>
        tpu.vector_store_idx %arg17[%add3A_176, %broadcast_in_dim3A_1168], %mul3A_1170 : memref<64x128xf32, #tpu.memory_space<vmem>>[vector<16xi32>, vector<16xi32>], vector<16xf32>,
        %broadcast_in_dim3A_1171 = arith.constant 42 : i32
        %broadcast_in_dim3A_1172 = vector.broadcast %broadcast_in_dim3A_1171 : i32 to vector<16xi32>
        %gather3A_1173 = tpu.vector_load_idx %arg17[%add3A_176, %broadcast_in_dim3A_1172] : memref<64x128xf32, #tpu.memory_space<vmem>>[vector<16xi32>, vector<16xi32>], vector<16xf32>,
        %mul3A_1174 = arith.mulf %gather3A_1173, %exp3A_975 : vector<16xf32>
        tpu.vector_store_idx %arg17[%add3A_176, %broadcast_in_dim3A_1172], %mul3A_1174 : memref<64x128xf32, #tpu.memory_space<vmem>>[vector<16xi32>, vector<16xi32>], vector<16xf32>,
        %broadcast_in_dim3A_1175 = arith.constant 43 : i32
        %broadcast_in_dim3A_1176 = vector.broadcast %broadcast_in_dim3A_1175 : i32 to vector<16xi32>
        %gather3A_1177 = tpu.vector_load_idx %arg17[%add3A_176, %broadcast_in_dim3A_1176] : memref<64x128xf32, #tpu.memory_space<vmem>>[vector<16xi32>, vector<16xi32>], vector<16xf32>,
        %mul3A_1178 = arith.mulf %gather3A_1177, %exp3A_975 : vector<16xf32>
        tpu.vector_store_idx %arg17[%add3A_176, %broadcast_in_dim3A_1176], %mul3A_1178 : memref<64x128xf32, #tpu.memory_space<vmem>>[vector<16xi32>, vector<16xi32>], vector<16xf32>,
        %broadcast_in_dim3A_1179 = arith.constant 44 : i32
        %broadcast_in_dim3A_1180 = vector.broadcast %broadcast_in_dim3A_1179 : i32 to vector<16xi32>
        %gather3A_1181 = tpu.vector_load_idx %arg17[%add3A_176, %broadcast_in_dim3A_1180] : memref<64x128xf32, #tpu.memory_space<vmem>>[vector<16xi32>, vector<16xi32>], vector<16xf32>,
        %mul3A_1182 = arith.mulf %gather3A_1181, %exp3A_975 : vector<16xf32>
        tpu.vector_store_idx %arg17[%add3A_176, %broadcast_in_dim3A_1180], %mul3A_1182 : memref<64x128xf32, #tpu.memory_space<vmem>>[vector<16xi32>, vector<16xi32>], vector<16xf32>,
        %broadcast_in_dim3A_1183 = arith.constant 45 : i32
        %broadcast_in_dim3A_1184 = vector.broadcast %broadcast_in_dim3A_1183 : i32 to vector<16xi32>
        %gather3A_1185 = tpu.vector_load_idx %arg17[%add3A_176, %broadcast_in_dim3A_1184] : memref<64x128xf32, #tpu.memory_space<vmem>>[vector<16xi32>, vector<16xi32>], vector<16xf32>,
        %mul3A_1186 = arith.mulf %gather3A_1185, %exp3A_975 : vector<16xf32>
        tpu.vector_store_idx %arg17[%add3A_176, %broadcast_in_dim3A_1184], %mul3A_1186 : memref<64x128xf32, #tpu.memory_space<vmem>>[vector<16xi32>, vector<16xi32>], vector<16xf32>,
        %broadcast_in_dim3A_1187 = arith.constant 46 : i32
        %broadcast_in_dim3A_1188 = vector.broadcast %broadcast_in_dim3A_1187 : i32 to vector<16xi32>
        %gather3A_1189 = tpu.vector_load_idx %arg17[%add3A_176, %broadcast_in_dim3A_1188] : memref<64x128xf32, #tpu.memory_space<vmem>>[vector<16xi32>, vector<16xi32>], vector<16xf32>,
        %mul3A_1190 = arith.mulf %gather3A_1189, %exp3A_975 : vector<16xf32>
        tpu.vector_store_idx %arg17[%add3A_176, %broadcast_in_dim3A_1188], %mul3A_1190 : memref<64x128xf32, #tpu.memory_space<vmem>>[vector<16xi32>, vector<16xi32>], vector<16xf32>,
        %broadcast_in_dim3A_1191 = arith.constant 47 : i32
        %broadcast_in_dim3A_1192 = vector.broadcast %broadcast_in_dim3A_1191 : i32 to vector<16xi32>
        %gather3A_1193 = tpu.vector_load_idx %arg17[%add3A_176, %broadcast_in_dim3A_1192] : memref<64x128xf32, #tpu.memory_space<vmem>>[vector<16xi32>, vector<16xi32>], vector<16xf32>,
        %mul3A_1194 = arith.mulf %gather3A_1193, %exp3A_975 : vector<16xf32>
        tpu.vector_store_idx %arg17[%add3A_176, %broadcast_in_dim3A_1192], %mul3A_1194 : memref<64x128xf32, #tpu.memory_space<vmem>>[vector<16xi32>, vector<16xi32>], vector<16xf32>,
        %broadcast_in_dim3A_1195 = arith.constant 48 : i32
        %broadcast_in_dim3A_1196 = vector.broadcast %broadcast_in_dim3A_1195 : i32 to vector<16xi32>
        %gather3A_1197 = tpu.vector_load_idx %arg17[%add3A_176, %broadcast_in_dim3A_1196] : memref<64x128xf32, #tpu.memory_space<vmem>>[vector<16xi32>, vector<16xi32>], vector<16xf32>,
        %mul3A_1198 = arith.mulf %gather3A_1197, %exp3A_975 : vector<16xf32>
        tpu.vector_store_idx %arg17[%add3A_176, %broadcast_in_dim3A_1196], %mul3A_1198 : memref<64x128xf32, #tpu.memory_space<vmem>>[vector<16xi32>, vector<16xi32>], vector<16xf32>,
        %broadcast_in_dim3A_1199 = arith.constant 49 : i32
        %broadcast_in_dim3A_1200 = vector.broadcast %broadcast_in_dim3A_1199 : i32 to vector<16xi32>
        %gather3A_1201 = tpu.vector_load_idx %arg17[%add3A_176, %broadcast_in_dim3A_1200] : memref<64x128xf32, #tpu.memory_space<vmem>>[vector<16xi32>, vector<16xi32>], vector<16xf32>,
        %mul3A_1202 = arith.mulf %gather3A_1201, %exp3A_975 : vector<16xf32>
        tpu.vector_store_idx %arg17[%add3A_176, %broadcast_in_dim3A_1200], %mul3A_1202 : memref<64x128xf32, #tpu.memory_space<vmem>>[vector<16xi32>, vector<16xi32>], vector<16xf32>,
        %broadcast_in_dim3A_1203 = arith.constant 50 : i32
        %broadcast_in_dim3A_1204 = vector.broadcast %broadcast_in_dim3A_1203 : i32 to vector<16xi32>
        %gather3A_1205 = tpu.vector_load_idx %arg17[%add3A_176, %broadcast_in_dim3A_1204] : memref<64x128xf32, #tpu.memory_space<vmem>>[vector<16xi32>, vector<16xi32>], vector<16xf32>,
        %mul3A_1206 = arith.mulf %gather3A_1205, %exp3A_975 : vector<16xf32>
        tpu.vector_store_idx %arg17[%add3A_176, %broadcast_in_dim3A_1204], %mul3A_1206 : memref<64x128xf32, #tpu.memory_space<vmem>>[vector<16xi32>, vector<16xi32>], vector<16xf32>,
        %broadcast_in_dim3A_1207 = arith.constant 51 : i32
        %broadcast_in_dim3A_1208 = vector.broadcast %broadcast_in_dim3A_1207 : i32 to vector<16xi32>
        %gather3A_1209 = tpu.vector_load_idx %arg17[%add3A_176, %broadcast_in_dim3A_1208] : memref<64x128xf32, #tpu.memory_space<vmem>>[vector<16xi32>, vector<16xi32>], vector<16xf32>,
        %mul3A_1210 = arith.mulf %gather3A_1209, %exp3A_975 : vector<16xf32>
        tpu.vector_store_idx %arg17[%add3A_176, %broadcast_in_dim3A_1208], %mul3A_1210 : memref<64x128xf32, #tpu.memory_space<vmem>>[vector<16xi32>, vector<16xi32>], vector<16xf32>,
        %broadcast_in_dim3A_1211 = arith.constant 52 : i32
        %broadcast_in_dim3A_1212 = vector.broadcast %broadcast_in_dim3A_1211 : i32 to vector<16xi32>
        %gather3A_1213 = tpu.vector_load_idx %arg17[%add3A_176, %broadcast_in_dim3A_1212] : memref<64x128xf32, #tpu.memory_space<vmem>>[vector<16xi32>, vector<16xi32>], vector<16xf32>,
        %mul3A_1214 = arith.mulf %gather3A_1213, %exp3A_975 : vector<16xf32>
        tpu.vector_store_idx %arg17[%add3A_176, %broadcast_in_dim3A_1212], %mul3A_1214 : memref<64x128xf32, #tpu.memory_space<vmem>>[vector<16xi32>, vector<16xi32>], vector<16xf32>,
        %broadcast_in_dim3A_1215 = arith.constant 53 : i32
        %broadcast_in_dim3A_1216 = vector.broadcast %broadcast_in_dim3A_1215 : i32 to vector<16xi32>
        %gather3A_1217 = tpu.vector_load_idx %arg17[%add3A_176, %broadcast_in_dim3A_1216] : memref<64x128xf32, #tpu.memory_space<vmem>>[vector<16xi32>, vector<16xi32>], vector<16xf32>,
        %mul3A_1218 = arith.mulf %gather3A_1217, %exp3A_975 : vector<16xf32>
        tpu.vector_store_idx %arg17[%add3A_176, %broadcast_in_dim3A_1216], %mul3A_1218 : memref<64x128xf32, #tpu.memory_space<vmem>>[vector<16xi32>, vector<16xi32>], vector<16xf32>,
        %broadcast_in_dim3A_1219 = arith.constant 54 : i32
        %broadcast_in_dim3A_1220 = vector.broadcast %broadcast_in_dim3A_1219 : i32 to vector<16xi32>
        %gather3A_1221 = tpu.vector_load_idx %arg17[%add3A_176, %broadcast_in_dim3A_1220] : memref<64x128xf32, #tpu.memory_space<vmem>>[vector<16xi32>, vector<16xi32>], vector<16xf32>,
        %mul3A_1222 = arith.mulf %gather3A_1221, %exp3A_975 : vector<16xf32>
        tpu.vector_store_idx %arg17[%add3A_176, %broadcast_in_dim3A_1220], %mul3A_1222 : memref<64x128xf32, #tpu.memory_space<vmem>>[vector<16xi32>, vector<16xi32>], vector<16xf32>,
        %broadcast_in_dim3A_1223 = arith.constant 55 : i32
        %broadcast_in_dim3A_1224 = vector.broadcast %broadcast_in_dim3A_1223 : i32 to vector<16xi32>
        %gather3A_1225 = tpu.vector_load_idx %arg17[%add3A_176, %broadcast_in_dim3A_1224] : memref<64x128xf32, #tpu.memory_space<vmem>>[vector<16xi32>, vector<16xi32>], vector<16xf32>,
        %mul3A_1226 = arith.mulf %gather3A_1225, %exp3A_975 : vector<16xf32>
        tpu.vector_store_idx %arg17[%add3A_176, %broadcast_in_dim3A_1224], %mul3A_1226 : memref<64x128xf32, #tpu.memory_space<vmem>>[vector<16xi32>, vector<16xi32>], vector<16xf32>,
        %broadcast_in_dim3A_1227 = arith.constant 56 : i32
        %broadcast_in_dim3A_1228 = vector.broadcast %broadcast_in_dim3A_1227 : i32 to vector<16xi32>
        %gather3A_1229 = tpu.vector_load_idx %arg17[%add3A_176, %broadcast_in_dim3A_1228] : memref<64x128xf32, #tpu.memory_space<vmem>>[vector<16xi32>, vector<16xi32>], vector<16xf32>,
        %mul3A_1230 = arith.mulf %gather3A_1229, %exp3A_975 : vector<16xf32>
        tpu.vector_store_idx %arg17[%add3A_176, %broadcast_in_dim3A_1228], %mul3A_1230 : memref<64x128xf32, #tpu.memory_space<vmem>>[vector<16xi32>, vector<16xi32>], vector<16xf32>,
        %broadcast_in_dim3A_1231 = arith.constant 57 : i32
        %broadcast_in_dim3A_1232 = vector.broadcast %broadcast_in_dim3A_1231 : i32 to vector<16xi32>
        %gather3A_1233 = tpu.vector_load_idx %arg17[%add3A_176, %broadcast_in_dim3A_1232] : memref<64x128xf32, #tpu.memory_space<vmem>>[vector<16xi32>, vector<16xi32>], vector<16xf32>,
        %mul3A_1234 = arith.mulf %gather3A_1233, %exp3A_975 : vector<16xf32>
        tpu.vector_store_idx %arg17[%add3A_176, %broadcast_in_dim3A_1232], %mul3A_1234 : memref<64x128xf32, #tpu.memory_space<vmem>>[vector<16xi32>, vector<16xi32>], vector<16xf32>,
        %broadcast_in_dim3A_1235 = arith.constant 58 : i32
        %broadcast_in_dim3A_1236 = vector.broadcast %broadcast_in_dim3A_1235 : i32 to vector<16xi32>
        %gather3A_1237 = tpu.vector_load_idx %arg17[%add3A_176, %broadcast_in_dim3A_1236] : memref<64x128xf32, #tpu.memory_space<vmem>>[vector<16xi32>, vector<16xi32>], vector<16xf32>,
        %mul3A_1238 = arith.mulf %gather3A_1237, %exp3A_975 : vector<16xf32>
        tpu.vector_store_idx %arg17[%add3A_176, %broadcast_in_dim3A_1236], %mul3A_1238 : memref<64x128xf32, #tpu.memory_space<vmem>>[vector<16xi32>, vector<16xi32>], vector<16xf32>,
        %broadcast_in_dim3A_1239 = arith.constant 59 : i32
        %broadcast_in_dim3A_1240 = vector.broadcast %broadcast_in_dim3A_1239 : i32 to vector<16xi32>
        %gather3A_1241 = tpu.vector_load_idx %arg17[%add3A_176, %broadcast_in_dim3A_1240] : memref<64x128xf32, #tpu.memory_space<vmem>>[vector<16xi32>, vector<16xi32>], vector<16xf32>,
        %mul3A_1242 = arith.mulf %gather3A_1241, %exp3A_975 : vector<16xf32>
        tpu.vector_store_idx %arg17[%add3A_176, %broadcast_in_dim3A_1240], %mul3A_1242 : memref<64x128xf32, #tpu.memory_space<vmem>>[vector<16xi32>, vector<16xi32>], vector<16xf32>,
        %broadcast_in_dim3A_1243 = arith.constant 60 : i32
        %broadcast_in_dim3A_1244 = vector.broadcast %broadcast_in_dim3A_1243 : i32 to vector<16xi32>
        %gather3A_1245 = tpu.vector_load_idx %arg17[%add3A_176, %broadcast_in_dim3A_1244] : memref<64x128xf32, #tpu.memory_space<vmem>>[vector<16xi32>, vector<16xi32>], vector<16xf32>,
        %mul3A_1246 = arith.mulf %gather3A_1245, %exp3A_975 : vector<16xf32>
        tpu.vector_store_idx %arg17[%add3A_176, %broadcast_in_dim3A_1244], %mul3A_1246 : memref<64x128xf32, #tpu.memory_space<vmem>>[vector<16xi32>, vector<16xi32>], vector<16xf32>,
        %broadcast_in_dim3A_1247 = arith.constant 61 : i32
        %broadcast_in_dim3A_1248 = vector.broadcast %broadcast_in_dim3A_1247 : i32 to vector<16xi32>
        %gather3A_1249 = tpu.vector_load_idx %arg17[%add3A_176, %broadcast_in_dim3A_1248] : memref<64x128xf32, #tpu.memory_space<vmem>>[vector<16xi32>, vector<16xi32>], vector<16xf32>,
        %mul3A_1250 = arith.mulf %gather3A_1249, %exp3A_975 : vector<16xf32>
        tpu.vector_store_idx %arg17[%add3A_176, %broadcast_in_dim3A_1248], %mul3A_1250 : memref<64x128xf32, #tpu.memory_space<vmem>>[vector<16xi32>, vector<16xi32>], vector<16xf32>,
        %broadcast_in_dim3A_1251 = arith.constant 62 : i32
        %broadcast_in_dim3A_1252 = vector.broadcast %broadcast_in_dim3A_1251 : i32 to vector<16xi32>
        %gather3A_1253 = tpu.vector_load_idx %arg17[%add3A_176, %broadcast_in_dim3A_1252] : memref<64x128xf32, #tpu.memory_space<vmem>>[vector<16xi32>, vector<16xi32>], vector<16xf32>,
        %mul3A_1254 = arith.mulf %gather3A_1253, %exp3A_975 : vector<16xf32>
        tpu.vector_store_idx %arg17[%add3A_176, %broadcast_in_dim3A_1252], %mul3A_1254 : memref<64x128xf32, #tpu.memory_space<vmem>>[vector<16xi32>, vector<16xi32>], vector<16xf32>,
        %broadcast_in_dim3A_1255 = arith.constant 63 : i32
        %broadcast_in_dim3A_1256 = vector.broadcast %broadcast_in_dim3A_1255 : i32 to vector<16xi32>
        %gather3A_1257 = tpu.vector_load_idx %arg17[%add3A_176, %broadcast_in_dim3A_1256] : memref<64x128xf32, #tpu.memory_space<vmem>>[vector<16xi32>, vector<16xi32>], vector<16xf32>,
        %mul3A_1258 = arith.mulf %gather3A_1257, %exp3A_975 : vector<16xf32>
        tpu.vector_store_idx %arg17[%add3A_176, %broadcast_in_dim3A_1256], %mul3A_1258 : memref<64x128xf32, #tpu.memory_space<vmem>>[vector<16xi32>, vector<16xi32>], vector<16xf32>,
        %broadcast_in_dim3A_1259 = arith.constant 64 : i32
        %broadcast_in_dim3A_1260 = vector.broadcast %broadcast_in_dim3A_1259 : i32 to vector<16xi32>
        %gather3A_1261 = tpu.vector_load_idx %arg17[%add3A_176, %broadcast_in_dim3A_1260] : memref<64x128xf32, #tpu.memory_space<vmem>>[vector<16xi32>, vector<16xi32>], vector<16xf32>,
        %mul3A_1262 = arith.mulf %gather3A_1261, %exp3A_987 : vector<16xf32>
        tpu.vector_store_idx %arg17[%add3A_176, %broadcast_in_dim3A_1260], %mul3A_1262 : memref<64x128xf32, #tpu.memory_space<vmem>>[vector<16xi32>, vector<16xi32>], vector<16xf32>,
        %broadcast_in_dim3A_1263 = arith.constant 65 : i32
        %broadcast_in_dim3A_1264 = vector.broadcast %broadcast_in_dim3A_1263 : i32 to vector<16xi32>
        %gather3A_1265 = tpu.vector_load_idx %arg17[%add3A_176, %broadcast_in_dim3A_1264] : memref<64x128xf32, #tpu.memory_space<vmem>>[vector<16xi32>, vector<16xi32>], vector<16xf32>,
        %mul3A_1266 = arith.mulf %gather3A_1265, %exp3A_987 : vector<16xf32>
        tpu.vector_store_idx %arg17[%add3A_176, %broadcast_in_dim3A_1264], %mul3A_1266 : memref<64x128xf32, #tpu.memory_space<vmem>>[vector<16xi32>, vector<16xi32>], vector<16xf32>,
        %broadcast_in_dim3A_1267 = arith.constant 66 : i32
        %broadcast_in_dim3A_1268 = vector.broadcast %broadcast_in_dim3A_1267 : i32 to vector<16xi32>
        %gather3A_1269 = tpu.vector_load_idx %arg17[%add3A_176, %broadcast_in_dim3A_1268] : memref<64x128xf32, #tpu.memory_space<vmem>>[vector<16xi32>, vector<16xi32>], vector<16xf32>,
        %mul3A_1270 = arith.mulf %gather3A_1269, %exp3A_987 : vector<16xf32>
        tpu.vector_store_idx %arg17[%add3A_176, %broadcast_in_dim3A_1268], %mul3A_1270 : memref<64x128xf32, #tpu.memory_space<vmem>>[vector<16xi32>, vector<16xi32>], vector<16xf32>,
        %broadcast_in_dim3A_1271 = arith.constant 67 : i32
        %broadcast_in_dim3A_1272 = vector.broadcast %broadcast_in_dim3A_1271 : i32 to vector<16xi32>
        %gather3A_1273 = tpu.vector_load_idx %arg17[%add3A_176, %broadcast_in_dim3A_1272] : memref<64x128xf32, #tpu.memory_space<vmem>>[vector<16xi32>, vector<16xi32>], vector<16xf32>,
        %mul3A_1274 = arith.mulf %gather3A_1273, %exp3A_987 : vector<16xf32>
        tpu.vector_store_idx %arg17[%add3A_176, %broadcast_in_dim3A_1272], %mul3A_1274 : memref<64x128xf32, #tpu.memory_space<vmem>>[vector<16xi32>, vector<16xi32>], vector<16xf32>,
        %broadcast_in_dim3A_1275 = arith.constant 68 : i32
        %broadcast_in_dim3A_1276 = vector.broadcast %broadcast_in_dim3A_1275 : i32 to vector<16xi32>
        %gather3A_1277 = tpu.vector_load_idx %arg17[%add3A_176, %broadcast_in_dim3A_1276] : memref<64x128xf32, #tpu.memory_space<vmem>>[vector<16xi32>, vector<16xi32>], vector<16xf32>,
        %mul3A_1278 = arith.mulf %gather3A_1277, %exp3A_987 : vector<16xf32>
        tpu.vector_store_idx %arg17[%add3A_176, %broadcast_in_dim3A_1276], %mul3A_1278 : memref<64x128xf32, #tpu.memory_space<vmem>>[vector<16xi32>, vector<16xi32>], vector<16xf32>,
        %broadcast_in_dim3A_1279 = arith.constant 69 : i32
        %broadcast_in_dim3A_1280 = vector.broadcast %broadcast_in_dim3A_1279 : i32 to vector<16xi32>
        %gather3A_1281 = tpu.vector_load_idx %arg17[%add3A_176, %broadcast_in_dim3A_1280] : memref<64x128xf32, #tpu.memory_space<vmem>>[vector<16xi32>, vector<16xi32>], vector<16xf32>,
        %mul3A_1282 = arith.mulf %gather3A_1281, %exp3A_987 : vector<16xf32>
        tpu.vector_store_idx %arg17[%add3A_176, %broadcast_in_dim3A_1280], %mul3A_1282 : memref<64x128xf32, #tpu.memory_space<vmem>>[vector<16xi32>, vector<16xi32>], vector<16xf32>,
        %broadcast_in_dim3A_1283 = arith.constant 70 : i32
        %broadcast_in_dim3A_1284 = vector.broadcast %broadcast_in_dim3A_1283 : i32 to vector<16xi32>
        %gather3A_1285 = tpu.vector_load_idx %arg17[%add3A_176, %broadcast_in_dim3A_1284] : memref<64x128xf32, #tpu.memory_space<vmem>>[vector<16xi32>, vector<16xi32>], vector<16xf32>,
        %mul3A_1286 = arith.mulf %gather3A_1285, %exp3A_987 : vector<16xf32>
        tpu.vector_store_idx %arg17[%add3A_176, %broadcast_in_dim3A_1284], %mul3A_1286 : memref<64x128xf32, #tpu.memory_space<vmem>>[vector<16xi32>, vector<16xi32>], vector<16xf32>,
        %broadcast_in_dim3A_1287 = arith.constant 71 : i32
        %broadcast_in_dim3A_1288 = vector.broadcast %broadcast_in_dim3A_1287 : i32 to vector<16xi32>
        %gather3A_1289 = tpu.vector_load_idx %arg17[%add3A_176, %broadcast_in_dim3A_1288] : memref<64x128xf32, #tpu.memory_space<vmem>>[vector<16xi32>, vector<16xi32>], vector<16xf32>,
        %mul3A_1290 = arith.mulf %gather3A_1289, %exp3A_987 : vector<16xf32>
        tpu.vector_store_idx %arg17[%add3A_176, %broadcast_in_dim3A_1288], %mul3A_1290 : memref<64x128xf32, #tpu.memory_space<vmem>>[vector<16xi32>, vector<16xi32>], vector<16xf32>,
        %broadcast_in_dim3A_1291 = arith.constant 72 : i32
        %broadcast_in_dim3A_1292 = vector.broadcast %broadcast_in_dim3A_1291 : i32 to vector<16xi32>
        %gather3A_1293 = tpu.vector_load_idx %arg17[%add3A_176, %broadcast_in_dim3A_1292] : memref<64x128xf32, #tpu.memory_space<vmem>>[vector<16xi32>, vector<16xi32>], vector<16xf32>,
        %mul3A_1294 = arith.mulf %gather3A_1293, %exp3A_987 : vector<16xf32>
        tpu.vector_store_idx %arg17[%add3A_176, %broadcast_in_dim3A_1292], %mul3A_1294 : memref<64x128xf32, #tpu.memory_space<vmem>>[vector<16xi32>, vector<16xi32>], vector<16xf32>,
        %broadcast_in_dim3A_1295 = arith.constant 73 : i32
        %broadcast_in_dim3A_1296 = vector.broadcast %broadcast_in_dim3A_1295 : i32 to vector<16xi32>
        %gather3A_1297 = tpu.vector_load_idx %arg17[%add3A_176, %broadcast_in_dim3A_1296] : memref<64x128xf32, #tpu.memory_space<vmem>>[vector<16xi32>, vector<16xi32>], vector<16xf32>,
        %mul3A_1298 = arith.mulf %gather3A_1297, %exp3A_987 : vector<16xf32>
        tpu.vector_store_idx %arg17[%add3A_176, %broadcast_in_dim3A_1296], %mul3A_1298 : memref<64x128xf32, #tpu.memory_space<vmem>>[vector<16xi32>, vector<16xi32>], vector<16xf32>,
        %broadcast_in_dim3A_1299 = arith.constant 74 : i32
        %broadcast_in_dim3A_1300 = vector.broadcast %broadcast_in_dim3A_1299 : i32 to vector<16xi32>
        %gather3A_1301 = tpu.vector_load_idx %arg17[%add3A_176, %broadcast_in_dim3A_1300] : memref<64x128xf32, #tpu.memory_space<vmem>>[vector<16xi32>, vector<16xi32>], vector<16xf32>,
        %mul3A_1302 = arith.mulf %gather3A_1301, %exp3A_987 : vector<16xf32>
        tpu.vector_store_idx %arg17[%add3A_176, %broadcast_in_dim3A_1300], %mul3A_1302 : memref<64x128xf32, #tpu.memory_space<vmem>>[vector<16xi32>, vector<16xi32>], vector<16xf32>,
        %broadcast_in_dim3A_1303 = arith.constant 75 : i32
        %broadcast_in_dim3A_1304 = vector.broadcast %broadcast_in_dim3A_1303 : i32 to vector<16xi32>
        %gather3A_1305 = tpu.vector_load_idx %arg17[%add3A_176, %broadcast_in_dim3A_1304] : memref<64x128xf32, #tpu.memory_space<vmem>>[vector<16xi32>, vector<16xi32>], vector<16xf32>,
        %mul3A_1306 = arith.mulf %gather3A_1305, %exp3A_987 : vector<16xf32>
        tpu.vector_store_idx %arg17[%add3A_176, %broadcast_in_dim3A_1304], %mul3A_1306 : memref<64x128xf32, #tpu.memory_space<vmem>>[vector<16xi32>, vector<16xi32>], vector<16xf32>,
        %broadcast_in_dim3A_1307 = arith.constant 76 : i32
        %broadcast_in_dim3A_1308 = vector.broadcast %broadcast_in_dim3A_1307 : i32 to vector<16xi32>
        %gather3A_1309 = tpu.vector_load_idx %arg17[%add3A_176, %broadcast_in_dim3A_1308] : memref<64x128xf32, #tpu.memory_space<vmem>>[vector<16xi32>, vector<16xi32>], vector<16xf32>,
        %mul3A_1310 = arith.mulf %gather3A_1309, %exp3A_987 : vector<16xf32>
        tpu.vector_store_idx %arg17[%add3A_176, %broadcast_in_dim3A_1308], %mul3A_1310 : memref<64x128xf32, #tpu.memory_space<vmem>>[vector<16xi32>, vector<16xi32>], vector<16xf32>,
        %broadcast_in_dim3A_1311 = arith.constant 77 : i32
        %broadcast_in_dim3A_1312 = vector.broadcast %broadcast_in_dim3A_1311 : i32 to vector<16xi32>
        %gather3A_1313 = tpu.vector_load_idx %arg17[%add3A_176, %broadcast_in_dim3A_1312] : memref<64x128xf32, #tpu.memory_space<vmem>>[vector<16xi32>, vector<16xi32>], vector<16xf32>,
        %mul3A_1314 = arith.mulf %gather3A_1313, %exp3A_987 : vector<16xf32>
        tpu.vector_store_idx %arg17[%add3A_176, %broadcast_in_dim3A_1312], %mul3A_1314 : memref<64x128xf32, #tpu.memory_space<vmem>>[vector<16xi32>, vector<16xi32>], vector<16xf32>,
        %broadcast_in_dim3A_1315 = arith.constant 78 : i32
        %broadcast_in_dim3A_1316 = vector.broadcast %broadcast_in_dim3A_1315 : i32 to vector<16xi32>
        %gather3A_1317 = tpu.vector_load_idx %arg17[%add3A_176, %broadcast_in_dim3A_1316] : memref<64x128xf32, #tpu.memory_space<vmem>>[vector<16xi32>, vector<16xi32>], vector<16xf32>,
        %mul3A_1318 = arith.mulf %gather3A_1317, %exp3A_987 : vector<16xf32>
        tpu.vector_store_idx %arg17[%add3A_176, %broadcast_in_dim3A_1316], %mul3A_1318 : memref<64x128xf32, #tpu.memory_space<vmem>>[vector<16xi32>, vector<16xi32>], vector<16xf32>,
        %broadcast_in_dim3A_1319 = arith.constant 79 : i32
        %broadcast_in_dim3A_1320 = vector.broadcast %broadcast_in_dim3A_1319 : i32 to vector<16xi32>
        %gather3A_1321 = tpu.vector_load_idx %arg17[%add3A_176, %broadcast_in_dim3A_1320] : memref<64x128xf32, #tpu.memory_space<vmem>>[vector<16xi32>, vector<16xi32>], vector<16xf32>,
        %mul3A_1322 = arith.mulf %gather3A_1321, %exp3A_987 : vector<16xf32>
        tpu.vector_store_idx %arg17[%add3A_176, %broadcast_in_dim3A_1320], %mul3A_1322 : memref<64x128xf32, #tpu.memory_space<vmem>>[vector<16xi32>, vector<16xi32>], vector<16xf32>,
        %broadcast_in_dim3A_1323 = arith.constant 80 : i32
        %broadcast_in_dim3A_1324 = vector.broadcast %broadcast_in_dim3A_1323 : i32 to vector<16xi32>
        %gather3A_1325 = tpu.vector_load_idx %arg17[%add3A_176, %broadcast_in_dim3A_1324] : memref<64x128xf32, #tpu.memory_space<vmem>>[vector<16xi32>, vector<16xi32>], vector<16xf32>,
        %mul3A_1326 = arith.mulf %gather3A_1325, %exp3A_987 : vector<16xf32>
        tpu.vector_store_idx %arg17[%add3A_176, %broadcast_in_dim3A_1324], %mul3A_1326 : memref<64x128xf32, #tpu.memory_space<vmem>>[vector<16xi32>, vector<16xi32>], vector<16xf32>,
        %broadcast_in_dim3A_1327 = arith.constant 81 : i32
        %broadcast_in_dim3A_1328 = vector.broadcast %broadcast_in_dim3A_1327 : i32 to vector<16xi32>
        %gather3A_1329 = tpu.vector_load_idx %arg17[%add3A_176, %broadcast_in_dim3A_1328] : memref<64x128xf32, #tpu.memory_space<vmem>>[vector<16xi32>, vector<16xi32>], vector<16xf32>,
        %mul3A_1330 = arith.mulf %gather3A_1329, %exp3A_987 : vector<16xf32>
        tpu.vector_store_idx %arg17[%add3A_176, %broadcast_in_dim3A_1328], %mul3A_1330 : memref<64x128xf32, #tpu.memory_space<vmem>>[vector<16xi32>, vector<16xi32>], vector<16xf32>,
        %broadcast_in_dim3A_1331 = arith.constant 82 : i32
        %broadcast_in_dim3A_1332 = vector.broadcast %broadcast_in_dim3A_1331 : i32 to vector<16xi32>
        %gather3A_1333 = tpu.vector_load_idx %arg17[%add3A_176, %broadcast_in_dim3A_1332] : memref<64x128xf32, #tpu.memory_space<vmem>>[vector<16xi32>, vector<16xi32>], vector<16xf32>,
        %mul3A_1334 = arith.mulf %gather3A_1333, %exp3A_987 : vector<16xf32>
        tpu.vector_store_idx %arg17[%add3A_176, %broadcast_in_dim3A_1332], %mul3A_1334 : memref<64x128xf32, #tpu.memory_space<vmem>>[vector<16xi32>, vector<16xi32>], vector<16xf32>,
        %broadcast_in_dim3A_1335 = arith.constant 83 : i32
        %broadcast_in_dim3A_1336 = vector.broadcast %broadcast_in_dim3A_1335 : i32 to vector<16xi32>
        %gather3A_1337 = tpu.vector_load_idx %arg17[%add3A_176, %broadcast_in_dim3A_1336] : memref<64x128xf32, #tpu.memory_space<vmem>>[vector<16xi32>, vector<16xi32>], vector<16xf32>,
        %mul3A_1338 = arith.mulf %gather3A_1337, %exp3A_987 : vector<16xf32>
        tpu.vector_store_idx %arg17[%add3A_176, %broadcast_in_dim3A_1336], %mul3A_1338 : memref<64x128xf32, #tpu.memory_space<vmem>>[vector<16xi32>, vector<16xi32>], vector<16xf32>,
        %broadcast_in_dim3A_1339 = arith.constant 84 : i32
        %broadcast_in_dim3A_1340 = vector.broadcast %broadcast_in_dim3A_1339 : i32 to vector<16xi32>
        %gather3A_1341 = tpu.vector_load_idx %arg17[%add3A_176, %broadcast_in_dim3A_1340] : memref<64x128xf32, #tpu.memory_space<vmem>>[vector<16xi32>, vector<16xi32>], vector<16xf32>,
        %mul3A_1342 = arith.mulf %gather3A_1341, %exp3A_987 : vector<16xf32>
        tpu.vector_store_idx %arg17[%add3A_176, %broadcast_in_dim3A_1340], %mul3A_1342 : memref<64x128xf32, #tpu.memory_space<vmem>>[vector<16xi32>, vector<16xi32>], vector<16xf32>,
        %broadcast_in_dim3A_1343 = arith.constant 85 : i32
        %broadcast_in_dim3A_1344 = vector.broadcast %broadcast_in_dim3A_1343 : i32 to vector<16xi32>
        %gather3A_1345 = tpu.vector_load_idx %arg17[%add3A_176, %broadcast_in_dim3A_1344] : memref<64x128xf32, #tpu.memory_space<vmem>>[vector<16xi32>, vector<16xi32>], vector<16xf32>,
        %mul3A_1346 = arith.mulf %gather3A_1345, %exp3A_987 : vector<16xf32>
        tpu.vector_store_idx %arg17[%add3A_176, %broadcast_in_dim3A_1344], %mul3A_1346 : memref<64x128xf32, #tpu.memory_space<vmem>>[vector<16xi32>, vector<16xi32>], vector<16xf32>,
        %broadcast_in_dim3A_1347 = arith.constant 86 : i32
        %broadcast_in_dim3A_1348 = vector.broadcast %broadcast_in_dim3A_1347 : i32 to vector<16xi32>
        %gather3A_1349 = tpu.vector_load_idx %arg17[%add3A_176, %broadcast_in_dim3A_1348] : memref<64x128xf32, #tpu.memory_space<vmem>>[vector<16xi32>, vector<16xi32>], vector<16xf32>,
        %mul3A_1350 = arith.mulf %gather3A_1349, %exp3A_987 : vector<16xf32>
        tpu.vector_store_idx %arg17[%add3A_176, %broadcast_in_dim3A_1348], %mul3A_1350 : memref<64x128xf32, #tpu.memory_space<vmem>>[vector<16xi32>, vector<16xi32>], vector<16xf32>,
        %broadcast_in_dim3A_1351 = arith.constant 87 : i32
        %broadcast_in_dim3A_1352 = vector.broadcast %broadcast_in_dim3A_1351 : i32 to vector<16xi32>
        %gather3A_1353 = tpu.vector_load_idx %arg17[%add3A_176, %broadcast_in_dim3A_1352] : memref<64x128xf32, #tpu.memory_space<vmem>>[vector<16xi32>, vector<16xi32>], vector<16xf32>,
        %mul3A_1354 = arith.mulf %gather3A_1353, %exp3A_987 : vector<16xf32>
        tpu.vector_store_idx %arg17[%add3A_176, %broadcast_in_dim3A_1352], %mul3A_1354 : memref<64x128xf32, #tpu.memory_space<vmem>>[vector<16xi32>, vector<16xi32>], vector<16xf32>,
        %broadcast_in_dim3A_1355 = arith.constant 88 : i32
        %broadcast_in_dim3A_1356 = vector.broadcast %broadcast_in_dim3A_1355 : i32 to vector<16xi32>
        %gather3A_1357 = tpu.vector_load_idx %arg17[%add3A_176, %broadcast_in_dim3A_1356] : memref<64x128xf32, #tpu.memory_space<vmem>>[vector<16xi32>, vector<16xi32>], vector<16xf32>,
        %mul3A_1358 = arith.mulf %gather3A_1357, %exp3A_987 : vector<16xf32>
        tpu.vector_store_idx %arg17[%add3A_176, %broadcast_in_dim3A_1356], %mul3A_1358 : memref<64x128xf32, #tpu.memory_space<vmem>>[vector<16xi32>, vector<16xi32>], vector<16xf32>,
        %broadcast_in_dim3A_1359 = arith.constant 89 : i32
        %broadcast_in_dim3A_1360 = vector.broadcast %broadcast_in_dim3A_1359 : i32 to vector<16xi32>
        %gather3A_1361 = tpu.vector_load_idx %arg17[%add3A_176, %broadcast_in_dim3A_1360] : memref<64x128xf32, #tpu.memory_space<vmem>>[vector<16xi32>, vector<16xi32>], vector<16xf32>,
        %mul3A_1362 = arith.mulf %gather3A_1361, %exp3A_987 : vector<16xf32>
        tpu.vector_store_idx %arg17[%add3A_176, %broadcast_in_dim3A_1360], %mul3A_1362 : memref<64x128xf32, #tpu.memory_space<vmem>>[vector<16xi32>, vector<16xi32>], vector<16xf32>,
        %broadcast_in_dim3A_1363 = arith.constant 90 : i32
        %broadcast_in_dim3A_1364 = vector.broadcast %broadcast_in_dim3A_1363 : i32 to vector<16xi32>
        %gather3A_1365 = tpu.vector_load_idx %arg17[%add3A_176, %broadcast_in_dim3A_1364] : memref<64x128xf32, #tpu.memory_space<vmem>>[vector<16xi32>, vector<16xi32>], vector<16xf32>,
        %mul3A_1366 = arith.mulf %gather3A_1365, %exp3A_987 : vector<16xf32>
        tpu.vector_store_idx %arg17[%add3A_176, %broadcast_in_dim3A_1364], %mul3A_1366 : memref<64x128xf32, #tpu.memory_space<vmem>>[vector<16xi32>, vector<16xi32>], vector<16xf32>,
        %broadcast_in_dim3A_1367 = arith.constant 91 : i32
        %broadcast_in_dim3A_1368 = vector.broadcast %broadcast_in_dim3A_1367 : i32 to vector<16xi32>
        %gather3A_1369 = tpu.vector_load_idx %arg17[%add3A_176, %broadcast_in_dim3A_1368] : memref<64x128xf32, #tpu.memory_space<vmem>>[vector<16xi32>, vector<16xi32>], vector<16xf32>,
        %mul3A_1370 = arith.mulf %gather3A_1369, %exp3A_987 : vector<16xf32>
        tpu.vector_store_idx %arg17[%add3A_176, %broadcast_in_dim3A_1368], %mul3A_1370 : memref<64x128xf32, #tpu.memory_space<vmem>>[vector<16xi32>, vector<16xi32>], vector<16xf32>,
        %broadcast_in_dim3A_1371 = arith.constant 92 : i32
        %broadcast_in_dim3A_1372 = vector.broadcast %broadcast_in_dim3A_1371 : i32 to vector<16xi32>
        %gather3A_1373 = tpu.vector_load_idx %arg17[%add3A_176, %broadcast_in_dim3A_1372] : memref<64x128xf32, #tpu.memory_space<vmem>>[vector<16xi32>, vector<16xi32>], vector<16xf32>,
        %mul3A_1374 = arith.mulf %gather3A_1373, %exp3A_987 : vector<16xf32>
        tpu.vector_store_idx %arg17[%add3A_176, %broadcast_in_dim3A_1372], %mul3A_1374 : memref<64x128xf32, #tpu.memory_space<vmem>>[vector<16xi32>, vector<16xi32>], vector<16xf32>,
        %broadcast_in_dim3A_1375 = arith.constant 93 : i32
        %broadcast_in_dim3A_1376 = vector.broadcast %broadcast_in_dim3A_1375 : i32 to vector<16xi32>
        %gather3A_1377 = tpu.vector_load_idx %arg17[%add3A_176, %broadcast_in_dim3A_1376] : memref<64x128xf32, #tpu.memory_space<vmem>>[vector<16xi32>, vector<16xi32>], vector<16xf32>,
        %mul3A_1378 = arith.mulf %gather3A_1377, %exp3A_987 : vector<16xf32>
        tpu.vector_store_idx %arg17[%add3A_176, %broadcast_in_dim3A_1376], %mul3A_1378 : memref<64x128xf32, #tpu.memory_space<vmem>>[vector<16xi32>, vector<16xi32>], vector<16xf32>,
        %broadcast_in_dim3A_1379 = arith.constant 94 : i32
        %broadcast_in_dim3A_1380 = vector.broadcast %broadcast_in_dim3A_1379 : i32 to vector<16xi32>
        %gather3A_1381 = tpu.vector_load_idx %arg17[%add3A_176, %broadcast_in_dim3A_1380] : memref<64x128xf32, #tpu.memory_space<vmem>>[vector<16xi32>, vector<16xi32>], vector<16xf32>,
        %mul3A_1382 = arith.mulf %gather3A_1381, %exp3A_987 : vector<16xf32>
        tpu.vector_store_idx %arg17[%add3A_176, %broadcast_in_dim3A_1380], %mul3A_1382 : memref<64x128xf32, #tpu.memory_space<vmem>>[vector<16xi32>, vector<16xi32>], vector<16xf32>,
        %broadcast_in_dim3A_1383 = arith.constant 95 : i32
        %broadcast_in_dim3A_1384 = vector.broadcast %broadcast_in_dim3A_1383 : i32 to vector<16xi32>
        %gather3A_1385 = tpu.vector_load_idx %arg17[%add3A_176, %broadcast_in_dim3A_1384] : memref<64x128xf32, #tpu.memory_space<vmem>>[vector<16xi32>, vector<16xi32>], vector<16xf32>,
        %mul3A_1386 = arith.mulf %gather3A_1385, %exp3A_987 : vector<16xf32>
        tpu.vector_store_idx %arg17[%add3A_176, %broadcast_in_dim3A_1384], %mul3A_1386 : memref<64x128xf32, #tpu.memory_space<vmem>>[vector<16xi32>, vector<16xi32>], vector<16xf32>,
        %broadcast_in_dim3A_1387 = arith.constant 96 : i32
        %broadcast_in_dim3A_1388 = vector.broadcast %broadcast_in_dim3A_1387 : i32 to vector<16xi32>
        %gather3A_1389 = tpu.vector_load_idx %arg17[%add3A_176, %broadcast_in_dim3A_1388] : memref<64x128xf32, #tpu.memory_space<vmem>>[vector<16xi32>, vector<16xi32>], vector<16xf32>,
        %mul3A_1390 = arith.mulf %gather3A_1389, %exp3A_999 : vector<16xf32>
        tpu.vector_store_idx %arg17[%add3A_176, %broadcast_in_dim3A_1388], %mul3A_1390 : memref<64x128xf32, #tpu.memory_space<vmem>>[vector<16xi32>, vector<16xi32>], vector<16xf32>,
        %broadcast_in_dim3A_1391 = arith.constant 97 : i32
        %broadcast_in_dim3A_1392 = vector.broadcast %broadcast_in_dim3A_1391 : i32 to vector<16xi32>
        %gather3A_1393 = tpu.vector_load_idx %arg17[%add3A_176, %broadcast_in_dim3A_1392] : memref<64x128xf32, #tpu.memory_space<vmem>>[vector<16xi32>, vector<16xi32>], vector<16xf32>,
        %mul3A_1394 = arith.mulf %gather3A_1393, %exp3A_999 : vector<16xf32>
        tpu.vector_store_idx %arg17[%add3A_176, %broadcast_in_dim3A_1392], %mul3A_1394 : memref<64x128xf32, #tpu.memory_space<vmem>>[vector<16xi32>, vector<16xi32>], vector<16xf32>,
        %broadcast_in_dim3A_1395 = arith.constant 98 : i32
        %broadcast_in_dim3A_1396 = vector.broadcast %broadcast_in_dim3A_1395 : i32 to vector<16xi32>
        %gather3A_1397 = tpu.vector_load_idx %arg17[%add3A_176, %broadcast_in_dim3A_1396] : memref<64x128xf32, #tpu.memory_space<vmem>>[vector<16xi32>, vector<16xi32>], vector<16xf32>,
        %mul3A_1398 = arith.mulf %gather3A_1397, %exp3A_999 : vector<16xf32>
        tpu.vector_store_idx %arg17[%add3A_176, %broadcast_in_dim3A_1396], %mul3A_1398 : memref<64x128xf32, #tpu.memory_space<vmem>>[vector<16xi32>, vector<16xi32>], vector<16xf32>,
        %broadcast_in_dim3A_1399 = arith.constant 99 : i32
        %broadcast_in_dim3A_1400 = vector.broadcast %broadcast_in_dim3A_1399 : i32 to vector<16xi32>
        %gather3A_1401 = tpu.vector_load_idx %arg17[%add3A_176, %broadcast_in_dim3A_1400] : memref<64x128xf32, #tpu.memory_space<vmem>>[vector<16xi32>, vector<16xi32>], vector<16xf32>,
        %mul3A_1402 = arith.mulf %gather3A_1401, %exp3A_999 : vector<16xf32>
        tpu.vector_store_idx %arg17[%add3A_176, %broadcast_in_dim3A_1400], %mul3A_1402 : memref<64x128xf32, #tpu.memory_space<vmem>>[vector<16xi32>, vector<16xi32>], vector<16xf32>,
        %broadcast_in_dim3A_1403 = arith.constant 100 : i32
        %broadcast_in_dim3A_1404 = vector.broadcast %broadcast_in_dim3A_1403 : i32 to vector<16xi32>
        %gather3A_1405 = tpu.vector_load_idx %arg17[%add3A_176, %broadcast_in_dim3A_1404] : memref<64x128xf32, #tpu.memory_space<vmem>>[vector<16xi32>, vector<16xi32>], vector<16xf32>,
        %mul3A_1406 = arith.mulf %gather3A_1405, %exp3A_999 : vector<16xf32>
        tpu.vector_store_idx %arg17[%add3A_176, %broadcast_in_dim3A_1404], %mul3A_1406 : memref<64x128xf32, #tpu.memory_space<vmem>>[vector<16xi32>, vector<16xi32>], vector<16xf32>,
        %broadcast_in_dim3A_1407 = arith.constant 101 : i32
        %broadcast_in_dim3A_1408 = vector.broadcast %broadcast_in_dim3A_1407 : i32 to vector<16xi32>
        %gather3A_1409 = tpu.vector_load_idx %arg17[%add3A_176, %broadcast_in_dim3A_1408] : memref<64x128xf32, #tpu.memory_space<vmem>>[vector<16xi32>, vector<16xi32>], vector<16xf32>,
        %mul3A_1410 = arith.mulf %gather3A_1409, %exp3A_999 : vector<16xf32>
        tpu.vector_store_idx %arg17[%add3A_176, %broadcast_in_dim3A_1408], %mul3A_1410 : memref<64x128xf32, #tpu.memory_space<vmem>>[vector<16xi32>, vector<16xi32>], vector<16xf32>,
        %broadcast_in_dim3A_1411 = arith.constant 102 : i32
        %broadcast_in_dim3A_1412 = vector.broadcast %broadcast_in_dim3A_1411 : i32 to vector<16xi32>
        %gather3A_1413 = tpu.vector_load_idx %arg17[%add3A_176, %broadcast_in_dim3A_1412] : memref<64x128xf32, #tpu.memory_space<vmem>>[vector<16xi32>, vector<16xi32>], vector<16xf32>,
        %mul3A_1414 = arith.mulf %gather3A_1413, %exp3A_999 : vector<16xf32>
        tpu.vector_store_idx %arg17[%add3A_176, %broadcast_in_dim3A_1412], %mul3A_1414 : memref<64x128xf32, #tpu.memory_space<vmem>>[vector<16xi32>, vector<16xi32>], vector<16xf32>,
        %broadcast_in_dim3A_1415 = arith.constant 103 : i32
        %broadcast_in_dim3A_1416 = vector.broadcast %broadcast_in_dim3A_1415 : i32 to vector<16xi32>
        %gather3A_1417 = tpu.vector_load_idx %arg17[%add3A_176, %broadcast_in_dim3A_1416] : memref<64x128xf32, #tpu.memory_space<vmem>>[vector<16xi32>, vector<16xi32>], vector<16xf32>,
        %mul3A_1418 = arith.mulf %gather3A_1417, %exp3A_999 : vector<16xf32>
        tpu.vector_store_idx %arg17[%add3A_176, %broadcast_in_dim3A_1416], %mul3A_1418 : memref<64x128xf32, #tpu.memory_space<vmem>>[vector<16xi32>, vector<16xi32>], vector<16xf32>,
        %broadcast_in_dim3A_1419 = arith.constant 104 : i32
        %broadcast_in_dim3A_1420 = vector.broadcast %broadcast_in_dim3A_1419 : i32 to vector<16xi32>
        %gather3A_1421 = tpu.vector_load_idx %arg17[%add3A_176, %broadcast_in_dim3A_1420] : memref<64x128xf32, #tpu.memory_space<vmem>>[vector<16xi32>, vector<16xi32>], vector<16xf32>,
        %mul3A_1422 = arith.mulf %gather3A_1421, %exp3A_999 : vector<16xf32>
        tpu.vector_store_idx %arg17[%add3A_176, %broadcast_in_dim3A_1420], %mul3A_1422 : memref<64x128xf32, #tpu.memory_space<vmem>>[vector<16xi32>, vector<16xi32>], vector<16xf32>,
        %broadcast_in_dim3A_1423 = arith.constant 105 : i32
        %broadcast_in_dim3A_1424 = vector.broadcast %broadcast_in_dim3A_1423 : i32 to vector<16xi32>
        %gather3A_1425 = tpu.vector_load_idx %arg17[%add3A_176, %broadcast_in_dim3A_1424] : memref<64x128xf32, #tpu.memory_space<vmem>>[vector<16xi32>, vector<16xi32>], vector<16xf32>,
        %mul3A_1426 = arith.mulf %gather3A_1425, %exp3A_999 : vector<16xf32>
        tpu.vector_store_idx %arg17[%add3A_176, %broadcast_in_dim3A_1424], %mul3A_1426 : memref<64x128xf32, #tpu.memory_space<vmem>>[vector<16xi32>, vector<16xi32>], vector<16xf32>,
        %broadcast_in_dim3A_1427 = arith.constant 106 : i32
        %broadcast_in_dim3A_1428 = vector.broadcast %broadcast_in_dim3A_1427 : i32 to vector<16xi32>
        %gather3A_1429 = tpu.vector_load_idx %arg17[%add3A_176, %broadcast_in_dim3A_1428] : memref<64x128xf32, #tpu.memory_space<vmem>>[vector<16xi32>, vector<16xi32>], vector<16xf32>,
        %mul3A_1430 = arith.mulf %gather3A_1429, %exp3A_999 : vector<16xf32>
        tpu.vector_store_idx %arg17[%add3A_176, %broadcast_in_dim3A_1428], %mul3A_1430 : memref<64x128xf32, #tpu.memory_space<vmem>>[vector<16xi32>, vector<16xi32>], vector<16xf32>,
        %broadcast_in_dim3A_1431 = arith.constant 107 : i32
        %broadcast_in_dim3A_1432 = vector.broadcast %broadcast_in_dim3A_1431 : i32 to vector<16xi32>
        %gather3A_1433 = tpu.vector_load_idx %arg17[%add3A_176, %broadcast_in_dim3A_1432] : memref<64x128xf32, #tpu.memory_space<vmem>>[vector<16xi32>, vector<16xi32>], vector<16xf32>,
        %mul3A_1434 = arith.mulf %gather3A_1433, %exp3A_999 : vector<16xf32>
        tpu.vector_store_idx %arg17[%add3A_176, %broadcast_in_dim3A_1432], %mul3A_1434 : memref<64x128xf32, #tpu.memory_space<vmem>>[vector<16xi32>, vector<16xi32>], vector<16xf32>,
        %broadcast_in_dim3A_1435 = arith.constant 108 : i32
        %broadcast_in_dim3A_1436 = vector.broadcast %broadcast_in_dim3A_1435 : i32 to vector<16xi32>
        %gather3A_1437 = tpu.vector_load_idx %arg17[%add3A_176, %broadcast_in_dim3A_1436] : memref<64x128xf32, #tpu.memory_space<vmem>>[vector<16xi32>, vector<16xi32>], vector<16xf32>,
        %mul3A_1438 = arith.mulf %gather3A_1437, %exp3A_999 : vector<16xf32>
        tpu.vector_store_idx %arg17[%add3A_176, %broadcast_in_dim3A_1436], %mul3A_1438 : memref<64x128xf32, #tpu.memory_space<vmem>>[vector<16xi32>, vector<16xi32>], vector<16xf32>,
        %broadcast_in_dim3A_1439 = arith.constant 109 : i32
        %broadcast_in_dim3A_1440 = vector.broadcast %broadcast_in_dim3A_1439 : i32 to vector<16xi32>
        %gather3A_1441 = tpu.vector_load_idx %arg17[%add3A_176, %broadcast_in_dim3A_1440] : memref<64x128xf32, #tpu.memory_space<vmem>>[vector<16xi32>, vector<16xi32>], vector<16xf32>,
        %mul3A_1442 = arith.mulf %gather3A_1441, %exp3A_999 : vector<16xf32>
        tpu.vector_store_idx %arg17[%add3A_176, %broadcast_in_dim3A_1440], %mul3A_1442 : memref<64x128xf32, #tpu.memory_space<vmem>>[vector<16xi32>, vector<16xi32>], vector<16xf32>,
        %broadcast_in_dim3A_1443 = arith.constant 110 : i32
        %broadcast_in_dim3A_1444 = vector.broadcast %broadcast_in_dim3A_1443 : i32 to vector<16xi32>
        %gather3A_1445 = tpu.vector_load_idx %arg17[%add3A_176, %broadcast_in_dim3A_1444] : memref<64x128xf32, #tpu.memory_space<vmem>>[vector<16xi32>, vector<16xi32>], vector<16xf32>,
        %mul3A_1446 = arith.mulf %gather3A_1445, %exp3A_999 : vector<16xf32>
        tpu.vector_store_idx %arg17[%add3A_176, %broadcast_in_dim3A_1444], %mul3A_1446 : memref<64x128xf32, #tpu.memory_space<vmem>>[vector<16xi32>, vector<16xi32>], vector<16xf32>,
        %broadcast_in_dim3A_1447 = arith.constant 111 : i32
        %broadcast_in_dim3A_1448 = vector.broadcast %broadcast_in_dim3A_1447 : i32 to vector<16xi32>
        %gather3A_1449 = tpu.vector_load_idx %arg17[%add3A_176, %broadcast_in_dim3A_1448] : memref<64x128xf32, #tpu.memory_space<vmem>>[vector<16xi32>, vector<16xi32>], vector<16xf32>,
        %mul3A_1450 = arith.mulf %gather3A_1449, %exp3A_999 : vector<16xf32>
        tpu.vector_store_idx %arg17[%add3A_176, %broadcast_in_dim3A_1448], %mul3A_1450 : memref<64x128xf32, #tpu.memory_space<vmem>>[vector<16xi32>, vector<16xi32>], vector<16xf32>,
        %broadcast_in_dim3A_1451 = arith.constant 112 : i32
        %broadcast_in_dim3A_1452 = vector.broadcast %broadcast_in_dim3A_1451 : i32 to vector<16xi32>
        %gather3A_1453 = tpu.vector_load_idx %arg17[%add3A_176, %broadcast_in_dim3A_1452] : memref<64x128xf32, #tpu.memory_space<vmem>>[vector<16xi32>, vector<16xi32>], vector<16xf32>,
        %mul3A_1454 = arith.mulf %gather3A_1453, %exp3A_999 : vector<16xf32>
        tpu.vector_store_idx %arg17[%add3A_176, %broadcast_in_dim3A_1452], %mul3A_1454 : memref<64x128xf32, #tpu.memory_space<vmem>>[vector<16xi32>, vector<16xi32>], vector<16xf32>,
        %broadcast_in_dim3A_1455 = arith.constant 113 : i32
        %broadcast_in_dim3A_1456 = vector.broadcast %broadcast_in_dim3A_1455 : i32 to vector<16xi32>
        %gather3A_1457 = tpu.vector_load_idx %arg17[%add3A_176, %broadcast_in_dim3A_1456] : memref<64x128xf32, #tpu.memory_space<vmem>>[vector<16xi32>, vector<16xi32>], vector<16xf32>,
        %mul3A_1458 = arith.mulf %gather3A_1457, %exp3A_999 : vector<16xf32>
        tpu.vector_store_idx %arg17[%add3A_176, %broadcast_in_dim3A_1456], %mul3A_1458 : memref<64x128xf32, #tpu.memory_space<vmem>>[vector<16xi32>, vector<16xi32>], vector<16xf32>,
        %broadcast_in_dim3A_1459 = arith.constant 114 : i32
        %broadcast_in_dim3A_1460 = vector.broadcast %broadcast_in_dim3A_1459 : i32 to vector<16xi32>
        %gather3A_1461 = tpu.vector_load_idx %arg17[%add3A_176, %broadcast_in_dim3A_1460] : memref<64x128xf32, #tpu.memory_space<vmem>>[vector<16xi32>, vector<16xi32>], vector<16xf32>,
        %mul3A_1462 = arith.mulf %gather3A_1461, %exp3A_999 : vector<16xf32>
        tpu.vector_store_idx %arg17[%add3A_176, %broadcast_in_dim3A_1460], %mul3A_1462 : memref<64x128xf32, #tpu.memory_space<vmem>>[vector<16xi32>, vector<16xi32>], vector<16xf32>,
        %broadcast_in_dim3A_1463 = arith.constant 115 : i32
        %broadcast_in_dim3A_1464 = vector.broadcast %broadcast_in_dim3A_1463 : i32 to vector<16xi32>
        %gather3A_1465 = tpu.vector_load_idx %arg17[%add3A_176, %broadcast_in_dim3A_1464] : memref<64x128xf32, #tpu.memory_space<vmem>>[vector<16xi32>, vector<16xi32>], vector<16xf32>,
        %mul3A_1466 = arith.mulf %gather3A_1465, %exp3A_999 : vector<16xf32>
        tpu.vector_store_idx %arg17[%add3A_176, %broadcast_in_dim3A_1464], %mul3A_1466 : memref<64x128xf32, #tpu.memory_space<vmem>>[vector<16xi32>, vector<16xi32>], vector<16xf32>,
        %broadcast_in_dim3A_1467 = arith.constant 116 : i32
        %broadcast_in_dim3A_1468 = vector.broadcast %broadcast_in_dim3A_1467 : i32 to vector<16xi32>
        %gather3A_1469 = tpu.vector_load_idx %arg17[%add3A_176, %broadcast_in_dim3A_1468] : memref<64x128xf32, #tpu.memory_space<vmem>>[vector<16xi32>, vector<16xi32>], vector<16xf32>,
        %mul3A_1470 = arith.mulf %gather3A_1469, %exp3A_999 : vector<16xf32>
        tpu.vector_store_idx %arg17[%add3A_176, %broadcast_in_dim3A_1468], %mul3A_1470 : memref<64x128xf32, #tpu.memory_space<vmem>>[vector<16xi32>, vector<16xi32>], vector<16xf32>,
        %broadcast_in_dim3A_1471 = arith.constant 117 : i32
        %broadcast_in_dim3A_1472 = vector.broadcast %broadcast_in_dim3A_1471 : i32 to vector<16xi32>
        %gather3A_1473 = tpu.vector_load_idx %arg17[%add3A_176, %broadcast_in_dim3A_1472] : memref<64x128xf32, #tpu.memory_space<vmem>>[vector<16xi32>, vector<16xi32>], vector<16xf32>,
        %mul3A_1474 = arith.mulf %gather3A_1473, %exp3A_999 : vector<16xf32>
        tpu.vector_store_idx %arg17[%add3A_176, %broadcast_in_dim3A_1472], %mul3A_1474 : memref<64x128xf32, #tpu.memory_space<vmem>>[vector<16xi32>, vector<16xi32>], vector<16xf32>,
        %broadcast_in_dim3A_1475 = arith.constant 118 : i32
        %broadcast_in_dim3A_1476 = vector.broadcast %broadcast_in_dim3A_1475 : i32 to vector<16xi32>
        %gather3A_1477 = tpu.vector_load_idx %arg17[%add3A_176, %broadcast_in_dim3A_1476] : memref<64x128xf32, #tpu.memory_space<vmem>>[vector<16xi32>, vector<16xi32>], vector<16xf32>,
        %mul3A_1478 = arith.mulf %gather3A_1477, %exp3A_999 : vector<16xf32>
        tpu.vector_store_idx %arg17[%add3A_176, %broadcast_in_dim3A_1476], %mul3A_1478 : memref<64x128xf32, #tpu.memory_space<vmem>>[vector<16xi32>, vector<16xi32>], vector<16xf32>,
        %broadcast_in_dim3A_1479 = arith.constant 119 : i32
        %broadcast_in_dim3A_1480 = vector.broadcast %broadcast_in_dim3A_1479 : i32 to vector<16xi32>
        %gather3A_1481 = tpu.vector_load_idx %arg17[%add3A_176, %broadcast_in_dim3A_1480] : memref<64x128xf32, #tpu.memory_space<vmem>>[vector<16xi32>, vector<16xi32>], vector<16xf32>,
        %mul3A_1482 = arith.mulf %gather3A_1481, %exp3A_999 : vector<16xf32>
        tpu.vector_store_idx %arg17[%add3A_176, %broadcast_in_dim3A_1480], %mul3A_1482 : memref<64x128xf32, #tpu.memory_space<vmem>>[vector<16xi32>, vector<16xi32>], vector<16xf32>,
        %broadcast_in_dim3A_1483 = arith.constant 120 : i32
        %broadcast_in_dim3A_1484 = vector.broadcast %broadcast_in_dim3A_1483 : i32 to vector<16xi32>
        %gather3A_1485 = tpu.vector_load_idx %arg17[%add3A_176, %broadcast_in_dim3A_1484] : memref<64x128xf32, #tpu.memory_space<vmem>>[vector<16xi32>, vector<16xi32>], vector<16xf32>,
        %mul3A_1486 = arith.mulf %gather3A_1485, %exp3A_999 : vector<16xf32>
        tpu.vector_store_idx %arg17[%add3A_176, %broadcast_in_dim3A_1484], %mul3A_1486 : memref<64x128xf32, #tpu.memory_space<vmem>>[vector<16xi32>, vector<16xi32>], vector<16xf32>,
        %broadcast_in_dim3A_1487 = arith.constant 121 : i32
        %broadcast_in_dim3A_1488 = vector.broadcast %broadcast_in_dim3A_1487 : i32 to vector<16xi32>
        %gather3A_1489 = tpu.vector_load_idx %arg17[%add3A_176, %broadcast_in_dim3A_1488] : memref<64x128xf32, #tpu.memory_space<vmem>>[vector<16xi32>, vector<16xi32>], vector<16xf32>,
        %mul3A_1490 = arith.mulf %gather3A_1489, %exp3A_999 : vector<16xf32>
        tpu.vector_store_idx %arg17[%add3A_176, %broadcast_in_dim3A_1488], %mul3A_1490 : memref<64x128xf32, #tpu.memory_space<vmem>>[vector<16xi32>, vector<16xi32>], vector<16xf32>,
        %broadcast_in_dim3A_1491 = arith.constant 122 : i32
        %broadcast_in_dim3A_1492 = vector.broadcast %broadcast_in_dim3A_1491 : i32 to vector<16xi32>
        %gather3A_1493 = tpu.vector_load_idx %arg17[%add3A_176, %broadcast_in_dim3A_1492] : memref<64x128xf32, #tpu.memory_space<vmem>>[vector<16xi32>, vector<16xi32>], vector<16xf32>,
        %mul3A_1494 = arith.mulf %gather3A_1493, %exp3A_999 : vector<16xf32>
        tpu.vector_store_idx %arg17[%add3A_176, %broadcast_in_dim3A_1492], %mul3A_1494 : memref<64x128xf32, #tpu.memory_space<vmem>>[vector<16xi32>, vector<16xi32>], vector<16xf32>,
        %broadcast_in_dim3A_1495 = arith.constant 123 : i32
        %broadcast_in_dim3A_1496 = vector.broadcast %broadcast_in_dim3A_1495 : i32 to vector<16xi32>
        %gather3A_1497 = tpu.vector_load_idx %arg17[%add3A_176, %broadcast_in_dim3A_1496] : memref<64x128xf32, #tpu.memory_space<vmem>>[vector<16xi32>, vector<16xi32>], vector<16xf32>,
        %mul3A_1498 = arith.mulf %gather3A_1497, %exp3A_999 : vector<16xf32>
        tpu.vector_store_idx %arg17[%add3A_176, %broadcast_in_dim3A_1496], %mul3A_1498 : memref<64x128xf32, #tpu.memory_space<vmem>>[vector<16xi32>, vector<16xi32>], vector<16xf32>,
        %broadcast_in_dim3A_1499 = arith.constant 124 : i32
        %broadcast_in_dim3A_1500 = vector.broadcast %broadcast_in_dim3A_1499 : i32 to vector<16xi32>
        %gather3A_1501 = tpu.vector_load_idx %arg17[%add3A_176, %broadcast_in_dim3A_1500] : memref<64x128xf32, #tpu.memory_space<vmem>>[vector<16xi32>, vector<16xi32>], vector<16xf32>,
        %mul3A_1502 = arith.mulf %gather3A_1501, %exp3A_999 : vector<16xf32>
        tpu.vector_store_idx %arg17[%add3A_176, %broadcast_in_dim3A_1500], %mul3A_1502 : memref<64x128xf32, #tpu.memory_space<vmem>>[vector<16xi32>, vector<16xi32>], vector<16xf32>,
        %broadcast_in_dim3A_1503 = arith.constant 125 : i32
        %broadcast_in_dim3A_1504 = vector.broadcast %broadcast_in_dim3A_1503 : i32 to vector<16xi32>
        %gather3A_1505 = tpu.vector_load_idx %arg17[%add3A_176, %broadcast_in_dim3A_1504] : memref<64x128xf32, #tpu.memory_space<vmem>>[vector<16xi32>, vector<16xi32>], vector<16xf32>,
        %mul3A_1506 = arith.mulf %gather3A_1505, %exp3A_999 : vector<16xf32>
        tpu.vector_store_idx %arg17[%add3A_176, %broadcast_in_dim3A_1504], %mul3A_1506 : memref<64x128xf32, #tpu.memory_space<vmem>>[vector<16xi32>, vector<16xi32>], vector<16xf32>,
        %broadcast_in_dim3A_1507 = arith.constant 126 : i32
        %broadcast_in_dim3A_1508 = vector.broadcast %broadcast_in_dim3A_1507 : i32 to vector<16xi32>
        %gather3A_1509 = tpu.vector_load_idx %arg17[%add3A_176, %broadcast_in_dim3A_1508] : memref<64x128xf32, #tpu.memory_space<vmem>>[vector<16xi32>, vector<16xi32>], vector<16xf32>,
        %mul3A_1510 = arith.mulf %gather3A_1509, %exp3A_999 : vector<16xf32>
        tpu.vector_store_idx %arg17[%add3A_176, %broadcast_in_dim3A_1508], %mul3A_1510 : memref<64x128xf32, #tpu.memory_space<vmem>>[vector<16xi32>, vector<16xi32>], vector<16xf32>,
        %broadcast_in_dim3A_1511 = arith.constant 127 : i32
        %broadcast_in_dim3A_1512 = vector.broadcast %broadcast_in_dim3A_1511 : i32 to vector<16xi32>
        %gather3A_1513 = tpu.vector_load_idx %arg17[%add3A_176, %broadcast_in_dim3A_1512] : memref<64x128xf32, #tpu.memory_space<vmem>>[vector<16xi32>, vector<16xi32>], vector<16xf32>,
        %mul3A_1514 = arith.mulf %gather3A_1513, %exp3A_999 : vector<16xf32>
        tpu.vector_store_idx %arg17[%add3A_176, %broadcast_in_dim3A_1512], %mul3A_1514 : memref<64x128xf32, #tpu.memory_space<vmem>>[vector<16xi32>, vector<16xi32>], vector<16xf32>,
      }
      %scan3A_162 = arith.constant 4 : i32
      "tpu.region"() ({
        %run_scoped3A = tpu.sem_alloc : memref<!tpu.dma_semaphore, #tpu.memory_space<semaphore_mem>>
        %dma_start3A_168 = arith.constant 0 : i32
        %dma_start3A_169 = arith.constant 0 : i32
        %dma_start3A_170 = tpu.memref_slice %arg21[%dma_start3A_168, %dma_start3A_169] : memref<1280x128xf32, #tpu.memory_space<vmem_shared>> -> memref<1280x128xf32, #tpu.memory_space<vmem_shared>>
        tpu.enqueue_indirect_dma source(%arg18 : memref<64x128xf32, #tpu.memory_space<vmem>>) target(%dma_start3A_170 : memref<1280x128xf32, #tpu.memory_space<vmem_shared>>) offsets(%arg15 : memref<64xi32, #tpu.memory_space<vmem>>) semaphore(%run_scoped3A : memref<!tpu.dma_semaphore, #tpu.memory_space<semaphore_mem>>) {add = true}
        %dma_wait3A_171 = arith.constant 0 : i32
        %dma_wait3A_172 = arith.constant 0 : i32
        %dma_wait3A_173 = tpu.memref_slice %arg21[%dma_wait3A_171, %dma_wait3A_172] : memref<1280x128xf32, #tpu.memory_space<vmem_shared>> -> memref<1280x128xf32, #tpu.memory_space<vmem_shared>>
        tpu.wait_indirect_dma semaphore(%run_scoped3A : memref<!tpu.dma_semaphore, #tpu.memory_space<semaphore_mem>>) src(%arg18 : memref<64x128xf32, #tpu.memory_space<vmem>>) dst(%dma_wait3A_173 : memref<1280x128xf32, #tpu.memory_space<vmem_shared>>)
        tpu.yield
      }) : () -> ()
      "tpu.region"() ({
        %run_scoped3A = tpu.sem_alloc : memref<!tpu.dma_semaphore, #tpu.memory_space<semaphore_mem>>
        %dma_start3A_168 = arith.constant 0 : i32
        %dma_start3A_169 = arith.constant 0 : i32
        %dma_start3A_170 = tpu.memref_slice %arg20[%dma_start3A_168, %dma_start3A_169] : memref<10240x128xf32, #tpu.memory_space<vmem_shared>> -> memref<10240x128xf32, #tpu.memory_space<vmem_shared>>
        tpu.enqueue_indirect_dma source(%arg17 : memref<64x128xf32, #tpu.memory_space<vmem>>) target(%dma_start3A_170 : memref<10240x128xf32, #tpu.memory_space<vmem_shared>>) offsets(%arg12 : memref<64xi32, #tpu.memory_space<vmem>>) semaphore(%run_scoped3A : memref<!tpu.dma_semaphore, #tpu.memory_space<semaphore_mem>>) {add = true}
        %dma_wait3A_171 = arith.constant 0 : i32
        %dma_wait3A_172 = arith.constant 0 : i32
        %dma_wait3A_173 = tpu.memref_slice %arg20[%dma_wait3A_171, %dma_wait3A_172] : memref<10240x128xf32, #tpu.memory_space<vmem_shared>> -> memref<10240x128xf32, #tpu.memory_space<vmem_shared>>
        tpu.wait_indirect_dma semaphore(%run_scoped3A : memref<!tpu.dma_semaphore, #tpu.memory_space<semaphore_mem>>) src(%arg17 : memref<64x128xf32, #tpu.memory_space<vmem>>) dst(%dma_wait3A_173 : memref<10240x128xf32, #tpu.memory_space<vmem_shared>>)
        tpu.yield
      }) : () -> ()
      %scan3A_163 = arith.constant 0 : i32
      %scan3A_164 = arith.constant 4 : i32
      %scan3A_165 = arith.addi %scan3A_163, %scan3A_164 : i32
      %scan3A_166 = arith.constant 1 : i32
      scf.for %scan3A_168 = %scan3A_163 to %scan3A_165 step %scan3A_166  : i32 {
        %mul3A_169 = arith.constant 1 : i32
        %mul3A_170 = arith.muli %scan3A_168, %mul3A_169 : i32
        %add3A_171 = arith.constant 0 : i32
        %add3A_172 = arith.addi %add3A_171, %mul3A_170 : i32
        %mul3A_173 = arith.constant 16 : i32
        %mul3A_174 = arith.muli %add3A_172, %mul3A_173 : i32
        %add3A_175 = vector.broadcast %mul3A_174 : i32 to vector<16xi32>
        %add3A_176 = arith.addi %add3A_175, %iota3A : vector<16xi32>
        %mul3A_177 = arith.constant 16 : i32
        %mul3A_178 = arith.muli %add3A_172, %mul3A_177 : i32
        %get3A = arith.index_cast %mul3A_178 : i32 to index
        %get3A_179 = tpu.vector_load %arg12[%get3A] {strides = array<i32>} : memref<64xi32, #tpu.memory_space<vmem>>, vector<16xi32>,
        %and3A = arith.constant 7 : i32
        %and3A_180 = vector.broadcast %and3A : i32 to vector<16xi32>
        %and3A_181 = arith.andi %get3A_179, %and3A_180 : vector<16xi32>
        %mul3A_182 = arith.constant 16 : i32
        %mul3A_183 = vector.broadcast %mul3A_182 : i32 to vector<16xi32>
        %mul3A_184 = arith.muli %and3A_181, %mul3A_183 : vector<16xi32>
        %broadcast_in_dim3A = arith.constant 0.000000e+00 : f32
        %broadcast_in_dim3A_185 = vector.broadcast %broadcast_in_dim3A : f32 to vector<16xf32>
        %add3A_186 = arith.constant 0 : i32
        %add3A_187 = vector.broadcast %add3A_186 : i32 to vector<16xi32>
        %add3A_188 = arith.addi %mul3A_184, %add3A_187 : vector<16xi32>
        tpu.vector_store_idx %arg18[%add3A_176, %add3A_188], %broadcast_in_dim3A_185 : memref<64x128xf32, #tpu.memory_space<vmem>>[vector<16xi32>, vector<16xi32>], vector<16xf32>,
        %add3A_189 = arith.constant 1 : i32
        %add3A_190 = vector.broadcast %add3A_189 : i32 to vector<16xi32>
        %add3A_191 = arith.addi %mul3A_184, %add3A_190 : vector<16xi32>
        tpu.vector_store_idx %arg18[%add3A_176, %add3A_191], %broadcast_in_dim3A_185 : memref<64x128xf32, #tpu.memory_space<vmem>>[vector<16xi32>, vector<16xi32>], vector<16xf32>,
        %add3A_192 = arith.constant 2 : i32
        %add3A_193 = vector.broadcast %add3A_192 : i32 to vector<16xi32>
        %add3A_194 = arith.addi %mul3A_184, %add3A_193 : vector<16xi32>
        tpu.vector_store_idx %arg18[%add3A_176, %add3A_194], %broadcast_in_dim3A_185 : memref<64x128xf32, #tpu.memory_space<vmem>>[vector<16xi32>, vector<16xi32>], vector<16xf32>,
        %add3A_195 = arith.constant 3 : i32
        %add3A_196 = vector.broadcast %add3A_195 : i32 to vector<16xi32>
        %add3A_197 = arith.addi %mul3A_184, %add3A_196 : vector<16xi32>
        tpu.vector_store_idx %arg18[%add3A_176, %add3A_197], %broadcast_in_dim3A_185 : memref<64x128xf32, #tpu.memory_space<vmem>>[vector<16xi32>, vector<16xi32>], vector<16xf32>,
      }
      %scan3A_167 = arith.constant 4 : i32
    }
    %scan3A_54 = arith.constant 157 : i32
    %barrier3A_55 = arith.constant 0 : index
    tpu.barrier barrier_id(%barrier3A_55)
    %mul3A_56 = arith.constant 640 : i32
    %mul3A_57 = arith.muli %arg1, %mul3A_56 : i32
    %add3A_58 = arith.constant 0 : i32
    %add3A_59 = arith.addi %mul3A_57, %add3A_58 : i32
    "tpu.region"() ({
      %run_scoped3A = tpu.sem_alloc : memref<!tpu.dma_semaphore, #tpu.memory_space<semaphore_mem>>
      %dma_start3A = arith.constant 0 : i32
      %dma_start3A_140 = tpu.memref_slice %arg20[%add3A_59, %dma_start3A] : memref<10240x128xf32, #tpu.memory_space<vmem_shared>> -> memref<64x128xf32, #tpu.memory_space<vmem_shared>>
      %dma_start3A_141 = arith.constant 0 : i32
      %dma_start3A_142 = tpu.memref_slice %arg20[%add3A_59, %dma_start3A_141] : memref<10240x128xf32, #tpu.memory_space<vmem_shared>> -> memref<64x128xf32, #tpu.memory_space<vmem_shared>>
      tpu.enqueue_dma source(%dma_start3A_142 : memref<64x128xf32, #tpu.memory_space<vmem_shared>>) target(%arg17 : memref<64x128xf32, #tpu.memory_space<vmem>>) target_semaphore(%run_scoped3A : memref<!tpu.dma_semaphore, #tpu.memory_space<semaphore_mem>>)
      %dma_wait3A = arith.constant 0 : i32
      %dma_wait3A_143 = tpu.memref_slice %arg20[%add3A_59, %dma_wait3A] : memref<10240x128xf32, #tpu.memory_space<vmem_shared>> -> memref<64x128xf32, #tpu.memory_space<vmem_shared>>
      %dma_wait3A_144 = arith.constant 0 : i32
      %dma_wait3A_145 = tpu.memref_slice %arg20[%add3A_59, %dma_wait3A_144] : memref<10240x128xf32, #tpu.memory_space<vmem_shared>> -> memref<64x128xf32, #tpu.memory_space<vmem_shared>>
      tpu.wait_dma2 semaphore(%run_scoped3A : memref<!tpu.dma_semaphore, #tpu.memory_space<semaphore_mem>>) src(%dma_wait3A_145 : memref<64x128xf32, #tpu.memory_space<vmem_shared>>) dst(%arg17 : memref<64x128xf32, #tpu.memory_space<vmem>>)
      tpu.yield
    }) : () -> ()
    %mul3A_60 = arith.constant 10240 : i32
    %mul3A_61 = arith.muli %arg0, %mul3A_60 : i32
    %add3A_62 = arith.addi %mul3A_61, %add3A_59 : i32
    "tpu.region"() ({
      %run_scoped3A = tpu.sem_alloc : memref<!tpu.dma_semaphore, #tpu.memory_space<semaphore_mem>>
      %dma_start3A = arith.constant 0 : i32
      %dma_start3A_140 = tpu.memref_slice %arg10[%add3A_62, %dma_start3A] : memref<20480x128xf32, #tpu.memory_space<hbm>> -> memref<64x128xf32, #tpu.memory_space<hbm>>
      %dma_start3A_141 = arith.constant 0 : i32
      %dma_start3A_142 = tpu.memref_slice %arg10[%add3A_62, %dma_start3A_141] : memref<20480x128xf32, #tpu.memory_space<hbm>> -> memref<64x128xf32, #tpu.memory_space<hbm>>
      tpu.enqueue_dma source(%arg17 : memref<64x128xf32, #tpu.memory_space<vmem>>) target(%dma_start3A_142 : memref<64x128xf32, #tpu.memory_space<hbm>>) target_semaphore(%run_scoped3A : memref<!tpu.dma_semaphore, #tpu.memory_space<semaphore_mem>>)
      %dma_wait3A = arith.constant 0 : i32
      %dma_wait3A_143 = tpu.memref_slice %arg10[%add3A_62, %dma_wait3A] : memref<20480x128xf32, #tpu.memory_space<hbm>> -> memref<64x128xf32, #tpu.memory_space<hbm>>
      %dma_wait3A_144 = arith.constant 0 : i32
      %dma_wait3A_145 = tpu.memref_slice %arg10[%add3A_62, %dma_wait3A_144] : memref<20480x128xf32, #tpu.memory_space<hbm>> -> memref<64x128xf32, #tpu.memory_space<hbm>>
      tpu.wait_dma2 semaphore(%run_scoped3A : memref<!tpu.dma_semaphore, #tpu.memory_space<semaphore_mem>>) src(%arg17 : memref<64x128xf32, #tpu.memory_space<vmem>>) dst(%dma_wait3A_145 : memref<64x128xf32, #tpu.memory_space<hbm>>)
      tpu.yield
    }) : () -> ()
    %mul3A_63 = arith.constant 640 : i32
    %mul3A_64 = arith.muli %arg1, %mul3A_63 : i32
    %add3A_65 = arith.constant 64 : i32
    %add3A_66 = arith.addi %mul3A_64, %add3A_65 : i32
    "tpu.region"() ({
      %run_scoped3A = tpu.sem_alloc : memref<!tpu.dma_semaphore, #tpu.memory_space<semaphore_mem>>
      %dma_start3A = arith.constant 0 : i32
      %dma_start3A_140 = tpu.memref_slice %arg20[%add3A_66, %dma_start3A] : memref<10240x128xf32, #tpu.memory_space<vmem_shared>> -> memref<64x128xf32, #tpu.memory_space<vmem_shared>>
      %dma_start3A_141 = arith.constant 0 : i32
      %dma_start3A_142 = tpu.memref_slice %arg20[%add3A_66, %dma_start3A_141] : memref<10240x128xf32, #tpu.memory_space<vmem_shared>> -> memref<64x128xf32, #tpu.memory_space<vmem_shared>>
      tpu.enqueue_dma source(%dma_start3A_142 : memref<64x128xf32, #tpu.memory_space<vmem_shared>>) target(%arg17 : memref<64x128xf32, #tpu.memory_space<vmem>>) target_semaphore(%run_scoped3A : memref<!tpu.dma_semaphore, #tpu.memory_space<semaphore_mem>>)
      %dma_wait3A = arith.constant 0 : i32
      %dma_wait3A_143 = tpu.memref_slice %arg20[%add3A_66, %dma_wait3A] : memref<10240x128xf32, #tpu.memory_space<vmem_shared>> -> memref<64x128xf32, #tpu.memory_space<vmem_shared>>
      %dma_wait3A_144 = arith.constant 0 : i32
      %dma_wait3A_145 = tpu.memref_slice %arg20[%add3A_66, %dma_wait3A_144] : memref<10240x128xf32, #tpu.memory_space<vmem_shared>> -> memref<64x128xf32, #tpu.memory_space<vmem_shared>>
      tpu.wait_dma2 semaphore(%run_scoped3A : memref<!tpu.dma_semaphore, #tpu.memory_space<semaphore_mem>>) src(%dma_wait3A_145 : memref<64x128xf32, #tpu.memory_space<vmem_shared>>) dst(%arg17 : memref<64x128xf32, #tpu.memory_space<vmem>>)
      tpu.yield
    }) : () -> ()
    %mul3A_67 = arith.constant 10240 : i32
    %mul3A_68 = arith.muli %arg0, %mul3A_67 : i32
    %add3A_69 = arith.addi %mul3A_68, %add3A_66 : i32
    "tpu.region"() ({
      %run_scoped3A = tpu.sem_alloc : memref<!tpu.dma_semaphore, #tpu.memory_space<semaphore_mem>>
      %dma_start3A = arith.constant 0 : i32
      %dma_start3A_140 = tpu.memref_slice %arg10[%add3A_69, %dma_start3A] : memref<20480x128xf32, #tpu.memory_space<hbm>> -> memref<64x128xf32, #tpu.memory_space<hbm>>
      %dma_start3A_141 = arith.constant 0 : i32
      %dma_start3A_142 = tpu.memref_slice %arg10[%add3A_69, %dma_start3A_141] : memref<20480x128xf32, #tpu.memory_space<hbm>> -> memref<64x128xf32, #tpu.memory_space<hbm>>
      tpu.enqueue_dma source(%arg17 : memref<64x128xf32, #tpu.memory_space<vmem>>) target(%dma_start3A_142 : memref<64x128xf32, #tpu.memory_space<hbm>>) target_semaphore(%run_scoped3A : memref<!tpu.dma_semaphore, #tpu.memory_space<semaphore_mem>>)
      %dma_wait3A = arith.constant 0 : i32
      %dma_wait3A_143 = tpu.memref_slice %arg10[%add3A_69, %dma_wait3A] : memref<20480x128xf32, #tpu.memory_space<hbm>> -> memref<64x128xf32, #tpu.memory_space<hbm>>
      %dma_wait3A_144 = arith.constant 0 : i32
      %dma_wait3A_145 = tpu.memref_slice %arg10[%add3A_69, %dma_wait3A_144] : memref<20480x128xf32, #tpu.memory_space<hbm>> -> memref<64x128xf32, #tpu.memory_space<hbm>>
      tpu.wait_dma2 semaphore(%run_scoped3A : memref<!tpu.dma_semaphore, #tpu.memory_space<semaphore_mem>>) src(%arg17 : memref<64x128xf32, #tpu.memory_space<vmem>>) dst(%dma_wait3A_145 : memref<64x128xf32, #tpu.memory_space<hbm>>)
      tpu.yield
    }) : () -> ()
    %mul3A_70 = arith.constant 640 : i32
    %mul3A_71 = arith.muli %arg1, %mul3A_70 : i32
    %add3A_72 = arith.constant 128 : i32
    %add3A_73 = arith.addi %mul3A_71, %add3A_72 : i32
    "tpu.region"() ({
      %run_scoped3A = tpu.sem_alloc : memref<!tpu.dma_semaphore, #tpu.memory_space<semaphore_mem>>
      %dma_start3A = arith.constant 0 : i32
      %dma_start3A_140 = tpu.memref_slice %arg20[%add3A_73, %dma_start3A] : memref<10240x128xf32, #tpu.memory_space<vmem_shared>> -> memref<64x128xf32, #tpu.memory_space<vmem_shared>>
      %dma_start3A_141 = arith.constant 0 : i32
      %dma_start3A_142 = tpu.memref_slice %arg20[%add3A_73, %dma_start3A_141] : memref<10240x128xf32, #tpu.memory_space<vmem_shared>> -> memref<64x128xf32, #tpu.memory_space<vmem_shared>>
      tpu.enqueue_dma source(%dma_start3A_142 : memref<64x128xf32, #tpu.memory_space<vmem_shared>>) target(%arg17 : memref<64x128xf32, #tpu.memory_space<vmem>>) target_semaphore(%run_scoped3A : memref<!tpu.dma_semaphore, #tpu.memory_space<semaphore_mem>>)
      %dma_wait3A = arith.constant 0 : i32
      %dma_wait3A_143 = tpu.memref_slice %arg20[%add3A_73, %dma_wait3A] : memref<10240x128xf32, #tpu.memory_space<vmem_shared>> -> memref<64x128xf32, #tpu.memory_space<vmem_shared>>
      %dma_wait3A_144 = arith.constant 0 : i32
      %dma_wait3A_145 = tpu.memref_slice %arg20[%add3A_73, %dma_wait3A_144] : memref<10240x128xf32, #tpu.memory_space<vmem_shared>> -> memref<64x128xf32, #tpu.memory_space<vmem_shared>>
      tpu.wait_dma2 semaphore(%run_scoped3A : memref<!tpu.dma_semaphore, #tpu.memory_space<semaphore_mem>>) src(%dma_wait3A_145 : memref<64x128xf32, #tpu.memory_space<vmem_shared>>) dst(%arg17 : memref<64x128xf32, #tpu.memory_space<vmem>>)
      tpu.yield
    }) : () -> ()
    %mul3A_74 = arith.constant 10240 : i32
    %mul3A_75 = arith.muli %arg0, %mul3A_74 : i32
    %add3A_76 = arith.addi %mul3A_75, %add3A_73 : i32
    "tpu.region"() ({
      %run_scoped3A = tpu.sem_alloc : memref<!tpu.dma_semaphore, #tpu.memory_space<semaphore_mem>>
      %dma_start3A = arith.constant 0 : i32
      %dma_start3A_140 = tpu.memref_slice %arg10[%add3A_76, %dma_start3A] : memref<20480x128xf32, #tpu.memory_space<hbm>> -> memref<64x128xf32, #tpu.memory_space<hbm>>
      %dma_start3A_141 = arith.constant 0 : i32
      %dma_start3A_142 = tpu.memref_slice %arg10[%add3A_76, %dma_start3A_141] : memref<20480x128xf32, #tpu.memory_space<hbm>> -> memref<64x128xf32, #tpu.memory_space<hbm>>
      tpu.enqueue_dma source(%arg17 : memref<64x128xf32, #tpu.memory_space<vmem>>) target(%dma_start3A_142 : memref<64x128xf32, #tpu.memory_space<hbm>>) target_semaphore(%run_scoped3A : memref<!tpu.dma_semaphore, #tpu.memory_space<semaphore_mem>>)
      %dma_wait3A = arith.constant 0 : i32
      %dma_wait3A_143 = tpu.memref_slice %arg10[%add3A_76, %dma_wait3A] : memref<20480x128xf32, #tpu.memory_space<hbm>> -> memref<64x128xf32, #tpu.memory_space<hbm>>
      %dma_wait3A_144 = arith.constant 0 : i32
      %dma_wait3A_145 = tpu.memref_slice %arg10[%add3A_76, %dma_wait3A_144] : memref<20480x128xf32, #tpu.memory_space<hbm>> -> memref<64x128xf32, #tpu.memory_space<hbm>>
      tpu.wait_dma2 semaphore(%run_scoped3A : memref<!tpu.dma_semaphore, #tpu.memory_space<semaphore_mem>>) src(%arg17 : memref<64x128xf32, #tpu.memory_space<vmem>>) dst(%dma_wait3A_145 : memref<64x128xf32, #tpu.memory_space<hbm>>)
      tpu.yield
    }) : () -> ()
    %mul3A_77 = arith.constant 640 : i32
    %mul3A_78 = arith.muli %arg1, %mul3A_77 : i32
    %add3A_79 = arith.constant 192 : i32
    %add3A_80 = arith.addi %mul3A_78, %add3A_79 : i32
    "tpu.region"() ({
      %run_scoped3A = tpu.sem_alloc : memref<!tpu.dma_semaphore, #tpu.memory_space<semaphore_mem>>
      %dma_start3A = arith.constant 0 : i32
      %dma_start3A_140 = tpu.memref_slice %arg20[%add3A_80, %dma_start3A] : memref<10240x128xf32, #tpu.memory_space<vmem_shared>> -> memref<64x128xf32, #tpu.memory_space<vmem_shared>>
      %dma_start3A_141 = arith.constant 0 : i32
      %dma_start3A_142 = tpu.memref_slice %arg20[%add3A_80, %dma_start3A_141] : memref<10240x128xf32, #tpu.memory_space<vmem_shared>> -> memref<64x128xf32, #tpu.memory_space<vmem_shared>>
      tpu.enqueue_dma source(%dma_start3A_142 : memref<64x128xf32, #tpu.memory_space<vmem_shared>>) target(%arg17 : memref<64x128xf32, #tpu.memory_space<vmem>>) target_semaphore(%run_scoped3A : memref<!tpu.dma_semaphore, #tpu.memory_space<semaphore_mem>>)
      %dma_wait3A = arith.constant 0 : i32
      %dma_wait3A_143 = tpu.memref_slice %arg20[%add3A_80, %dma_wait3A] : memref<10240x128xf32, #tpu.memory_space<vmem_shared>> -> memref<64x128xf32, #tpu.memory_space<vmem_shared>>
      %dma_wait3A_144 = arith.constant 0 : i32
      %dma_wait3A_145 = tpu.memref_slice %arg20[%add3A_80, %dma_wait3A_144] : memref<10240x128xf32, #tpu.memory_space<vmem_shared>> -> memref<64x128xf32, #tpu.memory_space<vmem_shared>>
      tpu.wait_dma2 semaphore(%run_scoped3A : memref<!tpu.dma_semaphore, #tpu.memory_space<semaphore_mem>>) src(%dma_wait3A_145 : memref<64x128xf32, #tpu.memory_space<vmem_shared>>) dst(%arg17 : memref<64x128xf32, #tpu.memory_space<vmem>>)
      tpu.yield
    }) : () -> ()
    %mul3A_81 = arith.constant 10240 : i32
    %mul3A_82 = arith.muli %arg0, %mul3A_81 : i32
    %add3A_83 = arith.addi %mul3A_82, %add3A_80 : i32
    "tpu.region"() ({
      %run_scoped3A = tpu.sem_alloc : memref<!tpu.dma_semaphore, #tpu.memory_space<semaphore_mem>>
      %dma_start3A = arith.constant 0 : i32
      %dma_start3A_140 = tpu.memref_slice %arg10[%add3A_83, %dma_start3A] : memref<20480x128xf32, #tpu.memory_space<hbm>> -> memref<64x128xf32, #tpu.memory_space<hbm>>
      %dma_start3A_141 = arith.constant 0 : i32
      %dma_start3A_142 = tpu.memref_slice %arg10[%add3A_83, %dma_start3A_141] : memref<20480x128xf32, #tpu.memory_space<hbm>> -> memref<64x128xf32, #tpu.memory_space<hbm>>
      tpu.enqueue_dma source(%arg17 : memref<64x128xf32, #tpu.memory_space<vmem>>) target(%dma_start3A_142 : memref<64x128xf32, #tpu.memory_space<hbm>>) target_semaphore(%run_scoped3A : memref<!tpu.dma_semaphore, #tpu.memory_space<semaphore_mem>>)
      %dma_wait3A = arith.constant 0 : i32
      %dma_wait3A_143 = tpu.memref_slice %arg10[%add3A_83, %dma_wait3A] : memref<20480x128xf32, #tpu.memory_space<hbm>> -> memref<64x128xf32, #tpu.memory_space<hbm>>
      %dma_wait3A_144 = arith.constant 0 : i32
      %dma_wait3A_145 = tpu.memref_slice %arg10[%add3A_83, %dma_wait3A_144] : memref<20480x128xf32, #tpu.memory_space<hbm>> -> memref<64x128xf32, #tpu.memory_space<hbm>>
      tpu.wait_dma2 semaphore(%run_scoped3A : memref<!tpu.dma_semaphore, #tpu.memory_space<semaphore_mem>>) src(%arg17 : memref<64x128xf32, #tpu.memory_space<vmem>>) dst(%dma_wait3A_145 : memref<64x128xf32, #tpu.memory_space<hbm>>)
      tpu.yield
    }) : () -> ()
    %mul3A_84 = arith.constant 640 : i32
    %mul3A_85 = arith.muli %arg1, %mul3A_84 : i32
    %add3A_86 = arith.constant 256 : i32
    %add3A_87 = arith.addi %mul3A_85, %add3A_86 : i32
    "tpu.region"() ({
      %run_scoped3A = tpu.sem_alloc : memref<!tpu.dma_semaphore, #tpu.memory_space<semaphore_mem>>
      %dma_start3A = arith.constant 0 : i32
      %dma_start3A_140 = tpu.memref_slice %arg20[%add3A_87, %dma_start3A] : memref<10240x128xf32, #tpu.memory_space<vmem_shared>> -> memref<64x128xf32, #tpu.memory_space<vmem_shared>>
      %dma_start3A_141 = arith.constant 0 : i32
      %dma_start3A_142 = tpu.memref_slice %arg20[%add3A_87, %dma_start3A_141] : memref<10240x128xf32, #tpu.memory_space<vmem_shared>> -> memref<64x128xf32, #tpu.memory_space<vmem_shared>>
      tpu.enqueue_dma source(%dma_start3A_142 : memref<64x128xf32, #tpu.memory_space<vmem_shared>>) target(%arg17 : memref<64x128xf32, #tpu.memory_space<vmem>>) target_semaphore(%run_scoped3A : memref<!tpu.dma_semaphore, #tpu.memory_space<semaphore_mem>>)
      %dma_wait3A = arith.constant 0 : i32
      %dma_wait3A_143 = tpu.memref_slice %arg20[%add3A_87, %dma_wait3A] : memref<10240x128xf32, #tpu.memory_space<vmem_shared>> -> memref<64x128xf32, #tpu.memory_space<vmem_shared>>
      %dma_wait3A_144 = arith.constant 0 : i32
      %dma_wait3A_145 = tpu.memref_slice %arg20[%add3A_87, %dma_wait3A_144] : memref<10240x128xf32, #tpu.memory_space<vmem_shared>> -> memref<64x128xf32, #tpu.memory_space<vmem_shared>>
      tpu.wait_dma2 semaphore(%run_scoped3A : memref<!tpu.dma_semaphore, #tpu.memory_space<semaphore_mem>>) src(%dma_wait3A_145 : memref<64x128xf32, #tpu.memory_space<vmem_shared>>) dst(%arg17 : memref<64x128xf32, #tpu.memory_space<vmem>>)
      tpu.yield
    }) : () -> ()
    %mul3A_88 = arith.constant 10240 : i32
    %mul3A_89 = arith.muli %arg0, %mul3A_88 : i32
    %add3A_90 = arith.addi %mul3A_89, %add3A_87 : i32
    "tpu.region"() ({
      %run_scoped3A = tpu.sem_alloc : memref<!tpu.dma_semaphore, #tpu.memory_space<semaphore_mem>>
      %dma_start3A = arith.constant 0 : i32
      %dma_start3A_140 = tpu.memref_slice %arg10[%add3A_90, %dma_start3A] : memref<20480x128xf32, #tpu.memory_space<hbm>> -> memref<64x128xf32, #tpu.memory_space<hbm>>
      %dma_start3A_141 = arith.constant 0 : i32
      %dma_start3A_142 = tpu.memref_slice %arg10[%add3A_90, %dma_start3A_141] : memref<20480x128xf32, #tpu.memory_space<hbm>> -> memref<64x128xf32, #tpu.memory_space<hbm>>
      tpu.enqueue_dma source(%arg17 : memref<64x128xf32, #tpu.memory_space<vmem>>) target(%dma_start3A_142 : memref<64x128xf32, #tpu.memory_space<hbm>>) target_semaphore(%run_scoped3A : memref<!tpu.dma_semaphore, #tpu.memory_space<semaphore_mem>>)
      %dma_wait3A = arith.constant 0 : i32
      %dma_wait3A_143 = tpu.memref_slice %arg10[%add3A_90, %dma_wait3A] : memref<20480x128xf32, #tpu.memory_space<hbm>> -> memref<64x128xf32, #tpu.memory_space<hbm>>
      %dma_wait3A_144 = arith.constant 0 : i32
      %dma_wait3A_145 = tpu.memref_slice %arg10[%add3A_90, %dma_wait3A_144] : memref<20480x128xf32, #tpu.memory_space<hbm>> -> memref<64x128xf32, #tpu.memory_space<hbm>>
      tpu.wait_dma2 semaphore(%run_scoped3A : memref<!tpu.dma_semaphore, #tpu.memory_space<semaphore_mem>>) src(%arg17 : memref<64x128xf32, #tpu.memory_space<vmem>>) dst(%dma_wait3A_145 : memref<64x128xf32, #tpu.memory_space<hbm>>)
      tpu.yield
    }) : () -> ()
    %mul3A_91 = arith.constant 640 : i32
    %mul3A_92 = arith.muli %arg1, %mul3A_91 : i32
    %add3A_93 = arith.constant 320 : i32
    %add3A_94 = arith.addi %mul3A_92, %add3A_93 : i32
    "tpu.region"() ({
      %run_scoped3A = tpu.sem_alloc : memref<!tpu.dma_semaphore, #tpu.memory_space<semaphore_mem>>
      %dma_start3A = arith.constant 0 : i32
      %dma_start3A_140 = tpu.memref_slice %arg20[%add3A_94, %dma_start3A] : memref<10240x128xf32, #tpu.memory_space<vmem_shared>> -> memref<64x128xf32, #tpu.memory_space<vmem_shared>>
      %dma_start3A_141 = arith.constant 0 : i32
      %dma_start3A_142 = tpu.memref_slice %arg20[%add3A_94, %dma_start3A_141] : memref<10240x128xf32, #tpu.memory_space<vmem_shared>> -> memref<64x128xf32, #tpu.memory_space<vmem_shared>>
      tpu.enqueue_dma source(%dma_start3A_142 : memref<64x128xf32, #tpu.memory_space<vmem_shared>>) target(%arg17 : memref<64x128xf32, #tpu.memory_space<vmem>>) target_semaphore(%run_scoped3A : memref<!tpu.dma_semaphore, #tpu.memory_space<semaphore_mem>>)
      %dma_wait3A = arith.constant 0 : i32
      %dma_wait3A_143 = tpu.memref_slice %arg20[%add3A_94, %dma_wait3A] : memref<10240x128xf32, #tpu.memory_space<vmem_shared>> -> memref<64x128xf32, #tpu.memory_space<vmem_shared>>
      %dma_wait3A_144 = arith.constant 0 : i32
      %dma_wait3A_145 = tpu.memref_slice %arg20[%add3A_94, %dma_wait3A_144] : memref<10240x128xf32, #tpu.memory_space<vmem_shared>> -> memref<64x128xf32, #tpu.memory_space<vmem_shared>>
      tpu.wait_dma2 semaphore(%run_scoped3A : memref<!tpu.dma_semaphore, #tpu.memory_space<semaphore_mem>>) src(%dma_wait3A_145 : memref<64x128xf32, #tpu.memory_space<vmem_shared>>) dst(%arg17 : memref<64x128xf32, #tpu.memory_space<vmem>>)
      tpu.yield
    }) : () -> ()
    %mul3A_95 = arith.constant 10240 : i32
    %mul3A_96 = arith.muli %arg0, %mul3A_95 : i32
    %add3A_97 = arith.addi %mul3A_96, %add3A_94 : i32
    "tpu.region"() ({
      %run_scoped3A = tpu.sem_alloc : memref<!tpu.dma_semaphore, #tpu.memory_space<semaphore_mem>>
      %dma_start3A = arith.constant 0 : i32
      %dma_start3A_140 = tpu.memref_slice %arg10[%add3A_97, %dma_start3A] : memref<20480x128xf32, #tpu.memory_space<hbm>> -> memref<64x128xf32, #tpu.memory_space<hbm>>
      %dma_start3A_141 = arith.constant 0 : i32
      %dma_start3A_142 = tpu.memref_slice %arg10[%add3A_97, %dma_start3A_141] : memref<20480x128xf32, #tpu.memory_space<hbm>> -> memref<64x128xf32, #tpu.memory_space<hbm>>
      tpu.enqueue_dma source(%arg17 : memref<64x128xf32, #tpu.memory_space<vmem>>) target(%dma_start3A_142 : memref<64x128xf32, #tpu.memory_space<hbm>>) target_semaphore(%run_scoped3A : memref<!tpu.dma_semaphore, #tpu.memory_space<semaphore_mem>>)
      %dma_wait3A = arith.constant 0 : i32
      %dma_wait3A_143 = tpu.memref_slice %arg10[%add3A_97, %dma_wait3A] : memref<20480x128xf32, #tpu.memory_space<hbm>> -> memref<64x128xf32, #tpu.memory_space<hbm>>
      %dma_wait3A_144 = arith.constant 0 : i32
      %dma_wait3A_145 = tpu.memref_slice %arg10[%add3A_97, %dma_wait3A_144] : memref<20480x128xf32, #tpu.memory_space<hbm>> -> memref<64x128xf32, #tpu.memory_space<hbm>>
      tpu.wait_dma2 semaphore(%run_scoped3A : memref<!tpu.dma_semaphore, #tpu.memory_space<semaphore_mem>>) src(%arg17 : memref<64x128xf32, #tpu.memory_space<vmem>>) dst(%dma_wait3A_145 : memref<64x128xf32, #tpu.memory_space<hbm>>)
      tpu.yield
    }) : () -> ()
    %mul3A_98 = arith.constant 640 : i32
    %mul3A_99 = arith.muli %arg1, %mul3A_98 : i32
    %add3A_100 = arith.constant 384 : i32
    %add3A_101 = arith.addi %mul3A_99, %add3A_100 : i32
    "tpu.region"() ({
      %run_scoped3A = tpu.sem_alloc : memref<!tpu.dma_semaphore, #tpu.memory_space<semaphore_mem>>
      %dma_start3A = arith.constant 0 : i32
      %dma_start3A_140 = tpu.memref_slice %arg20[%add3A_101, %dma_start3A] : memref<10240x128xf32, #tpu.memory_space<vmem_shared>> -> memref<64x128xf32, #tpu.memory_space<vmem_shared>>
      %dma_start3A_141 = arith.constant 0 : i32
      %dma_start3A_142 = tpu.memref_slice %arg20[%add3A_101, %dma_start3A_141] : memref<10240x128xf32, #tpu.memory_space<vmem_shared>> -> memref<64x128xf32, #tpu.memory_space<vmem_shared>>
      tpu.enqueue_dma source(%dma_start3A_142 : memref<64x128xf32, #tpu.memory_space<vmem_shared>>) target(%arg17 : memref<64x128xf32, #tpu.memory_space<vmem>>) target_semaphore(%run_scoped3A : memref<!tpu.dma_semaphore, #tpu.memory_space<semaphore_mem>>)
      %dma_wait3A = arith.constant 0 : i32
      %dma_wait3A_143 = tpu.memref_slice %arg20[%add3A_101, %dma_wait3A] : memref<10240x128xf32, #tpu.memory_space<vmem_shared>> -> memref<64x128xf32, #tpu.memory_space<vmem_shared>>
      %dma_wait3A_144 = arith.constant 0 : i32
      %dma_wait3A_145 = tpu.memref_slice %arg20[%add3A_101, %dma_wait3A_144] : memref<10240x128xf32, #tpu.memory_space<vmem_shared>> -> memref<64x128xf32, #tpu.memory_space<vmem_shared>>
      tpu.wait_dma2 semaphore(%run_scoped3A : memref<!tpu.dma_semaphore, #tpu.memory_space<semaphore_mem>>) src(%dma_wait3A_145 : memref<64x128xf32, #tpu.memory_space<vmem_shared>>) dst(%arg17 : memref<64x128xf32, #tpu.memory_space<vmem>>)
      tpu.yield
    }) : () -> ()
    %mul3A_102 = arith.constant 10240 : i32
    %mul3A_103 = arith.muli %arg0, %mul3A_102 : i32
    %add3A_104 = arith.addi %mul3A_103, %add3A_101 : i32
    "tpu.region"() ({
      %run_scoped3A = tpu.sem_alloc : memref<!tpu.dma_semaphore, #tpu.memory_space<semaphore_mem>>
      %dma_start3A = arith.constant 0 : i32
      %dma_start3A_140 = tpu.memref_slice %arg10[%add3A_104, %dma_start3A] : memref<20480x128xf32, #tpu.memory_space<hbm>> -> memref<64x128xf32, #tpu.memory_space<hbm>>
      %dma_start3A_141 = arith.constant 0 : i32
      %dma_start3A_142 = tpu.memref_slice %arg10[%add3A_104, %dma_start3A_141] : memref<20480x128xf32, #tpu.memory_space<hbm>> -> memref<64x128xf32, #tpu.memory_space<hbm>>
      tpu.enqueue_dma source(%arg17 : memref<64x128xf32, #tpu.memory_space<vmem>>) target(%dma_start3A_142 : memref<64x128xf32, #tpu.memory_space<hbm>>) target_semaphore(%run_scoped3A : memref<!tpu.dma_semaphore, #tpu.memory_space<semaphore_mem>>)
      %dma_wait3A = arith.constant 0 : i32
      %dma_wait3A_143 = tpu.memref_slice %arg10[%add3A_104, %dma_wait3A] : memref<20480x128xf32, #tpu.memory_space<hbm>> -> memref<64x128xf32, #tpu.memory_space<hbm>>
      %dma_wait3A_144 = arith.constant 0 : i32
      %dma_wait3A_145 = tpu.memref_slice %arg10[%add3A_104, %dma_wait3A_144] : memref<20480x128xf32, #tpu.memory_space<hbm>> -> memref<64x128xf32, #tpu.memory_space<hbm>>
      tpu.wait_dma2 semaphore(%run_scoped3A : memref<!tpu.dma_semaphore, #tpu.memory_space<semaphore_mem>>) src(%arg17 : memref<64x128xf32, #tpu.memory_space<vmem>>) dst(%dma_wait3A_145 : memref<64x128xf32, #tpu.memory_space<hbm>>)
      tpu.yield
    }) : () -> ()
    %mul3A_105 = arith.constant 640 : i32
    %mul3A_106 = arith.muli %arg1, %mul3A_105 : i32
    %add3A_107 = arith.constant 448 : i32
    %add3A_108 = arith.addi %mul3A_106, %add3A_107 : i32
    "tpu.region"() ({
      %run_scoped3A = tpu.sem_alloc : memref<!tpu.dma_semaphore, #tpu.memory_space<semaphore_mem>>
      %dma_start3A = arith.constant 0 : i32
      %dma_start3A_140 = tpu.memref_slice %arg20[%add3A_108, %dma_start3A] : memref<10240x128xf32, #tpu.memory_space<vmem_shared>> -> memref<64x128xf32, #tpu.memory_space<vmem_shared>>
      %dma_start3A_141 = arith.constant 0 : i32
      %dma_start3A_142 = tpu.memref_slice %arg20[%add3A_108, %dma_start3A_141] : memref<10240x128xf32, #tpu.memory_space<vmem_shared>> -> memref<64x128xf32, #tpu.memory_space<vmem_shared>>
      tpu.enqueue_dma source(%dma_start3A_142 : memref<64x128xf32, #tpu.memory_space<vmem_shared>>) target(%arg17 : memref<64x128xf32, #tpu.memory_space<vmem>>) target_semaphore(%run_scoped3A : memref<!tpu.dma_semaphore, #tpu.memory_space<semaphore_mem>>)
      %dma_wait3A = arith.constant 0 : i32
      %dma_wait3A_143 = tpu.memref_slice %arg20[%add3A_108, %dma_wait3A] : memref<10240x128xf32, #tpu.memory_space<vmem_shared>> -> memref<64x128xf32, #tpu.memory_space<vmem_shared>>
      %dma_wait3A_144 = arith.constant 0 : i32
      %dma_wait3A_145 = tpu.memref_slice %arg20[%add3A_108, %dma_wait3A_144] : memref<10240x128xf32, #tpu.memory_space<vmem_shared>> -> memref<64x128xf32, #tpu.memory_space<vmem_shared>>
      tpu.wait_dma2 semaphore(%run_scoped3A : memref<!tpu.dma_semaphore, #tpu.memory_space<semaphore_mem>>) src(%dma_wait3A_145 : memref<64x128xf32, #tpu.memory_space<vmem_shared>>) dst(%arg17 : memref<64x128xf32, #tpu.memory_space<vmem>>)
      tpu.yield
    }) : () -> ()
    %mul3A_109 = arith.constant 10240 : i32
    %mul3A_110 = arith.muli %arg0, %mul3A_109 : i32
    %add3A_111 = arith.addi %mul3A_110, %add3A_108 : i32
    "tpu.region"() ({
      %run_scoped3A = tpu.sem_alloc : memref<!tpu.dma_semaphore, #tpu.memory_space<semaphore_mem>>
      %dma_start3A = arith.constant 0 : i32
      %dma_start3A_140 = tpu.memref_slice %arg10[%add3A_111, %dma_start3A] : memref<20480x128xf32, #tpu.memory_space<hbm>> -> memref<64x128xf32, #tpu.memory_space<hbm>>
      %dma_start3A_141 = arith.constant 0 : i32
      %dma_start3A_142 = tpu.memref_slice %arg10[%add3A_111, %dma_start3A_141] : memref<20480x128xf32, #tpu.memory_space<hbm>> -> memref<64x128xf32, #tpu.memory_space<hbm>>
      tpu.enqueue_dma source(%arg17 : memref<64x128xf32, #tpu.memory_space<vmem>>) target(%dma_start3A_142 : memref<64x128xf32, #tpu.memory_space<hbm>>) target_semaphore(%run_scoped3A : memref<!tpu.dma_semaphore, #tpu.memory_space<semaphore_mem>>)
      %dma_wait3A = arith.constant 0 : i32
      %dma_wait3A_143 = tpu.memref_slice %arg10[%add3A_111, %dma_wait3A] : memref<20480x128xf32, #tpu.memory_space<hbm>> -> memref<64x128xf32, #tpu.memory_space<hbm>>
      %dma_wait3A_144 = arith.constant 0 : i32
      %dma_wait3A_145 = tpu.memref_slice %arg10[%add3A_111, %dma_wait3A_144] : memref<20480x128xf32, #tpu.memory_space<hbm>> -> memref<64x128xf32, #tpu.memory_space<hbm>>
      tpu.wait_dma2 semaphore(%run_scoped3A : memref<!tpu.dma_semaphore, #tpu.memory_space<semaphore_mem>>) src(%arg17 : memref<64x128xf32, #tpu.memory_space<vmem>>) dst(%dma_wait3A_145 : memref<64x128xf32, #tpu.memory_space<hbm>>)
      tpu.yield
    }) : () -> ()
    %mul3A_112 = arith.constant 640 : i32
    %mul3A_113 = arith.muli %arg1, %mul3A_112 : i32
    %add3A_114 = arith.constant 512 : i32
    %add3A_115 = arith.addi %mul3A_113, %add3A_114 : i32
    "tpu.region"() ({
      %run_scoped3A = tpu.sem_alloc : memref<!tpu.dma_semaphore, #tpu.memory_space<semaphore_mem>>
      %dma_start3A = arith.constant 0 : i32
      %dma_start3A_140 = tpu.memref_slice %arg20[%add3A_115, %dma_start3A] : memref<10240x128xf32, #tpu.memory_space<vmem_shared>> -> memref<64x128xf32, #tpu.memory_space<vmem_shared>>
      %dma_start3A_141 = arith.constant 0 : i32
      %dma_start3A_142 = tpu.memref_slice %arg20[%add3A_115, %dma_start3A_141] : memref<10240x128xf32, #tpu.memory_space<vmem_shared>> -> memref<64x128xf32, #tpu.memory_space<vmem_shared>>
      tpu.enqueue_dma source(%dma_start3A_142 : memref<64x128xf32, #tpu.memory_space<vmem_shared>>) target(%arg17 : memref<64x128xf32, #tpu.memory_space<vmem>>) target_semaphore(%run_scoped3A : memref<!tpu.dma_semaphore, #tpu.memory_space<semaphore_mem>>)
      %dma_wait3A = arith.constant 0 : i32
      %dma_wait3A_143 = tpu.memref_slice %arg20[%add3A_115, %dma_wait3A] : memref<10240x128xf32, #tpu.memory_space<vmem_shared>> -> memref<64x128xf32, #tpu.memory_space<vmem_shared>>
      %dma_wait3A_144 = arith.constant 0 : i32
      %dma_wait3A_145 = tpu.memref_slice %arg20[%add3A_115, %dma_wait3A_144] : memref<10240x128xf32, #tpu.memory_space<vmem_shared>> -> memref<64x128xf32, #tpu.memory_space<vmem_shared>>
      tpu.wait_dma2 semaphore(%run_scoped3A : memref<!tpu.dma_semaphore, #tpu.memory_space<semaphore_mem>>) src(%dma_wait3A_145 : memref<64x128xf32, #tpu.memory_space<vmem_shared>>) dst(%arg17 : memref<64x128xf32, #tpu.memory_space<vmem>>)
      tpu.yield
    }) : () -> ()
    %mul3A_116 = arith.constant 10240 : i32
    %mul3A_117 = arith.muli %arg0, %mul3A_116 : i32
    %add3A_118 = arith.addi %mul3A_117, %add3A_115 : i32
    "tpu.region"() ({
      %run_scoped3A = tpu.sem_alloc : memref<!tpu.dma_semaphore, #tpu.memory_space<semaphore_mem>>
      %dma_start3A = arith.constant 0 : i32
      %dma_start3A_140 = tpu.memref_slice %arg10[%add3A_118, %dma_start3A] : memref<20480x128xf32, #tpu.memory_space<hbm>> -> memref<64x128xf32, #tpu.memory_space<hbm>>
      %dma_start3A_141 = arith.constant 0 : i32
      %dma_start3A_142 = tpu.memref_slice %arg10[%add3A_118, %dma_start3A_141] : memref<20480x128xf32, #tpu.memory_space<hbm>> -> memref<64x128xf32, #tpu.memory_space<hbm>>
      tpu.enqueue_dma source(%arg17 : memref<64x128xf32, #tpu.memory_space<vmem>>) target(%dma_start3A_142 : memref<64x128xf32, #tpu.memory_space<hbm>>) target_semaphore(%run_scoped3A : memref<!tpu.dma_semaphore, #tpu.memory_space<semaphore_mem>>)
      %dma_wait3A = arith.constant 0 : i32
      %dma_wait3A_143 = tpu.memref_slice %arg10[%add3A_118, %dma_wait3A] : memref<20480x128xf32, #tpu.memory_space<hbm>> -> memref<64x128xf32, #tpu.memory_space<hbm>>
      %dma_wait3A_144 = arith.constant 0 : i32
      %dma_wait3A_145 = tpu.memref_slice %arg10[%add3A_118, %dma_wait3A_144] : memref<20480x128xf32, #tpu.memory_space<hbm>> -> memref<64x128xf32, #tpu.memory_space<hbm>>
      tpu.wait_dma2 semaphore(%run_scoped3A : memref<!tpu.dma_semaphore, #tpu.memory_space<semaphore_mem>>) src(%arg17 : memref<64x128xf32, #tpu.memory_space<vmem>>) dst(%dma_wait3A_145 : memref<64x128xf32, #tpu.memory_space<hbm>>)
      tpu.yield
    }) : () -> ()
    %mul3A_119 = arith.constant 640 : i32
    %mul3A_120 = arith.muli %arg1, %mul3A_119 : i32
    %add3A_121 = arith.constant 576 : i32
    %add3A_122 = arith.addi %mul3A_120, %add3A_121 : i32
    "tpu.region"() ({
      %run_scoped3A = tpu.sem_alloc : memref<!tpu.dma_semaphore, #tpu.memory_space<semaphore_mem>>
      %dma_start3A = arith.constant 0 : i32
      %dma_start3A_140 = tpu.memref_slice %arg20[%add3A_122, %dma_start3A] : memref<10240x128xf32, #tpu.memory_space<vmem_shared>> -> memref<64x128xf32, #tpu.memory_space<vmem_shared>>
      %dma_start3A_141 = arith.constant 0 : i32
      %dma_start3A_142 = tpu.memref_slice %arg20[%add3A_122, %dma_start3A_141] : memref<10240x128xf32, #tpu.memory_space<vmem_shared>> -> memref<64x128xf32, #tpu.memory_space<vmem_shared>>
      tpu.enqueue_dma source(%dma_start3A_142 : memref<64x128xf32, #tpu.memory_space<vmem_shared>>) target(%arg17 : memref<64x128xf32, #tpu.memory_space<vmem>>) target_semaphore(%run_scoped3A : memref<!tpu.dma_semaphore, #tpu.memory_space<semaphore_mem>>)
      %dma_wait3A = arith.constant 0 : i32
      %dma_wait3A_143 = tpu.memref_slice %arg20[%add3A_122, %dma_wait3A] : memref<10240x128xf32, #tpu.memory_space<vmem_shared>> -> memref<64x128xf32, #tpu.memory_space<vmem_shared>>
      %dma_wait3A_144 = arith.constant 0 : i32
      %dma_wait3A_145 = tpu.memref_slice %arg20[%add3A_122, %dma_wait3A_144] : memref<10240x128xf32, #tpu.memory_space<vmem_shared>> -> memref<64x128xf32, #tpu.memory_space<vmem_shared>>
      tpu.wait_dma2 semaphore(%run_scoped3A : memref<!tpu.dma_semaphore, #tpu.memory_space<semaphore_mem>>) src(%dma_wait3A_145 : memref<64x128xf32, #tpu.memory_space<vmem_shared>>) dst(%arg17 : memref<64x128xf32, #tpu.memory_space<vmem>>)
      tpu.yield
    }) : () -> ()
    %mul3A_123 = arith.constant 10240 : i32
    %mul3A_124 = arith.muli %arg0, %mul3A_123 : i32
    %add3A_125 = arith.addi %mul3A_124, %add3A_122 : i32
    "tpu.region"() ({
      %run_scoped3A = tpu.sem_alloc : memref<!tpu.dma_semaphore, #tpu.memory_space<semaphore_mem>>
      %dma_start3A = arith.constant 0 : i32
      %dma_start3A_140 = tpu.memref_slice %arg10[%add3A_125, %dma_start3A] : memref<20480x128xf32, #tpu.memory_space<hbm>> -> memref<64x128xf32, #tpu.memory_space<hbm>>
      %dma_start3A_141 = arith.constant 0 : i32
      %dma_start3A_142 = tpu.memref_slice %arg10[%add3A_125, %dma_start3A_141] : memref<20480x128xf32, #tpu.memory_space<hbm>> -> memref<64x128xf32, #tpu.memory_space<hbm>>
      tpu.enqueue_dma source(%arg17 : memref<64x128xf32, #tpu.memory_space<vmem>>) target(%dma_start3A_142 : memref<64x128xf32, #tpu.memory_space<hbm>>) target_semaphore(%run_scoped3A : memref<!tpu.dma_semaphore, #tpu.memory_space<semaphore_mem>>)
      %dma_wait3A = arith.constant 0 : i32
      %dma_wait3A_143 = tpu.memref_slice %arg10[%add3A_125, %dma_wait3A] : memref<20480x128xf32, #tpu.memory_space<hbm>> -> memref<64x128xf32, #tpu.memory_space<hbm>>
      %dma_wait3A_144 = arith.constant 0 : i32
      %dma_wait3A_145 = tpu.memref_slice %arg10[%add3A_125, %dma_wait3A_144] : memref<20480x128xf32, #tpu.memory_space<hbm>> -> memref<64x128xf32, #tpu.memory_space<hbm>>
      tpu.wait_dma2 semaphore(%run_scoped3A : memref<!tpu.dma_semaphore, #tpu.memory_space<semaphore_mem>>) src(%arg17 : memref<64x128xf32, #tpu.memory_space<vmem>>) dst(%dma_wait3A_145 : memref<64x128xf32, #tpu.memory_space<hbm>>)
      tpu.yield
    }) : () -> ()
    %mul3A_126 = arith.constant 80 : i32
    %mul3A_127 = arith.muli %arg1, %mul3A_126 : i32
    %add3A_128 = arith.constant 0 : i32
    %add3A_129 = arith.addi %mul3A_127, %add3A_128 : i32
    "tpu.region"() ({
      %run_scoped3A = tpu.sem_alloc : memref<!tpu.dma_semaphore, #tpu.memory_space<semaphore_mem>>
      %dma_start3A = arith.constant 0 : i32
      %dma_start3A_140 = arith.constant 0 : i32
      %dma_start3A_141 = tpu.memref_slice %arg16[%dma_start3A, %dma_start3A_140] : memref<64x128xf32, #tpu.memory_space<vmem>> -> memref<40x128xf32, #tpu.memory_space<vmem>>
      %dma_start3A_142 = arith.constant 0 : i32
      %dma_start3A_143 = tpu.memref_slice %arg21[%add3A_129, %dma_start3A_142] : memref<1280x128xf32, #tpu.memory_space<vmem_shared>> -> memref<40x128xf32, #tpu.memory_space<vmem_shared>>
      %dma_start3A_144 = arith.constant 0 : i32
      %dma_start3A_145 = arith.constant 0 : i32
      %dma_start3A_146 = tpu.memref_slice %arg16[%dma_start3A_144, %dma_start3A_145] : memref<64x128xf32, #tpu.memory_space<vmem>> -> memref<40x128xf32, #tpu.memory_space<vmem>>
      %dma_start3A_147 = arith.constant 0 : i32
      %dma_start3A_148 = tpu.memref_slice %arg21[%add3A_129, %dma_start3A_147] : memref<1280x128xf32, #tpu.memory_space<vmem_shared>> -> memref<40x128xf32, #tpu.memory_space<vmem_shared>>
      tpu.enqueue_dma source(%dma_start3A_148 : memref<40x128xf32, #tpu.memory_space<vmem_shared>>) target(%dma_start3A_146 : memref<40x128xf32, #tpu.memory_space<vmem>>) target_semaphore(%run_scoped3A : memref<!tpu.dma_semaphore, #tpu.memory_space<semaphore_mem>>)
      %dma_wait3A = arith.constant 0 : i32
      %dma_wait3A_149 = arith.constant 0 : i32
      %dma_wait3A_150 = tpu.memref_slice %arg16[%dma_wait3A, %dma_wait3A_149] : memref<64x128xf32, #tpu.memory_space<vmem>> -> memref<40x128xf32, #tpu.memory_space<vmem>>
      %dma_wait3A_151 = arith.constant 0 : i32
      %dma_wait3A_152 = tpu.memref_slice %arg21[%add3A_129, %dma_wait3A_151] : memref<1280x128xf32, #tpu.memory_space<vmem_shared>> -> memref<40x128xf32, #tpu.memory_space<vmem_shared>>
      %dma_wait3A_153 = arith.constant 0 : i32
      %dma_wait3A_154 = arith.constant 0 : i32
      %dma_wait3A_155 = tpu.memref_slice %arg16[%dma_wait3A_153, %dma_wait3A_154] : memref<64x128xf32, #tpu.memory_space<vmem>> -> memref<40x128xf32, #tpu.memory_space<vmem>>
      %dma_wait3A_156 = arith.constant 0 : i32
      %dma_wait3A_157 = tpu.memref_slice %arg21[%add3A_129, %dma_wait3A_156] : memref<1280x128xf32, #tpu.memory_space<vmem_shared>> -> memref<40x128xf32, #tpu.memory_space<vmem_shared>>
      tpu.wait_dma2 semaphore(%run_scoped3A : memref<!tpu.dma_semaphore, #tpu.memory_space<semaphore_mem>>) src(%dma_wait3A_157 : memref<40x128xf32, #tpu.memory_space<vmem_shared>>) dst(%dma_wait3A_155 : memref<40x128xf32, #tpu.memory_space<vmem>>)
      tpu.yield
    }) : () -> ()
    %mul3A_130 = arith.constant 1280 : i32
    %mul3A_131 = arith.muli %arg0, %mul3A_130 : i32
    %add3A_132 = arith.addi %mul3A_131, %add3A_129 : i32
    "tpu.region"() ({
      %run_scoped3A = tpu.sem_alloc : memref<!tpu.dma_semaphore, #tpu.memory_space<semaphore_mem>>
      %dma_start3A = arith.constant 0 : i32
      %dma_start3A_140 = arith.constant 0 : i32
      %dma_start3A_141 = tpu.memref_slice %arg16[%dma_start3A, %dma_start3A_140] : memref<64x128xf32, #tpu.memory_space<vmem>> -> memref<40x128xf32, #tpu.memory_space<vmem>>
      %dma_start3A_142 = arith.constant 0 : i32
      %dma_start3A_143 = tpu.memref_slice %arg11[%add3A_132, %dma_start3A_142] : memref<2560x128xf32, #tpu.memory_space<hbm>> -> memref<40x128xf32, #tpu.memory_space<hbm>>
      %dma_start3A_144 = arith.constant 0 : i32
      %dma_start3A_145 = tpu.memref_slice %arg11[%add3A_132, %dma_start3A_144] : memref<2560x128xf32, #tpu.memory_space<hbm>> -> memref<40x128xf32, #tpu.memory_space<hbm>>
      %dma_start3A_146 = arith.constant 0 : i32
      %dma_start3A_147 = arith.constant 0 : i32
      %dma_start3A_148 = tpu.memref_slice %arg16[%dma_start3A_146, %dma_start3A_147] : memref<64x128xf32, #tpu.memory_space<vmem>> -> memref<40x128xf32, #tpu.memory_space<vmem>>
      tpu.enqueue_dma source(%dma_start3A_148 : memref<40x128xf32, #tpu.memory_space<vmem>>) target(%dma_start3A_145 : memref<40x128xf32, #tpu.memory_space<hbm>>) target_semaphore(%run_scoped3A : memref<!tpu.dma_semaphore, #tpu.memory_space<semaphore_mem>>)
      %dma_wait3A = arith.constant 0 : i32
      %dma_wait3A_149 = arith.constant 0 : i32
      %dma_wait3A_150 = tpu.memref_slice %arg16[%dma_wait3A, %dma_wait3A_149] : memref<64x128xf32, #tpu.memory_space<vmem>> -> memref<40x128xf32, #tpu.memory_space<vmem>>
      %dma_wait3A_151 = arith.constant 0 : i32
      %dma_wait3A_152 = tpu.memref_slice %arg11[%add3A_132, %dma_wait3A_151] : memref<2560x128xf32, #tpu.memory_space<hbm>> -> memref<40x128xf32, #tpu.memory_space<hbm>>
      %dma_wait3A_153 = arith.constant 0 : i32
      %dma_wait3A_154 = tpu.memref_slice %arg11[%add3A_132, %dma_wait3A_153] : memref<2560x128xf32, #tpu.memory_space<hbm>> -> memref<40x128xf32, #tpu.memory_space<hbm>>
      %dma_wait3A_155 = arith.constant 0 : i32
      %dma_wait3A_156 = arith.constant 0 : i32
      %dma_wait3A_157 = tpu.memref_slice %arg16[%dma_wait3A_155, %dma_wait3A_156] : memref<64x128xf32, #tpu.memory_space<vmem>> -> memref<40x128xf32, #tpu.memory_space<vmem>>
      tpu.wait_dma2 semaphore(%run_scoped3A : memref<!tpu.dma_semaphore, #tpu.memory_space<semaphore_mem>>) src(%dma_wait3A_157 : memref<40x128xf32, #tpu.memory_space<vmem>>) dst(%dma_wait3A_154 : memref<40x128xf32, #tpu.memory_space<hbm>>)
      tpu.yield
    }) : () -> ()
    %mul3A_133 = arith.constant 80 : i32
    %mul3A_134 = arith.muli %arg1, %mul3A_133 : i32
    %add3A_135 = arith.constant 40 : i32
    %add3A_136 = arith.addi %mul3A_134, %add3A_135 : i32
    "tpu.region"() ({
      %run_scoped3A = tpu.sem_alloc : memref<!tpu.dma_semaphore, #tpu.memory_space<semaphore_mem>>
      %dma_start3A = arith.constant 0 : i32
      %dma_start3A_140 = arith.constant 0 : i32
      %dma_start3A_141 = tpu.memref_slice %arg16[%dma_start3A, %dma_start3A_140] : memref<64x128xf32, #tpu.memory_space<vmem>> -> memref<40x128xf32, #tpu.memory_space<vmem>>
      %dma_start3A_142 = arith.constant 0 : i32
      %dma_start3A_143 = tpu.memref_slice %arg21[%add3A_136, %dma_start3A_142] : memref<1280x128xf32, #tpu.memory_space<vmem_shared>> -> memref<40x128xf32, #tpu.memory_space<vmem_shared>>
      %dma_start3A_144 = arith.constant 0 : i32
      %dma_start3A_145 = arith.constant 0 : i32
      %dma_start3A_146 = tpu.memref_slice %arg16[%dma_start3A_144, %dma_start3A_145] : memref<64x128xf32, #tpu.memory_space<vmem>> -> memref<40x128xf32, #tpu.memory_space<vmem>>
      %dma_start3A_147 = arith.constant 0 : i32
      %dma_start3A_148 = tpu.memref_slice %arg21[%add3A_136, %dma_start3A_147] : memref<1280x128xf32, #tpu.memory_space<vmem_shared>> -> memref<40x128xf32, #tpu.memory_space<vmem_shared>>
      tpu.enqueue_dma source(%dma_start3A_148 : memref<40x128xf32, #tpu.memory_space<vmem_shared>>) target(%dma_start3A_146 : memref<40x128xf32, #tpu.memory_space<vmem>>) target_semaphore(%run_scoped3A : memref<!tpu.dma_semaphore, #tpu.memory_space<semaphore_mem>>)
      %dma_wait3A = arith.constant 0 : i32
      %dma_wait3A_149 = arith.constant 0 : i32
      %dma_wait3A_150 = tpu.memref_slice %arg16[%dma_wait3A, %dma_wait3A_149] : memref<64x128xf32, #tpu.memory_space<vmem>> -> memref<40x128xf32, #tpu.memory_space<vmem>>
      %dma_wait3A_151 = arith.constant 0 : i32
      %dma_wait3A_152 = tpu.memref_slice %arg21[%add3A_136, %dma_wait3A_151] : memref<1280x128xf32, #tpu.memory_space<vmem_shared>> -> memref<40x128xf32, #tpu.memory_space<vmem_shared>>
      %dma_wait3A_153 = arith.constant 0 : i32
      %dma_wait3A_154 = arith.constant 0 : i32
      %dma_wait3A_155 = tpu.memref_slice %arg16[%dma_wait3A_153, %dma_wait3A_154] : memref<64x128xf32, #tpu.memory_space<vmem>> -> memref<40x128xf32, #tpu.memory_space<vmem>>
      %dma_wait3A_156 = arith.constant 0 : i32
      %dma_wait3A_157 = tpu.memref_slice %arg21[%add3A_136, %dma_wait3A_156] : memref<1280x128xf32, #tpu.memory_space<vmem_shared>> -> memref<40x128xf32, #tpu.memory_space<vmem_shared>>
      tpu.wait_dma2 semaphore(%run_scoped3A : memref<!tpu.dma_semaphore, #tpu.memory_space<semaphore_mem>>) src(%dma_wait3A_157 : memref<40x128xf32, #tpu.memory_space<vmem_shared>>) dst(%dma_wait3A_155 : memref<40x128xf32, #tpu.memory_space<vmem>>)
      tpu.yield
    }) : () -> ()
    %mul3A_137 = arith.constant 1280 : i32
    %mul3A_138 = arith.muli %arg0, %mul3A_137 : i32
    %add3A_139 = arith.addi %mul3A_138, %add3A_136 : i32
    "tpu.region"() ({
      %run_scoped3A = tpu.sem_alloc : memref<!tpu.dma_semaphore, #tpu.memory_space<semaphore_mem>>
      %dma_start3A = arith.constant 0 : i32
      %dma_start3A_140 = arith.constant 0 : i32
      %dma_start3A_141 = tpu.memref_slice %arg16[%dma_start3A, %dma_start3A_140] : memref<64x128xf32, #tpu.memory_space<vmem>> -> memref<40x128xf32, #tpu.memory_space<vmem>>
      %dma_start3A_142 = arith.constant 0 : i32
      %dma_start3A_143 = tpu.memref_slice %arg11[%add3A_139, %dma_start3A_142] : memref<2560x128xf32, #tpu.memory_space<hbm>> -> memref<40x128xf32, #tpu.memory_space<hbm>>
      %dma_start3A_144 = arith.constant 0 : i32
      %dma_start3A_145 = tpu.memref_slice %arg11[%add3A_139, %dma_start3A_144] : memref<2560x128xf32, #tpu.memory_space<hbm>> -> memref<40x128xf32, #tpu.memory_space<hbm>>
      %dma_start3A_146 = arith.constant 0 : i32
      %dma_start3A_147 = arith.constant 0 : i32
      %dma_start3A_148 = tpu.memref_slice %arg16[%dma_start3A_146, %dma_start3A_147] : memref<64x128xf32, #tpu.memory_space<vmem>> -> memref<40x128xf32, #tpu.memory_space<vmem>>
      tpu.enqueue_dma source(%dma_start3A_148 : memref<40x128xf32, #tpu.memory_space<vmem>>) target(%dma_start3A_145 : memref<40x128xf32, #tpu.memory_space<hbm>>) target_semaphore(%run_scoped3A : memref<!tpu.dma_semaphore, #tpu.memory_space<semaphore_mem>>)
      %dma_wait3A = arith.constant 0 : i32
      %dma_wait3A_149 = arith.constant 0 : i32
      %dma_wait3A_150 = tpu.memref_slice %arg16[%dma_wait3A, %dma_wait3A_149] : memref<64x128xf32, #tpu.memory_space<vmem>> -> memref<40x128xf32, #tpu.memory_space<vmem>>
      %dma_wait3A_151 = arith.constant 0 : i32
      %dma_wait3A_152 = tpu.memref_slice %arg11[%add3A_139, %dma_wait3A_151] : memref<2560x128xf32, #tpu.memory_space<hbm>> -> memref<40x128xf32, #tpu.memory_space<hbm>>
      %dma_wait3A_153 = arith.constant 0 : i32
      %dma_wait3A_154 = tpu.memref_slice %arg11[%add3A_139, %dma_wait3A_153] : memref<2560x128xf32, #tpu.memory_space<hbm>> -> memref<40x128xf32, #tpu.memory_space<hbm>>
      %dma_wait3A_155 = arith.constant 0 : i32
      %dma_wait3A_156 = arith.constant 0 : i32
      %dma_wait3A_157 = tpu.memref_slice %arg16[%dma_wait3A_155, %dma_wait3A_156] : memref<64x128xf32, #tpu.memory_space<vmem>> -> memref<40x128xf32, #tpu.memory_space<vmem>>
      tpu.wait_dma2 semaphore(%run_scoped3A : memref<!tpu.dma_semaphore, #tpu.memory_space<semaphore_mem>>) src(%dma_wait3A_157 : memref<40x128xf32, #tpu.memory_space<vmem>>) dst(%dma_wait3A_154 : memref<40x128xf32, #tpu.memory_space<hbm>>)
      tpu.yield
    }) : () -> ()
    return
  }
}

module attributes {stable_mosaic.version = 14 : i64} {
  func.func @_bscal_body(%arg0: i32, %arg1: memref<8x16xf32, #tpu.memory_space<vmem>>, %arg2: memref<8x16xf32, #tpu.memory_space<vmem>>, %arg3: memref<8x16xf32, #tpu.memory_space<vmem>>) attributes {dimension_semantics = [#tpu.dimension_semantics<arbitrary>], iteration_bounds = array<i64: 1>, scalar_prefetch = 0 : i64, scratch_operands = 0 : i64, tpu.core_type = #tpu.core_type<tc>, window_params = [{pipeline_mode = #tpu.pipeline_mode<synchronous>, transform_indices = @transform_0, window_bounds = array<i64: 8, 16>}, {pipeline_mode = #tpu.pipeline_mode<synchronous>, transform_indices = @transform_1, window_bounds = array<i64: 8, 16>}, {pipeline_mode = #tpu.pipeline_mode<synchronous>, transform_indices = @transform_2, window_bounds = array<i64: 8, 16>}]} {
    %get3A = arith.constant 0 : index
    %get3A_0 = arith.constant 0 : index
    %get3A_1 = vector.load %arg1[%get3A, %get3A_0] : memref<8x16xf32, #tpu.memory_space<vmem>>, vector<8x16xf32>
    %get3A_2 = arith.constant 0 : index
    %get3A_3 = arith.constant 0 : index
    %get3A_4 = vector.load %arg2[%get3A_2, %get3A_3] : memref<8x16xf32, #tpu.memory_space<vmem>>, vector<8x16xf32>
    %mul3A = arith.mulf %get3A_1, %get3A_4 : vector<8x16xf32>
    %swap3A = arith.constant 0 : index
    %swap3A_5 = arith.constant 0 : index
    %swap3A_6 = vector.load %arg3[%swap3A, %swap3A_5] : memref<8x16xf32, #tpu.memory_space<vmem>>, vector<8x16xf32>
    tpu.vector_store %arg3[%swap3A, %swap3A_5], %mul3A {strides = array<i32>} : memref<8x16xf32, #tpu.memory_space<vmem>>, vector<8x16xf32>,
    return
  }
  func.func @transform_0(%arg0: i32) -> (i32, i32) {
    %c0_i32 = arith.constant 0 : i32
    %c0_i32_0 = arith.constant 0 : i32
    %c0_i32_1 = arith.constant 0 : i32
    return %c0_i32, %c0_i32_0 : i32, i32
  }
  func.func @transform_1(%arg0: i32) -> (i32, i32) {
    %c0_i32 = arith.constant 0 : i32
    %c0_i32_0 = arith.constant 0 : i32
    %c0_i32_1 = arith.constant 0 : i32
    return %c0_i32, %c0_i32_0 : i32, i32
  }
  func.func @transform_2(%arg0: i32) -> (i32, i32) {
    %c0_i32 = arith.constant 0 : i32
    %c0_i32_0 = arith.constant 0 : i32
    %c0_i32_1 = arith.constant 0 : i32
    return %c0_i32, %c0_i32_0 : i32, i32
  }
}

module attributes {stable_mosaic.version = 14 : i64} {
  func.func @_pre_stats_body(%arg0: i32, %arg1: memref<1000x128xf32, #tpu.memory_space<vmem>>, %arg2: memref<128x128xf32, #tpu.memory_space<vmem>>, %arg3: memref<1x128xf32, #tpu.memory_space<vmem>>, %arg4: memref<128x16xf32, #tpu.memory_space<vmem>>, %arg5: memref<128x16xf32, #tpu.memory_space<vmem>>, %arg6: memref<128x16xf32, #tpu.memory_space<vmem>>, %arg7: memref<1000x128xf32, #tpu.memory_space<vmem>>, %arg8: memref<8x16xf32, #tpu.memory_space<vmem>>, %arg9: memref<8x16xf32, #tpu.memory_space<vmem>>) attributes {dimension_semantics = [#tpu.dimension_semantics<arbitrary>], iteration_bounds = array<i64: 10>, scalar_prefetch = 0 : i64, scratch_operands = 0 : i64, tpu.core_type = #tpu.core_type<tc>, window_params = [{transform_indices = @transform_0, window_bounds = array<i64: 1000, 128>}, {pipeline_mode = #tpu.pipeline_mode<synchronous>, transform_indices = @transform_1, window_bounds = array<i64: 128, 128>}, {pipeline_mode = #tpu.pipeline_mode<synchronous>, transform_indices = @transform_2, window_bounds = array<i64: 1, 128>}, {pipeline_mode = #tpu.pipeline_mode<synchronous>, transform_indices = @transform_3, window_bounds = array<i64: 128, 16>}, {pipeline_mode = #tpu.pipeline_mode<synchronous>, transform_indices = @transform_4, window_bounds = array<i64: 128, 16>}, {pipeline_mode = #tpu.pipeline_mode<synchronous>, transform_indices = @transform_5, window_bounds = array<i64: 128, 16>}, {transform_indices = @transform_6, window_bounds = array<i64: 1000, 128>}, {pipeline_mode = #tpu.pipeline_mode<synchronous>, transform_indices = @transform_7, window_bounds = array<i64: 8, 16>}, {pipeline_mode = #tpu.pipeline_mode<synchronous>, transform_indices = @transform_8, window_bounds = array<i64: 8, 16>}]} {
    %get3A = arith.constant 0 : index
    %get3A_0 = arith.constant 0 : index
    %get3A_1 = vector.load %arg1[%get3A, %get3A_0] : memref<1000x128xf32, #tpu.memory_space<vmem>>, vector<1000x128xf32>
    %get3A_2 = arith.constant 0 : index
    %get3A_3 = arith.constant 0 : index
    %get3A_4 = vector.load %arg2[%get3A_2, %get3A_3] : memref<128x128xf32, #tpu.memory_space<vmem>>, vector<128x128xf32>
    %dot_general3A = arith.constant dense<0.000000e+00> : vector<1000x128xf32>
    %dot_general3A_5 = tpu.matmul %get3A_1, %get3A_4, %dot_general3A {dimension_numbers = #tpu.dot_dimension_numbers<[1], [1], [0], [0], [0, 0, 1, 0], [], []>, transpose_lhs_hint = false} : vector<1000x128xf32>, vector<128x128xf32>, vector<1000x128xf32> -> vector<1000x128xf32>
    %get3A_6 = arith.constant 0 : index
    %get3A_7 = arith.constant 0 : index
    %get3A_8 = vector.load %arg3[%get3A_6, %get3A_7] : memref<1x128xf32, #tpu.memory_space<vmem>>, vector<1x128xf32>
    %add3A = vector.broadcast %get3A_8 : vector<1x128xf32> to vector<1000x128xf32>
    %add3A_9 = arith.addf %dot_general3A_5, %add3A : vector<1000x128xf32>
    %swap3A = arith.constant 0 : index
    %swap3A_10 = arith.constant 0 : index
    %swap3A_11 = vector.load %arg7[%swap3A, %swap3A_10] : memref<1000x128xf32, #tpu.memory_space<vmem>>, vector<1000x128xf32>
    tpu.vector_store %arg7[%swap3A, %swap3A_10], %add3A_9 {strides = array<i32>} : memref<1000x128xf32, #tpu.memory_space<vmem>>, vector<1000x128xf32>,
    %mul3A = arith.mulf %add3A_9, %add3A_9 : vector<1000x128xf32>
    %get3A_12 = arith.constant 0 : index
    %get3A_13 = arith.constant 0 : index
    %get3A_14 = vector.load %arg5[%get3A_12, %get3A_13] : memref<128x16xf32, #tpu.memory_space<vmem>>, vector<128x16xf32>
    %dot_general3A_15 = arith.constant dense<0.000000e+00> : vector<1000x16xf32>
    %dot_general3A_16 = tpu.matmul %mul3A, %get3A_14, %dot_general3A_15 {dimension_numbers = #tpu.dot_dimension_numbers<[1], [0], [0], [1], [0, 0, 1, 1], [], []>, transpose_lhs_hint = false} : vector<1000x128xf32>, vector<128x16xf32>, vector<1000x16xf32> -> vector<1000x16xf32>
    %get3A_17 = arith.constant 0 : index
    %get3A_18 = arith.constant 0 : index
    %get3A_19 = vector.load %arg6[%get3A_17, %get3A_18] : memref<128x16xf32, #tpu.memory_space<vmem>>, vector<128x16xf32>
    %dot_general3A_20 = arith.constant dense<0.000000e+00> : vector<1000x16xf32>
    %dot_general3A_21 = tpu.matmul %mul3A, %get3A_19, %dot_general3A_20 {dimension_numbers = #tpu.dot_dimension_numbers<[1], [0], [0], [1], [0, 0, 1, 1], [], []>, transpose_lhs_hint = false} : vector<1000x128xf32>, vector<128x16xf32>, vector<1000x16xf32> -> vector<1000x16xf32>
    %max3A = arith.maximumf %dot_general3A_16, %dot_general3A_21 : vector<1000x16xf32>
    %sqrt3A = math.sqrt %max3A : vector<1000x16xf32>
    %reduce_max3A = arith.constant dense<0xFF800000> : vector<16xf32>
    %reduce_max3A_22 = vector.multi_reduction <maximumf>, %sqrt3A, %reduce_max3A [0] : vector<1000x16xf32> to vector<16xf32>
    %broadcast_in_dim3A = vector.shape_cast %reduce_max3A_22 : vector<16xf32> to vector<1x16xf32>
    %broadcast_in_dim3A_23 = vector.shape_cast %broadcast_in_dim3A : vector<1x16xf32> to vector<1x16xf32>
    %broadcast_in_dim3A_24 = vector.broadcast %broadcast_in_dim3A_23 : vector<1x16xf32> to vector<8x16xf32>
    %get3A_25 = arith.constant 0 : index
    %get3A_26 = arith.constant 0 : index
    %get3A_27 = vector.load %arg4[%get3A_25, %get3A_26] : memref<128x16xf32, #tpu.memory_space<vmem>>, vector<128x16xf32>
    %dot_general3A_28 = arith.constant dense<0.000000e+00> : vector<1000x16xf32>
    %dot_general3A_29 = tpu.matmul %mul3A, %get3A_27, %dot_general3A_28 {dimension_numbers = #tpu.dot_dimension_numbers<[1], [0], [0], [1], [0, 0, 1, 1], [], []>, transpose_lhs_hint = false} : vector<1000x128xf32>, vector<128x16xf32>, vector<1000x16xf32> -> vector<1000x16xf32>
    %sqrt3A_30 = math.sqrt %dot_general3A_29 : vector<1000x16xf32>
    %reduce_max3A_31 = arith.constant dense<0xFF800000> : vector<16xf32>
    %reduce_max3A_32 = vector.multi_reduction <maximumf>, %sqrt3A_30, %reduce_max3A_31 [0] : vector<1000x16xf32> to vector<16xf32>
    %broadcast_in_dim3A_33 = vector.shape_cast %reduce_max3A_32 : vector<16xf32> to vector<1x16xf32>
    %broadcast_in_dim3A_34 = vector.shape_cast %broadcast_in_dim3A_33 : vector<1x16xf32> to vector<1x16xf32>
    %broadcast_in_dim3A_35 = vector.broadcast %broadcast_in_dim3A_34 : vector<1x16xf32> to vector<8x16xf32>
    %eq3A = arith.constant 0 : i32
    %eq3A_36 = arith.cmpi eq, %arg0, %eq3A : i32
    %convert_element_type3A = arith.extui %eq3A_36 : i1 to i32
    %cond3A = arith.constant 0 : i32
    %cond3A_37 = arith.cmpi ne, %convert_element_type3A, %cond3A : i32
    scf.if %cond3A_37 {
      %swap3A_42 = arith.constant 0 : index
      %swap3A_43 = arith.constant 0 : index
      %swap3A_44 = vector.load %arg8[%swap3A_42, %swap3A_43] : memref<8x16xf32, #tpu.memory_space<vmem>>, vector<8x16xf32>
      tpu.vector_store %arg8[%swap3A_42, %swap3A_43], %broadcast_in_dim3A_35 {strides = array<i32>} : memref<8x16xf32, #tpu.memory_space<vmem>>, vector<8x16xf32>,
      %swap3A_45 = arith.constant 0 : index
      %swap3A_46 = arith.constant 0 : index
      %swap3A_47 = vector.load %arg9[%swap3A_45, %swap3A_46] : memref<8x16xf32, #tpu.memory_space<vmem>>, vector<8x16xf32>
      tpu.vector_store %arg9[%swap3A_45, %swap3A_46], %broadcast_in_dim3A_24 {strides = array<i32>} : memref<8x16xf32, #tpu.memory_space<vmem>>, vector<8x16xf32>,
    } else {
    }
    %gt3A = arith.constant 0 : i32
    %gt3A_38 = arith.cmpi sgt, %arg0, %gt3A : i32
    %convert_element_type3A_39 = arith.extui %gt3A_38 : i1 to i32
    %cond3A_40 = arith.constant 0 : i32
    %cond3A_41 = arith.cmpi ne, %convert_element_type3A_39, %cond3A_40 : i32
    scf.if %cond3A_41 {
      %get3A_42 = arith.constant 0 : index
      %get3A_43 = arith.constant 0 : index
      %get3A_44 = vector.load %arg8[%get3A_42, %get3A_43] : memref<8x16xf32, #tpu.memory_space<vmem>>, vector<8x16xf32>
      %max3A_45 = arith.maximumf %get3A_44, %broadcast_in_dim3A_35 : vector<8x16xf32>
      %swap3A_46 = arith.constant 0 : index
      %swap3A_47 = arith.constant 0 : index
      %swap3A_48 = vector.load %arg8[%swap3A_46, %swap3A_47] : memref<8x16xf32, #tpu.memory_space<vmem>>, vector<8x16xf32>
      tpu.vector_store %arg8[%swap3A_46, %swap3A_47], %max3A_45 {strides = array<i32>} : memref<8x16xf32, #tpu.memory_space<vmem>>, vector<8x16xf32>,
      %get3A_49 = arith.constant 0 : index
      %get3A_50 = arith.constant 0 : index
      %get3A_51 = vector.load %arg9[%get3A_49, %get3A_50] : memref<8x16xf32, #tpu.memory_space<vmem>>, vector<8x16xf32>
      %max3A_52 = arith.maximumf %get3A_51, %broadcast_in_dim3A_24 : vector<8x16xf32>
      %swap3A_53 = arith.constant 0 : index
      %swap3A_54 = arith.constant 0 : index
      %swap3A_55 = vector.load %arg9[%swap3A_53, %swap3A_54] : memref<8x16xf32, #tpu.memory_space<vmem>>, vector<8x16xf32>
      tpu.vector_store %arg9[%swap3A_53, %swap3A_54], %max3A_52 {strides = array<i32>} : memref<8x16xf32, #tpu.memory_space<vmem>>, vector<8x16xf32>,
    } else {
    }
    return
  }
  func.func @transform_0(%arg0: i32) -> (i32, i32) {
    %c0_i32 = arith.constant 0 : i32
    %c0_i32_0 = arith.constant 0 : i32
    return %arg0, %c0_i32 : i32, i32
  }
  func.func @transform_1(%arg0: i32) -> (i32, i32) {
    %c0_i32 = arith.constant 0 : i32
    %c0_i32_0 = arith.constant 0 : i32
    %c0_i32_1 = arith.constant 0 : i32
    return %c0_i32, %c0_i32_0 : i32, i32
  }
  func.func @transform_2(%arg0: i32) -> (i32, i32) {
    %c0_i32 = arith.constant 0 : i32
    %c0_i32_0 = arith.constant 0 : i32
    %c0_i32_1 = arith.constant 0 : i32
    return %c0_i32, %c0_i32_0 : i32, i32
  }
  func.func @transform_3(%arg0: i32) -> (i32, i32) {
    %c0_i32 = arith.constant 0 : i32
    %c0_i32_0 = arith.constant 0 : i32
    %c0_i32_1 = arith.constant 0 : i32
    return %c0_i32, %c0_i32_0 : i32, i32
  }
  func.func @transform_4(%arg0: i32) -> (i32, i32) {
    %c0_i32 = arith.constant 0 : i32
    %c0_i32_0 = arith.constant 0 : i32
    %c0_i32_1 = arith.constant 0 : i32
    return %c0_i32, %c0_i32_0 : i32, i32
  }
  func.func @transform_5(%arg0: i32) -> (i32, i32) {
    %c0_i32 = arith.constant 0 : i32
    %c0_i32_0 = arith.constant 0 : i32
    %c0_i32_1 = arith.constant 0 : i32
    return %c0_i32, %c0_i32_0 : i32, i32
  }
  func.func @transform_6(%arg0: i32) -> (i32, i32) {
    %c0_i32 = arith.constant 0 : i32
    %c0_i32_0 = arith.constant 0 : i32
    return %arg0, %c0_i32 : i32, i32
  }
  func.func @transform_7(%arg0: i32) -> (i32, i32) {
    %c0_i32 = arith.constant 0 : i32
    %c0_i32_0 = arith.constant 0 : i32
    %c0_i32_1 = arith.constant 0 : i32
    return %c0_i32, %c0_i32_0 : i32, i32
  }
  func.func @transform_8(%arg0: i32) -> (i32, i32) {
    %c0_i32 = arith.constant 0 : i32
    %c0_i32_0 = arith.constant 0 : i32
    %c0_i32_1 = arith.constant 0 : i32
    return %c0_i32, %c0_i32_0 : i32, i32
  }
}

module attributes {stable_mosaic.version = 14 : i64} {
  func.func @_gtable_body(%arg0: i32, %arg1: i32, %arg2: memref<2560x128xf32, #tpu.memory_space<vmem>>, %arg3: memref<8x128xf32, #tpu.memory_space<vmem>>, %arg4: memref<2560x128xf32, #tpu.memory_space<vmem>>) attributes {dimension_semantics = [#tpu.dimension_semantics<arbitrary>, #tpu.dimension_semantics<arbitrary>], iteration_bounds = array<i64: 2, 4>, scalar_prefetch = 0 : i64, scratch_operands = 0 : i64, tpu.core_type = #tpu.core_type<tc>, window_params = [{transform_indices = @transform_0, window_bounds = array<i64: 2560, 128>}, {pipeline_mode = #tpu.pipeline_mode<synchronous>, transform_indices = @transform_1, window_bounds = array<i64: 8, 128>}, {transform_indices = @transform_2, window_bounds = array<i64: 2560, 128>}]} {
    %get3A = arith.index_cast %arg0 : i32 to index
    %get3A_0 = arith.constant 0 : index
    %get3A_1 = vector.load %arg3[%get3A, %get3A_0] : memref<8x128xf32, #tpu.memory_space<vmem>>, vector<1x128xf32>
    %get3A_2 = arith.constant 0 : index
    %get3A_3 = arith.constant 0 : index
    %get3A_4 = vector.load %arg2[%get3A_2, %get3A_3] : memref<2560x128xf32, #tpu.memory_space<vmem>>, vector<2560x128xf32>
    %mul3A = vector.broadcast %get3A_1 : vector<1x128xf32> to vector<2560x128xf32>
    %mul3A_5 = arith.mulf %get3A_4, %mul3A : vector<2560x128xf32>
    %swap3A = arith.constant 0 : index
    %swap3A_6 = arith.constant 0 : index
    %swap3A_7 = vector.load %arg4[%swap3A, %swap3A_6] : memref<2560x128xf32, #tpu.memory_space<vmem>>, vector<2560x128xf32>
    tpu.vector_store %arg4[%swap3A, %swap3A_6], %mul3A_5 {strides = array<i32>} : memref<2560x128xf32, #tpu.memory_space<vmem>>, vector<2560x128xf32>,
    return
  }
  func.func @transform_0(%arg0: i32, %arg1: i32) -> (i32, i32) {
    %c0_i32 = arith.constant 0 : i32
    %c0_i32_0 = arith.constant 0 : i32
    return %arg1, %c0_i32 : i32, i32
  }
  func.func @transform_1(%arg0: i32, %arg1: i32) -> (i32, i32) {
    %c0_i32 = arith.constant 0 : i32
    %c0_i32_0 = arith.constant 0 : i32
    %c0_i32_1 = arith.constant 0 : i32
    return %c0_i32, %c0_i32_0 : i32, i32
  }
  func.func @transform_2(%arg0: i32, %arg1: i32) -> (i32, i32) {
    %mul3A = arith.constant 4 : i32
    %mul3A_0 = arith.muli %arg0, %mul3A : i32
    %add3A = arith.addi %mul3A_0, %arg1 : i32
    %c0_i32 = arith.constant 0 : i32
    %c0_i32_1 = arith.constant 0 : i32
    return %add3A, %c0_i32 : i32, i32
  }
}

module attributes {stable_mosaic.version = 14 : i64} {
  func.func @_post_body(%arg0: i32, %arg1: memref<1000x128xf32, #tpu.memory_space<vmem>>, %arg2: memref<1000x128xf32, #tpu.memory_space<vmem>>, %arg3: memref<1000x16xf32, #tpu.memory_space<vmem>>, %arg4: memref<1000x16xf32, #tpu.memory_space<vmem>>, %arg5: memref<16x128xf32, #tpu.memory_space<vmem>>, %arg6: memref<1000x128xf32, #tpu.memory_space<vmem>>, %arg7: memref<128x128xf32, #tpu.memory_space<vmem>>, %arg8: memref<1x128xf32, #tpu.memory_space<vmem>>, %arg9: memref<128x128xf32, #tpu.memory_space<vmem>>, %arg10: memref<1x128xf32, #tpu.memory_space<vmem>>, %arg11: memref<128x128xf32, #tpu.memory_space<vmem>>, %arg12: memref<1x128xf32, #tpu.memory_space<vmem>>, %arg13: memref<1x1xf32, #tpu.memory_space<vmem>>, %arg14: memref<1000x128xf32, #tpu.memory_space<vmem>>) attributes {dimension_semantics = [#tpu.dimension_semantics<arbitrary>], iteration_bounds = array<i64: 10>, scalar_prefetch = 0 : i64, scratch_operands = 0 : i64, tpu.core_type = #tpu.core_type<tc>, window_params = [{transform_indices = @transform_0, window_bounds = array<i64: 1000, 128>}, {transform_indices = @transform_1, window_bounds = array<i64: 1000, 128>}, {transform_indices = @transform_2, window_bounds = array<i64: 1000, 16>}, {transform_indices = @transform_3, window_bounds = array<i64: 1000, 16>}, {pipeline_mode = #tpu.pipeline_mode<synchronous>, transform_indices = @transform_4, window_bounds = array<i64: 16, 128>}, {transform_indices = @transform_5, window_bounds = array<i64: 1000, 128>}, {pipeline_mode = #tpu.pipeline_mode<synchronous>, transform_indices = @transform_6, window_bounds = array<i64: 128, 128>}, {pipeline_mode = #tpu.pipeline_mode<synchronous>, transform_indices = @transform_7, window_bounds = array<i64: 1, 128>}, {pipeline_mode = #tpu.pipeline_mode<synchronous>, transform_indices = @transform_8, window_bounds = array<i64: 128, 128>}, {pipeline_mode = #tpu.pipeline_mode<synchronous>, transform_indices = @transform_9, window_bounds = array<i64: 1, 128>}, {pipeline_mode = #tpu.pipeline_mode<synchronous>, transform_indices = @transform_10, window_bounds = array<i64: 128, 128>}, {pipeline_mode = #tpu.pipeline_mode<synchronous>, transform_indices = @transform_11, window_bounds = array<i64: 1, 128>}, {pipeline_mode = #tpu.pipeline_mode<synchronous>, transform_indices = @transform_12, window_bounds = array<i64: 1, 1>}, {transform_indices = @transform_13, window_bounds = array<i64: 1000, 128>}]} {
    %get3A = arith.constant 0 : index
    %get3A_0 = arith.constant 0 : index
    %get3A_1 = vector.load %arg3[%get3A, %get3A_0] : memref<1000x16xf32, #tpu.memory_space<vmem>>, vector<1000x16xf32>
    %get3A_2 = arith.constant 0 : index
    %get3A_3 = arith.constant 0 : index
    %get3A_4 = vector.load %arg4[%get3A_2, %get3A_3] : memref<1000x16xf32, #tpu.memory_space<vmem>>, vector<1000x16xf32>
    %add3A = arith.addf %get3A_1, %get3A_4 : vector<1000x16xf32>
    %get3A_5 = arith.constant 0 : index
    %get3A_6 = arith.constant 0 : index
    %get3A_7 = vector.load %arg5[%get3A_5, %get3A_6] : memref<16x128xf32, #tpu.memory_space<vmem>>, vector<16x128xf32>
    %dot_general3A = arith.constant dense<0.000000e+00> : vector<1000x128xf32>
    %dot_general3A_8 = tpu.matmul %add3A, %get3A_7, %dot_general3A {dimension_numbers = #tpu.dot_dimension_numbers<[1], [0], [0], [1], [0, 0, 1, 1], [], []>, transpose_lhs_hint = false} : vector<1000x16xf32>, vector<16x128xf32>, vector<1000x128xf32> -> vector<1000x128xf32>
    %gt3A = arith.constant 0.000000e+00 : f32
    %gt3A_9 = vector.broadcast %gt3A : f32 to vector<1000x128xf32>
    %gt3A_10 = arith.cmpf ogt, %dot_general3A_8, %gt3A_9 : vector<1000x128xf32>
    %div3A = arith.constant 1.000000e+00 : f32
    %div3A_11 = vector.broadcast %div3A : f32 to vector<1000x128xf32>
    %div3A_12 = arith.divf %div3A_11, %dot_general3A_8 : vector<1000x128xf32>
    %jit3A = arith.constant 0.000000e+00 : f32
    %broadcast_in_dim3A = vector.broadcast %jit3A : f32 to vector<1000x128xf32>
    %select_n3A = arith.select %gt3A_10, %div3A_12, %broadcast_in_dim3A : vector<1000x128xi1>, vector<1000x128xf32>
    %get3A_13 = arith.constant 0 : index
    %get3A_14 = arith.constant 0 : index
    %get3A_15 = vector.load %arg1[%get3A_13, %get3A_14] : memref<1000x128xf32, #tpu.memory_space<vmem>>, vector<1000x128xf32>
    %get3A_16 = arith.constant 0 : index
    %get3A_17 = arith.constant 0 : index
    %get3A_18 = vector.load %arg2[%get3A_16, %get3A_17] : memref<1000x128xf32, #tpu.memory_space<vmem>>, vector<1000x128xf32>
    %add3A_19 = arith.addf %get3A_15, %get3A_18 : vector<1000x128xf32>
    %mul3A = arith.mulf %add3A_19, %select_n3A : vector<1000x128xf32>
    %get3A_20 = arith.constant 0 : index
    %get3A_21 = arith.constant 0 : index
    %get3A_22 = vector.load %arg7[%get3A_20, %get3A_21] : memref<128x128xf32, #tpu.memory_space<vmem>>, vector<128x128xf32>
    %dot_general3A_23 = arith.constant dense<0.000000e+00> : vector<1000x128xf32>
    %dot_general3A_24 = tpu.matmul %mul3A, %get3A_22, %dot_general3A_23 {dimension_numbers = #tpu.dot_dimension_numbers<[1], [1], [0], [0], [0, 0, 1, 0], [], []>, transpose_lhs_hint = false} : vector<1000x128xf32>, vector<128x128xf32>, vector<1000x128xf32> -> vector<1000x128xf32>
    %get3A_25 = arith.constant 0 : index
    %get3A_26 = arith.constant 0 : index
    %get3A_27 = vector.load %arg8[%get3A_25, %get3A_26] : memref<1x128xf32, #tpu.memory_space<vmem>>, vector<1x128xf32>
    %add3A_28 = vector.broadcast %get3A_27 : vector<1x128xf32> to vector<1000x128xf32>
    %add3A_29 = arith.addf %dot_general3A_24, %add3A_28 : vector<1000x128xf32>
    %get3A_30 = arith.constant 0 : index
    %get3A_31 = arith.constant 0 : index
    %get3A_32 = vector.load %arg13[%get3A_30, %get3A_31] : memref<1x1xf32, #tpu.memory_space<vmem>>, vector<1x1xf32>
    %get3A_33 = vector.extract %get3A_32[0, 0] : f32 from vector<1x1xf32>
    %add3A_34 = arith.constant 1.000000e+00 : f32
    %add3A_35 = arith.addf %add3A_34, %get3A_33 : f32
    %get3A_36 = arith.constant 0 : index
    %get3A_37 = arith.constant 0 : index
    %get3A_38 = vector.load %arg6[%get3A_36, %get3A_37] : memref<1000x128xf32, #tpu.memory_space<vmem>>, vector<1000x128xf32>
    %mul3A_39 = vector.broadcast %add3A_35 : f32 to vector<1000x128xf32>
    %mul3A_40 = arith.mulf %mul3A_39, %get3A_38 : vector<1000x128xf32>
    %add3A_41 = arith.addf %mul3A_40, %add3A_29 : vector<1000x128xf32>
    %get3A_42 = arith.constant 0 : index
    %get3A_43 = arith.constant 0 : index
    %get3A_44 = vector.load %arg9[%get3A_42, %get3A_43] : memref<128x128xf32, #tpu.memory_space<vmem>>, vector<128x128xf32>
    %dot_general3A_45 = arith.constant dense<0.000000e+00> : vector<1000x128xf32>
    %dot_general3A_46 = tpu.matmul %add3A_41, %get3A_44, %dot_general3A_45 {dimension_numbers = #tpu.dot_dimension_numbers<[1], [1], [0], [0], [0, 0, 1, 0], [], []>, transpose_lhs_hint = false} : vector<1000x128xf32>, vector<128x128xf32>, vector<1000x128xf32> -> vector<1000x128xf32>
    %get3A_47 = arith.constant 0 : index
    %get3A_48 = arith.constant 0 : index
    %get3A_49 = vector.load %arg10[%get3A_47, %get3A_48] : memref<1x128xf32, #tpu.memory_space<vmem>>, vector<1x128xf32>
    %add3A_50 = vector.broadcast %get3A_49 : vector<1x128xf32> to vector<1000x128xf32>
    %add3A_51 = arith.addf %dot_general3A_46, %add3A_50 : vector<1000x128xf32>
    %max3A = arith.constant 0.000000e+00 : f32
    %max3A_52 = vector.broadcast %max3A : f32 to vector<1000x128xf32>
    %max3A_53 = arith.maximumf %add3A_51, %max3A_52 : vector<1000x128xf32>
    %get3A_54 = arith.constant 0 : index
    %get3A_55 = arith.constant 0 : index
    %get3A_56 = vector.load %arg11[%get3A_54, %get3A_55] : memref<128x128xf32, #tpu.memory_space<vmem>>, vector<128x128xf32>
    %dot_general3A_57 = arith.constant dense<0.000000e+00> : vector<1000x128xf32>
    %dot_general3A_58 = tpu.matmul %max3A_53, %get3A_56, %dot_general3A_57 {dimension_numbers = #tpu.dot_dimension_numbers<[1], [1], [0], [0], [0, 0, 1, 0], [], []>, transpose_lhs_hint = false} : vector<1000x128xf32>, vector<128x128xf32>, vector<1000x128xf32> -> vector<1000x128xf32>
    %get3A_59 = arith.constant 0 : index
    %get3A_60 = arith.constant 0 : index
    %get3A_61 = vector.load %arg12[%get3A_59, %get3A_60] : memref<1x128xf32, #tpu.memory_space<vmem>>, vector<1x128xf32>
    %add3A_62 = vector.broadcast %get3A_61 : vector<1x128xf32> to vector<1000x128xf32>
    %add3A_63 = arith.addf %dot_general3A_58, %add3A_62 : vector<1000x128xf32>
    %swap3A = arith.constant 0 : index
    %swap3A_64 = arith.constant 0 : index
    %swap3A_65 = vector.load %arg14[%swap3A, %swap3A_64] : memref<1000x128xf32, #tpu.memory_space<vmem>>, vector<1000x128xf32>
    tpu.vector_store %arg14[%swap3A, %swap3A_64], %add3A_63 {strides = array<i32>} : memref<1000x128xf32, #tpu.memory_space<vmem>>, vector<1000x128xf32>,
    return
  }
  func.func @transform_0(%arg0: i32) -> (i32, i32) {
    %c0_i32 = arith.constant 0 : i32
    %c0_i32_0 = arith.constant 0 : i32
    return %arg0, %c0_i32 : i32, i32
  }
  func.func @transform_1(%arg0: i32) -> (i32, i32) {
    %c0_i32 = arith.constant 0 : i32
    %c0_i32_0 = arith.constant 0 : i32
    return %arg0, %c0_i32 : i32, i32
  }
  func.func @transform_2(%arg0: i32) -> (i32, i32) {
    %c0_i32 = arith.constant 0 : i32
    %c0_i32_0 = arith.constant 0 : i32
    return %arg0, %c0_i32 : i32, i32
  }
  func.func @transform_3(%arg0: i32) -> (i32, i32) {
    %c0_i32 = arith.constant 0 : i32
    %c0_i32_0 = arith.constant 0 : i32
    return %arg0, %c0_i32 : i32, i32
  }
  func.func @transform_4(%arg0: i32) -> (i32, i32) {
    %c0_i32 = arith.constant 0 : i32
    %c0_i32_0 = arith.constant 0 : i32
    %c0_i32_1 = arith.constant 0 : i32
    return %c0_i32, %c0_i32_0 : i32, i32
  }
  func.func @transform_5(%arg0: i32) -> (i32, i32) {
    %c0_i32 = arith.constant 0 : i32
    %c0_i32_0 = arith.constant 0 : i32
    return %arg0, %c0_i32 : i32, i32
  }
  func.func @transform_6(%arg0: i32) -> (i32, i32) {
    %c0_i32 = arith.constant 0 : i32
    %c0_i32_0 = arith.constant 0 : i32
    %c0_i32_1 = arith.constant 0 : i32
    return %c0_i32, %c0_i32_0 : i32, i32
  }
  func.func @transform_7(%arg0: i32) -> (i32, i32) {
    %c0_i32 = arith.constant 0 : i32
    %c0_i32_0 = arith.constant 0 : i32
    %c0_i32_1 = arith.constant 0 : i32
    return %c0_i32, %c0_i32_0 : i32, i32
  }
  func.func @transform_8(%arg0: i32) -> (i32, i32) {
    %c0_i32 = arith.constant 0 : i32
    %c0_i32_0 = arith.constant 0 : i32
    %c0_i32_1 = arith.constant 0 : i32
    return %c0_i32, %c0_i32_0 : i32, i32
  }
  func.func @transform_9(%arg0: i32) -> (i32, i32) {
    %c0_i32 = arith.constant 0 : i32
    %c0_i32_0 = arith.constant 0 : i32
    %c0_i32_1 = arith.constant 0 : i32
    return %c0_i32, %c0_i32_0 : i32, i32
  }
  func.func @transform_10(%arg0: i32) -> (i32, i32) {
    %c0_i32 = arith.constant 0 : i32
    %c0_i32_0 = arith.constant 0 : i32
    %c0_i32_1 = arith.constant 0 : i32
    return %c0_i32, %c0_i32_0 : i32, i32
  }
  func.func @transform_11(%arg0: i32) -> (i32, i32) {
    %c0_i32 = arith.constant 0 : i32
    %c0_i32_0 = arith.constant 0 : i32
    %c0_i32_1 = arith.constant 0 : i32
    return %c0_i32, %c0_i32_0 : i32, i32
  }
  func.func @transform_12(%arg0: i32) -> (i32, i32) {
    %c0_i32 = arith.constant 0 : i32
    %c0_i32_0 = arith.constant 0 : i32
    %c0_i32_1 = arith.constant 0 : i32
    return %c0_i32, %c0_i32_0 : i32, i32
  }
  func.func @transform_13(%arg0: i32) -> (i32, i32) {
    %c0_i32 = arith.constant 0 : i32
    %c0_i32_0 = arith.constant 0 : i32
    return %arg0, %c0_i32 : i32, i32
  }
}

</mosaic_0001>

<sc_bundles>
// kernel: kernel.7.cloned.1.call-start
scs
__scs_entry_jumppad:
0x0: {  	(pc) =	sbr.rel $0x88, $3  }
0x1: {  	(tag) =	ssettag $0x0;
	lr =	simm.s32 $0x1  }
0x2: {  	[smem:$0x3F94] =	sst lr;
	_ =	strace $0xD0000000  }
0x3: {  	_ = 	snop  }
0x4: {  	_ = 	snop  }
0x5: {  	_ = 	snop  }
0x6: {  	_ = 	snop  }
0x7: {  	_ = 	snop  }
__scs_overlays_trampoline_lowered:
0x8: {  	[smem:$0x3FA3] =	sst s0  }
0x9: {  	[smem:$0x3FA4] =	sst s1  }
0xa: {  	[smem:$0x3FA5] =	sst s2  }
0xb: {  	[smem:$0x3FA6] =	sst s3  }
0xc: {  	[smem:$0x3FA7] =	sst s4  }
0xd: {  	[smem:$0x3FA8] =	sst s5  }
0xe: {  	[smem:$0x3FA9] =	sst s6  }
0xf: {  	[smem:$0x3FAA] =	sst s7  }
0x10: {  	[smem:$0x3FAB] =	sst s8  }
0x11: {  	[smem:$0x3FAC] =	sst s9;
	s0 =	simm.s32 @!p0 $0x0  }
0x12: {  	s1 =	sld [smem:$0x3F92];
	s0 =	simm.s32 @p0 $0x1  }
0x13: {  	[smem:$0x3FAD] =	sst s0;
	s0 =	simm.s32 @!p1 $0x0  }
0x14: {  	s2 =	sld [smem:$0x3F91];
	s0 =	simm.s32 @p1 $0x1  }
0x15: {  	[smem:$0x3FAE] =	sst s0;
	s0 =	simm.s32 @!p2 $0x0  }
0x16: {  	s3 =	sld [smem:$0x3FDB];
	s0 =	simm.s32 @p2 $0x1  }
0x17: {  	s4 =	simm.s32 $0x1BF5;
	[smem:$0x3FB0] =	sst s0  }
0x18: {  	s0 =	sld [smem:$0x3F93];
	_ =	swait.ge [sflag:s4], $0x0  }
0x19: {  	s7 =	sld [smem:$0x3F94]  }
0x1a: {  	s8 =	sadd.s32 $0xFFFFE003, lr  }
0x1b: {  	s9 =	sadd.s32 $0xFFFFFEF7, lr;
	s5 =	simm.s32 $0xFFFFFFFF;
	p2 =	slt.u32 s8, $0xFFFFF086  }
0x1c: {  	p1 =	slt.u32 s9, $0xF7A;
	s5 =	simm.s32 @!p2 $0x0  }
0x1d: {  	s5 =	simm.s32 @p1 $0x1;
	p0 =	seq.s32 s7, s2  }
0x1e: {  	s7 =	smul.u32 @!p0 $0xF7A, s2;
	p2 =	seq.s32 @!p0 s5, $0x0  }
0x1f: {  	s9 =	smul.u32 $0xF7A, s1;
	s8 =	simm.s32 @!p0 $0x1BF5;
	p2 =	por !p2, p0  }
0x20: {  	[sflag:s8] =	ssyncset.s32 @!p0 $0xFFFFF086;
	s6 =	sadd.s32 @!p0 s3, s7;
	s7 =	simm.s32 @!p0 $0x108  }
0x21: {  	s3 =	sadd.s32 s3, s9;
	s6 =	sadd.s32 @!p0 $0x88, s6;
	s7 =	simm.s32 @p2 $0x1082  }
0x22: {  	[simem:s7], [sflag:s8] =	dma.local @!p0 [hbm:s6], $0xF7A  }
0x23: {  	s9 =	sor.u32 $0xD0000000, s2;
	s6 =	simm.s32 $0x108;
	_ =	swait.ge @!p0 [sflag:s8], $0x0  }
0x24: {  	s3 =	sadd.s32 $0x88, s3;
	s6 =	simm.s32 @!p1 $0x1082;
	[sflag:s4] =	ssyncset.s32 $0xFFFFF086  }
0x25: {  	[simem:s6], [sflag:s4] =	dma.local [hbm:s3], $0xF7A  }
0x26: {  	[smem:$0x3F94] =	sst s1;
	(tag) =	ssettag s2;
	_ =	strace s9  }
0x27: {  	s1 =	sld [smem:$0x3FA4]  }
0x28: {  	s2 =	sld [smem:$0x3FA5]  }
0x29: {  	s4 =	sld [smem:$0x3FA7]  }
0x2a: {  	p0 =	seq.s32 s5, $0x0;
	s5 =	sld [smem:$0x3FA8]  }
0x2b: {  	s6 =	sld [smem:$0x3FA9]  }
0x2c: {  	s7 =	sld [smem:$0x3FAA]  }
0x2d: {  	s3 =	simm.s32 $0x108;
	s8 =	sld [smem:$0x3FAB]  }
0x2e: {  	s3 =	simm.s32 @!p0 $0x1082;
	s9 =	sld [smem:$0x3FAC]  }
0x2f: {  	lr =	sadd.s32 s0, s3;
	s0 =	sld [smem:$0x3FA3]  }
0x30: {  	s3 =	sld [smem:$0x3FA6]  }
0x31: {  	[smem:$0x3FAF] =	sst s10  }
0x32: {  	s10 =	sld [smem:$0x3FAD];
	_ =	sdelay $0x3  }
0x33: {  	p0 =	seq.s32 s10, $0x1;
	s10 =	sld [smem:$0x3FAF];
	_ =	sdelay $0x3  }
0x34: {  	[smem:$0x3FAF] =	sst s10  }
0x35: {  	s10 =	sld [smem:$0x3FAE];
	_ =	sdelay $0x3  }
0x36: {  	p1 =	seq.s32 s10, $0x1;
	s10 =	sld [smem:$0x3FAF];
	_ =	sdelay $0x3  }
0x37: {  	[smem:$0x3FAF] =	sst s10  }
0x38: {  	s10 =	sld [smem:$0x3FB0]  }
0x39: {  	_ = 	snop;
	(pc) =	sbr.ind lr, $3  }
0x3a: {  	_ = 	snop  }
0x3b: {  	_ = 	snop  }
0x3c: {  	p2 =	seq.s32 s10, $0x1;
	s10 =	sld [smem:$0x3FAF]  }
0x3d: {  	_ =	shalt  }
0x3e: {  	_ =	shalt  }
0x3f: {  	_ =	shalt  }
0x40: {  	_ =	shalt  }
0x41: {  	_ =	shalt  }
0x42: {  	_ =	shalt  }
0x43: {  	_ =	shalt  }
0x44: {  	_ =	shalt  }
0x45: {  	_ =	shalt  }
0x46: {  	_ =	shalt  }
0x47: {  	_ =	shalt  }
0x48: {  	_ =	shalt  }
0x49: {  	_ =	shalt  }
0x4a: {  	_ =	shalt  }
0x4b: {  	_ =	shalt  }
0x4c: {  	_ =	shalt  }
0x4d: {  	_ =	shalt  }
0x4e: {  	_ =	shalt  }
0x4f: {  	_ =	shalt  }
0x50: {  	_ =	shalt  }
0x51: {  	_ =	shalt  }
0x52: {  	_ =	shalt  }
0x53: {  	_ =	shalt  }
0x54: {  	_ =	shalt  }
0x55: {  	_ =	shalt  }
0x56: {  	_ =	shalt  }
0x57: {  	_ =	shalt  }
0x58: {  	_ =	shalt  }
0x59: {  	_ =	shalt  }
0x5a: {  	_ =	shalt  }
0x5b: {  	_ =	shalt  }
0x5c: {  	_ =	shalt  }
0x5d: {  	_ =	shalt  }
0x5e: {  	_ =	shalt  }
0x5f: {  	_ =	shalt  }
0x60: {  	_ =	shalt  }
0x61: {  	_ =	shalt  }
0x62: {  	_ =	shalt  }
0x63: {  	_ =	shalt  }
0x64: {  	_ =	shalt  }
0x65: {  	_ =	shalt  }
0x66: {  	_ =	shalt  }
0x67: {  	_ =	shalt  }
0x68: {  	_ =	shalt  }
0x69: {  	_ =	shalt  }
0x6a: {  	_ =	shalt  }
0x6b: {  	_ =	shalt  }
0x6c: {  	_ =	shalt  }
0x6d: {  	_ =	shalt  }
0x6e: {  	_ =	shalt  }
0x6f: {  	_ =	shalt  }
0x70: {  	_ =	shalt  }
0x71: {  	_ =	shalt  }
0x72: {  	_ =	shalt  }
0x73: {  	_ =	shalt  }
0x74: {  	_ =	shalt  }
0x75: {  	_ =	shalt  }
0x76: {  	_ =	shalt  }
0x77: {  	_ =	shalt  }
0x78: {  	_ =	shalt  }
0x79: {  	_ =	shalt  }
0x7a: {  	_ =	shalt  }
0x7b: {  	_ =	shalt  }
0x7c: {  	_ =	shalt  }
0x7d: {  	_ =	shalt  }
0x7e: {  	_ =	shalt  }
0x7f: {  	_ =	shalt  }
0x80: {  	_ =	shalt  }
0x81: {  	_ =	shalt  }
0x82: {  	_ =	shalt  }
0x83: {  	_ =	shalt  }
0x84: {  	_ =	shalt  }
0x85: {  	_ =	shalt  }
0x86: {  	_ =	shalt  }
0x87: {  	_ =	shalt  }
.Lfunc_end0:
.L_simem_size_0:
called_computation_lowered:
.L_overlay_start_0:
0x88: {  	s2 =	sld [smem:$0x3FD9]  }
0x89: {  	s3 =	sld [smem:$0x3FFE];
	_ =	sdelay $0x1  }
0x8a: {  	s1 =	srdreg.scid  }
0x8b: {  	s0 =	sand.u32 $0x1, s1  }
0x8c: {  	s17 =	sshll.u32 s0, $0xA;
	s2 =	sadd.s32 s3, s2  }
0x8d: {  	s2 =	sadd.s32 s2, s17  }
0x8e: {  	[smem:$0x3FBB] =	sst s2  }
0x8f: {  	_ = 	snop  }
0x90: {  	s2 =	sld [smem:$0x3FD0];
	(tm) =	ssettm $0x1  }
0x91: {  	s18 =	sld [smem:$0x3FFB];
	_ =	sdelay $0x3  }
0x92: {  	_ =	strace s18  }
0x93: {  	s3 =	sld [smem:$0x3FFC];
	_ =	sdelay $0x3  }
0x94: {  	_ =	strace s3  }
0x95: {  	s3 =	sld [smem:$0x3FFD];
	_ =	sdelay $0x3  }
0x96: {  	_ =	strace s3  }
0x97: {  	_ =	strace $0x8FFFFFFF  }
0x98: {  	s19 =	sld [smem:$0x3FDB];
	_ =	sdelay $0x1  }
0x99: {  	s4 =	simm.s32 $_scs_section_size  }
0x9a: {  	s5 =	simm.s32 $_size__tile_overlayer_lowered;
	s6 =	simm.s32 $_tile_overlayer_lowered  }
0x9b: {  	s22 =	simm.s32 $0x1BFF;
	s21 =	sshll.u32 s6, $0x1;
	s3 =	sadd.s32 s4, s19  }
0x9c: {  	s7 =	simm.s32 $0x0;
	s20 =	sshll.u32 s5, $0x1;
	s5 =	sadd.s32 s21, s3  }
0x9d: {  	[timem:s7], [sflag:s22] =	dma.local [hbm:s5], s20  }
0x9e: {  	_ =	swait.ge [sflag:s22], s20  }
0x9f: {  	s4 =	ssub.s32 $0x0, s20;
	[sflag:s22] =	ssyncset.done $0x0  }
0xa0: {  	[sflag:s22] =	ssyncadd.s32 s4;
	_ =	sdelay $0x1  }
0xa1: {  	s23 =	simm.s32 $0x1B8B  }
0xa2: {  	_ =	swait.ge [sflag:s23], $0x1  }
0xa3: {  	[sflag:s23] =	ssyncset.done $0x0  }
0xa4: {  	s25 =	simm.s32 $0x1B8E;
	s24 =	sld [smem:$0x3FFE];
	[sflag:s23] =	ssyncadd.s32 $0xFFFFFFFF  }
0xa5: {  	s26 =	simm.s32 $execute0_lowered;
	[smem:$0x3FD2] =	sst s25  }
0xa6: {  	s5 =	sshll.u32 s26, $0x1;
	_ =	strace $0x80000046;
	[dreg:$0x1] =	wrdreg $0xFFFFFFFF  }
0xa7: {  	s28 =	simm.s32 $_size_execute0_lowered;
	s3 =	sadd.s32 s3, s5;
	[dreg:$0x0] =	wrdreg $0x0  }
0xa8: {  	s5 =	sshll.u32 s28, $0x1;
	[dreg:$0x2] =	wrdreg s3  }
0xa9: {  	[dreg:$0x3] =	wrdreg s5  }
0xaa: {  	[dreg:$0x4] =	wrdreg $0xC0  }
0xab: {  	_ =	task [dreg:s7], $0x5FFFF  }
0xac: {  	[dreg:$0x1] =	wrdreg $0xFFFFFFFF  }
0xad: {  	[dreg:$0x0] =	wrdreg $0x60  }
0xae: {  	[dreg:$0x2] =	wrdreg s24  }
0xaf: {  	[dreg:$0x3] =	wrdreg s2  }
0xb0: {  	[dreg:$0x4] =	wrdreg $0x62800  }
0xb1: {  	[dreg:$0x5] =	wrdreg $0x1A2800  }
0xb2: {  	[dreg:$0x6] =	wrdreg $0x9  }
0xb3: {  	_ =	task.clear_ibuf [dreg:s7], $0x7FFFF;
	_ =	strace $0x90000046  }
0xb4: {  	s29 =	simm.s32 $0x9;
	_ =	strace $0x80000048  }
0xb5: {  	_ =	swait.ge [sflag:s29], $0x1  }
0xb6: {  	[sflag:s29] =	ssyncadd.s32 $0xFFFFFFFF  }
0xb7: {  	_ =	strace $0x90000048  }
0xb8: {  	_ =	sfence  }
0xb9: {  	s30 =	sld [smem:$0x0];
	_ =	sdelay $0x2  }
0xba: {  	s31 =	sshll.u32 s1, $0xD;
	s1 =	sshrl.u32 s1, $0x2  }
0xbb: {  	s3 =	sand.u32 $0x4000, s31;
	s1 =	sadd.s32 s1, s30  }
0xbc: {  	s0 =	sor.u32 s3, s0;
	s1 =	sshll.u32 s1, $0x11  }
0xbd: {  	s0 =	sor.u32 s1, s0  }
0xbe: {  	s0 =	sadd.s32 $0x8F2B, s0  }
0xbf: {  	[sflag:s0] =	ssyncadd.remote.s32 $0x1  }
0xc0: {  	_ =	sfence.sel $0xFFFF  }
0xc1: {  	[dreg:$0x0] =	wrdreg $0xFFFFFFFF;
	(pc) =	sbr.abs _section_cstart, $3  }
0xc2: {  	[dreg:$0x1] =	wrdreg $0xFFFFFFFF  }
0xc3: {  	_ =	task.clear_ibuf [dreg:s7], $0x2FFFF;
	_ =	strace $0x9FFFFFFF  }
0xc4: {  	(tm) =	ssettm $0x7FFFFFFF  }
0xc5: {  	_ =	shalt  }
tec
execute0_lowered:
.L_overlay_start_1:
0x0: {  	(tag) =	ssettag $0x1  }
0x1: {  	s1 =	srdreg.scid  }
0x2: {  	s0 =	rddreg [dreg:$0x0];
	s24 =	stileid.u32;
	s18 =	simm.s32 $0x0  }
0x3: {  	s12 =	sand.u32 $0x1, s1;
	s13 =	smul.u32 $0x280, s24;
	[smem:$0x7FF] =	sst s18  }
0x4: {  	s14 =	sadd.s32 $0xC9C00, s0;
	s16 =	smul.u32 $0x50, s24;
	s2 =	ssub.s32 $0x2, s12  }
0x5: {  	s15 =	smul.u32 $0x2800, s12;
	s3 =	sshrl.u32 s2, $0x1;
	s10 =	sor.u32 $0x40, s13  }
0x6: {  	s11 =	sadd.s32 $0x80, s13;
	s6 =	sadd.s32 $0xC0, s13;
	s8 =	sadd.s32 $0x100, s13  }
0x7: {  	s9 =	sadd.s32 $0x140, s13;
	s25 =	sadd.s32 $0x180, s13;
	s5 =	sadd.s32 $0x1C0, s13  }
0x8: {  	s26 =	sadd.s32 $0x240, s13;
	s21 =	ssub.s32 s2, s3;
	s2 =	sadd.s32 $0x200, s13  }
0x9: {  	s13 =	sadd.s32 s13, s15;
	s17 =	sadd.s32 s15, s10;
	s23 =	sadd.s32 s15, s11  }
0xa: {  	s3 =	sadd.s32 s15, s6;
	s7 =	sadd.s32 s15, s8;
	s20 =	sadd.s32 s15, s9  }
0xb: {  	s10 =	sshll.u32 s10, $0x7;
	s11 =	sshll.u32 s11, $0x7;
	s6 =	sshll.u32 s6, $0x7  }
0xc: {  	[smem:$0x7FB] =	sst s21;
	s13 =	sshll.u32 s13, $0x4;
	s22 =	sshll.u32 s17, $0x4  }
0xd: {  	s1 =	sshll.u32 s23, $0x4;
	s4 =	sshll.u32 s3, $0x4;
	s19 =	sshll.u32 s7, $0x4  }
0xe: {  	s21 =	sshll.u32 s20, $0x4;
	s20 =	rddreg [dreg:$0x1];
	s13 =	sadd.s32 s14, s13  }
0xf: {  	[dreg:$0x5] =	wrdreg s13;
	s13 =	sadd.s32 s14, s22;
	s22 =	sadd.s32 s15, s25  }
0x10: {  	[dreg:$0x6] =	wrdreg s13;
	s13 =	sadd.s32 s14, s1;
	s23 =	sshll.u32 s22, $0x4  }
0x11: {  	s1 =	sadd.s32 s15, s5;
	s22 =	sadd.s32 $0x2A000, s0;
	[dreg:$0x7] =	wrdreg s13  }
0x12: {  	s13 =	sadd.s32 s14, s4;
	s3 =	sshll.u32 s1, $0x4;
	s4 =	sadd.s32 s15, s2  }
0x13: {  	s15 =	sadd.s32 s15, s26;
	s1 =	smul.u32 $0x50000, s24;
	s2 =	sshll.u32 s2, $0x7  }
0x14: {  	[dreg:$0x8] =	wrdreg s13;
	s13 =	sadd.s32 s14, s19;
	s7 =	sshll.u32 s4, $0x4  }
0x15: {  	s17 =	sshll.u32 s15, $0x4;
	s19 =	smul.u32 $0x500, s12;
	s12 =	sshll.u32 s12, $0x4  }
0x16: {  	[dreg:$0x9] =	wrdreg s13;
	s13 =	sadd.s32 s14, s21;
	s4 =	sshrl.u32 s1, $0x2  }
0x17: {  	[dreg:$0xa] =	wrdreg s13;
	s13 =	sadd.s32 s14, s23;
	s23 =	sadd.s32 $0x28, s16  }
0x18: {  	s21 =	sadd.s32 s16, s19;
	[dreg:$0xb] =	wrdreg s13;
	s13 =	sadd.s32 s14, s3  }
0x19: {  	s15 =	sadd.s32 s19, s23;
	s16 =	sshll.u32 s21, $0x4;
	[dreg:$0xc] =	wrdreg s13  }
0x1a: {  	s19 =	sadd.s32 $0xB5C00, s0;
	s13 =	sadd.s32 s14, s7;
	s7 =	rddreg [dreg:$0x3]  }
0x1b: {  	s21 =	sadd.s32 $0xABE00, s0;
	s16 =	sadd.s32 s20, s16;
	[dreg:$0xd] =	wrdreg s13  }
0x1c: {  	s15 =	sshll.u32 s15, $0x4;
	s13 =	sadd.s32 s14, s17;
	[dreg:$0xf] =	wrdreg s16  }
0x1d: {  	s3 =	sadd.s32 $0x29E00, s0;
	s15 =	sadd.s32 s20, s15;
	[dreg:$0xe] =	wrdreg s13  }
0x1e: {  	s17 =	sadd.s32 $0x7A000, s0;
	s20 =	sadd.s32 $0xBFA00, s0;
	s13 =	rddreg [dreg:$0x2]  }
0x1f: {  	s16 =	sor.u32 s24, s12;
	s12 =	sshll.u32 s25, $0x7;
	[dreg:$0x10] =	wrdreg s15  }
0x20: {  	s14 =	sshll.u32 s5, $0x7;
	_ =	strace $0x80000047;
	[dreg:$0x1e] =	wrdreg s22  }
0x21: {  	s22 =	sadd.s32 $0xA2000, s0;
	[dreg:$0x11] =	wrdreg s3;
	s0 =	sadd.s32 $0xC9800, s0  }
0x22: {  	s15 =	smul.u32 $0xA000, s24;
	s24 =	sshll.u32 s26, $0x7;
	[dreg:$0x12] =	wrdreg s0  }
0x23: {  	s28 =	sadd.s32 s12, s13;
	s12 =	simm.s32 $0x0;
	s26 =	sld [smem:$0x7FB]  }
0x24: {  	s29 =	sadd.s32 s4, s13;
	s4 =	sadd.s32 s6, s13;
	[smem:$0x7FD] =	sst s12  }
0x25: {  	s25 =	sshll.u32 s23, $0x7;
	s31 =	sadd.s32 s11, s13;
	[dreg:$0x14] =	wrdreg s4  }
0x26: {  	s23 =	simm.s32 $0x40;
	s30 =	sadd.s32 s10, s13;
	[dreg:$0x16] =	wrdreg s31  }
0x27: {  	s10 =	sshll.u32 s8, $0x7;
	s11 =	sshll.u32 s9, $0x7;
	[dreg:$0x17] =	wrdreg s28  }
0x28: {  	s14 =	sadd.s32 s14, s13;
	s2 =	sadd.s32 s2, s13;
	[dreg:$0x18] =	wrdreg s30  }
0x29: {  	s6 =	smul.u32 $0x2740, s16;
	s8 =	simm.s32 $0x6200;
	[dreg:$0x19] =	wrdreg s14  }
0x2a: {  	s9 =	simm.s32 $0x3;
	s16 =	simm.s32 $0x180;
	[dreg:$0x1a] =	wrdreg s2  }
0x2b: {  	s0 =	sadd.s32 s10, s13;
	s3 =	sadd.s32 s11, s13;
	[dreg:$0x1b] =	wrdreg s29  }
0x2c: {  	s5 =	sshrl.u32 s15, $0x2;
	s13 =	sadd.s32 s24, s13;
	[dreg:$0x13] =	wrdreg s0  }
0x2d: {  	s10 =	simm.s32 $0x4200;
	s11 =	simm.s32 $0x80;
	[dreg:$0x15] =	wrdreg s3  }
0x2e: {  	v0 =	vlaneseq.u32;
	s15 =	simm.s32 $0x100;
	s1 =	sadd.s32 s5, s7;
	[dreg:$0x1c] =	wrdreg s13  }
0x2f: {  	v7 =	vmul.u32 $0x80, v0;
	s24 =	simm.s32 $0x200;
	s5 =	sadd.s32 s25, s7;
	[dreg:$0x1d] =	wrdreg s1  }
0x30: {  	s25 =	simm.s32 $0x1;
	[dreg:$0x1f] =	wrdreg s5;
	s7 =	smax.u32 s26, $0x1  }
0x31: {  	[tilespmem:$0x1FFF0] =	vst v7;
	s26 =	simm.s32 $0x2;
	[smem:$0x7FC] =	sst s7;
	s7 =	simm.s32 $0x2200  }
.LBB2_1:
0x32: {  	s12 =	rddreg [dreg:$0x11]  }
0x33: {  	[tilespmem:s8], [sflag:$0x3] =	stream.linear.gather [hbm4b:s12+s18], $0x80, $0x38;
	[tilespmem:$0x1CA80] =	vst v63  }
0x34: {  	_ =	swait.ge [sflag:s9], $0x80  }
0x35: {  	[sflag:s9] =	ssyncset.done $0x0  }
0x36: {  	s12 =	rddreg [dreg:$0x12];
	[sflag:s9] =	ssyncadd.s32 $0xFFFFFF80  }
0x37: {  	[tilespmem:s10], [sflag:$0x3] =	stream.linear.gather [hbm4b:s12+s18], $0x2000, $0x38;
	[tilespmem:$0x1CA80] =	vst v63  }
0x38: {  	_ =	swait.ge [sflag:s9], $0x2000  }
0x39: {  	[sflag:s9] =	ssyncset.done $0x0  }
0x3a: {  	[sflag:s9] =	ssyncadd.s32 $0xFFFFE000  }
0x3b: {  	[spmem:s29] =	stream.linear.scatter [tilespmem:s10], [sflag:$0x3], $0x2000, $0x38;
	[tilespmem:$0x1CA80] =	vst v63  }
0x3c: {  	_ =	swait.ge [sflag:s9], $0x2000  }
0x3d: {  	[sflag:s9] =	ssyncset.done $0x0  }
0x3e: {  	[sflag:s9] =	ssyncadd.s32 $0xFFFFE000  }
0x3f: {  	[spmem:s30] =	stream.linear.scatter [tilespmem:s10], [sflag:$0x3], $0x2000, $0x38;
	[tilespmem:$0x1CA80] =	vst v63  }
0x40: {  	_ =	swait.ge [sflag:s9], $0x2000  }
0x41: {  	[sflag:s9] =	ssyncset.done $0x0  }
0x42: {  	[sflag:s9] =	ssyncadd.s32 $0xFFFFE000  }
0x43: {  	[spmem:s31] =	stream.linear.scatter [tilespmem:s10], [sflag:$0x3], $0x2000, $0x38;
	[tilespmem:$0x1CA80] =	vst v63  }
0x44: {  	_ =	swait.ge [sflag:s9], $0x2000  }
0x45: {  	[sflag:s9] =	ssyncset.done $0x0  }
0x46: {  	[sflag:s9] =	ssyncadd.s32 $0xFFFFE000  }
0x47: {  	[spmem:s4] =	stream.linear.scatter [tilespmem:s10], [sflag:$0x3], $0x2000, $0x38;
	[tilespmem:$0x1CA80] =	vst v63  }
0x48: {  	_ =	swait.ge [sflag:s9], $0x2000  }
0x49: {  	[sflag:s9] =	ssyncset.done $0x0  }
0x4a: {  	[sflag:s9] =	ssyncadd.s32 $0xFFFFE000  }
0x4b: {  	[spmem:s0] =	stream.linear.scatter [tilespmem:s10], [sflag:$0x3], $0x2000, $0x38;
	[tilespmem:$0x1CA80] =	vst v63  }
0x4c: {  	_ =	swait.ge [sflag:s9], $0x2000  }
0x4d: {  	[sflag:s9] =	ssyncset.done $0x0  }
0x4e: {  	[sflag:s9] =	ssyncadd.s32 $0xFFFFE000  }
0x4f: {  	[spmem:s3] =	stream.linear.scatter [tilespmem:s10], [sflag:$0x3], $0x2000, $0x38;
	[tilespmem:$0x1CA80] =	vst v63  }
0x50: {  	_ =	swait.ge [sflag:s9], $0x2000  }
0x51: {  	[sflag:s9] =	ssyncset.done $0x0  }
0x52: {  	[sflag:s9] =	ssyncadd.s32 $0xFFFFE000  }
0x53: {  	[spmem:s28] =	stream.linear.scatter [tilespmem:s10], [sflag:$0x3], $0x2000, $0x38;
	[tilespmem:$0x1CA80] =	vst v63  }
0x54: {  	_ =	swait.ge [sflag:s9], $0x2000  }
0x55: {  	[sflag:s9] =	ssyncset.done $0x0  }
0x56: {  	[sflag:s9] =	ssyncadd.s32 $0xFFFFE000  }
0x57: {  	[spmem:s14] =	stream.linear.scatter [tilespmem:s10], [sflag:$0x3], $0x2000, $0x38;
	[tilespmem:$0x1CA80] =	vst v63  }
0x58: {  	_ =	swait.ge [sflag:s9], $0x2000  }
0x59: {  	[sflag:s9] =	ssyncset.done $0x0  }
0x5a: {  	[sflag:s9] =	ssyncadd.s32 $0xFFFFE000  }
0x5b: {  	[spmem:s2] =	stream.linear.scatter [tilespmem:s10], [sflag:$0x3], $0x2000, $0x38;
	[tilespmem:$0x1CA80] =	vst v63  }
0x5c: {  	_ =	swait.ge [sflag:s9], $0x2000  }
0x5d: {  	[sflag:s9] =	ssyncset.done $0x0  }
0x5e: {  	[sflag:s9] =	ssyncadd.s32 $0xFFFFE000  }
0x5f: {  	[spmem:s13] =	stream.linear.scatter [tilespmem:s10], [sflag:$0x3], $0x2000, $0x38;
	[tilespmem:$0x1CA80] =	vst v63  }
0x60: {  	_ =	swait.ge [sflag:s9], $0x2000  }
0x61: {  	[sflag:s9] =	ssyncset.done $0x0  }
0x62: {  	[sflag:s9] =	ssyncadd.s32 $0xFFFFE000  }
0x63: {  	[spmem:s1] =	stream.linear.scatter [tilespmem:s10], [sflag:$0x3], $0x1400, $0x38;
	[tilespmem:$0x1CA80] =	vst v63  }
0x64: {  	_ =	swait.ge [sflag:s9], $0x1400  }
0x65: {  	[sflag:s9] =	ssyncset.done $0x0  }
0x66: {  	[sflag:s9] =	ssyncadd.s32 $0xFFFFEC00  }
0x67: {  	[spmem:s5] =	stream.linear.scatter [tilespmem:s10], [sflag:$0x3], $0x1400, $0x38;
	[tilespmem:$0x1CA80] =	vst v63  }
0x68: {  	_ =	swait.ge [sflag:s9], $0x1400  }
0x69: {  	[sflag:s9] =	ssyncset.done $0x0  }
0x6a: {  	[sflag:s9] =	ssyncadd.s32 $0xFFFFEC00  }
0x6b: {  	[bflag:$0x0] =	sbarrier.arrive $0xFFFF  }
0x6c: {  	s0 =	rddreg [dreg:$0x3]  }
0x6d: {  	s2 =	rddreg [dreg:$0x2]  }
0x6e: {  	s29 =	simm.s32 $0x0;
	s1 =	simm.s32 $0x0;
	s3 =	rddreg [dreg:$0x1e]  }
.LBB2_2:
0x6f: {  	s30 =	sshll.u32 s29, $0x6  }
0x70: {  	s30 =	sadd.s32 s6, s30  }
0x71: {  	s31 =	sshrl.u32 s30, $0x3  }
0x72: {  	s30 =	simm.s32 $0x0;
	s12 =	sadd.s32 s19, s31  }
0x73: {  	[tilespmem:s30], [sflag:$0x3] =	stream.linear.gather [hbm4b:s12+s30], $0x40, $0x38;
	[tilespmem:$0x1CA80] =	vst v63  }
0x74: {  	_ =	swait.ge [sflag:s9], $0x40  }
0x75: {  	[sflag:s9] =	ssyncset.done $0x0  }
0x76: {  	s14 =	sadd.s32 s20, s31;
	[sflag:s9] =	ssyncadd.s32 $0xFFFFFFC0  }
0x77: {  	[tilespmem:s11], [sflag:$0x3] =	stream.linear.gather [hbm4b:s14+s30], $0x40, $0x38;
	[tilespmem:$0x1CA80] =	vst v63  }
0x78: {  	_ =	swait.ge [sflag:s9], $0x40  }
0x79: {  	[sflag:s9] =	ssyncset.done $0x0  }
0x7a: {  	s18 =	sadd.s32 s21, s31;
	[sflag:s9] =	ssyncadd.s32 $0xFFFFFFC0  }
0x7b: {  	[tilespmem:s15], [sflag:$0x3] =	stream.linear.gather [hbm4b:s18+s30], $0x40, $0x38;
	[tilespmem:$0x1CA80] =	vst v63  }
0x7c: {  	_ =	swait.ge [sflag:s9], $0x40  }
0x7d: {  	[sflag:s9] =	ssyncset.done $0x0  }
0x7e: {  	s28 =	sadd.s32 s22, s31;
	[sflag:s9] =	ssyncadd.s32 $0xFFFFFFC0  }
0x7f: {  	[tilespmem:s16], [sflag:$0x3] =	stream.linear.gather [hbm4b:s28+s30], $0x40, $0x38;
	[tilespmem:$0x1CA80] =	vst v63  }
0x80: {  	_ =	swait.ge [sflag:s9], $0x40  }
0x81: {  	[sflag:s9] =	ssyncset.done $0x0  }
0x82: {  	[sflag:s9] =	ssyncadd.s32 $0xFFFFFFC0  }
0x83: {  	[tilespmem:s24], [sflag:$0x1] =	stream.indirect.gather [hbm4b:s3+s23], $0x80, s15, s23, $0xb8;
	[tilespmem:$0x1CA80] =	vst v63  }
0x84: {  	_ = 	snop  }
0x85: {  	[tilespmem:s7], [sflag:$0x2] =	stream.indirect.gather [hbm4b:s17+s23], $0x80, s11, s23, $0xb8;
	[tilespmem:$0x1CA80] =	vst v63  }
0x86: {  	_ =	swait.ge [sflag:s25], $0x2000  }
0x87: {  	[sflag:s25] =	ssyncset.done $0x0  }
0x88: {  	[sflag:s25] =	ssyncadd.s32 $0xFFFFE000  }
0x89: {  	_ =	swait.ge [sflag:s26], $0x2000  }
0x8a: {  	[sflag:s26] =	ssyncset.done $0x0  }
0x8b: {  	s31 =	simm.s32 $0x0;
	[sflag:s26] =	ssyncadd.s32 $0xFFFFE000  }
.LBB2_3:
0x8c: {  	_ =	sdelay $0x1  }
0x8d: {  	v0 =	vmov s31  }
0x8e: {  	v0 =	vshll.u32 v0, $0x7  }
0x8f: {  	v20 =	vor.u32 v7, v0;
	_ =	sdelay $0x1  }
0x90: {  	v4 =	vld [tilespmem:s30+$0x0];
	v2 =	vor.u32 $0x1, v20;
	_ =	sdelay $0x1  }
0x91: {  	v0 =	vor.u32 $0x2, v20  }
0x92: {  	v27 =	vld.idx.msk [tilespmem:v20+s24+$0x0], $0xffff  }
0x93: {  	v1 =	vor.u32 $0x3, v20;
	v51 =	vld.idx.msk [tilespmem:v20+s7+$0x0], $0xffff  }
0x94: {  	[tilespmem:$0x1F670] =	vst v4;
	v17 =	vld.idx.msk [tilespmem:v2+s24+$0x0], $0xffff  }
0x95: {  	v43 =	vor.u32 $0x6, v20;
	[tilespmem:$0x1F880] =	vst v2;
	v37 =	vld.idx.msk [tilespmem:v2+s7+$0x0], $0xffff  }
0x96: {  	v44 =	vor.u32 $0x7, v20;
	[tilespmem:$0x1F890] =	vst v0;
	v31 =	vld.idx.msk [tilespmem:v0+s24+$0x0], $0xffff  }
0x97: {  	v41 =	vor.u32 $0x4, v20;
	[tilespmem:$0x1F8A0] =	vst v1;
	v29 =	vld.idx.msk [tilespmem:v0+s7+$0x0], $0xffff  }
0x98: {  	v42 =	vor.u32 $0x5, v20;
	v45 =	vor.u32 $0x8, v20;
	[tilespmem:$0x1F8B0] =	vst v41;
	v28 =	vld.idx.msk [tilespmem:v1+s24+$0x0], $0xffff  }
0x99: {  	[tilespmem:$0x1F8C0] =	vst v42;
	v53 =	vld.idx.msk [tilespmem:v1+s7+$0x0], $0xffff  }
0x9a: {  	v46 =	vor.u32 $0x9, v20;
	[tilespmem:$0x1F8D0] =	vst v43;
	v3 =	vld.idx.msk [tilespmem:v43+s24+$0x0], $0xffff  }
0x9b: {  	[tilespmem:$0x1F8E0] =	vst v44;
	v47 =	vld.idx.msk [tilespmem:v44+s24+$0x0], $0xffff  }
0x9c: {  	v48 =	vor.u32 $0xA, v20;
	[tilespmem:$0x1F8F0] =	vst v45;
	v2 =	vld.idx.msk [tilespmem:v44+s7+$0x0], $0xffff  }
0x9d: {  	[tilespmem:$0x1F900] =	vst v46;
	v49 =	vld.idx.msk [tilespmem:v45+s24+$0x0], $0xffff  }
0x9e: {  	[tilespmem:$0x1F910] =	vst v48;
	v0 =	vld.idx.msk [tilespmem:v45+s7+$0x0], $0xffff  }
0x9f: {  	v52 =	vld.idx.msk [tilespmem:v46+s24+$0x0], $0xffff;
	[tilespmem:$0x1EFF0] =	vst v3  }
0xa0: {  	v1 =	vld.idx.msk [tilespmem:v46+s7+$0x0], $0xffff;
	[tilespmem:$0x1F000] =	vst v47  }
0xa1: {  	v55 =	vld.idx.msk [tilespmem:v48+s24+$0x0], $0xffff;
	[tilespmem:$0x1F010] =	vst v2  }
0xa2: {  	[tilespmem:$0x1F020] =	vst v49;
	v2 =	vld.idx.msk [tilespmem:v48+s7+$0x0], $0xffff  }
0xa3: {  	v24 =	vld.idx.msk [tilespmem:v41+s24+$0x0], $0xffff;
	[tilespmem:$0x1F030] =	vst v0  }
0xa4: {  	v34 =	vld.idx.msk [tilespmem:v41+s7+$0x0], $0xffff;
	[tilespmem:$0x1F040] =	vst v52  }
0xa5: {  	v14 =	vld.idx.msk [tilespmem:v42+s24+$0x0], $0xffff;
	[tilespmem:$0x1F050] =	vst v1  }
0xa6: {  	v12 =	vld.idx.msk [tilespmem:v42+s7+$0x0], $0xffff;
	[tilespmem:$0x1F060] =	vst v55  }
0xa7: {  	v50 =	vor.u32 $0xB, v20;
	v41 =	vld.idx.msk [tilespmem:v43+s7+$0x0], $0xffff;
	[tilespmem:$0x1F070] =	vst v2  }
0xa8: {  	v54 =	vor.u32 $0xC, v20;
	[tilespmem:$0x1F920] =	vst v50  }
0xa9: {  	v56 =	vor.u32 $0xD, v20;
	[tilespmem:$0x1F930] =	vst v54  }
0xaa: {  	v58 =	vor.u32 $0xE, v20;
	[tilespmem:$0x1F940] =	vst v56  }
0xab: {  	v60 =	vor.u32 $0xF, v20;
	[tilespmem:$0x1F950] =	vst v58  }
0xac: {  	v4 =	vshra.s32 v4, $0x1F;
	[tilespmem:$0x1F960] =	vst v60  }
0xad: {  	v62 =	vor.u32 $0x10, v20;
	[tilespmem:$0x1F680] =	vst v4  }
0xae: {  	v5 =	vshll.u32 v4, $0x7;
	[tilespmem:$0x1F970] =	vst v62  }
0xaf: {  	v9 =	vor.u32 $0x11, v20;
	[tilespmem:$0x1F6B0] =	vst v5;
	v57 =	vld.idx.msk [tilespmem:v50+s24+$0x0], $0xffff  }
0xb0: {  	v13 =	vor.u32 $0x12, v20;
	[tilespmem:$0x1F980] =	vst v9;
	v0 =	vld.idx.msk [tilespmem:v50+s7+$0x0], $0xffff  }
0xb1: {  	v23 =	vor.u32 $0x15, v20;
	[tilespmem:$0x1F990] =	vst v13;
	v59 =	vld.idx.msk [tilespmem:v54+s24+$0x0], $0xffff  }
0xb2: {  	v19 =	vor.u32 $0x13, v20;
	[tilespmem:$0x1F9C0] =	vst v23;
	v1 =	vld.idx.msk [tilespmem:v54+s7+$0x0], $0xffff  }
0xb3: {  	v22 =	vor.u32 $0x14, v20;
	[tilespmem:$0x1F9A0] =	vst v19;
	v61 =	vld.idx.msk [tilespmem:v56+s24+$0x0], $0xffff  }
0xb4: {  	v30 =	vor.u32 $0x16, v20;
	[tilespmem:$0x1F9B0] =	vst v22;
	v2 =	vld.idx.msk [tilespmem:v56+s7+$0x0], $0xffff  }
0xb5: {  	v35 =	vor.u32 $0x17, v20;
	[tilespmem:$0x1F9D0] =	vst v30;
	v63 =	vld.idx.msk [tilespmem:v58+s24+$0x0], $0xffff  }
0xb6: {  	v38 =	vor.u32 $0x18, v20;
	[tilespmem:$0x1F9E0] =	vst v35;
	v10 =	vld.idx.msk [tilespmem:v60+s24+$0x0], $0xffff  }
0xb7: {  	v40 =	vor.u32 $0x19, v20;
	[tilespmem:$0x1F9F0] =	vst v38;
	v11 =	vld.idx.msk [tilespmem:v60+s7+$0x0], $0xffff  }
0xb8: {  	v43 =	vor.u32 $0x1A, v20;
	[tilespmem:$0x1FA00] =	vst v40;
	v15 =	vld.idx.msk [tilespmem:v62+s24+$0x0], $0xffff  }
0xb9: {  	v45 =	vor.u32 $0x1B, v20;
	[tilespmem:$0x1FA10] =	vst v43;
	v18 =	vld.idx.msk [tilespmem:v9+s24+$0x0], $0xffff  }
0xba: {  	v46 =	vor.u32 $0x1C, v20;
	[tilespmem:$0x1FA20] =	vst v45;
	v3 =	vld.idx.msk [tilespmem:v9+s7+$0x0], $0xffff  }
0xbb: {  	v48 =	vor.u32 $0x1D, v20;
	[tilespmem:$0x1FA30] =	vst v46;
	v21 =	vld.idx.msk [tilespmem:v13+s24+$0x0], $0xffff  }
0xbc: {  	v52 =	vor.u32 $0x1E, v20;
	[tilespmem:$0x1FA40] =	vst v48;
	v25 =	vld.idx.msk [tilespmem:v19+s24+$0x0], $0xffff  }
0xbd: {  	v55 =	vor.u32 $0x1F, v20;
	[tilespmem:$0x1FA50] =	vst v52;
	v26 =	vld.idx.msk [tilespmem:v19+s7+$0x0], $0xffff  }
0xbe: {  	v6 =	vor.u32 $0x23, v20;
	[tilespmem:$0x1FA60] =	vst v55;
	v32 =	vld.idx.msk [tilespmem:v22+s24+$0x0], $0xffff  }
0xbf: {  	[tilespmem:$0x1FAA0] =	vst v6;
	v33 =	vld.idx.msk [tilespmem:v22+s7+$0x0], $0xffff  }
0xc0: {  	v19 =	vor.u32 $0x2D, v20;
	[tilespmem:$0x1F090] =	vst v0;
	v0 =	vld.idx.msk [tilespmem:v58+s7+$0x0], $0xffff  }
0xc1: {  	v36 =	vld.idx.msk [tilespmem:v23+s24+$0x0], $0xffff;
	[tilespmem:$0x1FB40] =	vst v19  }
0xc2: {  	v39 =	vld.idx.msk [tilespmem:v30+s24+$0x0], $0xffff;
	[tilespmem:$0x1F080] =	vst v57  }
0xc3: {  	v42 =	vld.idx.msk [tilespmem:v35+s24+$0x0], $0xffff;
	[tilespmem:$0x1F0A0] =	vst v59  }
0xc4: {  	v16 =	vand.u32 $0x7F, v4;
	v44 =	vld.idx.msk [tilespmem:v38+s24+$0x0], $0xffff;
	[tilespmem:$0x1F0B0] =	vst v1  }
0xc5: {  	v49 =	vld.idx.msk [tilespmem:v40+s24+$0x0], $0xffff;
	[tilespmem:$0x1F0F0] =	vst v0;
	v0 =	vor.u32 v16, v5  }
0xc6: {  	v47 =	vld.idx.msk [tilespmem:v43+s24+$0x0], $0xffff;
	[tilespmem:$0x1F0C0] =	vst v61;
	v5 =	vor.u32 $0x22, v20  }
0xc7: {  	v50 =	vld.idx.msk [tilespmem:v45+s24+$0x0], $0xffff;
	[tilespmem:$0x1F0D0] =	vst v2  }
0xc8: {  	v54 =	vld.idx.msk [tilespmem:v46+s24+$0x0], $0xffff;
	[tilespmem:$0x1F0E0] =	vst v63  }
0xc9: {  	[tilespmem:$0x1F100] =	vst v10;
	v1 =	vld.idx.msk [tilespmem:v13+s7+$0x0], $0xffff  }
0xca: {  	[tilespmem:$0x1F110] =	vst v11;
	v0 =	vld.idx.msk [tilespmem:v0+s8+$0x0], $0xffff  }
0xcb: {  	[tilespmem:$0x1F120] =	vst v15;
	v8 =	vld.idx.msk [tilespmem:v5+s24+$0x0], $0xffff  }
0xcc: {  	[tilespmem:$0x1FA90] =	vst v5;
	v7 =	vld.idx.msk [tilespmem:v5+s7+$0x0], $0xffff;
	v5 =	vor.u32 $0x25, v20  }
0xcd: {  	v56 =	vld.idx.msk [tilespmem:v48+s24+$0x0], $0xffff;
	[tilespmem:$0x1F140] =	vst v18  }
0xce: {  	v2 =	vld.idx.msk [tilespmem:v62+s7+$0x0], $0xffff;
	[tilespmem:$0x1F150] =	vst v3  }
0xcf: {  	[tilespmem:$0x1F170] =	vst v1;
	v1 =	vld.idx.msk [tilespmem:v23+s7+$0x0], $0xffff  }
0xd0: {  	[tilespmem:$0x1F600] =	vst v0;
	v0 =	vld.idx.msk [tilespmem:v30+s7+$0x0], $0xffff  }
0xd1: {  	[tilespmem:$0x1F160] =	vst v21;
	v18 =	vld.idx.msk [tilespmem:v5+s24+$0x0], $0xffff  }
0xd2: {  	[tilespmem:$0x1FAC0] =	vst v5;
	v16 =	vld.idx.msk [tilespmem:v5+s7+$0x0], $0xffff;
	v5 =	vor.u32 $0x28, v20  }
0xd3: {  	[tilespmem:$0x1F180] =	vst v25;
	v11 =	vld.idx.msk [tilespmem:v6+s24+$0x0], $0xffff  }
0xd4: {  	[tilespmem:$0x1F1D0] =	vst v1;
	v1 =	vld.idx.msk [tilespmem:v38+s7+$0x0], $0xffff  }
0xd5: {  	[tilespmem:$0x1F190] =	vst v26;
	v30 =	vld.idx.msk [tilespmem:v6+s7+$0x0], $0xffff;
	v6 =	vor.u32 $0x26, v20  }
0xd6: {  	[tilespmem:$0x1F1F0] =	vst v0;
	v0 =	vld.idx.msk [tilespmem:v40+s7+$0x0], $0xffff  }
0xd7: {  	[tilespmem:$0x1F200] =	vst v42;
	v40 =	vld.idx.msk [tilespmem:v5+s24+$0x0], $0xffff  }
0xd8: {  	[tilespmem:$0x1FAF0] =	vst v5;
	v42 =	vld.idx.msk [tilespmem:v5+s7+$0x0], $0xffff;
	v5 =	vor.u32 $0x2B, v20  }
0xd9: {  	[tilespmem:$0x1F1A0] =	vst v32;
	v58 =	vld.idx.msk [tilespmem:v52+s24+$0x0], $0xffff  }
0xda: {  	[tilespmem:$0x1F1B0] =	vst v33;
	v10 =	vor.u32 $0x2A, v20;
	v9 =	vld.idx.msk [tilespmem:v6+s24+$0x0], $0xffff  }
0xdb: {  	[tilespmem:$0x1FAD0] =	vst v6;
	v21 =	vld.idx.msk [tilespmem:v6+s7+$0x0], $0xffff;
	v6 =	vor.u32 $0x29, v20  }
0xdc: {  	[tilespmem:$0x1F230] =	vst v1;
	v1 =	vld.idx.msk [tilespmem:v45+s7+$0x0], $0xffff  }
0xdd: {  	[tilespmem:$0x1F1C0] =	vst v36;
	v23 =	vld.idx.msk [tilespmem:v5+s24+$0x0], $0xffff  }
0xde: {  	[tilespmem:$0x1FB20] =	vst v5;
	v45 =	vld.idx.msk [tilespmem:v5+s7+$0x0], $0xffff;
	v5 =	vor.u32 $0x2E, v20  }
0xdf: {  	[tilespmem:$0x1F1E0] =	vst v39;
	v36 =	vld.idx.msk [tilespmem:v10+s24+$0x0], $0xffff  }
0xe0: {  	[tilespmem:$0x1F220] =	vst v44;
	v39 =	vld.idx.msk [tilespmem:v6+s24+$0x0], $0xffff  }
0xe1: {  	[tilespmem:$0x1FB00] =	vst v6;
	v33 =	vld.idx.msk [tilespmem:v6+s7+$0x0], $0xffff;
	v6 =	vor.u32 $0x2C, v20  }
0xe2: {  	[tilespmem:$0x1F290] =	vst v47;
	v38 =	vld.idx.msk [tilespmem:v10+s7+$0x0], $0xffff  }
0xe3: {  	[tilespmem:$0x1FB10] =	vst v10;
	v10 =	vld.idx.msk [tilespmem:v5+s24+$0x0], $0xffff  }
0xe4: {  	[tilespmem:$0x1FB50] =	vst v5;
	v5 =	vld.idx.msk [tilespmem:v5+s7+$0x0], $0xffff  }
0xe5: {  	[tilespmem:$0x1F300] =	vst v1;
	v1 =	vld.idx.msk [tilespmem:v52+s7+$0x0], $0xffff  }
0xe6: {  	[tilespmem:$0x1F2F0] =	vst v50;
	v52 =	vld.idx.msk [tilespmem:v6+s24+$0x0], $0xffff  }
0xe7: {  	[tilespmem:$0x1FB30] =	vst v6;
	v50 =	vld.idx.msk [tilespmem:v6+s7+$0x0], $0xffff;
	v6 =	vor.u32 $0x2F, v20  }
0xe8: {  	[tilespmem:$0x1F350] =	vst v54  }
0xe9: {  	v60 =	vld.idx.msk [tilespmem:v55+s24+$0x0], $0xffff;
	[tilespmem:$0x1F260] =	vst v5;
	v5 =	vor.u32 $0x31, v20  }
0xea: {  	[tilespmem:$0x1F130] =	vst v2;
	v2 =	vld.idx.msk [tilespmem:v35+s7+$0x0], $0xffff  }
0xeb: {  	[tilespmem:$0x1F240] =	vst v0;
	v0 =	vld.idx.msk [tilespmem:v46+s7+$0x0], $0xffff  }
0xec: {  	[tilespmem:$0x1F3B0] =	vst v56;
	v35 =	vld.idx.msk [tilespmem:v6+s24+$0x0], $0xffff  }
0xed: {  	[tilespmem:$0x1FB60] =	vst v6;
	v6 =	vld.idx.msk [tilespmem:v6+s7+$0x0], $0xffff  }
0xee: {  	[tilespmem:$0x1F4D0] =	vst v60;
	v46 =	vld.idx.msk [tilespmem:v5+s24+$0x0], $0xffff  }
0xef: {  	v57 =	vor.u32 $0x20, v20;
	[tilespmem:$0x1FB80] =	vst v5;
	v5 =	vld.idx.msk [tilespmem:v5+s7+$0x0], $0xffff  }
0xf0: {  	[tilespmem:$0x1FA70] =	vst v57  }
0xf1: {  	[tilespmem:$0x1F210] =	vst v2;
	v2 =	vld.idx.msk [tilespmem:v43+s7+$0x0], $0xffff  }
0xf2: {  	v59 =	vor.u32 $0x21, v20;
	[tilespmem:$0x1F280] =	vst v6;
	v6 =	vor.u32 $0x32, v20  }
0xf3: {  	[tilespmem:$0x1FA80] =	vst v59  }
0xf4: {  	v62 =	vor.u32 $0x24, v20;
	v54 =	vld.idx.msk [tilespmem:v19+s24+$0x0], $0xffff;
	[tilespmem:$0x1F2E0] =	vst v5;
	v5 =	vor.u32 $0x34, v20  }
0xf5: {  	v60 =	vld.idx.msk [tilespmem:v19+s7+$0x0], $0xffff;
	[tilespmem:$0x1FAB0] =	vst v62  }
0xf6: {  	v63 =	vor.u32 $0x27, v20;
	[tilespmem:$0x1F2A0] =	vst v2;
	v2 =	vld.idx.msk [tilespmem:v48+s7+$0x0], $0xffff  }
0xf7: {  	[tilespmem:$0x1FAE0] =	vst v63;
	v47 =	vld.idx.msk [tilespmem:v6+s24+$0x0], $0xffff  }
0xf8: {  	v32 =	vor.u32 $0x30, v20;
	[tilespmem:$0x1FB90] =	vst v6;
	v6 =	vld.idx.msk [tilespmem:v6+s7+$0x0], $0xffff  }
0xf9: {  	[tilespmem:$0x1FB70] =	vst v32;
	v56 =	vld.idx.msk [tilespmem:v5+s24+$0x0], $0xffff  }
0xfa: {  	v44 =	vor.u32 $0x33, v20;
	[tilespmem:$0x1FBB0] =	vst v5;
	v5 =	vld.idx.msk [tilespmem:v5+s7+$0x0], $0xffff  }
0xfb: {  	v61 =	vmov v57;
	[tilespmem:$0x1FBA0] =	vst v44;
	v4 =	vld.idx.msk [tilespmem:v59+s24+$0x0], $0xffff  }
0xfc: {  	[tilespmem:$0x1F360] =	vst v0;
	v0 =	vld.idx.msk [tilespmem:v55+s7+$0x0], $0xffff  }
0xfd: {  	v3 =	vld.idx.msk [tilespmem:v59+s7+$0x0], $0xffff;
	[tilespmem:$0x1F320] =	vst v6;
	v6 =	vor.u32 $0x35, v20  }
0xfe: {  	v43 =	vld.idx.msk [tilespmem:v32+s24+$0x0], $0xffff;
	[tilespmem:$0x1F3C0] =	vst v2  }
0xff: {  	v2 =	vld.idx.msk [tilespmem:v57+s24+$0x0], $0xffff;
	[tilespmem:$0x1F380] =	vst v5;
	v5 =	vor.u32 $0x37, v20  }
0x100: {  	[tilespmem:$0x1F430] =	vst v1;
	v1 =	vld.idx.msk [tilespmem:v61+s7+$0x0], $0xffff  }
0x101: {  	v19 =	vor.u32 $0x3C, v20;
	[tilespmem:$0x1F4C0] =	vst v0;
	v0 =	vld.idx.msk [tilespmem:v32+s7+$0x0], $0xffff  }
0x102: {  	[tilespmem:$0x1FC30] =	vst v19;
	v57 =	vld.idx.msk [tilespmem:v6+s24+$0x0], $0xffff  }
0x103: {  	[tilespmem:$0x1FBC0] =	vst v6;
	v6 =	vld.idx.msk [tilespmem:v6+s7+$0x0], $0xffff  }
0x104: {  	[tilespmem:$0x1F420] =	vst v58;
	v61 =	vld.idx.msk [tilespmem:v5+s24+$0x0], $0xffff  }
0x105: {  	v59 =	vor.u32 $0x39, v20;
	[tilespmem:$0x1FBE0] =	vst v5;
	v5 =	vld.idx.msk [tilespmem:v5+s7+$0x0], $0xffff  }
0x106: {  	[tilespmem:$0x1FC00] =	vst v59  }
0x107: {  	v55 =	vor.u32 $0x36, v20;
	[tilespmem:$0x1F2C0] =	vst v0;
	v0 =	vld.idx.msk [tilespmem:v44+s7+$0x0], $0xffff  }
0x108: {  	v48 =	vld.idx.msk [tilespmem:v44+s24+$0x0], $0xffff;
	[tilespmem:$0x1F3A0] =	vst v6;
	v6 =	vor.u32 $0x38, v20  }
0x109: {  	[tilespmem:$0x1F2B0] =	vst v43  }
0x10a: {  	v15 =	vld.idx.msk [tilespmem:v62+s24+$0x0], $0xffff;
	v43 =	vor.u32 $0x3F, v20;
	[tilespmem:$0x1F410] =	vst v5;
	v5 =	vor.u32 $0x3A, v20  }
0x10b: {  	v13 =	vld.idx.msk [tilespmem:v62+s7+$0x0], $0xffff;
	[tilespmem:$0x1FC60] =	vst v43  }
0x10c: {  	[tilespmem:$0x1F340] =	vst v0;
	v0 =	vld.idx.msk [tilespmem:v55+s7+$0x0], $0xffff  }
0x10d: {  	[tilespmem:$0x1F330] =	vst v48;
	v62 =	vld.idx.msk [tilespmem:v6+s24+$0x0], $0xffff  }
0x10e: {  	[tilespmem:$0x1FBF0] =	vst v6;
	v6 =	vld.idx.msk [tilespmem:v6+s7+$0x0], $0xffff  }
0x10f: {  	[tilespmem:$0x1F250] =	vst v10;
	v22 =	vld.idx.msk [tilespmem:v5+s24+$0x0], $0xffff  }
0x110: {  	[tilespmem:$0x1FC10] =	vst v5;
	v5 =	vld.idx.msk [tilespmem:v5+s7+$0x0], $0xffff  }
0x111: {  	[tilespmem:$0x1F270] =	vst v35  }
0x112: {  	[tilespmem:$0x1F3E0] =	vst v0;
	v0 =	vld.idx.msk [tilespmem:v59+s7+$0x0], $0xffff  }
0x113: {  	v35 =	vld.idx.msk [tilespmem:v19+s24+$0x0], $0xffff;
	[tilespmem:$0x1F470] =	vst v6;
	v6 =	vor.u32 $0x3B, v20  }
0x114: {  	[tilespmem:$0x1F310] =	vst v47  }
0x115: {  	v47 =	vld.idx.msk [tilespmem:v43+s24+$0x0], $0xffff;
	[tilespmem:$0x1F510] =	vst v5;
	v5 =	vor.u32 $0x3D, v20  }
0x116: {  	[tilespmem:$0x1F2D0] =	vst v46  }
0x117: {  	[tilespmem:$0x1F4B0] =	vst v0;
	v0 =	vld.idx.msk [tilespmem:v19+s7+$0x0], $0xffff  }
0x118: {  	[tilespmem:$0x1F5A0] =	vst v35;
	v32 =	vld.idx.msk [tilespmem:v6+s24+$0x0], $0xffff  }
0x119: {  	[tilespmem:$0x1FC20] =	vst v6;
	v6 =	vld.idx.msk [tilespmem:v6+s7+$0x0], $0xffff  }
0x11a: {  	[tilespmem:$0x1F740] =	vst v47;
	v44 =	vld.idx.msk [tilespmem:v5+s24+$0x0], $0xffff  }
0x11b: {  	[tilespmem:$0x1FC40] =	vst v5;
	v5 =	vld.idx.msk [tilespmem:v5+s7+$0x0], $0xffff  }
0x11c: {  	v48 =	vor.u32 $0x42, v20;
	[tilespmem:$0x1F5B0] =	vst v0;
	v0 =	vld.idx.msk [tilespmem:v43+s7+$0x0], $0xffff  }
0x11d: {  	v26 =	vld.idx.msk [tilespmem:v63+s24+$0x0], $0xffff;
	[tilespmem:$0x1F500] =	vst v22;
	v22 =	vor.u32 $0x44, v20  }
0x11e: {  	v25 =	vld.idx.msk [tilespmem:v63+s7+$0x0], $0xffff;
	[tilespmem:$0x1F550] =	vst v6;
	v6 =	vor.u32 $0x3E, v20  }
0x11f: {  	v63 =	vld.idx.msk [tilespmem:v59+s24+$0x0], $0xffff;
	[tilespmem:$0x1F390] =	vst v57  }
0x120: {  	v58 =	vld.idx.msk [tilespmem:v55+s24+$0x0], $0xffff;
	[tilespmem:$0x1F660] =	vst v5;
	v5 =	vor.u32 $0x40, v20  }
0x121: {  	[tilespmem:$0x1F750] =	vst v0;
	v0 =	vld.idx.msk [tilespmem:v48+s7+$0x0], $0xffff  }
0x122: {  	[tilespmem:$0x1F540] =	vst v32;
	v32 =	vld.idx.msk [tilespmem:v22+s24+$0x0], $0xffff  }
0x123: {  	v43 =	vor.u32 $0x45, v20;
	[tilespmem:$0x1FC50] =	vst v6;
	v46 =	vld.idx.msk [tilespmem:v6+s24+$0x0], $0xffff  }
0x124: {  	[tilespmem:$0x1F650] =	vst v44;
	v6 =	vld.idx.msk [tilespmem:v6+s7+$0x0], $0xffff;
	v44 =	vor.u32 $0x46, v20  }
0x125: {  	[tilespmem:$0x1F400] =	vst v61;
	v57 =	vld.idx.msk [tilespmem:v5+s24+$0x0], $0xffff  }
0x126: {  	[tilespmem:$0x1FC70] =	vst v5;
	v59 =	vld.idx.msk [tilespmem:v5+s7+$0x0], $0xffff;
	v5 =	vor.u32 $0x43, v20  }
0x127: {  	[tilespmem:$0x1FCB0] =	vst v22;
	v35 =	vld.idx.msk [tilespmem:v22+s7+$0x0], $0xffff  }
0x128: {  	v22 =	vld.idx.msk [tilespmem:v43+s7+$0x0], $0xffff;
	[tilespmem:$0x1FCD0] =	vst v44  }
0x129: {  	[tilespmem:$0x1F6E0] =	vst v46;
	v46 =	vor.u32 $0x47, v20;
	v47 =	vld.idx.msk [tilespmem:v44+s24+$0x0], $0xffff  }
0x12a: {  	[tilespmem:$0x1F6F0] =	vst v6;
	v6 =	vor.u32 $0x41, v20;
	v61 =	vld.idx.msk [tilespmem:v44+s7+$0x0], $0xffff;
	v44 =	vor.u32 $0x49, v20  }
0x12b: {  	[tilespmem:$0x1F460] =	vst v62;
	v62 =	vmov v6;
	v10 =	vld.idx.msk [tilespmem:v5+s24+$0x0], $0xffff  }
0x12c: {  	[tilespmem:$0x1F370] =	vst v56;
	v19 =	vld.idx.msk [tilespmem:v5+s7+$0x0], $0xffff  }
0x12d: {  	[tilespmem:$0x1FCA0] =	vst v5;
	v5 =	vld.idx.msk [tilespmem:v43+s24+$0x0], $0xffff  }
0x12e: {  	[tilespmem:$0x1FCC0] =	vst v43;
	v43 =	vor.u32 $0x48, v20;
	v56 =	vld.idx.msk [tilespmem:v46+s24+$0x0], $0xffff  }
0x12f: {  	[tilespmem:$0x1F4A0] =	vst v63;
	v63 =	vld.idx.msk [tilespmem:v44+s24+$0x0], $0xffff  }
0x130: {  	[tilespmem:$0x1FBD0] =	vst v55;
	v55 =	vld.idx.msk [tilespmem:v62+s7+$0x0], $0xffff  }
0x131: {  	[tilespmem:$0x1FC90] =	vst v48;
	v62 =	vld.idx.msk [tilespmem:v48+s24+$0x0], $0xffff  }
0x132: {  	[tilespmem:$0x1FCE0] =	vst v46;
	v48 =	vld.idx.msk [tilespmem:v46+s7+$0x0], $0xffff;
	v46 =	vor.u32 $0x4A, v20  }
0x133: {  	[tilespmem:$0x1F3D0] =	vst v58;
	v58 =	vld.idx.msk [tilespmem:v43+s24+$0x0], $0xffff;
	_ =	sdelay $0x1  }
0x134: {  	[tilespmem:$0x1FD00] =	vst v44  }
0x135: {  	v44 =	vld.idx.msk [tilespmem:v44+s7+$0x0], $0xffff;
	[tilespmem:$0x1FCF0] =	vst v43  }
0x136: {  	[tilespmem:$0x1F440] =	vst v63;
	v63 =	vld.idx.msk [tilespmem:v46+s24+$0x0], $0xffff  }
0x137: {  	[tilespmem:$0x1F3F0] =	vst v58;
	v58 =	vld.idx.msk [tilespmem:v43+s7+$0x0], $0xffff;
	v43 =	vor.u32 $0x4B, v20;
	_ =	sdelay $0x2  }
0x138: {  	[tilespmem:$0x1FD10] =	vst v46;
	v46 =	vld.idx.msk [tilespmem:v46+s7+$0x0], $0xffff  }
0x139: {  	[tilespmem:$0x1F450] =	vst v44  }
0x13a: {  	v44 =	vor.u32 $0x4C, v20;
	[tilespmem:$0x1F480] =	vst v63;
	v63 =	vld.idx.msk [tilespmem:v43+s24+$0x0], $0xffff;
	_ =	sdelay $0x2  }
0x13b: {  	[tilespmem:$0x1F490] =	vst v46  }
0x13c: {  	[tilespmem:$0x1FD20] =	vst v43;
	v43 =	vld.idx.msk [tilespmem:v43+s7+$0x0], $0xffff  }
0x13d: {  	v46 =	vor.u32 $0x4D, v20;
	[tilespmem:$0x1F4E0] =	vst v63;
	v63 =	vld.idx.msk [tilespmem:v44+s24+$0x0], $0xffff;
	_ =	sdelay $0x2  }
0x13e: {  	[tilespmem:$0x1FD30] =	vst v44  }
0x13f: {  	[tilespmem:$0x1F4F0] =	vst v43;
	v44 =	vld.idx.msk [tilespmem:v44+s7+$0x0], $0xffff  }
0x140: {  	v43 =	vor.u32 $0x4E, v20;
	[tilespmem:$0x1F520] =	vst v63;
	v63 =	vld.idx.msk [tilespmem:v46+s24+$0x0], $0xffff;
	_ =	sdelay $0x2  }
0x141: {  	[tilespmem:$0x1FD40] =	vst v46  }
0x142: {  	[tilespmem:$0x1F530] =	vst v44;
	v46 =	vld.idx.msk [tilespmem:v46+s7+$0x0], $0xffff  }
0x143: {  	v44 =	vor.u32 $0x4F, v20;
	[tilespmem:$0x1F560] =	vst v63;
	v63 =	vld.idx.msk [tilespmem:v43+s24+$0x0], $0xffff;
	_ =	sdelay $0x2  }
0x144: {  	[tilespmem:$0x1FD50] =	vst v43  }
0x145: {  	[tilespmem:$0x1F570] =	vst v46;
	v46 =	vor.u32 $0x50, v20;
	v43 =	vld.idx.msk [tilespmem:v43+s7+$0x0], $0xffff  }
0x146: {  	[tilespmem:$0x1F580] =	vst v63;
	v63 =	vld.idx.msk [tilespmem:v44+s24+$0x0], $0xffff;
	_ =	sdelay $0x2  }
0x147: {  	[tilespmem:$0x1FD60] =	vst v44;
	v44 =	vld.idx.msk [tilespmem:v44+s7+$0x0], $0xffff  }
0x148: {  	v27 =	vmul.f32 v51, v27;
	[tilespmem:$0x1F590] =	vst v43;
	v43 =	vor.u32 $0x51, v20;
	v51 =	vld.idx.msk [tilespmem:v46+s24+$0x0], $0xffff  }
0x149: {  	[tilespmem:$0x1F5C0] =	vst v63;
	v63 =	vld.idx.msk [tilespmem:v46+s7+$0x0], $0xffff;
	_ =	sdelay $0x2  }
0x14a: {  	v17 =	vmul.f32 v37, v17;
	v37 =	vor.u32 $0x53, v20;
	[tilespmem:$0x1F5D0] =	vst v44  }
0x14b: {  	v27 =	vadd.f32 $0.0e+00, v27;
	v44 =	vor.u32 $0x52, v20;
	[tilespmem:$0x1F5E0] =	vst v51;
	v51 =	vld.idx.msk [tilespmem:v43+s24+$0x0], $0xffff  }
0x14c: {  	[tilespmem:$0x1F5F0] =	vst v63;
	v63 =	vld.idx.msk [tilespmem:v43+s7+$0x0], $0xffff  }
0x14d: {  	v17 =	vadd.f32 v17, v27;
	[tilespmem:$0x1FD70] =	vst v46;
	v46 =	vmul.f32 v29, v31  }
0x14e: {  	v29 =	vor.u32 $0x54, v20  }
0x14f: {  	[tilespmem:$0x1FD80] =	vst v43;
	v31 =	vld.idx.msk [tilespmem:v37+s24+$0x0], $0xffff;
	v17 =	vadd.f32 v46, v17;
	v43 =	vmul.f32 v53, v28  }
0x150: {  	[tilespmem:$0x1F610] =	vst v51;
	v51 =	vld.idx.msk [tilespmem:v44+s7+$0x0], $0xffff;
	v53 =	vor.u32 $0x55, v20  }
0x151: {  	v46 =	vld.idx.msk [tilespmem:v44+s24+$0x0], $0xffff;
	v17 =	vadd.f32 v43, v17;
	[tilespmem:$0x1F620] =	vst v63;
	v63 =	vmul.f32 v34, v24  }
0x152: {  	[tilespmem:$0x1FD90] =	vst v44;
	v44 =	vld [tilespmem:$0x1EFF0]  }
0x153: {  	v12 =	vmul.f32 v12, v14;
	v43 =	vld.idx.msk [tilespmem:v29+s7+$0x0], $0xffff;
	v17 =	vadd.f32 v63, v17  }
0x154: {  	v34 =	vld.idx.msk [tilespmem:v37+s7+$0x0], $0xffff  }
0x155: {  	[tilespmem:$0x1F640] =	vst v51;
	v51 =	vld.idx.msk [tilespmem:v53+s7+$0x0], $0xffff;
	v12 =	vadd.f32 v12, v17;
	v17 =	vor.u32 $0x58, v20  }
0x156: {  	[tilespmem:$0x1FDA0] =	vst v37;
	v37 =	vld.idx.msk [tilespmem:v29+s24+$0x0], $0xffff  }
0x157: {  	[tilespmem:$0x1F630] =	vst v46;
	v46 =	vld.idx.msk [tilespmem:v53+s24+$0x0], $0xffff  }
0x158: {  	[tilespmem:$0x1FDC0] =	vst v53;
	v53 =	vld [tilespmem:$0x1F000]  }
0x159: {  	v14 =	vmul.f32 v41, v44;
	v41 =	vld [tilespmem:$0x1F030]  }
0x15a: {  	v27 =	vor.u32 $0x57, v20;
	[tilespmem:$0x1F710] =	vst v51;
	v51 =	vld.idx.msk [tilespmem:v17+s24+$0x0], $0xffff  }
0x15b: {  	[tilespmem:$0x1FDF0] =	vst v17;
	v17 =	vld.idx.msk [tilespmem:v17+s7+$0x0], $0xffff  }
0x15c: {  	v63 =	vld [tilespmem:$0x1F010]  }
0x15d: {  	v44 =	vld [tilespmem:$0x1F040];
	[tilespmem:$0x1F6D0] =	vst v43  }
0x15e: {  	[tilespmem:$0x1F6C0] =	vst v37;
	v37 =	vld [tilespmem:$0x1F020]  }
0x15f: {  	v43 =	vld.idx.msk [tilespmem:v27+s24+$0x0], $0xffff;
	[tilespmem:$0x1F700] =	vst v46  }
0x160: {  	v46 =	vld [tilespmem:$0x1F050];
	[tilespmem:$0x1F790] =	vst v17;
	v17 =	vor.u32 $0x5B, v20  }
0x161: {  	v12 =	vadd.f32 v14, v12;
	v14 =	vmul.f32 v63, v53;
	v53 =	vld [tilespmem:$0x1F060]  }
0x162: {  	v63 =	vld [tilespmem:$0x1F070]  }
0x163: {  	[tilespmem:$0x1FDE0] =	vst v27;
	v27 =	vld.idx.msk [tilespmem:v27+s7+$0x0], $0xffff;
	v12 =	vadd.f32 v14, v12;
	v14 =	vmul.f32 v41, v37  }
0x164: {  	v37 =	vld [tilespmem:$0x1F080]  }
0x165: {  	v3 =	vmul.f32 v3, v4;
	v12 =	vadd.f32 v14, v12;
	v14 =	vmul.f32 v46, v44;
	v4 =	vld.idx.msk [tilespmem:v17+s7+$0x0], $0xffff  }
0x166: {  	v24 =	vor.u32 $0x56, v20;
	v41 =	vld [tilespmem:$0x1F090]  }
0x167: {  	v12 =	vadd.f32 v14, v12;
	v14 =	vmul.f32 v63, v53;
	v53 =	vld [tilespmem:$0x1F0A0]  }
0x168: {  	[tilespmem:$0x1F690] =	vst v31;
	v63 =	vld [tilespmem:$0x1F0B0]  }
0x169: {  	v31 =	vld [tilespmem:$0x1F0D0];
	[tilespmem:$0x1FDD0] =	vst v24  }
0x16a: {  	[tilespmem:$0x1F7F0] =	vst v4;
	v4 =	vld [tilespmem:$0x1F0C0]  }
0x16b: {  	[tilespmem:$0x1F6A0] =	vst v34;
	v34 =	vld.idx.msk [tilespmem:v24+s24+$0x0], $0xffff;
	v12 =	vadd.f32 v14, v12;
	v14 =	vmul.f32 v41, v37  }
0x16c: {  	v24 =	vld.idx.msk [tilespmem:v24+s7+$0x0], $0xffff;
	[tilespmem:$0x1F770] =	vst v27  }
0x16d: {  	v27 =	vor.u32 $0x5A, v20;
	[tilespmem:$0x1F780] =	vst v51;
	v51 =	vadd.f32 v14, v12;
	v12 =	vmul.f32 v63, v53;
	_ =	sdelay $0x1  }
0x16e: {  	v1 =	vmul.f32 v1, v2;
	v2 =	vadd.f32 v12, v51;
	v4 =	vmul.f32 v31, v4  }
0x16f: {  	v37 =	vmul.f32 v7, v8;
	v8 =	vld [tilespmem:$0x1F0F0]  }
0x170: {  	[tilespmem:$0x1F730] =	vst v24;
	v24 =	vor.u32 $0x59, v20;
	v2 =	vadd.f32 v4, v2;
	v4 =	vld [tilespmem:$0x1F0E0]  }
0x171: {  	[tilespmem:$0x1F760] =	vst v43;
	v43 =	vld.idx.msk [tilespmem:v27+s24+$0x0], $0xffff;
	_ =	sdelay $0x3  }
0x172: {  	[tilespmem:$0x1F720] =	vst v34;
	v34 =	vld.idx.msk [tilespmem:v24+s24+$0x0], $0xffff;
	v4 =	vmul.f32 v8, v4  }
0x173: {  	[tilespmem:$0x1F7C0] =	vst v43;
	v43 =	vld [tilespmem:$0x1F110]  }
0x174: {  	v2 =	vadd.f32 v4, v2;
	v4 =	vld [tilespmem:$0x1F100]  }
0x175: {  	[tilespmem:$0x1FE00] =	vst v24;
	v24 =	vld.idx.msk [tilespmem:v24+s7+$0x0], $0xffff;
	_ =	sdelay $0x3  }
0x176: {  	v4 =	vmul.f32 v43, v4  }
0x177: {  	v63 =	vld [tilespmem:$0x1F130];
	[tilespmem:$0x1F7B0] =	vst v24;
	v24 =	vor.u32 $0x5C, v20  }
0x178: {  	v2 =	vadd.f32 v4, v2;
	v4 =	vld [tilespmem:$0x1F120];
	_ =	sdelay $0x3  }
0x179: {  	[tilespmem:$0x1F7A0] =	vst v34;
	v34 =	vld.idx.msk [tilespmem:v24+s24+$0x0], $0xffff  }
0x17a: {  	v7 =	vld.idx.msk [tilespmem:v24+s7+$0x0], $0xffff;
	v4 =	vmul.f32 v63, v4  }
0x17b: {  	[tilespmem:$0x1FE30] =	vst v24;
	v24 =	vld [tilespmem:$0x1F150]  }
0x17c: {  	v2 =	vadd.f32 v4, v2;
	v4 =	vld [tilespmem:$0x1F140];
	_ =	sdelay $0x4  }
0x17d: {  	v4 =	vmul.f32 v24, v4  }
0x17e: {  	[tilespmem:$0x1F800] =	vst v34;
	v34 =	vld [tilespmem:$0x1F170]  }
0x17f: {  	v46 =	vor.u32 $0x5D, v20;
	v2 =	vadd.f32 v4, v2;
	v4 =	vld [tilespmem:$0x1F160];
	_ =	sdelay $0x4  }
0x180: {  	v1 =	vadd.f32 $0.0e+00, v1;
	v8 =	vld.idx.msk [tilespmem:v46+s24+$0x0], $0xffff;
	v4 =	vmul.f32 v34, v4  }
0x181: {  	v43 =	vld [tilespmem:$0x1F190]  }
0x182: {  	v1 =	vadd.f32 v3, v1;
	v2 =	vadd.f32 v4, v2;
	v4 =	vld [tilespmem:$0x1F180];
	_ =	sdelay $0x1  }
0x183: {  	[tilespmem:$0x1FC80] =	vst v6;
	v41 =	vmul.f32 v30, v11;
	v1 =	vadd.f32 v37, v1  }
0x184: {  	v6 =	vld.idx.msk [tilespmem:v6+s24+$0x0], $0xffff;
	[tilespmem:$0x1FE40] =	vst v46  }
0x185: {  	v53 =	vor.u32 $0x61, v20;
	v1 =	vadd.f32 v41, v1;
	[tilespmem:$0x1F820] =	vst v8;
	v8 =	vld.idx.msk [tilespmem:v46+s7+$0x0], $0xffff;
	v46 =	vmul.f32 v13, v15  }
0x186: {  	v44 =	vld.idx.msk [tilespmem:v27+s7+$0x0], $0xffff;
	v4 =	vmul.f32 v43, v4  }
0x187: {  	v1 =	vadd.f32 v46, v1;
	v46 =	vld [tilespmem:$0x1F1B0]  }
0x188: {  	[tilespmem:$0x1F810] =	vst v7;
	v7 =	vor.u32 $0x5F, v20;
	v2 =	vadd.f32 v4, v2;
	v4 =	vld [tilespmem:$0x1F1A0]  }
0x189: {  	v28 =	vld.idx.msk [tilespmem:v17+s24+$0x0], $0xffff  }
0x18a: {  	v18 =	vmul.f32 v16, v18;
	[tilespmem:$0x1FDB0] =	vst v29;
	v16 =	vld.idx.msk [tilespmem:v53+s24+$0x0], $0xffff  }
0x18b: {  	[tilespmem:$0x1FE10] =	vst v27;
	v27 =	vmul.f32 v21, v9;
	v9 =	vld.idx.msk [tilespmem:v53+s7+$0x0], $0xffff  }
0x18c: {  	v29 =	vor.u32 $0x5E, v20;
	[tilespmem:$0x1FE80] =	vst v53;
	v53 =	vld [tilespmem:$0x1F1D0]  }
0x18d: {  	[tilespmem:$0x1FE20] =	vst v17;
	v17 =	vld.idx.msk [tilespmem:v7+s24+$0x0], $0xffff;
	v4 =	vmul.f32 v46, v4  }
0x18e: {  	[tilespmem:$0x1FE60] =	vst v7;
	v7 =	vld.idx.msk [tilespmem:v7+s7+$0x0], $0xffff  }
0x18f: {  	v2 =	vadd.f32 v4, v2;
	v4 =	vld [tilespmem:$0x1F1C0]  }
0x190: {  	v21 =	vld [tilespmem:$0x1F1F0];
	v41 =	vor.u32 $0x64, v20  }
0x191: {  	[tilespmem:$0x1F7D0] =	vst v44;
	v44 =	vld.idx.msk [tilespmem:v29+s24+$0x0], $0xffff  }
0x192: {  	v37 =	vmul.f32 v25, v26;
	v25 =	vld [tilespmem:$0x1F300];
	[tilespmem:$0x1F7E0] =	vst v28  }
0x193: {  	v51 =	vld.idx.msk [tilespmem:v29+s7+$0x0], $0xffff;
	[tilespmem:$0x1F870] =	vst v7;
	v7 =	vor.u32 $0x62, v20  }
0x194: {  	v28 =	vld [tilespmem:$0x1F210];
	[tilespmem:$0x1F860] =	vst v17;
	v17 =	vor.u32 $0x67, v20;
	v4 =	vmul.f32 v53, v4  }
0x195: {  	v26 =	vld.idx.msk [tilespmem:v41+s7+$0x0], $0xffff  }
0x196: {  	v2 =	vadd.f32 v4, v2;
	v4 =	vld [tilespmem:$0x1F1E0]  }
0x197: {  	v31 =	vld.idx.msk [tilespmem:v41+s24+$0x0], $0xffff;
	v1 =	vadd.f32 v18, v1;
	[tilespmem:$0x1F830] =	vst v8;
	v8 =	vor.u32 $0x60, v20  }
0x198: {  	[tilespmem:$0x1F850] =	vst v51;
	v11 =	vld.idx.msk [tilespmem:v7+s7+$0x0], $0xffff  }
0x199: {  	v51 =	vmul.f32 v33, v39;
	v33 =	vmul.f32 v50, v52;
	v50 =	vld.idx.msk [tilespmem:v17+s24+$0x0], $0xffff;
	v1 =	vadd.f32 v27, v1  }
0x19a: {  	[tilespmem:$0x1F840] =	vst v44;
	v44 =	vmul.f32 v42, v40;
	v39 =	vor.u32 $0x6A, v20;
	v40 =	vld.idx.msk [tilespmem:v17+s7+$0x0], $0xffff;
	v63 =	vmul.f32 v38, v36  }
0x19b: {  	v1 =	vadd.f32 v37, v1;
	v36 =	vmul.f32 v60, v54;
	v60 =	vld [tilespmem:$0x1F2B0];
	v4 =	vmul.f32 v21, v4  }
0x19c: {  	v14 =	vld.idx.msk [tilespmem:v8+s24+$0x0], $0xffff  }
0x19d: {  	v1 =	vadd.f32 v44, v1;
	v2 =	vadd.f32 v4, v2;
	v4 =	vld [tilespmem:$0x1F200]  }
0x19e: {  	v30 =	vld.idx.msk [tilespmem:v8+s7+$0x0], $0xffff  }
0x19f: {  	v44 =	vld [tilespmem:$0x1F260];
	v1 =	vadd.f32 v51, v1  }
0x1a0: {  	[tilespmem:$0x1FE70] =	vst v8;
	v8 =	vor.u32 $0x63, v20;
	v51 =	vld.idx.msk [tilespmem:v39+s24+$0x0], $0xffff  }
0x1a1: {  	v1 =	vadd.f32 v63, v1;
	v63 =	vld [tilespmem:$0x1F2C0]  }
0x1a2: {  	v24 =	vld.idx.msk [tilespmem:v7+s24+$0x0], $0xffff;
	v4 =	vmul.f32 v28, v4  }
0x1a3: {  	[tilespmem:$0x1FE90] =	vst v7;
	v7 =	vor.u32 $0x65, v20;
	v34 =	vld [tilespmem:$0x1F230]  }
0x1a4: {  	v2 =	vadd.f32 v4, v2;
	v4 =	vld [tilespmem:$0x1F220]  }
0x1a5: {  	v23 =	vmul.f32 v45, v23;
	[tilespmem:$0x1FE50] =	vst v29;
	v29 =	vld.idx.msk [tilespmem:v8+s24+$0x0], $0xffff  }
0x1a6: {  	v18 =	vld.idx.msk [tilespmem:v8+s7+$0x0], $0xffff  }
0x1a7: {  	v1 =	vadd.f32 v23, v1;
	v23 =	vld [tilespmem:$0x1F2D0]  }
0x1a8: {  	[tilespmem:$0x1FEA0] =	vst v8;
	v8 =	vor.u32 $0x66, v20;
	v38 =	vld.idx.msk [tilespmem:v7+s24+$0x0], $0xffff  }
0x1a9: {  	[tilespmem:$0x1FEC0] =	vst v7;
	v27 =	vld.idx.msk [tilespmem:v7+s7+$0x0], $0xffff;
	v7 =	vor.u32 $0x68, v20;
	v4 =	vmul.f32 v34, v4  }
0x1aa: {  	v43 =	vld [tilespmem:$0x1F250]  }
0x1ab: {  	v2 =	vadd.f32 v4, v2;
	v4 =	vld [tilespmem:$0x1F240]  }
0x1ac: {  	v1 =	vadd.f32 v33, v1;
	v33 =	vld [tilespmem:$0x1F310]  }
0x1ad: {  	v37 =	vld.idx.msk [tilespmem:v8+s24+$0x0], $0xffff  }
0x1ae: {  	v45 =	vld.idx.msk [tilespmem:v7+s24+$0x0], $0xffff;
	v46 =	vor.u32 $0x6B, v20  }
0x1af: {  	v3 =	vmul.f32 v44, v43;
	v43 =	vld.idx.msk [tilespmem:v7+s7+$0x0], $0xffff  }
0x1b0: {  	[tilespmem:$0x1FED0] =	vst v8;
	v28 =	vld.idx.msk [tilespmem:v8+s7+$0x0], $0xffff;
	v8 =	vor.u32 $0x69, v20;
	v4 =	vmul.f32 v4, v49  }
0x1b1: {  	[tilespmem:$0x1FEF0] =	vst v7;
	v7 =	vld [tilespmem:$0x1F280]  }
0x1b2: {  	v2 =	vadd.f32 v4, v2;
	v4 =	vmul.f32 v59, v57;
	v57 =	vld [tilespmem:$0x1F270]  }
0x1b3: {  	v6 =	vmul.f32 v55, v6;
	v55 =	vld.idx.msk [tilespmem:v46+s24+$0x0], $0xffff  }
0x1b4: {  	v0 =	vmul.f32 v0, v62;
	v62 =	vld.idx.msk [tilespmem:v46+s7+$0x0], $0xffff;
	v4 =	vadd.f32 $0.0e+00, v4  }
0x1b5: {  	v1 =	vadd.f32 v36, v1;
	v21 =	vor.u32 $0x6D, v20;
	v52 =	vld.idx.msk [tilespmem:v8+s7+$0x0], $0xffff  }
0x1b6: {  	v4 =	vadd.f32 v6, v4;
	v6 =	vld [tilespmem:$0x1F2E0]  }
0x1b7: {  	v1 =	vadd.f32 v3, v1;
	v49 =	vld.idx.msk [tilespmem:v8+s24+$0x0], $0xffff;
	v3 =	vmul.f32 v7, v57  }
0x1b8: {  	[tilespmem:$0x1FF00] =	vst v8;
	v8 =	vor.u32 $0x6C, v20;
	v59 =	vld [tilespmem:$0x1F2A0]  }
0x1b9: {  	v7 =	vld [tilespmem:$0x1F290];
	v1 =	vadd.f32 v3, v1;
	v3 =	vmul.f32 v63, v60  }
0x1ba: {  	[tilespmem:$0x1FF20] =	vst v46;
	v46 =	vld.idx.msk [tilespmem:v21+s24+$0x0], $0xffff  }
0x1bb: {  	v1 =	vadd.f32 v3, v1;
	v3 =	vmul.f32 v6, v23;
	v6 =	vld [tilespmem:$0x1F2F0]  }
0x1bc: {  	v34 =	vld [tilespmem:$0x1F320]  }
0x1bd: {  	v54 =	vld.idx.msk [tilespmem:v8+s24+$0x0], $0xffff  }
0x1be: {  	v53 =	vld.idx.msk [tilespmem:v8+s7+$0x0], $0xffff;
	v7 =	vmul.f32 v59, v7  }
0x1bf: {  	v57 =	vld [tilespmem:$0x1F360];
	v0 =	vadd.f32 v0, v4;
	v4 =	vmul.f32 v19, v10  }
0x1c0: {  	v60 =	vld.idx.msk [tilespmem:v39+s7+$0x0], $0xffff;
	v2 =	vadd.f32 v7, v2;
	v6 =	vmul.f32 v25, v6  }
0x1c1: {  	v0 =	vadd.f32 v4, v0;
	v4 =	vmul.f32 v35, v32;
	v35 =	vld [tilespmem:$0x1F330]  }
0x1c2: {  	[tilespmem:$0x1FF30] =	vst v8;
	v8 =	vor.u32 $0x6F, v20;
	v2 =	vadd.f32 v6, v2;
	v6 =	vld [tilespmem:$0x1F340]  }
0x1c3: {  	v59 =	vld [tilespmem:$0x1F370]  }
0x1c4: {  	v0 =	vadd.f32 v4, v0;
	v4 =	vmul.f32 v22, v5;
	v5 =	vld [tilespmem:$0x1F380]  }
0x1c5: {  	[tilespmem:$0x1FF10] =	vst v39;
	v39 =	vld.idx.msk [tilespmem:v21+s7+$0x0], $0xffff;
	v1 =	vadd.f32 v3, v1;
	v3 =	vmul.f32 v34, v33  }
0x1c6: {  	v63 =	vld [tilespmem:$0x1F3D0]  }
0x1c7: {  	v42 =	vld.idx.msk [tilespmem:v8+s24+$0x0], $0xffff;
	v1 =	vadd.f32 v3, v1;
	v3 =	vmul.f32 v6, v35  }
0x1c8: {  	v7 =	vor.u32 $0x6E, v20;
	v0 =	vadd.f32 v4, v0;
	v4 =	vmul.f32 v61, v47;
	v61 =	vld [tilespmem:$0x1F390]  }
0x1c9: {  	v1 =	vadd.f32 v3, v1;
	v3 =	vmul.f32 v5, v59;
	v5 =	vld [tilespmem:$0x1F3A0]  }
0x1ca: {  	v32 =	vld.idx.msk [tilespmem:v8+s7+$0x0], $0xffff  }
0x1cb: {  	[tilespmem:$0x1FF60] =	vst v8;
	v8 =	vld [tilespmem:$0x1F3C0]  }
0x1cc: {  	v36 =	vor.u32 $0x70, v20;
	v6 =	vld [tilespmem:$0x1F350]  }
0x1cd: {  	v0 =	vadd.f32 v4, v0;
	v44 =	vld.idx.msk [tilespmem:v7+s24+$0x0], $0xffff  }
0x1ce: {  	[tilespmem:$0x1FEB0] =	vst v41;
	v4 =	vmul.f32 v48, v56;
	v1 =	vadd.f32 v3, v1;
	v3 =	vmul.f32 v5, v61;
	v5 =	vld [tilespmem:$0x1F3B0]  }
0x1cf: {  	[tilespmem:$0x1FF50] =	vst v7;
	v34 =	vld.idx.msk [tilespmem:v7+s7+$0x0], $0xffff;
	v7 =	vor.u32 $0x71, v20  }
0x1d0: {  	[tilespmem:$0x1FEE0] =	vst v17;
	v0 =	vadd.f32 v4, v0;
	v4 =	vld [tilespmem:$0x1F3F0]  }
0x1d1: {  	[tilespmem:$0x1FF70] =	vst v36;
	v23 =	vld.idx.msk [tilespmem:v36+s7+$0x0], $0xffff;
	v6 =	vmul.f32 v57, v6  }
0x1d2: {  	[tilespmem:$0x1FF40] =	vst v21;
	v25 =	vld.idx.msk [tilespmem:v36+s24+$0x0], $0xffff  }
0x1d3: {  	v2 =	vadd.f32 v6, v2;
	v6 =	vor.u32 $0x72, v20;
	v5 =	vmul.f32 v8, v5;
	v8 =	vld [tilespmem:$0x1F3E0];
	[tilespmem:$0x1FF80] =	vst v7  }
0x1d4: {  	v47 =	vld.idx.msk [tilespmem:v7+s24+$0x0], $0xffff  }
0x1d5: {  	v4 =	vmul.f32 v58, v4;
	v13 =	vld [tilespmem:$0x1F400]  }
0x1d6: {  	v56 =	vld.idx.msk [tilespmem:v7+s7+$0x0], $0xffff  }
0x1d7: {  	v0 =	vadd.f32 v4, v0;
	v4 =	vld [tilespmem:$0x1F440]  }
0x1d8: {  	v12 =	vor.u32 $0x73, v20;
	v48 =	vld.idx.msk [tilespmem:v6+s24+$0x0], $0xffff  }
0x1d9: {  	v15 =	vld [tilespmem:$0x1F460]  }
0x1da: {  	v21 =	vld.idx.msk [tilespmem:v6+s7+$0x0], $0xffff  }
0x1db: {  	v2 =	vadd.f32 v5, v2;
	v5 =	vld [tilespmem:$0x1F410]  }
0x1dc: {  	v17 =	vld [tilespmem:$0x1F480]  }
0x1dd: {  	v41 =	vld.idx.msk [tilespmem:v12+s24+$0x0], $0xffff  }
0x1de: {  	v1 =	vadd.f32 v3, v1;
	v19 =	vld [tilespmem:$0x1F4A0];
	v3 =	vmul.f32 v8, v63  }
0x1df: {  	v8 =	vld [tilespmem:$0x1F430]  }
0x1e0: {  	v1 =	vadd.f32 v3, v1;
	v3 =	vmul.f32 v5, v13;
	v5 =	vld [tilespmem:$0x1F420]  }
0x1e1: {  	v22 =	vld [tilespmem:$0x1F4B0]  }
0x1e2: {  	v57 =	vld [tilespmem:$0x1F4C0]  }
0x1e3: {  	v7 =	vor.u32 $0x74, v20;
	v59 =	vld [tilespmem:$0x1F4D0]  }
0x1e4: {  	v30 =	vmul.f32 v30, v14;
	v14 =	vld [tilespmem:$0x1F590]  }
0x1e5: {  	v5 =	vmul.f32 v8, v5;
	v8 =	vld [tilespmem:$0x1F450]  }
0x1e6: {  	v63 =	vld [tilespmem:$0x1F4E0]  }
0x1e7: {  	v33 =	vadd.f32 v5, v2;
	v5 =	vld [tilespmem:$0x1F490]  }
0x1e8: {  	v36 =	vld.idx.msk [tilespmem:v7+s24+$0x0], $0xffff  }
0x1e9: {  	v35 =	vmul.f32 v22, v19;
	v19 =	vld [tilespmem:$0x1F520]  }
0x1ea: {  	v8 =	vmul.f32 v8, v4;
	v4 =	vld [tilespmem:$0x1F470]  }
0x1eb: {  	v13 =	vld [tilespmem:$0x1F510]  }
0x1ec: {  	v0 =	vadd.f32 v8, v0;
	v8 =	vmul.f32 v5, v17;
	v17 =	vld.idx.msk [tilespmem:v12+s7+$0x0], $0xffff  }
0x1ed: {  	[tilespmem:$0x1FFA0] =	vst v12;
	v12 =	vld [tilespmem:$0x1F500]  }
0x1ee: {  	v5 =	vld [tilespmem:$0x1F4F0]  }
0x1ef: {  	v22 =	vld [tilespmem:$0x1F530];
	v1 =	vadd.f32 v3, v1;
	v3 =	vmul.f32 v4, v15  }
0x1f0: {  	v2 =	vmul.f32 v57, v59;
	v57 =	vld [tilespmem:$0x1F550]  }
0x1f1: {  	v59 =	vld [tilespmem:$0x1F560];
	v4 =	vor.u32 $0x75, v20;
	v1 =	vadd.f32 v3, v1  }
0x1f2: {  	v61 =	vadd.f32 v8, v0;
	v0 =	vmul.f32 v13, v12;
	v13 =	vld.idx.msk [tilespmem:v7+s7+$0x0], $0xffff  }
0x1f3: {  	[tilespmem:$0x1FF90] =	vst v6;
	v6 =	vor.u32 $0x76, v20;
	v8 =	vmul.f32 v5, v63;
	v10 =	vadd.f32 v35, v1;
	v35 =	vld [tilespmem:$0x1F540]  }
0x1f4: {  	v12 =	vld [tilespmem:$0x1F580]  }
0x1f5: {  	v15 =	vadd.f32 v8, v61;
	v61 =	vld [tilespmem:$0x1F570]  }
0x1f6: {  	v3 =	vmul.f32 v22, v19;
	v22 =	vld.idx.msk [tilespmem:v4+s24+$0x0], $0xffff  }
0x1f7: {  	v30 =	vadd.f32 $0.0e+00, v30;
	[tilespmem:$0x1FFC0] =	vst v4;
	v19 =	vld.idx.msk [tilespmem:v4+s7+$0x0], $0xffff;
	v5 =	vadd.f32 v0, v10  }
0x1f8: {  	v58 =	vadd.f32 v3, v15;
	v15 =	vld.idx.msk [tilespmem:v6+s24+$0x0], $0xffff;
	v10 =	vmul.f32 v9, v16;
	v4 =	vmul.f32 v57, v35  }
0x1f9: {  	[tilespmem:$0x1FFB0] =	vst v7;
	v33 =	vadd.f32 v2, v33;
	v7 =	vor.u32 $0x77, v20;
	v16 =	vld.idx.msk [tilespmem:v6+s7+$0x0], $0xffff  }
0x1fa: {  	[tilespmem:$0x1FFD0] =	vst v6;
	v6 =	vld [tilespmem:$0x1F5B0];
	v2 =	vadd.f32 v10, v30;
	v4 =	vadd.f32 v4, v5;
	v5 =	vmul.f32 v11, v24  }
0x1fb: {  	v30 =	vld [tilespmem:$0x1F5C0]  }
0x1fc: {  	v18 =	vmul.f32 v18, v29;
	v35 =	vld [tilespmem:$0x1F5D0];
	v5 =	vadd.f32 v5, v2  }
0x1fd: {  	v9 =	vld [tilespmem:$0x1F5F0];
	v0 =	vmul.f32 v61, v59  }
0x1fe: {  	v26 =	vmul.f32 v26, v31;
	v1 =	vmul.f32 v14, v12;
	v14 =	vld.idx.msk [tilespmem:v7+s24+$0x0], $0xffff;
	v5 =	vadd.f32 v18, v5  }
0x1ff: {  	v0 =	vadd.f32 v0, v58;
	v24 =	vld [tilespmem:$0x1F5A0]  }
0x200: {  	v57 =	vld [tilespmem:$0x1F5E0];
	v18 =	vadd.f32 v26, v5;
	v26 =	vmul.f32 v27, v38  }
0x201: {  	v0 =	vadd.f32 v1, v0;
	v1 =	vmul.f32 v35, v30;
	v30 =	vld [tilespmem:$0x1F610]  }
0x202: {  	v35 =	vld [tilespmem:$0x1F620];
	v18 =	vadd.f32 v26, v18;
	v26 =	vmul.f32 v28, v37  }
0x203: {  	v12 =	vld.idx.msk [tilespmem:v7+s7+$0x0], $0xffff  }
0x204: {  	v24 =	vmul.f32 v6, v24;
	v18 =	vadd.f32 v26, v18;
	v26 =	vld [tilespmem:$0x1F670]  }
0x205: {  	v0 =	vadd.f32 v1, v0;
	v1 =	vmul.f32 v9, v57;
	v38 =	vld [tilespmem:$0x1F630]  }
0x206: {  	v4 =	vadd.f32 v24, v4;
	v24 =	vld [tilespmem:$0x1F660]  }
0x207: {  	v0 =	vadd.f32 v1, v0;
	v1 =	vmul.f32 v35, v30;
	v30 =	vld [tilespmem:$0x1F640]  }
0x208: {  	v37 =	vld [tilespmem:$0x1F650]  }
0x209: {  	v63 =	vor.u32 $0x78, v20;
	v0 =	vadd.f32 v1, v0;
	v1 =	vld [tilespmem:$0x1F690];
	v3 =	vshll.u32 v26, $0x4  }
0x20a: {  	v40 =	vmul.f32 v40, v50;
	v26 =	vand.u32 $0x70, v3;
	v3 =	vld [tilespmem:$0x1F6A0]  }
0x20b: {  	v6 =	vld [tilespmem:$0x1F6D0]  }
0x20c: {  	v18 =	vadd.f32 v40, v18;
	v40 =	vmul.f32 v43, v45;
	v45 =	vld [tilespmem:$0x1F6C0]  }
0x20d: {  	v10 =	vld [tilespmem:$0x1F600];
	v61 =	vor.u32 $0x79, v20;
	v38 =	vmul.f32 v30, v38  }
0x20e: {  	v29 =	vld.idx.msk [tilespmem:v63+s7+$0x0], $0xffff;
	v37 =	vmul.f32 v24, v37  }
0x20f: {  	v59 =	vor.u32 $0x7A, v20;
	v11 =	vld.idx.msk [tilespmem:v63+s24+$0x0], $0xffff;
	v2 =	vadd.f32 v38, v0;
	v1 =	vmul.f32 v3, v1  }
0x210: {  	v4 =	vadd.f32 v37, v4;
	v37 =	vadd.f32 v40, v18;
	v40 =	vmul.f32 v52, v49;
	v52 =	vld [tilespmem:$0x1F6F0]  }
0x211: {  	v1 =	vadd.f32 v1, v2;
	v2 =	vmul.f32 v6, v45;
	v6 =	vld [tilespmem:$0x1F6E0]  }
0x212: {  	v33 =	vsub.f32 v33, v10;
	v10 =	vld.idx.msk [tilespmem:v61+s24+$0x0], $0xffff  }
0x213: {  	v58 =	vor.u32 $0x7B, v20;
	v31 =	vld.idx.msk [tilespmem:v61+s7+$0x0], $0xffff  }
0x214: {  	v9 =	vld.idx.msk [tilespmem:v59+s24+$0x0], $0xffff  }
0x215: {  	v18 =	vld [tilespmem:$0x1F700]  }
0x216: {  	v33 =	vmul.f32 $1.442695020e+00, v33;
	v57 =	vor.u32 $0x7C, v20;
	v52 =	vmul.f32 v52, v6;
	v6 =	vld [tilespmem:$0x1F710]  }
0x217: {  	v27 =	vld.idx.msk [tilespmem:v59+s7+$0x0], $0xffff  }
0x218: {  	(erf) = vpow2.f32 v33;
	v33 =	vld.idx.msk [tilespmem:v58+s24+$0x0], $0xffff  }
0x219: {  	v5 =	vld [tilespmem:$0x1F680];
	v35 =	vor.u32 $0x7D, v20  }
0x21a: {  	v28 =	vld.idx.msk [tilespmem:v58+s7+$0x0], $0xffff  }
0x21b: {  	v8 =	vld.idx.msk [tilespmem:v57+s7+$0x0], $0xffff;
	v1 =	vadd.f32 v2, v1;
	v2 =	vmul.f32 v6, v18  }
0x21c: {  	v37 =	vadd.f32 v40, v37;
	v40 =	vmul.f32 v60, v51;
	v60 =	vld [tilespmem:$0x1F730]  }
0x21d: {  	v1 =	vadd.f32 v2, v1;
	v2 =	vld [tilespmem:$0x1F720]  }
0x21e: {  	v50 =	vld.idx.msk [tilespmem:v35+s24+$0x0], $0xffff  }
0x21f: {  	v30 =	vor.u32 $0x7E, v20;
	v3 =	vld [tilespmem:$0x1F6B0]  }
0x220: {  	[tilespmem:$0x1FFE0] =	vst v7;
	v24 =	vor.u32 $0x7F, v20;
	v7 =	vld.idx.msk [tilespmem:v35+s7+$0x0], $0xffff  }
0x221: {  	v51 =	vld [tilespmem:$0x1F740]  }
0x222: {  	v2 =	vmul.f32 v60, v2;
	v60 =	vld [tilespmem:$0x1F750]  }
0x223: {  	v38 =	vld.idx.msk [tilespmem:v57+s24+$0x0], $0xffff;
	v0 =	vand.u32 $0x7E, v5  }
0x224: {  	v26 =	vor.u32 v20, v26;
	v43 =	vld.idx.msk [tilespmem:v30+s24+$0x0], $0xffff;
	v0 =	vor.u32 v3, v0  }
0x225: {  	v49 =	vld.idx.msk [tilespmem:v24+s24+$0x0], $0xffff;
	v0 =	vor.u32 $0x1, v0  }
0x226: {  	v37 =	vadd.f32 v40, v37;
	v40 =	vmul.f32 v62, v55;
	v62 =	vld [tilespmem:$0x1F770]  }
0x227: {  	v51 =	vmul.f32 v60, v51;
	v60 =	vld [tilespmem:$0x1F760]  }
0x228: {  	v45 =	vld.idx.msk [tilespmem:v30+s7+$0x0], $0xffff;
	v18 =	vpop (erf)  }
0x229: {  	v6 =	vld.idx.msk [tilespmem:v24+s7+$0x0], $0xffff;
	[tilespmem:v26+s10+$0x0] =	vst.idx.msk $0xffff, v18  }
0x22a: {  	v0 =	vld.idx.msk [tilespmem:v0+s8+$0x0], $0xffff  }
0x22b: {  	v4 =	vadd.f32 v52, v4  }
0x22c: {  	v1 =	vadd.f32 v2, v1;
	v2 =	vmul.f32 v62, v60;
	v60 =	vld [tilespmem:$0x1F780]  }
0x22d: {  	v4 =	vadd.f32 v51, v4;
	v62 =	vld [tilespmem:$0x1F790]  }
0x22e: {  	v39 =	vmul.f32 v39, v46;
	v46 =	vld [tilespmem:$0x1F7A0]  }
0x22f: {  	v0 =	vsub.f32 v4, v0;
	v4 =	vld [tilespmem:$0x1F7B0]  }
0x230: {  	v55 =	vmul.f32 v53, v54;
	v37 =	vadd.f32 v40, v37;
	_ =	sdelay $0x1  }
0x231: {  	v37 =	vadd.f32 v55, v37;
	v1 =	vadd.f32 v2, v1;
	v2 =	vmul.f32 v62, v60  }
0x232: {  	v34 =	vmul.f32 v34, v44  }
0x233: {  	v1 =	vadd.f32 v2, v1;
	v2 =	vmul.f32 v4, v46;
	v4 =	vadd.f32 v39, v37;
	_ =	sdelay $0x1  }
0x234: {  	v32 =	vmul.f32 v32, v42;
	v4 =	vadd.f32 v34, v4;
	_ =	sdelay $0x1  }
0x235: {  	v60 =	vadd.f32 v32, v4;
	v4 =	vmul.f32 v23, v25  }
0x236: {  	v39 =	vld [tilespmem:$0x1F810]  }
0x237: {  	v32 =	vmov v5;
	v62 =	vadd.f32 v4, v60;
	v4 =	vand.u32 $0x7D, v5;
	v5 =	vld [tilespmem:$0x1F800];
	_ =	sdelay $0x1  }
0x238: {  	v52 =	vld [tilespmem:$0x1F7D0]  }
0x239: {  	v51 =	vld [tilespmem:$0x1F7C0]  }
0x23a: {  	v46 =	vld [tilespmem:$0x1F820]  }
0x23b: {  	v23 =	vmul.f32 v39, v5;
	v5 =	vld [tilespmem:$0x1F830]  }
0x23c: {  	v54 =	vld [tilespmem:$0x1F7E0];
	v0 =	vmul.f32 $1.442695020e+00, v0  }
0x23d: {  	v55 =	vld [tilespmem:$0x1F7F0]  }
0x23e: {  	(erf) = vpow2.f32 v0  }
0x23f: {  	v1 =	vadd.f32 v2, v1;
	v2 =	vmul.f32 v52, v51;
	v51 =	vld [tilespmem:$0x1F840]  }
0x240: {  	v37 =	vmul.f32 v56, v47;
	v47 =	vmul.f32 v5, v46;
	v5 =	vld [tilespmem:$0x1F850];
	_ =	sdelay $0x1  }
0x241: {  	v53 =	vadd.f32 v2, v1;
	v1 =	vmul.f32 v55, v54  }
0x242: {  	v44 =	vmul.f32 v21, v48;
	v42 =	vor.u32 $0x1, v26;
	v4 =	vor.u32 v3, v4  }
0x243: {  	v54 =	vld [tilespmem:$0x1F860];
	v0 =	vadd.f32 v1, v53;
	v1 =	vadd.f32 v37, v62;
	v4 =	vor.u32 $0x2, v4  }
0x244: {  	v52 =	vmul.f32 v5, v51;
	v5 =	vld [tilespmem:$0x1F870]  }
0x245: {  	v48 =	vmul.f32 v17, v41;
	v1 =	vadd.f32 v44, v1;
	v0 =	vadd.f32 v23, v0  }
0x246: {  	v53 =	vmul.f32 v13, v36;
	v37 =	vpop (erf)  }
0x247: {  	[tilespmem:v42+s10+$0x0] =	vst.idx.msk $0xffff, v37;
	v1 =	vadd.f32 v48, v1;
	v0 =	vadd.f32 v47, v0  }
0x248: {  	v56 =	vmul.f32 v19, v22;
	v4 =	vld.idx.msk [tilespmem:v4+s8+$0x0], $0xffff  }
0x249: {  	v1 =	vadd.f32 v53, v1;
	v0 =	vadd.f32 v52, v0;
	v55 =	vmul.f32 v5, v54;
	_ =	sdelay $0x1  }
0x24a: {  	v60 =	vmul.f32 v16, v15;
	v1 =	vadd.f32 v56, v1;
	v0 =	vadd.f32 v55, v0;
	_ =	sdelay $0x1  }
0x24b: {  	v62 =	vmul.f32 v12, v14;
	v1 =	vadd.f32 v60, v1;
	v0 =	vsub.f32 v0, v4;
	_ =	sdelay $0x1  }
0x24c: {  	v11 =	vmul.f32 v29, v11;
	v1 =	vadd.f32 v62, v1;
	v0 =	vmul.f32 $1.442695020e+00, v0;
	_ =	sdelay $0x1  }
0x24d: {  	v12 =	vmul.f32 v31, v10;
	v1 =	vadd.f32 v11, v1;
	(erf) = vpow2.f32 v0;
	_ =	sdelay $0x1  }
0x24e: {  	v14 =	vmul.f32 v27, v9;
	v13 =	vadd.f32 v12, v1;
	_ =	sdelay $0x1  }
0x24f: {  	v40 =	vmovc v3;
	v15 =	vmul.f32 v28, v33;
	v16 =	vand.u32 $0x7C, v32;
	v0 =	vadd.f32 v14, v13  }
0x250: {  	v2 =	vor.u32 v40, v16;
	v4 =	vor.u32 $0x2, v26  }
0x251: {  	v17 =	vmul.f32 v8, v38;
	v2 =	vor.u32 $0x3, v2;
	v0 =	vadd.f32 v15, v0;
	_ =	sdelay $0x1  }
0x252: {  	v19 =	vmul.f32 v7, v50;
	v0 =	vadd.f32 v17, v0  }
0x253: {  	v23 =	vpop (erf)  }
0x254: {  	v22 =	vmul.f32 v45, v43;
	v0 =	vadd.f32 v19, v0;
	[tilespmem:v4+s10+$0x0] =	vst.idx.msk $0xffff, v23  }
0x255: {  	v2 =	vld.idx.msk [tilespmem:v2+s8+$0x0], $0xffff  }
0x256: {  	v25 =	vmul.f32 v6, v49;
	v0 =	vadd.f32 v22, v0;
	_ =	sdelay $0x1  }
0x257: {  	v0 =	vadd.f32 v25, v0;
	_ =	sdelay $0x1  }
0x258: {  	v0 =	vsub.f32 v0, v2;
	_ =	sdelay $0x1  }
0x259: {  	v0 =	vmul.f32 $1.442695020e+00, v0;
	_ =	sdelay $0x1  }
0x25a: {  	(erf) = vpow2.f32 v0;
	_ =	sdelay $0x4  }
0x25b: {  	v27 =	vor.u32 $0x3, v26;
	_ =	sdelay $0x3  }
0x25c: {  	v0 =	vpop (erf)  }
0x25d: {  	v28 =	vld [tilespmem:$0x1F880];
	[tilespmem:v27+s10+$0x0] =	vst.idx.msk $0xffff, v0  }
0x25e: {  	v1 =	vld.idx.msk [tilespmem:v20+s7+$0x0], $0xffff;
	_ =	sdelay $0x4  }
0x25f: {  	v1 =	vmul.f32 v1, v18;
	_ =	sdelay $0x1  }
0x260: {  	v29 =	vld [tilespmem:$0x1F890];
	[tilespmem:v20+s7+$0x0] =	vst.idx.msk $0xffff, v1  }
0x261: {  	v1 =	vld.idx.msk [tilespmem:v28+s7+$0x0], $0xffff;
	_ =	sdelay $0x4  }
0x262: {  	v1 =	vmul.f32 v1, v18;
	_ =	sdelay $0x1  }
0x263: {  	v31 =	vld [tilespmem:$0x1F8A0];
	[tilespmem:v28+s7+$0x0] =	vst.idx.msk $0xffff, v1  }
0x264: {  	v1 =	vld.idx.msk [tilespmem:v29+s7+$0x0], $0xffff;
	_ =	sdelay $0x4  }
0x265: {  	v1 =	vmul.f32 v1, v18;
	_ =	sdelay $0x1  }
0x266: {  	v32 =	vld [tilespmem:$0x1F8B0];
	[tilespmem:v29+s7+$0x0] =	vst.idx.msk $0xffff, v1  }
0x267: {  	v1 =	vld.idx.msk [tilespmem:v31+s7+$0x0], $0xffff;
	_ =	sdelay $0x4  }
0x268: {  	v1 =	vmul.f32 v1, v18;
	_ =	sdelay $0x1  }
0x269: {  	v33 =	vld [tilespmem:$0x1F8C0];
	[tilespmem:v31+s7+$0x0] =	vst.idx.msk $0xffff, v1  }
0x26a: {  	v1 =	vld.idx.msk [tilespmem:v32+s7+$0x0], $0xffff;
	_ =	sdelay $0x4  }
0x26b: {  	v1 =	vmul.f32 v1, v18;
	_ =	sdelay $0x1  }
0x26c: {  	v34 =	vld [tilespmem:$0x1F8D0];
	[tilespmem:v32+s7+$0x0] =	vst.idx.msk $0xffff, v1  }
0x26d: {  	v1 =	vld.idx.msk [tilespmem:v33+s7+$0x0], $0xffff;
	_ =	sdelay $0x4  }
0x26e: {  	v1 =	vmul.f32 v1, v18;
	_ =	sdelay $0x1  }
0x26f: {  	v36 =	vld [tilespmem:$0x1F8E0];
	[tilespmem:v33+s7+$0x0] =	vst.idx.msk $0xffff, v1  }
0x270: {  	v1 =	vld.idx.msk [tilespmem:v34+s7+$0x0], $0xffff;
	_ =	sdelay $0x4  }
0x271: {  	v1 =	vmul.f32 v1, v18;
	_ =	sdelay $0x1  }
0x272: {  	v38 =	vld [tilespmem:$0x1F8F0];
	[tilespmem:v34+s7+$0x0] =	vst.idx.msk $0xffff, v1  }
0x273: {  	v1 =	vld.idx.msk [tilespmem:v36+s7+$0x0], $0xffff;
	_ =	sdelay $0x4  }
0x274: {  	v1 =	vmul.f32 v1, v18;
	_ =	sdelay $0x1  }
0x275: {  	v39 =	vld [tilespmem:$0x1F900];
	[tilespmem:v36+s7+$0x0] =	vst.idx.msk $0xffff, v1  }
0x276: {  	v1 =	vld.idx.msk [tilespmem:v38+s7+$0x0], $0xffff;
	_ =	sdelay $0x4  }
0x277: {  	v1 =	vmul.f32 v1, v18;
	_ =	sdelay $0x1  }
0x278: {  	v40 =	vld [tilespmem:$0x1F910];
	[tilespmem:v38+s7+$0x0] =	vst.idx.msk $0xffff, v1  }
0x279: {  	v1 =	vld.idx.msk [tilespmem:v39+s7+$0x0], $0xffff;
	_ =	sdelay $0x4  }
0x27a: {  	v1 =	vmul.f32 v1, v18;
	_ =	sdelay $0x1  }
0x27b: {  	v41 =	vld [tilespmem:$0x1F920];
	[tilespmem:v39+s7+$0x0] =	vst.idx.msk $0xffff, v1  }
0x27c: {  	v1 =	vld.idx.msk [tilespmem:v40+s7+$0x0], $0xffff;
	_ =	sdelay $0x4  }
0x27d: {  	v1 =	vmul.f32 v1, v18;
	_ =	sdelay $0x1  }
0x27e: {  	v42 =	vld [tilespmem:$0x1F930];
	[tilespmem:v40+s7+$0x0] =	vst.idx.msk $0xffff, v1  }
0x27f: {  	v1 =	vld.idx.msk [tilespmem:v41+s7+$0x0], $0xffff;
	_ =	sdelay $0x4  }
0x280: {  	v1 =	vmul.f32 v1, v18;
	_ =	sdelay $0x1  }
0x281: {  	v43 =	vld [tilespmem:$0x1F940];
	[tilespmem:v41+s7+$0x0] =	vst.idx.msk $0xffff, v1  }
0x282: {  	v1 =	vld.idx.msk [tilespmem:v42+s7+$0x0], $0xffff;
	_ =	sdelay $0x4  }
0x283: {  	v1 =	vmul.f32 v1, v18;
	_ =	sdelay $0x1  }
0x284: {  	v44 =	vld [tilespmem:$0x1F950];
	[tilespmem:v42+s7+$0x0] =	vst.idx.msk $0xffff, v1  }
0x285: {  	v1 =	vld.idx.msk [tilespmem:v43+s7+$0x0], $0xffff;
	_ =	sdelay $0x4  }
0x286: {  	v1 =	vmul.f32 v1, v18;
	_ =	sdelay $0x1  }
0x287: {  	v45 =	vld [tilespmem:$0x1F960];
	[tilespmem:v43+s7+$0x0] =	vst.idx.msk $0xffff, v1  }
0x288: {  	v1 =	vld.idx.msk [tilespmem:v44+s7+$0x0], $0xffff;
	_ =	sdelay $0x4  }
0x289: {  	v1 =	vmul.f32 v1, v18;
	_ =	sdelay $0x1  }
0x28a: {  	v46 =	vld [tilespmem:$0x1F970];
	[tilespmem:v44+s7+$0x0] =	vst.idx.msk $0xffff, v1  }
0x28b: {  	v1 =	vld.idx.msk [tilespmem:v45+s7+$0x0], $0xffff;
	_ =	sdelay $0x4  }
0x28c: {  	v1 =	vmul.f32 v1, v18;
	_ =	sdelay $0x1  }
0x28d: {  	v47 =	vld [tilespmem:$0x1F980];
	[tilespmem:v45+s7+$0x0] =	vst.idx.msk $0xffff, v1  }
0x28e: {  	v1 =	vld.idx.msk [tilespmem:v46+s7+$0x0], $0xffff;
	_ =	sdelay $0x4  }
0x28f: {  	v1 =	vmul.f32 v1, v18;
	_ =	sdelay $0x1  }
0x290: {  	v48 =	vld [tilespmem:$0x1F990];
	[tilespmem:v46+s7+$0x0] =	vst.idx.msk $0xffff, v1  }
0x291: {  	v1 =	vld.idx.msk [tilespmem:v47+s7+$0x0], $0xffff;
	_ =	sdelay $0x4  }
0x292: {  	v1 =	vmul.f32 v1, v18;
	_ =	sdelay $0x1  }
0x293: {  	v49 =	vld [tilespmem:$0x1F9A0];
	[tilespmem:v47+s7+$0x0] =	vst.idx.msk $0xffff, v1  }
0x294: {  	v1 =	vld.idx.msk [tilespmem:v48+s7+$0x0], $0xffff;
	_ =	sdelay $0x4  }
0x295: {  	v1 =	vmul.f32 v1, v18;
	_ =	sdelay $0x1  }
0x296: {  	v50 =	vld [tilespmem:$0x1F9B0];
	[tilespmem:v48+s7+$0x0] =	vst.idx.msk $0xffff, v1  }
0x297: {  	v1 =	vld.idx.msk [tilespmem:v49+s7+$0x0], $0xffff;
	_ =	sdelay $0x4  }
0x298: {  	v1 =	vmul.f32 v1, v18;
	_ =	sdelay $0x1  }
0x299: {  	v51 =	vld [tilespmem:$0x1F9C0];
	[tilespmem:v49+s7+$0x0] =	vst.idx.msk $0xffff, v1  }
0x29a: {  	v1 =	vld.idx.msk [tilespmem:v50+s7+$0x0], $0xffff;
	_ =	sdelay $0x4  }
0x29b: {  	v1 =	vmul.f32 v1, v18;
	_ =	sdelay $0x1  }
0x29c: {  	v52 =	vld [tilespmem:$0x1F9D0];
	[tilespmem:v50+s7+$0x0] =	vst.idx.msk $0xffff, v1  }
0x29d: {  	v1 =	vld.idx.msk [tilespmem:v51+s7+$0x0], $0xffff;
	_ =	sdelay $0x4  }
0x29e: {  	v1 =	vmul.f32 v1, v18;
	_ =	sdelay $0x1  }
0x29f: {  	v53 =	vld [tilespmem:$0x1F9E0];
	[tilespmem:v51+s7+$0x0] =	vst.idx.msk $0xffff, v1  }
0x2a0: {  	v1 =	vld.idx.msk [tilespmem:v52+s7+$0x0], $0xffff;
	_ =	sdelay $0x4  }
0x2a1: {  	v1 =	vmul.f32 v1, v18;
	_ =	sdelay $0x1  }
0x2a2: {  	v54 =	vld [tilespmem:$0x1F9F0];
	[tilespmem:v52+s7+$0x0] =	vst.idx.msk $0xffff, v1  }
0x2a3: {  	v1 =	vld.idx.msk [tilespmem:v53+s7+$0x0], $0xffff;
	_ =	sdelay $0x4  }
0x2a4: {  	v1 =	vmul.f32 v1, v18;
	_ =	sdelay $0x1  }
0x2a5: {  	v55 =	vld [tilespmem:$0x1FA00];
	[tilespmem:v53+s7+$0x0] =	vst.idx.msk $0xffff, v1  }
0x2a6: {  	v1 =	vld.idx.msk [tilespmem:v54+s7+$0x0], $0xffff;
	_ =	sdelay $0x4  }
0x2a7: {  	v1 =	vmul.f32 v1, v18;
	_ =	sdelay $0x1  }
0x2a8: {  	v56 =	vld [tilespmem:$0x1FA10];
	[tilespmem:v54+s7+$0x0] =	vst.idx.msk $0xffff, v1  }
0x2a9: {  	v1 =	vld.idx.msk [tilespmem:v55+s7+$0x0], $0xffff;
	_ =	sdelay $0x4  }
0x2aa: {  	v1 =	vmul.f32 v1, v18;
	_ =	sdelay $0x1  }
0x2ab: {  	v60 =	vld [tilespmem:$0x1FA20];
	[tilespmem:v55+s7+$0x0] =	vst.idx.msk $0xffff, v1  }
0x2ac: {  	v1 =	vld.idx.msk [tilespmem:v56+s7+$0x0], $0xffff;
	_ =	sdelay $0x4  }
0x2ad: {  	v1 =	vmul.f32 v1, v18;
	_ =	sdelay $0x1  }
0x2ae: {  	v62 =	vld [tilespmem:$0x1FA30];
	[tilespmem:v56+s7+$0x0] =	vst.idx.msk $0xffff, v1  }
0x2af: {  	v1 =	vld.idx.msk [tilespmem:v60+s7+$0x0], $0xffff;
	_ =	sdelay $0x4  }
0x2b0: {  	v1 =	vmul.f32 v1, v18;
	_ =	sdelay $0x1  }
0x2b1: {  	v9 =	vld [tilespmem:$0x1FA40];
	[tilespmem:v60+s7+$0x0] =	vst.idx.msk $0xffff, v1  }
0x2b2: {  	v1 =	vld.idx.msk [tilespmem:v62+s7+$0x0], $0xffff;
	_ =	sdelay $0x4  }
0x2b3: {  	v1 =	vmul.f32 v1, v18;
	_ =	sdelay $0x1  }
0x2b4: {  	v10 =	vld [tilespmem:$0x1FA50];
	[tilespmem:v62+s7+$0x0] =	vst.idx.msk $0xffff, v1  }
0x2b5: {  	v1 =	vld.idx.msk [tilespmem:v9+s7+$0x0], $0xffff;
	_ =	sdelay $0x4  }
0x2b6: {  	v1 =	vmul.f32 v1, v18;
	_ =	sdelay $0x1  }
0x2b7: {  	v11 =	vld [tilespmem:$0x1FA60];
	[tilespmem:v9+s7+$0x0] =	vst.idx.msk $0xffff, v1  }
0x2b8: {  	v1 =	vld.idx.msk [tilespmem:v10+s7+$0x0], $0xffff;
	_ =	sdelay $0x4  }
0x2b9: {  	v1 =	vmul.f32 v1, v18;
	_ =	sdelay $0x1  }
0x2ba: {  	v12 =	vld [tilespmem:$0x1FA70];
	[tilespmem:v10+s7+$0x0] =	vst.idx.msk $0xffff, v1  }
0x2bb: {  	v1 =	vld.idx.msk [tilespmem:v11+s7+$0x0], $0xffff;
	_ =	sdelay $0x4  }
0x2bc: {  	v1 =	vmul.f32 v1, v18;
	_ =	sdelay $0x1  }
0x2bd: {  	v13 =	vld [tilespmem:$0x1FA80];
	[tilespmem:v11+s7+$0x0] =	vst.idx.msk $0xffff, v1  }
0x2be: {  	v1 =	vld.idx.msk [tilespmem:v12+s7+$0x0], $0xffff;
	_ =	sdelay $0x4  }
0x2bf: {  	v1 =	vmul.f32 v1, v37;
	_ =	sdelay $0x1  }
0x2c0: {  	v14 =	vld [tilespmem:$0x1FA90];
	[tilespmem:v12+s7+$0x0] =	vst.idx.msk $0xffff, v1  }
0x2c1: {  	v1 =	vld.idx.msk [tilespmem:v13+s7+$0x0], $0xffff;
	_ =	sdelay $0x4  }
0x2c2: {  	v1 =	vmul.f32 v1, v37;
	_ =	sdelay $0x1  }
0x2c3: {  	v15 =	vld [tilespmem:$0x1FAA0];
	[tilespmem:v13+s7+$0x0] =	vst.idx.msk $0xffff, v1  }
0x2c4: {  	v1 =	vld.idx.msk [tilespmem:v14+s7+$0x0], $0xffff;
	_ =	sdelay $0x4  }
0x2c5: {  	v1 =	vmul.f32 v1, v37;
	_ =	sdelay $0x1  }
0x2c6: {  	v16 =	vld [tilespmem:$0x1FAB0];
	[tilespmem:v14+s7+$0x0] =	vst.idx.msk $0xffff, v1  }
0x2c7: {  	v1 =	vld.idx.msk [tilespmem:v15+s7+$0x0], $0xffff;
	_ =	sdelay $0x4  }
0x2c8: {  	v1 =	vmul.f32 v1, v37;
	_ =	sdelay $0x1  }
0x2c9: {  	v17 =	vld [tilespmem:$0x1FAC0];
	[tilespmem:v15+s7+$0x0] =	vst.idx.msk $0xffff, v1  }
0x2ca: {  	v1 =	vld.idx.msk [tilespmem:v16+s7+$0x0], $0xffff;
	_ =	sdelay $0x4  }
0x2cb: {  	v1 =	vmul.f32 v1, v37;
	_ =	sdelay $0x1  }
0x2cc: {  	v18 =	vld [tilespmem:$0x1FAD0];
	[tilespmem:v16+s7+$0x0] =	vst.idx.msk $0xffff, v1  }
0x2cd: {  	v1 =	vld.idx.msk [tilespmem:v17+s7+$0x0], $0xffff;
	_ =	sdelay $0x4  }
0x2ce: {  	v1 =	vmul.f32 v1, v37;
	_ =	sdelay $0x1  }
0x2cf: {  	v19 =	vld [tilespmem:$0x1FAE0];
	[tilespmem:v17+s7+$0x0] =	vst.idx.msk $0xffff, v1  }
0x2d0: {  	v1 =	vld.idx.msk [tilespmem:v18+s7+$0x0], $0xffff;
	_ =	sdelay $0x4  }
0x2d1: {  	v1 =	vmul.f32 v1, v37;
	_ =	sdelay $0x1  }
0x2d2: {  	v20 =	vld [tilespmem:$0x1FAF0];
	[tilespmem:v18+s7+$0x0] =	vst.idx.msk $0xffff, v1  }
0x2d3: {  	v1 =	vld.idx.msk [tilespmem:v19+s7+$0x0], $0xffff;
	_ =	sdelay $0x4  }
0x2d4: {  	v1 =	vmul.f32 v1, v37;
	_ =	sdelay $0x1  }
0x2d5: {  	v21 =	vld [tilespmem:$0x1FB00];
	[tilespmem:v19+s7+$0x0] =	vst.idx.msk $0xffff, v1  }
0x2d6: {  	v1 =	vld.idx.msk [tilespmem:v20+s7+$0x0], $0xffff;
	_ =	sdelay $0x4  }
0x2d7: {  	v1 =	vmul.f32 v1, v37;
	_ =	sdelay $0x1  }
0x2d8: {  	v22 =	vld [tilespmem:$0x1FB10];
	[tilespmem:v20+s7+$0x0] =	vst.idx.msk $0xffff, v1  }
0x2d9: {  	v1 =	vld.idx.msk [tilespmem:v21+s7+$0x0], $0xffff;
	_ =	sdelay $0x4  }
0x2da: {  	v1 =	vmul.f32 v1, v37;
	_ =	sdelay $0x1  }
0x2db: {  	v25 =	vld [tilespmem:$0x1FB20];
	[tilespmem:v21+s7+$0x0] =	vst.idx.msk $0xffff, v1  }
0x2dc: {  	v1 =	vld.idx.msk [tilespmem:v22+s7+$0x0], $0xffff;
	_ =	sdelay $0x4  }
0x2dd: {  	v1 =	vmul.f32 v1, v37;
	_ =	sdelay $0x1  }
0x2de: {  	v26 =	vld [tilespmem:$0x1FB30];
	[tilespmem:v22+s7+$0x0] =	vst.idx.msk $0xffff, v1  }
0x2df: {  	v1 =	vld.idx.msk [tilespmem:v25+s7+$0x0], $0xffff;
	_ =	sdelay $0x4  }
0x2e0: {  	v1 =	vmul.f32 v1, v37;
	_ =	sdelay $0x1  }
0x2e1: {  	v27 =	vld [tilespmem:$0x1FB40];
	[tilespmem:v25+s7+$0x0] =	vst.idx.msk $0xffff, v1  }
0x2e2: {  	v1 =	vld.idx.msk [tilespmem:v26+s7+$0x0], $0xffff;
	_ =	sdelay $0x4  }
0x2e3: {  	v1 =	vmul.f32 v1, v37;
	_ =	sdelay $0x1  }
0x2e4: {  	v28 =	vld [tilespmem:$0x1FB50];
	[tilespmem:v26+s7+$0x0] =	vst.idx.msk $0xffff, v1  }
0x2e5: {  	v1 =	vld.idx.msk [tilespmem:v27+s7+$0x0], $0xffff;
	_ =	sdelay $0x4  }
0x2e6: {  	v1 =	vmul.f32 v1, v37;
	_ =	sdelay $0x1  }
0x2e7: {  	v29 =	vld [tilespmem:$0x1FB60];
	[tilespmem:v27+s7+$0x0] =	vst.idx.msk $0xffff, v1  }
0x2e8: {  	v1 =	vld.idx.msk [tilespmem:v28+s7+$0x0], $0xffff;
	_ =	sdelay $0x4  }
0x2e9: {  	v1 =	vmul.f32 v1, v37;
	_ =	sdelay $0x1  }
0x2ea: {  	v31 =	vld [tilespmem:$0x1FB70];
	[tilespmem:v28+s7+$0x0] =	vst.idx.msk $0xffff, v1  }
0x2eb: {  	v1 =	vld.idx.msk [tilespmem:v29+s7+$0x0], $0xffff;
	_ =	sdelay $0x4  }
0x2ec: {  	v1 =	vmul.f32 v1, v37;
	_ =	sdelay $0x1  }
0x2ed: {  	v32 =	vld [tilespmem:$0x1FB80];
	[tilespmem:v29+s7+$0x0] =	vst.idx.msk $0xffff, v1  }
0x2ee: {  	v1 =	vld.idx.msk [tilespmem:v31+s7+$0x0], $0xffff;
	_ =	sdelay $0x4  }
0x2ef: {  	v1 =	vmul.f32 v1, v37;
	_ =	sdelay $0x1  }
0x2f0: {  	v33 =	vld [tilespmem:$0x1FB90];
	[tilespmem:v31+s7+$0x0] =	vst.idx.msk $0xffff, v1  }
0x2f1: {  	v1 =	vld.idx.msk [tilespmem:v32+s7+$0x0], $0xffff;
	_ =	sdelay $0x4  }
0x2f2: {  	v1 =	vmul.f32 v1, v37;
	_ =	sdelay $0x1  }
0x2f3: {  	v34 =	vld [tilespmem:$0x1FBA0];
	[tilespmem:v32+s7+$0x0] =	vst.idx.msk $0xffff, v1  }
0x2f4: {  	v1 =	vld.idx.msk [tilespmem:v33+s7+$0x0], $0xffff;
	_ =	sdelay $0x4  }
0x2f5: {  	v1 =	vmul.f32 v1, v37;
	_ =	sdelay $0x1  }
0x2f6: {  	v36 =	vld [tilespmem:$0x1FBB0];
	[tilespmem:v33+s7+$0x0] =	vst.idx.msk $0xffff, v1  }
0x2f7: {  	v1 =	vld.idx.msk [tilespmem:v34+s7+$0x0], $0xffff;
	_ =	sdelay $0x4  }
0x2f8: {  	v1 =	vmul.f32 v1, v37;
	_ =	sdelay $0x1  }
0x2f9: {  	v38 =	vld [tilespmem:$0x1FBC0];
	[tilespmem:v34+s7+$0x0] =	vst.idx.msk $0xffff, v1  }
0x2fa: {  	v1 =	vld.idx.msk [tilespmem:v36+s7+$0x0], $0xffff;
	_ =	sdelay $0x4  }
0x2fb: {  	v1 =	vmul.f32 v1, v37;
	_ =	sdelay $0x1  }
0x2fc: {  	v39 =	vld [tilespmem:$0x1FBD0];
	[tilespmem:v36+s7+$0x0] =	vst.idx.msk $0xffff, v1  }
0x2fd: {  	v1 =	vld.idx.msk [tilespmem:v38+s7+$0x0], $0xffff;
	_ =	sdelay $0x4  }
0x2fe: {  	v1 =	vmul.f32 v1, v37;
	_ =	sdelay $0x1  }
0x2ff: {  	v40 =	vld [tilespmem:$0x1FBE0];
	[tilespmem:v38+s7+$0x0] =	vst.idx.msk $0xffff, v1  }
0x300: {  	v1 =	vld.idx.msk [tilespmem:v39+s7+$0x0], $0xffff;
	_ =	sdelay $0x4  }
0x301: {  	v1 =	vmul.f32 v1, v37;
	_ =	sdelay $0x1  }
0x302: {  	v41 =	vld [tilespmem:$0x1FBF0];
	[tilespmem:v39+s7+$0x0] =	vst.idx.msk $0xffff, v1  }
0x303: {  	v1 =	vld.idx.msk [tilespmem:v40+s7+$0x0], $0xffff;
	_ =	sdelay $0x4  }
0x304: {  	v1 =	vmul.f32 v1, v37;
	_ =	sdelay $0x1  }
0x305: {  	v42 =	vld [tilespmem:$0x1FC00];
	[tilespmem:v40+s7+$0x0] =	vst.idx.msk $0xffff, v1  }
0x306: {  	v1 =	vld.idx.msk [tilespmem:v41+s7+$0x0], $0xffff;
	_ =	sdelay $0x4  }
0x307: {  	v1 =	vmul.f32 v1, v37;
	_ =	sdelay $0x1  }
0x308: {  	v43 =	vld [tilespmem:$0x1FC10];
	[tilespmem:v41+s7+$0x0] =	vst.idx.msk $0xffff, v1  }
0x309: {  	v1 =	vld.idx.msk [tilespmem:v42+s7+$0x0], $0xffff;
	_ =	sdelay $0x4  }
0x30a: {  	v1 =	vmul.f32 v1, v37;
	_ =	sdelay $0x1  }
0x30b: {  	v44 =	vld [tilespmem:$0x1FC20];
	[tilespmem:v42+s7+$0x0] =	vst.idx.msk $0xffff, v1  }
0x30c: {  	v1 =	vld.idx.msk [tilespmem:v43+s7+$0x0], $0xffff;
	_ =	sdelay $0x4  }
0x30d: {  	v1 =	vmul.f32 v1, v37;
	_ =	sdelay $0x1  }
0x30e: {  	v45 =	vld [tilespmem:$0x1FC30];
	[tilespmem:v43+s7+$0x0] =	vst.idx.msk $0xffff, v1  }
0x30f: {  	v1 =	vld.idx.msk [tilespmem:v44+s7+$0x0], $0xffff;
	_ =	sdelay $0x4  }
0x310: {  	v1 =	vmul.f32 v1, v37;
	_ =	sdelay $0x1  }
0x311: {  	v46 =	vld [tilespmem:$0x1FC40];
	[tilespmem:v44+s7+$0x0] =	vst.idx.msk $0xffff, v1  }
0x312: {  	v1 =	vld.idx.msk [tilespmem:v45+s7+$0x0], $0xffff;
	_ =	sdelay $0x4  }
0x313: {  	v1 =	vmul.f32 v1, v37;
	_ =	sdelay $0x1  }
0x314: {  	v47 =	vld [tilespmem:$0x1FC50];
	[tilespmem:v45+s7+$0x0] =	vst.idx.msk $0xffff, v1  }
0x315: {  	v1 =	vld.idx.msk [tilespmem:v46+s7+$0x0], $0xffff;
	_ =	sdelay $0x4  }
0x316: {  	v1 =	vmul.f32 v1, v37;
	_ =	sdelay $0x1  }
0x317: {  	v48 =	vld [tilespmem:$0x1FC60];
	[tilespmem:v46+s7+$0x0] =	vst.idx.msk $0xffff, v1  }
0x318: {  	v1 =	vld.idx.msk [tilespmem:v47+s7+$0x0], $0xffff;
	_ =	sdelay $0x4  }
0x319: {  	v1 =	vmul.f32 v1, v37;
	_ =	sdelay $0x1  }
0x31a: {  	v49 =	vld [tilespmem:$0x1FC70];
	[tilespmem:v47+s7+$0x0] =	vst.idx.msk $0xffff, v1  }
0x31b: {  	v1 =	vld.idx.msk [tilespmem:v48+s7+$0x0], $0xffff;
	_ =	sdelay $0x4  }
0x31c: {  	v1 =	vmul.f32 v1, v37;
	_ =	sdelay $0x1  }
0x31d: {  	v50 =	vld [tilespmem:$0x1FC80];
	[tilespmem:v48+s7+$0x0] =	vst.idx.msk $0xffff, v1  }
0x31e: {  	v1 =	vld.idx.msk [tilespmem:v49+s7+$0x0], $0xffff;
	_ =	sdelay $0x4  }
0x31f: {  	v1 =	vmul.f32 v1, v23;
	_ =	sdelay $0x1  }
0x320: {  	v51 =	vld [tilespmem:$0x1FC90];
	[tilespmem:v49+s7+$0x0] =	vst.idx.msk $0xffff, v1  }
0x321: {  	v1 =	vld.idx.msk [tilespmem:v50+s7+$0x0], $0xffff;
	_ =	sdelay $0x4  }
0x322: {  	v1 =	vmul.f32 v1, v23;
	_ =	sdelay $0x1  }
0x323: {  	v52 =	vld [tilespmem:$0x1FCA0];
	[tilespmem:v50+s7+$0x0] =	vst.idx.msk $0xffff, v1  }
0x324: {  	v1 =	vld.idx.msk [tilespmem:v51+s7+$0x0], $0xffff;
	_ =	sdelay $0x4  }
0x325: {  	v1 =	vmul.f32 v1, v23;
	_ =	sdelay $0x1  }
0x326: {  	v53 =	vld [tilespmem:$0x1FCB0];
	[tilespmem:v51+s7+$0x0] =	vst.idx.msk $0xffff, v1  }
0x327: {  	v1 =	vld.idx.msk [tilespmem:v52+s7+$0x0], $0xffff;
	_ =	sdelay $0x4  }
0x328: {  	v1 =	vmul.f32 v1, v23;
	_ =	sdelay $0x1  }
0x329: {  	v54 =	vld [tilespmem:$0x1FCC0];
	[tilespmem:v52+s7+$0x0] =	vst.idx.msk $0xffff, v1  }
0x32a: {  	v1 =	vld.idx.msk [tilespmem:v53+s7+$0x0], $0xffff;
	_ =	sdelay $0x4  }
0x32b: {  	v1 =	vmul.f32 v1, v23;
	_ =	sdelay $0x1  }
0x32c: {  	v55 =	vld [tilespmem:$0x1FCD0];
	[tilespmem:v53+s7+$0x0] =	vst.idx.msk $0xffff, v1  }
0x32d: {  	v1 =	vld.idx.msk [tilespmem:v54+s7+$0x0], $0xffff;
	_ =	sdelay $0x4  }
0x32e: {  	v1 =	vmul.f32 v1, v23;
	_ =	sdelay $0x1  }
0x32f: {  	v56 =	vld [tilespmem:$0x1FCE0];
	[tilespmem:v54+s7+$0x0] =	vst.idx.msk $0xffff, v1  }
0x330: {  	v1 =	vld.idx.msk [tilespmem:v55+s7+$0x0], $0xffff;
	_ =	sdelay $0x4  }
0x331: {  	v1 =	vmul.f32 v1, v23;
	_ =	sdelay $0x1  }
0x332: {  	v60 =	vld [tilespmem:$0x1FCF0];
	[tilespmem:v55+s7+$0x0] =	vst.idx.msk $0xffff, v1  }
0x333: {  	v1 =	vld.idx.msk [tilespmem:v56+s7+$0x0], $0xffff;
	_ =	sdelay $0x4  }
0x334: {  	v1 =	vmul.f32 v1, v23;
	_ =	sdelay $0x1  }
0x335: {  	v62 =	vld [tilespmem:$0x1FD00];
	[tilespmem:v56+s7+$0x0] =	vst.idx.msk $0xffff, v1  }
0x336: {  	v1 =	vld.idx.msk [tilespmem:v60+s7+$0x0], $0xffff;
	_ =	sdelay $0x4  }
0x337: {  	v1 =	vmul.f32 v1, v23;
	_ =	sdelay $0x1  }
0x338: {  	v9 =	vld [tilespmem:$0x1FD10];
	[tilespmem:v60+s7+$0x0] =	vst.idx.msk $0xffff, v1  }
0x339: {  	v1 =	vld.idx.msk [tilespmem:v62+s7+$0x0], $0xffff;
	_ =	sdelay $0x4  }
0x33a: {  	v1 =	vmul.f32 v1, v23;
	_ =	sdelay $0x1  }
0x33b: {  	v10 =	vld [tilespmem:$0x1FD20];
	[tilespmem:v62+s7+$0x0] =	vst.idx.msk $0xffff, v1  }
0x33c: {  	v1 =	vld.idx.msk [tilespmem:v9+s7+$0x0], $0xffff;
	_ =	sdelay $0x4  }
0x33d: {  	v1 =	vmul.f32 v1, v23;
	_ =	sdelay $0x1  }
0x33e: {  	v11 =	vld [tilespmem:$0x1FD30];
	[tilespmem:v9+s7+$0x0] =	vst.idx.msk $0xffff, v1  }
0x33f: {  	v1 =	vld.idx.msk [tilespmem:v10+s7+$0x0], $0xffff;
	_ =	sdelay $0x4  }
0x340: {  	v1 =	vmul.f32 v1, v23;
	_ =	sdelay $0x1  }
0x341: {  	v12 =	vld [tilespmem:$0x1FD40];
	[tilespmem:v10+s7+$0x0] =	vst.idx.msk $0xffff, v1  }
0x342: {  	v1 =	vld.idx.msk [tilespmem:v11+s7+$0x0], $0xffff;
	_ =	sdelay $0x4  }
0x343: {  	v1 =	vmul.f32 v1, v23;
	_ =	sdelay $0x1  }
0x344: {  	v13 =	vld [tilespmem:$0x1FD50];
	[tilespmem:v11+s7+$0x0] =	vst.idx.msk $0xffff, v1  }
0x345: {  	v1 =	vld.idx.msk [tilespmem:v12+s7+$0x0], $0xffff;
	_ =	sdelay $0x4  }
0x346: {  	v1 =	vmul.f32 v1, v23;
	_ =	sdelay $0x1  }
0x347: {  	v14 =	vld [tilespmem:$0x1FD60];
	[tilespmem:v12+s7+$0x0] =	vst.idx.msk $0xffff, v1  }
0x348: {  	v1 =	vld.idx.msk [tilespmem:v13+s7+$0x0], $0xffff;
	_ =	sdelay $0x4  }
0x349: {  	v1 =	vmul.f32 v1, v23;
	_ =	sdelay $0x1  }
0x34a: {  	v15 =	vld [tilespmem:$0x1FD70];
	[tilespmem:v13+s7+$0x0] =	vst.idx.msk $0xffff, v1  }
0x34b: {  	v1 =	vld.idx.msk [tilespmem:v14+s7+$0x0], $0xffff;
	_ =	sdelay $0x4  }
0x34c: {  	v1 =	vmul.f32 v1, v23;
	_ =	sdelay $0x1  }
0x34d: {  	v16 =	vld [tilespmem:$0x1FD80];
	[tilespmem:v14+s7+$0x0] =	vst.idx.msk $0xffff, v1  }
0x34e: {  	v1 =	vld.idx.msk [tilespmem:v15+s7+$0x0], $0xffff;
	_ =	sdelay $0x4  }
0x34f: {  	v1 =	vmul.f32 v1, v23;
	_ =	sdelay $0x1  }
0x350: {  	v17 =	vld [tilespmem:$0x1FD90];
	[tilespmem:v15+s7+$0x0] =	vst.idx.msk $0xffff, v1  }
0x351: {  	v1 =	vld.idx.msk [tilespmem:v16+s7+$0x0], $0xffff;
	_ =	sdelay $0x4  }
0x352: {  	v1 =	vmul.f32 v1, v23;
	_ =	sdelay $0x1  }
0x353: {  	v18 =	vld [tilespmem:$0x1FDA0];
	[tilespmem:v16+s7+$0x0] =	vst.idx.msk $0xffff, v1  }
0x354: {  	v1 =	vld.idx.msk [tilespmem:v17+s7+$0x0], $0xffff;
	_ =	sdelay $0x4  }
0x355: {  	v1 =	vmul.f32 v1, v23;
	_ =	sdelay $0x1  }
0x356: {  	v19 =	vld [tilespmem:$0x1FDB0];
	[tilespmem:v17+s7+$0x0] =	vst.idx.msk $0xffff, v1  }
0x357: {  	v1 =	vld.idx.msk [tilespmem:v18+s7+$0x0], $0xffff;
	_ =	sdelay $0x4  }
0x358: {  	v1 =	vmul.f32 v1, v23;
	_ =	sdelay $0x1  }
0x359: {  	v20 =	vld [tilespmem:$0x1FDC0];
	[tilespmem:v18+s7+$0x0] =	vst.idx.msk $0xffff, v1  }
0x35a: {  	v1 =	vld.idx.msk [tilespmem:v19+s7+$0x0], $0xffff;
	_ =	sdelay $0x4  }
0x35b: {  	v1 =	vmul.f32 v1, v23;
	_ =	sdelay $0x1  }
0x35c: {  	v21 =	vld [tilespmem:$0x1FDD0];
	[tilespmem:v19+s7+$0x0] =	vst.idx.msk $0xffff, v1  }
0x35d: {  	v1 =	vld.idx.msk [tilespmem:v20+s7+$0x0], $0xffff;
	_ =	sdelay $0x4  }
0x35e: {  	v1 =	vmul.f32 v1, v23;
	_ =	sdelay $0x1  }
0x35f: {  	v22 =	vld [tilespmem:$0x1FDE0];
	[tilespmem:v20+s7+$0x0] =	vst.idx.msk $0xffff, v1  }
0x360: {  	v1 =	vld.idx.msk [tilespmem:v21+s7+$0x0], $0xffff;
	_ =	sdelay $0x4  }
0x361: {  	v1 =	vmul.f32 v1, v23;
	_ =	sdelay $0x1  }
0x362: {  	v25 =	vld [tilespmem:$0x1FDF0];
	[tilespmem:v21+s7+$0x0] =	vst.idx.msk $0xffff, v1  }
0x363: {  	v1 =	vld.idx.msk [tilespmem:v22+s7+$0x0], $0xffff;
	_ =	sdelay $0x4  }
0x364: {  	v1 =	vmul.f32 v1, v23;
	_ =	sdelay $0x1  }
0x365: {  	v26 =	vld [tilespmem:$0x1FE00];
	[tilespmem:v22+s7+$0x0] =	vst.idx.msk $0xffff, v1  }
0x366: {  	v1 =	vld.idx.msk [tilespmem:v25+s7+$0x0], $0xffff;
	_ =	sdelay $0x4  }
0x367: {  	v1 =	vmul.f32 v1, v23;
	_ =	sdelay $0x1  }
0x368: {  	v27 =	vld [tilespmem:$0x1FE10];
	[tilespmem:v25+s7+$0x0] =	vst.idx.msk $0xffff, v1  }
0x369: {  	v1 =	vld.idx.msk [tilespmem:v26+s7+$0x0], $0xffff;
	_ =	sdelay $0x4  }
0x36a: {  	v1 =	vmul.f32 v1, v23;
	_ =	sdelay $0x1  }
0x36b: {  	v28 =	vld [tilespmem:$0x1FE20];
	[tilespmem:v26+s7+$0x0] =	vst.idx.msk $0xffff, v1  }
0x36c: {  	v1 =	vld.idx.msk [tilespmem:v27+s7+$0x0], $0xffff;
	_ =	sdelay $0x4  }
0x36d: {  	v1 =	vmul.f32 v1, v23;
	_ =	sdelay $0x1  }
0x36e: {  	v29 =	vld [tilespmem:$0x1FE30];
	[tilespmem:v27+s7+$0x0] =	vst.idx.msk $0xffff, v1  }
0x36f: {  	v1 =	vld.idx.msk [tilespmem:v28+s7+$0x0], $0xffff;
	_ =	sdelay $0x4  }
0x370: {  	v1 =	vmul.f32 v1, v23;
	_ =	sdelay $0x1  }
0x371: {  	v31 =	vld [tilespmem:$0x1FE40];
	[tilespmem:v28+s7+$0x0] =	vst.idx.msk $0xffff, v1  }
0x372: {  	v1 =	vld.idx.msk [tilespmem:v29+s7+$0x0], $0xffff;
	_ =	sdelay $0x4  }
0x373: {  	v1 =	vmul.f32 v1, v23;
	_ =	sdelay $0x1  }
0x374: {  	v32 =	vld [tilespmem:$0x1FE50];
	[tilespmem:v29+s7+$0x0] =	vst.idx.msk $0xffff, v1  }
0x375: {  	v1 =	vld.idx.msk [tilespmem:v31+s7+$0x0], $0xffff;
	_ =	sdelay $0x4  }
0x376: {  	v1 =	vmul.f32 v1, v23;
	_ =	sdelay $0x1  }
0x377: {  	v33 =	vld [tilespmem:$0x1FE60];
	[tilespmem:v31+s7+$0x0] =	vst.idx.msk $0xffff, v1  }
0x378: {  	v1 =	vld.idx.msk [tilespmem:v32+s7+$0x0], $0xffff;
	_ =	sdelay $0x4  }
0x379: {  	v1 =	vmul.f32 v1, v23;
	_ =	sdelay $0x1  }
0x37a: {  	v34 =	vld [tilespmem:$0x1FE70];
	[tilespmem:v32+s7+$0x0] =	vst.idx.msk $0xffff, v1  }
0x37b: {  	v1 =	vld.idx.msk [tilespmem:v33+s7+$0x0], $0xffff;
	_ =	sdelay $0x4  }
0x37c: {  	v1 =	vmul.f32 v1, v23;
	_ =	sdelay $0x1  }
0x37d: {  	v36 =	vld [tilespmem:$0x1FE80];
	[tilespmem:v33+s7+$0x0] =	vst.idx.msk $0xffff, v1  }
0x37e: {  	v1 =	vld.idx.msk [tilespmem:v34+s7+$0x0], $0xffff;
	_ =	sdelay $0x4  }
0x37f: {  	v1 =	vmul.f32 v1, v0;
	_ =	sdelay $0x1  }
0x380: {  	v37 =	vld [tilespmem:$0x1FE90];
	[tilespmem:v34+s7+$0x0] =	vst.idx.msk $0xffff, v1  }
0x381: {  	v1 =	vld.idx.msk [tilespmem:v36+s7+$0x0], $0xffff;
	_ =	sdelay $0x4  }
0x382: {  	v1 =	vmul.f32 v1, v0;
	_ =	sdelay $0x1  }
0x383: {  	v38 =	vld [tilespmem:$0x1FEA0];
	[tilespmem:v36+s7+$0x0] =	vst.idx.msk $0xffff, v1  }
0x384: {  	v1 =	vld.idx.msk [tilespmem:v37+s7+$0x0], $0xffff;
	_ =	sdelay $0x4  }
0x385: {  	v1 =	vmul.f32 v1, v0;
	_ =	sdelay $0x1  }
0x386: {  	v39 =	vld [tilespmem:$0x1FEB0];
	[tilespmem:v37+s7+$0x0] =	vst.idx.msk $0xffff, v1  }
0x387: {  	v1 =	vld.idx.msk [tilespmem:v38+s7+$0x0], $0xffff;
	_ =	sdelay $0x4  }
0x388: {  	v1 =	vmul.f32 v1, v0;
	_ =	sdelay $0x1  }
0x389: {  	v40 =	vld [tilespmem:$0x1FEC0];
	[tilespmem:v38+s7+$0x0] =	vst.idx.msk $0xffff, v1  }
0x38a: {  	v1 =	vld.idx.msk [tilespmem:v39+s7+$0x0], $0xffff;
	_ =	sdelay $0x4  }
0x38b: {  	v1 =	vmul.f32 v1, v0;
	_ =	sdelay $0x1  }
0x38c: {  	v41 =	vld [tilespmem:$0x1FED0];
	[tilespmem:v39+s7+$0x0] =	vst.idx.msk $0xffff, v1  }
0x38d: {  	v1 =	vld.idx.msk [tilespmem:v40+s7+$0x0], $0xffff;
	_ =	sdelay $0x4  }
0x38e: {  	v1 =	vmul.f32 v1, v0;
	_ =	sdelay $0x1  }
0x38f: {  	v42 =	vld [tilespmem:$0x1FEE0];
	[tilespmem:v40+s7+$0x0] =	vst.idx.msk $0xffff, v1  }
0x390: {  	v1 =	vld.idx.msk [tilespmem:v41+s7+$0x0], $0xffff;
	_ =	sdelay $0x4  }
0x391: {  	v1 =	vmul.f32 v1, v0;
	_ =	sdelay $0x1  }
0x392: {  	v43 =	vld [tilespmem:$0x1FEF0];
	[tilespmem:v41+s7+$0x0] =	vst.idx.msk $0xffff, v1  }
0x393: {  	v1 =	vld.idx.msk [tilespmem:v42+s7+$0x0], $0xffff;
	_ =	sdelay $0x4  }
0x394: {  	v1 =	vmul.f32 v1, v0;
	_ =	sdelay $0x1  }
0x395: {  	v44 =	vld [tilespmem:$0x1FF00];
	[tilespmem:v42+s7+$0x0] =	vst.idx.msk $0xffff, v1  }
0x396: {  	v1 =	vld.idx.msk [tilespmem:v43+s7+$0x0], $0xffff;
	_ =	sdelay $0x4  }
0x397: {  	v1 =	vmul.f32 v1, v0;
	_ =	sdelay $0x1  }
0x398: {  	v45 =	vld [tilespmem:$0x1FF10];
	[tilespmem:v43+s7+$0x0] =	vst.idx.msk $0xffff, v1  }
0x399: {  	v1 =	vld.idx.msk [tilespmem:v44+s7+$0x0], $0xffff;
	_ =	sdelay $0x4  }
0x39a: {  	v1 =	vmul.f32 v1, v0;
	_ =	sdelay $0x1  }
0x39b: {  	v46 =	vld [tilespmem:$0x1FF20];
	[tilespmem:v44+s7+$0x0] =	vst.idx.msk $0xffff, v1  }
0x39c: {  	v1 =	vld.idx.msk [tilespmem:v45+s7+$0x0], $0xffff;
	_ =	sdelay $0x4  }
0x39d: {  	v1 =	vmul.f32 v1, v0;
	_ =	sdelay $0x1  }
0x39e: {  	v47 =	vld [tilespmem:$0x1FF30];
	[tilespmem:v45+s7+$0x0] =	vst.idx.msk $0xffff, v1  }
0x39f: {  	v1 =	vld.idx.msk [tilespmem:v46+s7+$0x0], $0xffff;
	_ =	sdelay $0x4  }
0x3a0: {  	v1 =	vmul.f32 v1, v0;
	_ =	sdelay $0x1  }
0x3a1: {  	v48 =	vld [tilespmem:$0x1FF40];
	[tilespmem:v46+s7+$0x0] =	vst.idx.msk $0xffff, v1  }
0x3a2: {  	v1 =	vld.idx.msk [tilespmem:v47+s7+$0x0], $0xffff;
	_ =	sdelay $0x4  }
0x3a3: {  	v1 =	vmul.f32 v1, v0;
	_ =	sdelay $0x1  }
0x3a4: {  	v49 =	vld [tilespmem:$0x1FF50];
	[tilespmem:v47+s7+$0x0] =	vst.idx.msk $0xffff, v1  }
0x3a5: {  	v1 =	vld.idx.msk [tilespmem:v48+s7+$0x0], $0xffff;
	_ =	sdelay $0x4  }
0x3a6: {  	v1 =	vmul.f32 v1, v0;
	_ =	sdelay $0x1  }
0x3a7: {  	v50 =	vld [tilespmem:$0x1FF60];
	[tilespmem:v48+s7+$0x0] =	vst.idx.msk $0xffff, v1  }
0x3a8: {  	v1 =	vld.idx.msk [tilespmem:v49+s7+$0x0], $0xffff;
	_ =	sdelay $0x4  }
0x3a9: {  	v1 =	vmul.f32 v1, v0;
	_ =	sdelay $0x1  }
0x3aa: {  	v51 =	vld [tilespmem:$0x1FF70];
	[tilespmem:v49+s7+$0x0] =	vst.idx.msk $0xffff, v1  }
0x3ab: {  	v1 =	vld.idx.msk [tilespmem:v50+s7+$0x0], $0xffff;
	_ =	sdelay $0x4  }
0x3ac: {  	v1 =	vmul.f32 v1, v0;
	_ =	sdelay $0x1  }
0x3ad: {  	v52 =	vld [tilespmem:$0x1FF80];
	[tilespmem:v50+s7+$0x0] =	vst.idx.msk $0xffff, v1  }
0x3ae: {  	v1 =	vld.idx.msk [tilespmem:v51+s7+$0x0], $0xffff;
	_ =	sdelay $0x4  }
0x3af: {  	v1 =	vmul.f32 v1, v0;
	_ =	sdelay $0x1  }
0x3b0: {  	v53 =	vld [tilespmem:$0x1FF90];
	[tilespmem:v51+s7+$0x0] =	vst.idx.msk $0xffff, v1  }
0x3b1: {  	v1 =	vld.idx.msk [tilespmem:v52+s7+$0x0], $0xffff;
	_ =	sdelay $0x4  }
0x3b2: {  	v1 =	vmul.f32 v1, v0;
	_ =	sdelay $0x1  }
0x3b3: {  	v54 =	vld [tilespmem:$0x1FFA0];
	[tilespmem:v52+s7+$0x0] =	vst.idx.msk $0xffff, v1  }
0x3b4: {  	v1 =	vld.idx.msk [tilespmem:v53+s7+$0x0], $0xffff;
	_ =	sdelay $0x4  }
0x3b5: {  	v1 =	vmul.f32 v1, v0;
	_ =	sdelay $0x1  }
0x3b6: {  	v55 =	vld [tilespmem:$0x1FFB0];
	[tilespmem:v53+s7+$0x0] =	vst.idx.msk $0xffff, v1  }
0x3b7: {  	v1 =	vld.idx.msk [tilespmem:v54+s7+$0x0], $0xffff;
	_ =	sdelay $0x4  }
0x3b8: {  	v1 =	vmul.f32 v1, v0;
	_ =	sdelay $0x1  }
0x3b9: {  	v56 =	vld [tilespmem:$0x1FFC0];
	[tilespmem:v54+s7+$0x0] =	vst.idx.msk $0xffff, v1  }
0x3ba: {  	v1 =	vld.idx.msk [tilespmem:v55+s7+$0x0], $0xffff;
	_ =	sdelay $0x4  }
0x3bb: {  	v1 =	vmul.f32 v1, v0;
	_ =	sdelay $0x1  }
0x3bc: {  	v60 =	vld [tilespmem:$0x1FFD0];
	[tilespmem:v55+s7+$0x0] =	vst.idx.msk $0xffff, v1  }
0x3bd: {  	v1 =	vld.idx.msk [tilespmem:v56+s7+$0x0], $0xffff;
	_ =	sdelay $0x4  }
0x3be: {  	v1 =	vmul.f32 v1, v0;
	_ =	sdelay $0x1  }
0x3bf: {  	v62 =	vld [tilespmem:$0x1FFE0];
	[tilespmem:v56+s7+$0x0] =	vst.idx.msk $0xffff, v1  }
0x3c0: {  	v1 =	vld.idx.msk [tilespmem:v60+s7+$0x0], $0xffff;
	_ =	sdelay $0x4  }
0x3c1: {  	v1 =	vmul.f32 v1, v0;
	_ =	sdelay $0x1  }
0x3c2: {  	[tilespmem:v60+s7+$0x0] =	vst.idx.msk $0xffff, v1  }
0x3c3: {  	v1 =	vld.idx.msk [tilespmem:v62+s7+$0x0], $0xffff;
	_ =	sdelay $0x4  }
0x3c4: {  	v1 =	vmul.f32 v1, v0;
	_ =	sdelay $0x1  }
0x3c5: {  	[tilespmem:v62+s7+$0x0] =	vst.idx.msk $0xffff, v1  }
0x3c6: {  	v1 =	vld.idx.msk [tilespmem:v63+s7+$0x0], $0xffff;
	_ =	sdelay $0x4  }
0x3c7: {  	v1 =	vmul.f32 v1, v0;
	_ =	sdelay $0x1  }
0x3c8: {  	[tilespmem:v63+s7+$0x0] =	vst.idx.msk $0xffff, v1  }
0x3c9: {  	v1 =	vld.idx.msk [tilespmem:v61+s7+$0x0], $0xffff;
	_ =	sdelay $0x4  }
0x3ca: {  	v1 =	vmul.f32 v1, v0;
	_ =	sdelay $0x1  }
0x3cb: {  	[tilespmem:v61+s7+$0x0] =	vst.idx.msk $0xffff, v1  }
0x3cc: {  	v1 =	vld.idx.msk [tilespmem:v59+s7+$0x0], $0xffff;
	_ =	sdelay $0x4  }
0x3cd: {  	v1 =	vmul.f32 v1, v0;
	_ =	sdelay $0x1  }
0x3ce: {  	[tilespmem:v59+s7+$0x0] =	vst.idx.msk $0xffff, v1  }
0x3cf: {  	v1 =	vld.idx.msk [tilespmem:v58+s7+$0x0], $0xffff;
	_ =	sdelay $0x4  }
0x3d0: {  	v1 =	vmul.f32 v1, v0;
	_ =	sdelay $0x1  }
0x3d1: {  	[tilespmem:v58+s7+$0x0] =	vst.idx.msk $0xffff, v1  }
0x3d2: {  	v1 =	vld.idx.msk [tilespmem:v57+s7+$0x0], $0xffff;
	_ =	sdelay $0x4  }
0x3d3: {  	v1 =	vmul.f32 v1, v0;
	_ =	sdelay $0x1  }
0x3d4: {  	[tilespmem:v57+s7+$0x0] =	vst.idx.msk $0xffff, v1  }
0x3d5: {  	v1 =	vld.idx.msk [tilespmem:v35+s7+$0x0], $0xffff;
	_ =	sdelay $0x4  }
0x3d6: {  	v1 =	vmul.f32 v1, v0;
	_ =	sdelay $0x1  }
0x3d7: {  	[tilespmem:v35+s7+$0x0] =	vst.idx.msk $0xffff, v1  }
0x3d8: {  	v1 =	vld.idx.msk [tilespmem:v30+s7+$0x0], $0xffff;
	_ =	sdelay $0x4  }
0x3d9: {  	v1 =	vmul.f32 v1, v0;
	_ =	sdelay $0x1  }
0x3da: {  	[tilespmem:v30+s7+$0x0] =	vst.idx.msk $0xffff, v1  }
0x3db: {  	v1 =	vld.idx.msk [tilespmem:v24+s7+$0x0], $0xffff;
	_ =	sdelay $0x1  }
0x3dc: {  	p0 =	sne.s32 s31, $0x30  }
.Ltmp0:
0x3dd: {  	_ = 	snop;
	(pc) =	sbr.rel @p0 .LBB2_3-.Ltmp0, $3  }
0x3de: {  	_ = 	snop  }
0x3df: {  	v0 =	vmul.f32 v1, v0;
	_ =	sdelay $0x1  }
0x3e0: {  	s30 =	sadd.s32 $0x10, s30;
	s31 =	sadd.s32 $0x10, s31;
	v7 =	vld [tilespmem:$0x1FFF0];
	[tilespmem:v24+s7+$0x0] =	vst.idx.msk $0xffff, v0  }
0x3e1: {  	[spmem:s0] =	stream.indirect.scatter.add.f32 [tilespmem:s10], [sflag:$0x3], $0x80, s16, s23, $0xb8;
	[tilespmem:$0x1CA80] =	vst v63  }
0x3e2: {  	_ =	swait.ge [sflag:s9], $0x2000  }
0x3e3: {  	[sflag:s9] =	ssyncset.done $0x0  }
0x3e4: {  	[sflag:s9] =	ssyncadd.s32 $0xFFFFE000  }
0x3e5: {  	[spmem:s2] =	stream.indirect.scatter.add.f32 [tilespmem:s7], [sflag:$0x3], $0x80, s1, s23, $0xb8;
	[tilespmem:$0x1CA80] =	vst v63  }
0x3e6: {  	_ =	swait.ge [sflag:s9], $0x2000  }
0x3e7: {  	[sflag:s9] =	ssyncset.done $0x0  }
0x3e8: {  	[sflag:s9] =	ssyncadd.s32 $0xFFFFE000  }
0x3e9: {  	v0 =	vld [tilespmem:$0x0];
	_ =	sdelay $0x4  }
0x3ea: {  	v0 =	vshll.u32 v0, $0x4  }
0x3eb: {  	v0 =	vand.u32 $0x70, v0  }
0x3ec: {  	v2 =	vor.u32 $0x1, v7;
	v1 =	vor.u32 v7, v0  }
0x3ed: {  	v3 =	vor.u32 $0x2, v7;
	v2 =	vor.u32 v2, v0  }
0x3ee: {  	v4 =	vor.u32 $0x3, v7;
	v3 =	vor.u32 v3, v0  }
0x3ef: {  	v0 =	vor.u32 v4, v0  }
0x3f0: {  	v6 =	vimm.f32 $0.0e+00  }
0x3f1: {  	[tilespmem:v1+s10+$0x0] =	vst.idx.msk $0xffff, v6  }
0x3f2: {  	[tilespmem:v2+s10+$0x0] =	vst.idx.msk $0xffff, v6  }
0x3f3: {  	[tilespmem:v3+s10+$0x0] =	vst.idx.msk $0xffff, v6  }
0x3f4: {  	[tilespmem:v0+s10+$0x0] =	vst.idx.msk $0xffff, v6  }
0x3f5: {  	v0 =	vld [tilespmem:$0x10];
	_ =	sdelay $0x4  }
0x3f6: {  	v0 =	vshll.u32 v0, $0x4  }
0x3f7: {  	v55 =	vor.u32 $0x800, v7;
	v0 =	vand.u32 $0x70, v0  }
0x3f8: {  	v56 =	vor.u32 $0x801, v7;
	v1 =	vor.u32 v55, v0  }
0x3f9: {  	v57 =	vor.u32 $0x802, v7;
	v2 =	vor.u32 v56, v0  }
0x3fa: {  	v4 =	vor.u32 $0x803, v7;
	v3 =	vor.u32 v57, v0  }
0x3fb: {  	v0 =	vor.u32 v4, v0;
	_ =	sdelay $0x1  }
0x3fc: {  	[tilespmem:v1+s10+$0x0] =	vst.idx.msk $0xffff, v6  }
0x3fd: {  	[tilespmem:v2+s10+$0x0] =	vst.idx.msk $0xffff, v6  }
0x3fe: {  	[tilespmem:v3+s10+$0x0] =	vst.idx.msk $0xffff, v6  }
0x3ff: {  	[tilespmem:v0+s10+$0x0] =	vst.idx.msk $0xffff, v6  }
0x400: {  	v0 =	vld [tilespmem:$0x20];
	_ =	sdelay $0x4  }
0x401: {  	v0 =	vshll.u32 v0, $0x4  }
0x402: {  	v58 =	vor.u32 $0x1000, v7;
	v0 =	vand.u32 $0x70, v0  }
0x403: {  	v59 =	vor.u32 $0x1001, v7;
	v1 =	vor.u32 v58, v0  }
0x404: {  	v60 =	vor.u32 $0x1002, v7;
	v2 =	vor.u32 v59, v0  }
0x405: {  	v4 =	vor.u32 $0x1003, v7;
	v3 =	vor.u32 v60, v0  }
0x406: {  	v0 =	vor.u32 v4, v0;
	_ =	sdelay $0x1  }
0x407: {  	[tilespmem:v1+s10+$0x0] =	vst.idx.msk $0xffff, v6  }
0x408: {  	[tilespmem:v2+s10+$0x0] =	vst.idx.msk $0xffff, v6  }
0x409: {  	[tilespmem:v3+s10+$0x0] =	vst.idx.msk $0xffff, v6  }
0x40a: {  	[tilespmem:v0+s10+$0x0] =	vst.idx.msk $0xffff, v6  }
0x40b: {  	v0 =	vld [tilespmem:$0x30];
	_ =	sdelay $0x4  }
0x40c: {  	v0 =	vshll.u32 v0, $0x4  }
0x40d: {  	v61 =	vor.u32 $0x1800, v7;
	v0 =	vand.u32 $0x70, v0  }
0x40e: {  	v62 =	vor.u32 $0x1801, v7;
	v1 =	vor.u32 v61, v0  }
0x40f: {  	v63 =	vor.u32 $0x1802, v7;
	v2 =	vor.u32 v62, v0  }
0x410: {  	s29 =	sadd.s32 $0x1, s29;
	v4 =	vor.u32 $0x1803, v7;
	v3 =	vor.u32 v63, v0  }
0x411: {  	p0 =	sne.s32 s29, $0x9D;
	v0 =	vor.u32 v4, v0  }
.Ltmp1:
0x412: {  	_ = 	snop;
	(pc) =	sbr.rel @p0 .LBB2_2-.Ltmp1, $4  }
0x413: {  	[tilespmem:v1+s10+$0x0] =	vst.idx.msk $0xffff, v6  }
0x414: {  	[tilespmem:v2+s10+$0x0] =	vst.idx.msk $0xffff, v6  }
0x415: {  	[tilespmem:v3+s10+$0x0] =	vst.idx.msk $0xffff, v6  }
0x416: {  	[tilespmem:v0+s10+$0x0] =	vst.idx.msk $0xffff, v6  }
0x417: {  	[bflag:$0x0] =	sbarrier.arrive $0xFFFF  }
0x418: {  	s29 =	rddreg [dreg:$0x1b]  }
0x419: {  	[tilespmem:s7], [sflag:$0x3] =	stream.linear.gather [spmem:s29], $0x2000, $0x38;
	[tilespmem:$0x1CA80] =	vst v63  }
0x41a: {  	_ =	swait.ge [sflag:s9], $0x2000  }
0x41b: {  	[sflag:s9] =	ssyncset.done $0x0  }
0x41c: {  	s12 =	rddreg [dreg:$0x5];
	[sflag:s9] =	ssyncadd.s32 $0xFFFFE000  }
0x41d: {  	[hbm4b:s12+s1] =	stream.linear.scatter [tilespmem:s7], [sflag:$0x3], $0x2000, $0x38;
	[tilespmem:$0x1CA80] =	vst v63  }
0x41e: {  	_ =	swait.ge [sflag:s9], $0x2000  }
0x41f: {  	[sflag:s9] =	ssyncset.done $0x0  }
0x420: {  	s30 =	rddreg [dreg:$0x18];
	[sflag:s9] =	ssyncadd.s32 $0xFFFFE000  }
0x421: {  	[tilespmem:s7], [sflag:$0x3] =	stream.linear.gather [spmem:s30], $0x2000, $0x38;
	[tilespmem:$0x1CA80] =	vst v63  }
0x422: {  	_ =	swait.ge [sflag:s9], $0x2000  }
0x423: {  	[sflag:s9] =	ssyncset.done $0x0  }
0x424: {  	s11 =	rddreg [dreg:$0x6];
	[sflag:s9] =	ssyncadd.s32 $0xFFFFE000  }
0x425: {  	[hbm4b:s11+s1] =	stream.linear.scatter [tilespmem:s7], [sflag:$0x3], $0x2000, $0x38;
	[tilespmem:$0x1CA80] =	vst v63  }
0x426: {  	_ =	swait.ge [sflag:s9], $0x2000  }
0x427: {  	[sflag:s9] =	ssyncset.done $0x0  }
0x428: {  	s31 =	rddreg [dreg:$0x16];
	[sflag:s9] =	ssyncadd.s32 $0xFFFFE000  }
0x429: {  	[tilespmem:s7], [sflag:$0x3] =	stream.linear.gather [spmem:s31], $0x2000, $0x38;
	[tilespmem:$0x1CA80] =	vst v63  }
0x42a: {  	_ =	swait.ge [sflag:s9], $0x2000  }
0x42b: {  	[sflag:s9] =	ssyncset.done $0x0  }
0x42c: {  	s13 =	rddreg [dreg:$0x7];
	[sflag:s9] =	ssyncadd.s32 $0xFFFFE000  }
0x42d: {  	[hbm4b:s13+s1] =	stream.linear.scatter [tilespmem:s7], [sflag:$0x3], $0x2000, $0x38;
	[tilespmem:$0x1CA80] =	vst v63  }
0x42e: {  	_ =	swait.ge [sflag:s9], $0x2000  }
0x42f: {  	[sflag:s9] =	ssyncset.done $0x0  }
0x430: {  	s4 =	rddreg [dreg:$0x14];
	[sflag:s9] =	ssyncadd.s32 $0xFFFFE000  }
0x431: {  	[tilespmem:s7], [sflag:$0x3] =	stream.linear.gather [spmem:s4], $0x2000, $0x38;
	[tilespmem:$0x1CA80] =	vst v63  }
0x432: {  	_ =	swait.ge [sflag:s9], $0x2000  }
0x433: {  	[sflag:s9] =	ssyncset.done $0x0  }
0x434: {  	s14 =	rddreg [dreg:$0x8];
	[sflag:s9] =	ssyncadd.s32 $0xFFFFE000  }
0x435: {  	[hbm4b:s14+s1] =	stream.linear.scatter [tilespmem:s7], [sflag:$0x3], $0x2000, $0x38;
	[tilespmem:$0x1CA80] =	vst v63  }
0x436: {  	_ =	swait.ge [sflag:s9], $0x2000  }
0x437: {  	[sflag:s9] =	ssyncset.done $0x0  }
0x438: {  	s0 =	rddreg [dreg:$0x13];
	[sflag:s9] =	ssyncadd.s32 $0xFFFFE000  }
0x439: {  	[tilespmem:s7], [sflag:$0x3] =	stream.linear.gather [spmem:s0], $0x2000, $0x38;
	[tilespmem:$0x1CA80] =	vst v63  }
0x43a: {  	_ =	swait.ge [sflag:s9], $0x2000  }
0x43b: {  	[sflag:s9] =	ssyncset.done $0x0  }
0x43c: {  	s18 =	rddreg [dreg:$0x9];
	[sflag:s9] =	ssyncadd.s32 $0xFFFFE000  }
0x43d: {  	[hbm4b:s18+s1] =	stream.linear.scatter [tilespmem:s7], [sflag:$0x3], $0x2000, $0x38;
	[tilespmem:$0x1CA80] =	vst v63  }
0x43e: {  	_ =	swait.ge [sflag:s9], $0x2000  }
0x43f: {  	[sflag:s9] =	ssyncset.done $0x0  }
0x440: {  	s3 =	rddreg [dreg:$0x15];
	[sflag:s9] =	ssyncadd.s32 $0xFFFFE000  }
0x441: {  	[tilespmem:s7], [sflag:$0x3] =	stream.linear.gather [spmem:s3], $0x2000, $0x38;
	[tilespmem:$0x1CA80] =	vst v63  }
0x442: {  	_ =	swait.ge [sflag:s9], $0x2000  }
0x443: {  	[sflag:s9] =	ssyncset.done $0x0  }
0x444: {  	s2 =	rddreg [dreg:$0xa];
	[sflag:s9] =	ssyncadd.s32 $0xFFFFE000  }
0x445: {  	[hbm4b:s2+s1] =	stream.linear.scatter [tilespmem:s7], [sflag:$0x3], $0x2000, $0x38;
	[tilespmem:$0x1CA80] =	vst v63  }
0x446: {  	_ =	swait.ge [sflag:s9], $0x2000  }
0x447: {  	[sflag:s9] =	ssyncset.done $0x0  }
0x448: {  	s28 =	rddreg [dreg:$0x17];
	[sflag:s9] =	ssyncadd.s32 $0xFFFFE000  }
0x449: {  	[tilespmem:s7], [sflag:$0x3] =	stream.linear.gather [spmem:s28], $0x2000, $0x38;
	[tilespmem:$0x1CA80] =	vst v63  }
0x44a: {  	_ =	swait.ge [sflag:s9], $0x2000  }
0x44b: {  	[sflag:s9] =	ssyncset.done $0x0  }
0x44c: {  	s5 =	rddreg [dreg:$0xb];
	[sflag:s9] =	ssyncadd.s32 $0xFFFFE000  }
0x44d: {  	[hbm4b:s5+s1] =	stream.linear.scatter [tilespmem:s7], [sflag:$0x3], $0x2000, $0x38;
	[tilespmem:$0x1CA80] =	vst v63  }
0x44e: {  	_ =	swait.ge [sflag:s9], $0x2000  }
0x44f: {  	[sflag:s9] =	ssyncset.done $0x0  }
0x450: {  	s14 =	rddreg [dreg:$0x19];
	[sflag:s9] =	ssyncadd.s32 $0xFFFFE000  }
0x451: {  	[tilespmem:s7], [sflag:$0x3] =	stream.linear.gather [spmem:s14], $0x2000, $0x38;
	[tilespmem:$0x1CA80] =	vst v63  }
0x452: {  	_ =	swait.ge [sflag:s9], $0x2000  }
0x453: {  	[sflag:s9] =	ssyncset.done $0x0  }
0x454: {  	s11 =	rddreg [dreg:$0xc];
	[sflag:s9] =	ssyncadd.s32 $0xFFFFE000  }
0x455: {  	[hbm4b:s11+s1] =	stream.linear.scatter [tilespmem:s7], [sflag:$0x3], $0x2000, $0x38;
	[tilespmem:$0x1CA80] =	vst v63  }
0x456: {  	_ =	swait.ge [sflag:s9], $0x2000  }
0x457: {  	[sflag:s9] =	ssyncset.done $0x0  }
0x458: {  	s2 =	rddreg [dreg:$0x1a];
	[sflag:s9] =	ssyncadd.s32 $0xFFFFE000  }
0x459: {  	[tilespmem:s7], [sflag:$0x3] =	stream.linear.gather [spmem:s2], $0x2000, $0x38;
	[tilespmem:$0x1CA80] =	vst v63  }
0x45a: {  	_ =	swait.ge [sflag:s9], $0x2000  }
0x45b: {  	[sflag:s9] =	ssyncset.done $0x0  }
0x45c: {  	s13 =	rddreg [dreg:$0xd];
	[sflag:s9] =	ssyncadd.s32 $0xFFFFE000  }
0x45d: {  	[hbm4b:s13+s1] =	stream.linear.scatter [tilespmem:s7], [sflag:$0x3], $0x2000, $0x38;
	[tilespmem:$0x1CA80] =	vst v63  }
0x45e: {  	_ =	swait.ge [sflag:s9], $0x2000  }
0x45f: {  	[sflag:s9] =	ssyncset.done $0x0  }
0x460: {  	s13 =	rddreg [dreg:$0x1c];
	[sflag:s9] =	ssyncadd.s32 $0xFFFFE000  }
0x461: {  	[tilespmem:s7], [sflag:$0x3] =	stream.linear.gather [spmem:s13], $0x2000, $0x38;
	[tilespmem:$0x1CA80] =	vst v63  }
0x462: {  	_ =	swait.ge [sflag:s9], $0x2000  }
0x463: {  	[sflag:s9] =	ssyncset.done $0x0  }
0x464: {  	s18 =	rddreg [dreg:$0xe];
	[sflag:s9] =	ssyncadd.s32 $0xFFFFE000  }
0x465: {  	[hbm4b:s18+s1] =	stream.linear.scatter [tilespmem:s7], [sflag:$0x3], $0x2000, $0x38;
	[tilespmem:$0x1CA80] =	vst v63  }
0x466: {  	_ =	swait.ge [sflag:s9], $0x2000  }
0x467: {  	[sflag:s9] =	ssyncset.done $0x0  }
0x468: {  	s1 =	rddreg [dreg:$0x1d];
	[sflag:s9] =	ssyncadd.s32 $0xFFFFE000  }
0x469: {  	[tilespmem:s24], [sflag:$0x3] =	stream.linear.gather [spmem:s1], $0x1400, $0x38;
	[tilespmem:$0x1CA80] =	vst v63  }
0x46a: {  	_ =	swait.ge [sflag:s9], $0x1400  }
0x46b: {  	[sflag:s9] =	ssyncset.done $0x0  }
0x46c: {  	s18 =	simm.s32 $0x0;
	s5 =	rddreg [dreg:$0xf];
	[sflag:s9] =	ssyncadd.s32 $0xFFFFEC00  }
0x46d: {  	[hbm4b:s5+s18] =	stream.linear.scatter [tilespmem:s24], [sflag:$0x3], $0x1400, $0x38;
	[tilespmem:$0x1CA80] =	vst v63  }
0x46e: {  	_ =	swait.ge [sflag:s9], $0x1400  }
0x46f: {  	[sflag:s9] =	ssyncset.done $0x0  }
0x470: {  	s5 =	rddreg [dreg:$0x1f];
	[sflag:s9] =	ssyncadd.s32 $0xFFFFEC00  }
0x471: {  	[tilespmem:s24], [sflag:$0x3] =	stream.linear.gather [spmem:s5], $0x1400, $0x38;
	[tilespmem:$0x1CA80] =	vst v63  }
0x472: {  	_ =	swait.ge [sflag:s9], $0x1400  }
0x473: {  	[sflag:s9] =	ssyncset.done $0x0  }
0x474: {  	s11 =	rddreg [dreg:$0x10];
	[sflag:s9] =	ssyncadd.s32 $0xFFFFEC00  }
0x475: {  	[hbm4b:s11+s18] =	stream.linear.scatter [tilespmem:s24], [sflag:$0x3], $0x1400, $0x38;
	[tilespmem:$0x1CA80] =	vst v63  }
0x476: {  	_ =	swait.ge [sflag:s9], $0x1400  }
0x477: {  	s12 =	sld [smem:$0x7FD]  }
0x478: {  	s11 =	smov.u32 s6;
	s6 =	smov.u32 s22  }
0x479: {  	s22 =	smov.u32 s21;
	s21 =	smov.u32 s20;
	s20 =	smov.u32 s19  }
0x47a: {  	s19 =	smov.u32 s17;
	s17 =	sadd.s32 $0x1, s12;
	s12 =	sld [smem:$0x7FC]  }
0x47b: {  	_ =	sdelay $0x1  }
0x47c: {  	p0 =	sne.s32 s17, s12  }
.Ltmp2:
0x47d: {  	_ = 	snop;
	(pc) =	sbr.rel @p0 .LBB2_1-.Ltmp2, $4  }
0x47e: {  	[sflag:s9] =	ssyncset.done $0x0  }
0x47f: {  	[sflag:s9] =	ssyncadd.s32 $0xFFFFEC00;
	[smem:$0x7FD] =	sst s17;
	s17 =	smov.u32 s19  }
0x480: {  	s19 =	smov.u32 s20;
	s20 =	smov.u32 s21;
	s21 =	smov.u32 s22  }
0x481: {  	s22 =	smov.u32 s6;
	s6 =	smov.u32 s11;
	s11 =	simm.s32 $0x80  }
0x482: {  	_ =	sfence.sel $0x180000  }
0x483: {  	[bflag:$0x0] =	sbarrier.arrive $0xFFFF  }
0x484: {  	_ =	strace $0x90000047  }
0x485: {  	s0 =	stileid.u32;
	[bflag:$0x2] =	sbarrier.arrive $0xFFFF  }
0x486: {  	p0 =	sne.s32 s0, $0x0;
	s0 =	rddreg [dreg:$0x4]  }
0x487: {  	s0 =	sadd.s32 @!p0 $0x100000, s0  }
0x488: {  	[sflag:s0] =	ssyncadd.tile.s32 @!p0 $0x1;
	_ =	shalt  }
.Lfunc_end2:
_tile_overlayer_lowered:
.L_overlay_start_2:
0x489: {  	(tag) =	ssettag $0x2  }
0x48a: {  	s0 =	rddreg [dreg:$0x0];
	s2 =	stileid.u32  }
0x48b: {  	s1 =	rddreg [dreg:$0x1];
	p0 =	sne.s32 s2, $0x0  }
0x48c: {  	s3 =	rddreg [dreg:$0x2];
	[bflag:$0x3] =	sbarrier.arrive $0xFFFF;
	s2 =	simm.s32 @!p0 $0x1C03  }
0x48d: {  	[timem:s3], [sflag:s2] =	dma.local @!p0 [hbm:s0], s1  }
0x48e: {  	s0 =	simm.s32 @!p0 $0x3  }
0x48f: {  	_ =	swait.ge @!p0 [sflag:s0], s1  }
0x490: {  	s1 =	ssub.s32 @!p0 $0x0, s1;
	[sflag:s0] =	ssyncset.done @!p0 $0x0  }
0x491: {  	[sflag:s0] =	ssyncadd.s32 @!p0 s1  }
0x492: {  	[bflag:$0x3] =	sbarrier.arrive $0xFFFF  }
0x493: {  	_ =	shalt  }

</sc_bundles>
